<compile_context>
chip_gen: v7x
topology: tpu7x:2x2x1
jax: 0.10.2.dev20260603
libtpu: 0.0.44.dev20260713+nightly
codegen_flags: <defaults>
</compile_context>

<pallas_src>
import functools

import jax
import jax.numpy as jnp
from jax import lax
from jax.experimental import pallas as pl
from jax.experimental.pallas import tpu as pltpu
from jax.experimental.pallas import tpu_sc as plsc

N = 10000
E = 320000
D = 128
DOUT = 16

NC = 2
NS = 16
NW = NC * NS
EW = E // NW
CH = 80
NCHUNK = EW // CH

NPAD = 10240
DEG_PER_TILE = NPAD // NS
ROWS_PER_TILE = NPAD // NS


def _mesh():
    return plsc.VectorSubcoreMesh(core_axis_name="c", subcore_axis_name="s")



@functools.partial(
    pl.kernel,
    mesh=_mesh(),
    out_type=jax.ShapeDtypeStruct((NC, NPAD), jnp.float32),
    scratch_types=[
        pltpu.VMEM_SHARED((NPAD,), jnp.float32),
        pltpu.VMEM((CH,), jnp.int32),
        pltpu.VMEM((CH,), jnp.float32),
        pltpu.VMEM((DEG_PER_TILE,), jnp.float32),
    ],
)
def _deg_sc(col_hbm, ew_hbm, out_hbm, acc, colb, ewb, zbuf):
    cid = lax.axis_index("c")
    sid = lax.axis_index("s")
    wid = cid * NS + sid

    zero16 = jnp.zeros((16,), jnp.float32)
    for i in range(DEG_PER_TILE // 16):
        zbuf[pl.ds(i * 16, 16)] = zero16
    pltpu.sync_copy(zbuf, acc.at[pl.ds(sid * DEG_PER_TILE, DEG_PER_TILE)])
    plsc.subcore_barrier()

    def body(i, carry):
        base = wid * EW + i * CH
        pltpu.sync_copy(col_hbm.at[pl.ds(base, CH)], colb)
        pltpu.sync_copy(ew_hbm.at[pl.ds(base, CH)], ewb)
        pltpu.sync_copy(ewb, acc.at[colb], add=True)
        return carry

    lax.fori_loop(0, NCHUNK, body, 0)
    plsc.subcore_barrier()
    pltpu.sync_copy(
        acc.at[pl.ds(sid * DEG_PER_TILE, DEG_PER_TILE)],
        out_hbm.at[cid, pl.ds(sid * DEG_PER_TILE, DEG_PER_TILE)],
    )



@functools.partial(
    pl.kernel,
    mesh=_mesh(),
    out_type=jax.ShapeDtypeStruct((NC, NPAD, D), jnp.float32),
    scratch_types=[
        pltpu.VMEM_SHARED((NPAD, D), jnp.float32),
        pltpu.VMEM((EW,), jnp.int32),
        pltpu.VMEM((EW,), jnp.float32),
        pltpu.VMEM((CH,), jnp.int32),
        pltpu.VMEM((CH, D), jnp.float32),
        pltpu.VMEM((ROWS_PER_TILE // 5, D), jnp.float32),
        pltpu.SemaphoreType.DMA,
    ],
)
def _spmm_sc(g_hbm, row_hbm, col_hbm, ew_hbm, out_hbm,
             acc, rowb, ewb, colb, rows, zbuf, sem):
    cid = lax.axis_index("c")
    sid = lax.axis_index("s")
    wid = cid * NS + sid
    ebase = wid * EW

    zr = ROWS_PER_TILE // 5
    zero16 = jnp.zeros((16,), jnp.float32)

    def zbody(i, carry):
        for j in range(D // 16):
            zbuf[i, pl.ds(j * 16, 16)] = zero16
        return carry

    lax.fori_loop(0, zr, zbody, 0)
    for t in range(5):
        pltpu.sync_copy(
            zbuf, acc.at[pl.ds(sid * ROWS_PER_TILE + t * zr, zr)])

    pltpu.sync_copy(row_hbm.at[pl.ds(ebase, EW)], rowb)
    pltpu.sync_copy(ew_hbm.at[pl.ds(ebase, EW)], ewb)
    plsc.subcore_barrier()

    def body(i, carry):
        base = i * CH
        pltpu.sync_copy(col_hbm.at[pl.ds(ebase + base, CH)], colb)
        pltpu.async_copy(g_hbm.at[rowb.at[pl.ds(base, CH)]], rows, sem).wait()

        def sbody(gi, c2):
            rbase = gi * 16
            ew16 = ewb[pl.ds(base + rbase, 16)]
            for k in range(16):
                w = jnp.full((16,), ew16[k], jnp.float32)
                for j in range(D // 16):
                    sl = pl.ds(j * 16, 16)
                    rows[rbase + k, sl] = rows[rbase + k, sl] * w
            return c2

        lax.fori_loop(0, CH // 16, sbody, 0)
        pltpu.sync_copy(rows, acc.at[colb], add=True)
        return carry

    lax.fori_loop(0, NCHUNK, body, 0)
    plsc.subcore_barrier()
    pltpu.sync_copy(
        acc.at[pl.ds(sid * ROWS_PER_TILE, ROWS_PER_TILE)],
        out_hbm.at[cid, pl.ds(sid * ROWS_PER_TILE, ROWS_PER_TILE)],
    )



RBLK = 1000
GRID = N // RBLK


def _fc1_body(x_ref, w1_ref, d0_ref, d1_ref, g1_ref, dinv_ref):
    deg = d0_ref[0] + d1_ref[0] + 1.0
    dinv = lax.rsqrt(deg)
    h = lax.dot_general(x_ref[...], w1_ref[...],
                        (((1,), (1,)), ((), ())),
                        preferred_element_type=jnp.float32)
    g1_ref[...] = h * dinv
    dinv_ref[...] = dinv


def _fc1(x, W1, dp):
    return pl.pallas_call(
        _fc1_body,
        grid=(GRID,),
        in_specs=[
            pl.BlockSpec((RBLK, D), lambda r: (r, 0)),
            pl.BlockSpec((D, D), lambda r: (0, 0)),
            pl.BlockSpec((1, RBLK, 1), lambda r: (0, r, 0)),
            pl.BlockSpec((1, RBLK, 1), lambda r: (1, r, 0)),
        ],
        out_specs=[
            pl.BlockSpec((RBLK, D), lambda r: (r, 0)),
            pl.BlockSpec((RBLK, 1), lambda r: (r, 0)),
        ],
        out_shape=[
            jax.ShapeDtypeStruct((N, D), jnp.float32),
            jax.ShapeDtypeStruct((N, 1), jnp.float32),
        ],
    )(x, W1, dp, dp)


def _fc2_body(s_ref, g_ref, dinv_ref, b_ref, w_ref, out_ref):
    dinv = dinv_ref[...]
    z = dinv * (s_ref[0] + s_ref[1] + g_ref[...]) + b_ref[...]
    z = jnp.maximum(z, 0.0)
    h = lax.dot_general(z, w_ref[...], (((1,), (1,)), ((), ())),
                        preferred_element_type=jnp.float32)
    out_ref[...] = h * dinv


def _fc2(s, g, dinv, b, W):
    return pl.pallas_call(
        _fc2_body,
        grid=(GRID,),
        in_specs=[
            pl.BlockSpec((NC, RBLK, D), lambda r: (0, r, 0)),
            pl.BlockSpec((RBLK, D), lambda r: (r, 0)),
            pl.BlockSpec((RBLK, 1), lambda r: (r, 0)),
            pl.BlockSpec((1, D), lambda r: (0, 0)),
            pl.BlockSpec((D, D), lambda r: (0, 0)),
        ],
        out_specs=pl.BlockSpec((RBLK, D), lambda r: (r, 0)),
        out_shape=jax.ShapeDtypeStruct((N, D), jnp.float32),
    )(s, g, dinv, b, W)


def _fc3_body(s_ref, g_ref, dinv_ref, b_ref, w_ref, bf_ref, out_ref):
    dinv = dinv_ref[...]
    z = dinv * (s_ref[0] + s_ref[1] + g_ref[...]) + b_ref[...]
    z = jnp.maximum(z, 0.0)
    h = lax.dot_general(z, w_ref[...], (((1,), (1,)), ((), ())),
                        preferred_element_type=jnp.float32)
    out_ref[...] = jax.nn.sigmoid(h + bf_ref[...])


def _fc3(s, g, dinv, b, Wf, bf):
    return pl.pallas_call(
        _fc3_body,
        grid=(GRID,),
        in_specs=[
            pl.BlockSpec((NC, RBLK, D), lambda r: (0, r, 0)),
            pl.BlockSpec((RBLK, D), lambda r: (r, 0)),
            pl.BlockSpec((RBLK, 1), lambda r: (r, 0)),
            pl.BlockSpec((1, D), lambda r: (0, 0)),
            pl.BlockSpec((DOUT, D), lambda r: (0, 0)),
            pl.BlockSpec((1, DOUT), lambda r: (0, 0)),
        ],
        out_specs=pl.BlockSpec((RBLK, DOUT), lambda r: (r, 0)),
        out_shape=jax.ShapeDtypeStruct((N, DOUT), jnp.float32),
    )(s, g, dinv, b, Wf, bf)



def kernel(x, edge_index, edge_weight, W1, b1, W2, b2, Wf, bf):
    row = edge_index[0]
    col = edge_index[1]

    degp = _deg_sc(col, edge_weight).reshape(NC, NPAD, 1)

    g1, dinv = _fc1(x, W1, degp)
    s1 = _spmm_sc(g1, row, col, edge_weight)
    g2 = _fc2(s1, g1, dinv, b1.reshape(1, D), W2)
    s2 = _spmm_sc(g2, row, col, edge_weight)
    out = _fc3(s2, g2, dinv, b2.reshape(1, D), Wf, bf.reshape(1, DOUT))
    return out

# --- scband reference (transcript-rebuilt; emitter-appended) ---
"""Pipeline reference for scband-gnnnode-classifier-16363825398631 (READ-ONLY COPY).

The authoritative reference and input builder live on the scoring server;
editing this copy changes nothing except your own understanding.
"""

import jax, jax.numpy as jnp
import numpy as np

N, E, D_IN, D_HID, D_OUT = 10000, 320000, 128, 128, 16


def setup_inputs(seed: int = 0) -> dict:
    key = jax.random.key(seed)
    ks = jax.random.split(key, 9)
    x = jax.random.normal(ks[0], (N, D_IN), dtype=jnp.float32)
    edge_index = jax.random.randint(ks[1], (2, E), 0, N, dtype=jnp.int32)
    edge_weight = jax.random.uniform(ks[2], (E,), dtype=jnp.float32)
    # GCNConv linear weights (PyG uses weight of shape [out, in] applied as x @ W.T)
    W1 = jax.random.normal(ks[3], (D_HID, D_IN), dtype=jnp.float32) * (1.0 / np.sqrt(D_IN))
    b1 = jnp.zeros((D_HID,), dtype=jnp.float32)
    W2 = jax.random.normal(ks[4], (D_HID, D_HID), dtype=jnp.float32) * (1.0 / np.sqrt(D_HID))
    b2 = jnp.zeros((D_HID,), dtype=jnp.float32)
    Wf = jax.random.normal(ks[5], (D_OUT, D_HID), dtype=jnp.float32) * (1.0 / np.sqrt(D_HID))
    bf = jnp.zeros((D_OUT,), dtype=jnp.float32)
    return {"x": x, "edge_index": edge_index, "edge_weight": edge_weight,
            "W1": W1, "b1": b1, "W2": W2, "b2": b2, "Wf": Wf, "bf": bf}


def _gcn_conv(x, edge_index, edge_weight, W, b):
    # Faithful PyG GCNConv: add self-loops (weight 1), symmetric normalization,
    # linear transform, scatter-add aggregation (source_to_target), then bias.
    n = x.shape[0]
    row, col = edge_index[0], edge_index[1]
    loop = jnp.arange(n, dtype=edge_index.dtype)
    row = jnp.concatenate([row, loop])
    col = jnp.concatenate([col, loop])
    ew = jnp.concatenate([edge_weight, jnp.ones((n,), dtype=edge_weight.dtype)])
    deg = jnp.zeros((n,), dtype=x.dtype).at[col].add(ew)
    deg_inv_sqrt = jnp.where(deg > 0, jax.lax.rsqrt(jnp.maximum(deg, 1e-12)), 0.0)
    norm = deg_inv_sqrt[row] * ew * deg_inv_sqrt[col]
    h = x @ W.T
    msg = h[row] * norm[:, None]
    out = jnp.zeros((n, h.shape[1]), dtype=x.dtype).at[col].add(msg)
    return out + b


def reference(x, edge_index, edge_weight, W1, b1, W2, b2, Wf, bf):
    h = jax.nn.relu(_gcn_conv(x, edge_index, edge_weight, W1, b1))
    h = jax.nn.relu(_gcn_conv(h, edge_index, edge_weight, W2, b2))
    out = h @ Wf.T + bf
    return jax.nn.sigmoid(out)

if __name__ == "__main__":
    import jax
    _d = setup_inputs()
    print(jax.jit(kernel)(*tuple(_d.values())))

</pallas_src>

<mosaic_0001>
#map = affine_map<(d0, d1) -> (0, 0)>
#map1 = affine_map<(d0, d1) -> (0)>
#map2 = affine_map<(d0, d1) -> (0, 0, 0)>
module attributes {stable_mosaic.version = 14 : i64} {
  func.func @_spmm_sc(%arg0: i32, %arg1: i32, %arg2: memref<10000x128xf32, #tpu.memory_space<hbm>>, %arg3: memref<320000xi32, #tpu.memory_space<hbm>>, %arg4: memref<320000xi32, #tpu.memory_space<hbm>>, %arg5: memref<320000xf32, #tpu.memory_space<hbm>>, %arg6: memref<2x10240x128xf32, #tpu.memory_space<hbm>>, %arg7: memref<10240x128xf32, #tpu.memory_space<vmem_shared>>, %arg8: memref<10000xi32, #tpu.memory_space<vmem>>, %arg9: memref<10000xf32, #tpu.memory_space<vmem>>, %arg10: memref<80xi32, #tpu.memory_space<vmem>>, %arg11: memref<80x128xf32, #tpu.memory_space<vmem>>, %arg12: memref<128x128xf32, #tpu.memory_space<vmem>>, %arg13: memref<!tpu.dma_semaphore, #tpu.memory_space<semaphore_mem>>) attributes {dimension_semantics = [#tpu.dimension_semantics<core_parallel>, #tpu.dimension_semantics<subcore_parallel>], iteration_bounds = array<i64: 2, 16>, scalar_prefetch = 0 : i64, scratch_operands = 7 : i64, tpu.core_type = #tpu.core_type<sc_vector_subcore>, window_params = [{transform_indices = #map}, {transform_indices = #map1}, {transform_indices = #map1}, {transform_indices = #map1}, {transform_indices = #map2}]} {
    %mul3A = arith.constant 16 : i32
    %mul3A_0 = arith.muli %arg0, %mul3A : i32
    %add3A = arith.addi %mul3A_0, %arg1 : i32
    %mul3A_1 = arith.constant 10000 : i32
    %mul3A_2 = arith.muli %add3A, %mul3A_1 : i32
    %broadcast_in_dim3A = arith.constant 0.000000e+00 : f32
    %broadcast_in_dim3A_3 = vector.broadcast %broadcast_in_dim3A : f32 to vector<16xf32>
    %scan3A = arith.constant 0 : i32
    %scan3A_4 = arith.constant 0 : i32
    %scan3A_5 = arith.constant 128 : i32
    %scan3A_6 = arith.addi %scan3A_4, %scan3A_5 : i32
    %scan3A_7 = arith.constant 1 : i32
    scf.for %scan3A_40 = %scan3A_4 to %scan3A_6 step %scan3A_7  : i32 {
      %swap3A = arith.index_cast %scan3A_40 : i32 to index
      %swap3A_41 = arith.constant 0 : index
      %swap3A_42 = tpu.vector_load %arg12[%swap3A, %swap3A_41] {strides = array<i32>} : memref<128x128xf32, #tpu.memory_space<vmem>>, vector<1x16xf32>,
      %swap3A_43 = vector.shape_cast %swap3A_42 : vector<1x16xf32> to vector<16xf32>
      %swap3A_44 = vector.shape_cast %broadcast_in_dim3A_3 : vector<16xf32> to vector<1x16xf32>
      tpu.vector_store %arg12[%swap3A, %swap3A_41], %swap3A_44 {strides = array<i32>} : memref<128x128xf32, #tpu.memory_space<vmem>>, vector<1x16xf32>,
      %swap3A_45 = arith.index_cast %scan3A_40 : i32 to index
      %swap3A_46 = arith.constant 16 : index
      %swap3A_47 = tpu.vector_load %arg12[%swap3A_45, %swap3A_46] {strides = array<i32>} : memref<128x128xf32, #tpu.memory_space<vmem>>, vector<1x16xf32>,
      %swap3A_48 = vector.shape_cast %swap3A_47 : vector<1x16xf32> to vector<16xf32>
      %swap3A_49 = vector.shape_cast %broadcast_in_dim3A_3 : vector<16xf32> to vector<1x16xf32>
      tpu.vector_store %arg12[%swap3A_45, %swap3A_46], %swap3A_49 {strides = array<i32>} : memref<128x128xf32, #tpu.memory_space<vmem>>, vector<1x16xf32>,
      %swap3A_50 = arith.index_cast %scan3A_40 : i32 to index
      %swap3A_51 = arith.constant 32 : index
      %swap3A_52 = tpu.vector_load %arg12[%swap3A_50, %swap3A_51] {strides = array<i32>} : memref<128x128xf32, #tpu.memory_space<vmem>>, vector<1x16xf32>,
      %swap3A_53 = vector.shape_cast %swap3A_52 : vector<1x16xf32> to vector<16xf32>
      %swap3A_54 = vector.shape_cast %broadcast_in_dim3A_3 : vector<16xf32> to vector<1x16xf32>
      tpu.vector_store %arg12[%swap3A_50, %swap3A_51], %swap3A_54 {strides = array<i32>} : memref<128x128xf32, #tpu.memory_space<vmem>>, vector<1x16xf32>,
      %swap3A_55 = arith.index_cast %scan3A_40 : i32 to index
      %swap3A_56 = arith.constant 48 : index
      %swap3A_57 = tpu.vector_load %arg12[%swap3A_55, %swap3A_56] {strides = array<i32>} : memref<128x128xf32, #tpu.memory_space<vmem>>, vector<1x16xf32>,
      %swap3A_58 = vector.shape_cast %swap3A_57 : vector<1x16xf32> to vector<16xf32>
      %swap3A_59 = vector.shape_cast %broadcast_in_dim3A_3 : vector<16xf32> to vector<1x16xf32>
      tpu.vector_store %arg12[%swap3A_55, %swap3A_56], %swap3A_59 {strides = array<i32>} : memref<128x128xf32, #tpu.memory_space<vmem>>, vector<1x16xf32>,
      %swap3A_60 = arith.index_cast %scan3A_40 : i32 to index
      %swap3A_61 = arith.constant 64 : index
      %swap3A_62 = tpu.vector_load %arg12[%swap3A_60, %swap3A_61] {strides = array<i32>} : memref<128x128xf32, #tpu.memory_space<vmem>>, vector<1x16xf32>,
      %swap3A_63 = vector.shape_cast %swap3A_62 : vector<1x16xf32> to vector<16xf32>
      %swap3A_64 = vector.shape_cast %broadcast_in_dim3A_3 : vector<16xf32> to vector<1x16xf32>
      tpu.vector_store %arg12[%swap3A_60, %swap3A_61], %swap3A_64 {strides = array<i32>} : memref<128x128xf32, #tpu.memory_space<vmem>>, vector<1x16xf32>,
      %swap3A_65 = arith.index_cast %scan3A_40 : i32 to index
      %swap3A_66 = arith.constant 80 : index
      %swap3A_67 = tpu.vector_load %arg12[%swap3A_65, %swap3A_66] {strides = array<i32>} : memref<128x128xf32, #tpu.memory_space<vmem>>, vector<1x16xf32>,
      %swap3A_68 = vector.shape_cast %swap3A_67 : vector<1x16xf32> to vector<16xf32>
      %swap3A_69 = vector.shape_cast %broadcast_in_dim3A_3 : vector<16xf32> to vector<1x16xf32>
      tpu.vector_store %arg12[%swap3A_65, %swap3A_66], %swap3A_69 {strides = array<i32>} : memref<128x128xf32, #tpu.memory_space<vmem>>, vector<1x16xf32>,
      %swap3A_70 = arith.index_cast %scan3A_40 : i32 to index
      %swap3A_71 = arith.constant 96 : index
      %swap3A_72 = tpu.vector_load %arg12[%swap3A_70, %swap3A_71] {strides = array<i32>} : memref<128x128xf32, #tpu.memory_space<vmem>>, vector<1x16xf32>,
      %swap3A_73 = vector.shape_cast %swap3A_72 : vector<1x16xf32> to vector<16xf32>
      %swap3A_74 = vector.shape_cast %broadcast_in_dim3A_3 : vector<16xf32> to vector<1x16xf32>
      tpu.vector_store %arg12[%swap3A_70, %swap3A_71], %swap3A_74 {strides = array<i32>} : memref<128x128xf32, #tpu.memory_space<vmem>>, vector<1x16xf32>,
      %swap3A_75 = arith.index_cast %scan3A_40 : i32 to index
      %swap3A_76 = arith.constant 112 : index
      %swap3A_77 = tpu.vector_load %arg12[%swap3A_75, %swap3A_76] {strides = array<i32>} : memref<128x128xf32, #tpu.memory_space<vmem>>, vector<1x16xf32>,
      %swap3A_78 = vector.shape_cast %swap3A_77 : vector<1x16xf32> to vector<16xf32>
      %swap3A_79 = vector.shape_cast %broadcast_in_dim3A_3 : vector<16xf32> to vector<1x16xf32>
      tpu.vector_store %arg12[%swap3A_75, %swap3A_76], %swap3A_79 {strides = array<i32>} : memref<128x128xf32, #tpu.memory_space<vmem>>, vector<1x16xf32>,
    }
    %scan3A_8 = arith.constant 128 : i32
    %mul3A_9 = arith.constant 640 : i32
    %mul3A_10 = arith.muli %arg1, %mul3A_9 : i32
    %add3A_11 = arith.constant 0 : i32
    %add3A_12 = arith.addi %mul3A_10, %add3A_11 : i32
    "tpu.region"() ({
      %run_scoped3A = tpu.sem_alloc : memref<!tpu.dma_semaphore, #tpu.memory_space<semaphore_mem>>
      %dma_start3A = arith.constant 0 : i32
      %dma_start3A_40 = tpu.memref_slice %arg7[%add3A_12, %dma_start3A] : memref<10240x128xf32, #tpu.memory_space<vmem_shared>> -> memref<128x128xf32, #tpu.memory_space<vmem_shared>>
      %dma_start3A_41 = arith.constant 0 : i32
      %dma_start3A_42 = tpu.memref_slice %arg7[%add3A_12, %dma_start3A_41] : memref<10240x128xf32, #tpu.memory_space<vmem_shared>> -> memref<128x128xf32, #tpu.memory_space<vmem_shared>>
      tpu.enqueue_dma source(%arg12 : memref<128x128xf32, #tpu.memory_space<vmem>>) target(%dma_start3A_42 : memref<128x128xf32, #tpu.memory_space<vmem_shared>>) target_semaphore(%run_scoped3A : memref<!tpu.dma_semaphore, #tpu.memory_space<semaphore_mem>>)
      %dma_wait3A = arith.constant 0 : i32
      %dma_wait3A_43 = tpu.memref_slice %arg7[%add3A_12, %dma_wait3A] : memref<10240x128xf32, #tpu.memory_space<vmem_shared>> -> memref<128x128xf32, #tpu.memory_space<vmem_shared>>
      %dma_wait3A_44 = arith.constant 0 : i32
      %dma_wait3A_45 = tpu.memref_slice %arg7[%add3A_12, %dma_wait3A_44] : memref<10240x128xf32, #tpu.memory_space<vmem_shared>> -> memref<128x128xf32, #tpu.memory_space<vmem_shared>>
      tpu.wait_dma2 semaphore(%run_scoped3A : memref<!tpu.dma_semaphore, #tpu.memory_space<semaphore_mem>>) src(%arg12 : memref<128x128xf32, #tpu.memory_space<vmem>>) dst(%dma_wait3A_45 : memref<128x128xf32, #tpu.memory_space<vmem_shared>>)
      tpu.yield
    }) : () -> ()
    %mul3A_13 = arith.constant 640 : i32
    %mul3A_14 = arith.muli %arg1, %mul3A_13 : i32
    %add3A_15 = arith.constant 128 : i32
    %add3A_16 = arith.addi %mul3A_14, %add3A_15 : i32
    "tpu.region"() ({
      %run_scoped3A = tpu.sem_alloc : memref<!tpu.dma_semaphore, #tpu.memory_space<semaphore_mem>>
      %dma_start3A = arith.constant 0 : i32
      %dma_start3A_40 = tpu.memref_slice %arg7[%add3A_16, %dma_start3A] : memref<10240x128xf32, #tpu.memory_space<vmem_shared>> -> memref<128x128xf32, #tpu.memory_space<vmem_shared>>
      %dma_start3A_41 = arith.constant 0 : i32
      %dma_start3A_42 = tpu.memref_slice %arg7[%add3A_16, %dma_start3A_41] : memref<10240x128xf32, #tpu.memory_space<vmem_shared>> -> memref<128x128xf32, #tpu.memory_space<vmem_shared>>
      tpu.enqueue_dma source(%arg12 : memref<128x128xf32, #tpu.memory_space<vmem>>) target(%dma_start3A_42 : memref<128x128xf32, #tpu.memory_space<vmem_shared>>) target_semaphore(%run_scoped3A : memref<!tpu.dma_semaphore, #tpu.memory_space<semaphore_mem>>)
      %dma_wait3A = arith.constant 0 : i32
      %dma_wait3A_43 = tpu.memref_slice %arg7[%add3A_16, %dma_wait3A] : memref<10240x128xf32, #tpu.memory_space<vmem_shared>> -> memref<128x128xf32, #tpu.memory_space<vmem_shared>>
      %dma_wait3A_44 = arith.constant 0 : i32
      %dma_wait3A_45 = tpu.memref_slice %arg7[%add3A_16, %dma_wait3A_44] : memref<10240x128xf32, #tpu.memory_space<vmem_shared>> -> memref<128x128xf32, #tpu.memory_space<vmem_shared>>
      tpu.wait_dma2 semaphore(%run_scoped3A : memref<!tpu.dma_semaphore, #tpu.memory_space<semaphore_mem>>) src(%arg12 : memref<128x128xf32, #tpu.memory_space<vmem>>) dst(%dma_wait3A_45 : memref<128x128xf32, #tpu.memory_space<vmem_shared>>)
      tpu.yield
    }) : () -> ()
    %mul3A_17 = arith.constant 640 : i32
    %mul3A_18 = arith.muli %arg1, %mul3A_17 : i32
    %add3A_19 = arith.constant 256 : i32
    %add3A_20 = arith.addi %mul3A_18, %add3A_19 : i32
    "tpu.region"() ({
      %run_scoped3A = tpu.sem_alloc : memref<!tpu.dma_semaphore, #tpu.memory_space<semaphore_mem>>
      %dma_start3A = arith.constant 0 : i32
      %dma_start3A_40 = tpu.memref_slice %arg7[%add3A_20, %dma_start3A] : memref<10240x128xf32, #tpu.memory_space<vmem_shared>> -> memref<128x128xf32, #tpu.memory_space<vmem_shared>>
      %dma_start3A_41 = arith.constant 0 : i32
      %dma_start3A_42 = tpu.memref_slice %arg7[%add3A_20, %dma_start3A_41] : memref<10240x128xf32, #tpu.memory_space<vmem_shared>> -> memref<128x128xf32, #tpu.memory_space<vmem_shared>>
      tpu.enqueue_dma source(%arg12 : memref<128x128xf32, #tpu.memory_space<vmem>>) target(%dma_start3A_42 : memref<128x128xf32, #tpu.memory_space<vmem_shared>>) target_semaphore(%run_scoped3A : memref<!tpu.dma_semaphore, #tpu.memory_space<semaphore_mem>>)
      %dma_wait3A = arith.constant 0 : i32
      %dma_wait3A_43 = tpu.memref_slice %arg7[%add3A_20, %dma_wait3A] : memref<10240x128xf32, #tpu.memory_space<vmem_shared>> -> memref<128x128xf32, #tpu.memory_space<vmem_shared>>
      %dma_wait3A_44 = arith.constant 0 : i32
      %dma_wait3A_45 = tpu.memref_slice %arg7[%add3A_20, %dma_wait3A_44] : memref<10240x128xf32, #tpu.memory_space<vmem_shared>> -> memref<128x128xf32, #tpu.memory_space<vmem_shared>>
      tpu.wait_dma2 semaphore(%run_scoped3A : memref<!tpu.dma_semaphore, #tpu.memory_space<semaphore_mem>>) src(%arg12 : memref<128x128xf32, #tpu.memory_space<vmem>>) dst(%dma_wait3A_45 : memref<128x128xf32, #tpu.memory_space<vmem_shared>>)
      tpu.yield
    }) : () -> ()
    %mul3A_21 = arith.constant 640 : i32
    %mul3A_22 = arith.muli %arg1, %mul3A_21 : i32
    %add3A_23 = arith.constant 384 : i32
    %add3A_24 = arith.addi %mul3A_22, %add3A_23 : i32
    "tpu.region"() ({
      %run_scoped3A = tpu.sem_alloc : memref<!tpu.dma_semaphore, #tpu.memory_space<semaphore_mem>>
      %dma_start3A = arith.constant 0 : i32
      %dma_start3A_40 = tpu.memref_slice %arg7[%add3A_24, %dma_start3A] : memref<10240x128xf32, #tpu.memory_space<vmem_shared>> -> memref<128x128xf32, #tpu.memory_space<vmem_shared>>
      %dma_start3A_41 = arith.constant 0 : i32
      %dma_start3A_42 = tpu.memref_slice %arg7[%add3A_24, %dma_start3A_41] : memref<10240x128xf32, #tpu.memory_space<vmem_shared>> -> memref<128x128xf32, #tpu.memory_space<vmem_shared>>
      tpu.enqueue_dma source(%arg12 : memref<128x128xf32, #tpu.memory_space<vmem>>) target(%dma_start3A_42 : memref<128x128xf32, #tpu.memory_space<vmem_shared>>) target_semaphore(%run_scoped3A : memref<!tpu.dma_semaphore, #tpu.memory_space<semaphore_mem>>)
      %dma_wait3A = arith.constant 0 : i32
      %dma_wait3A_43 = tpu.memref_slice %arg7[%add3A_24, %dma_wait3A] : memref<10240x128xf32, #tpu.memory_space<vmem_shared>> -> memref<128x128xf32, #tpu.memory_space<vmem_shared>>
      %dma_wait3A_44 = arith.constant 0 : i32
      %dma_wait3A_45 = tpu.memref_slice %arg7[%add3A_24, %dma_wait3A_44] : memref<10240x128xf32, #tpu.memory_space<vmem_shared>> -> memref<128x128xf32, #tpu.memory_space<vmem_shared>>
      tpu.wait_dma2 semaphore(%run_scoped3A : memref<!tpu.dma_semaphore, #tpu.memory_space<semaphore_mem>>) src(%arg12 : memref<128x128xf32, #tpu.memory_space<vmem>>) dst(%dma_wait3A_45 : memref<128x128xf32, #tpu.memory_space<vmem_shared>>)
      tpu.yield
    }) : () -> ()
    %mul3A_25 = arith.constant 640 : i32
    %mul3A_26 = arith.muli %arg1, %mul3A_25 : i32
    %add3A_27 = arith.constant 512 : i32
    %add3A_28 = arith.addi %mul3A_26, %add3A_27 : i32
    "tpu.region"() ({
      %run_scoped3A = tpu.sem_alloc : memref<!tpu.dma_semaphore, #tpu.memory_space<semaphore_mem>>
      %dma_start3A = arith.constant 0 : i32
      %dma_start3A_40 = tpu.memref_slice %arg7[%add3A_28, %dma_start3A] : memref<10240x128xf32, #tpu.memory_space<vmem_shared>> -> memref<128x128xf32, #tpu.memory_space<vmem_shared>>
      %dma_start3A_41 = arith.constant 0 : i32
      %dma_start3A_42 = tpu.memref_slice %arg7[%add3A_28, %dma_start3A_41] : memref<10240x128xf32, #tpu.memory_space<vmem_shared>> -> memref<128x128xf32, #tpu.memory_space<vmem_shared>>
      tpu.enqueue_dma source(%arg12 : memref<128x128xf32, #tpu.memory_space<vmem>>) target(%dma_start3A_42 : memref<128x128xf32, #tpu.memory_space<vmem_shared>>) target_semaphore(%run_scoped3A : memref<!tpu.dma_semaphore, #tpu.memory_space<semaphore_mem>>)
      %dma_wait3A = arith.constant 0 : i32
      %dma_wait3A_43 = tpu.memref_slice %arg7[%add3A_28, %dma_wait3A] : memref<10240x128xf32, #tpu.memory_space<vmem_shared>> -> memref<128x128xf32, #tpu.memory_space<vmem_shared>>
      %dma_wait3A_44 = arith.constant 0 : i32
      %dma_wait3A_45 = tpu.memref_slice %arg7[%add3A_28, %dma_wait3A_44] : memref<10240x128xf32, #tpu.memory_space<vmem_shared>> -> memref<128x128xf32, #tpu.memory_space<vmem_shared>>
      tpu.wait_dma2 semaphore(%run_scoped3A : memref<!tpu.dma_semaphore, #tpu.memory_space<semaphore_mem>>) src(%arg12 : memref<128x128xf32, #tpu.memory_space<vmem>>) dst(%dma_wait3A_45 : memref<128x128xf32, #tpu.memory_space<vmem_shared>>)
      tpu.yield
    }) : () -> ()
    "tpu.region"() ({
      %run_scoped3A = tpu.sem_alloc : memref<!tpu.dma_semaphore, #tpu.memory_space<semaphore_mem>>
      %dma_start3A = tpu.memref_slice %arg3[%mul3A_2] : memref<320000xi32, #tpu.memory_space<hbm>> -> memref<10000xi32, #tpu.memory_space<hbm>>
      %dma_start3A_40 = tpu.memref_slice %arg3[%mul3A_2] : memref<320000xi32, #tpu.memory_space<hbm>> -> memref<10000xi32, #tpu.memory_space<hbm>>
      tpu.enqueue_dma source(%dma_start3A_40 : memref<10000xi32, #tpu.memory_space<hbm>>) target(%arg8 : memref<10000xi32, #tpu.memory_space<vmem>>) target_semaphore(%run_scoped3A : memref<!tpu.dma_semaphore, #tpu.memory_space<semaphore_mem>>)
      %dma_wait3A = tpu.memref_slice %arg3[%mul3A_2] : memref<320000xi32, #tpu.memory_space<hbm>> -> memref<10000xi32, #tpu.memory_space<hbm>>
      %dma_wait3A_41 = tpu.memref_slice %arg3[%mul3A_2] : memref<320000xi32, #tpu.memory_space<hbm>> -> memref<10000xi32, #tpu.memory_space<hbm>>
      tpu.wait_dma2 semaphore(%run_scoped3A : memref<!tpu.dma_semaphore, #tpu.memory_space<semaphore_mem>>) src(%dma_wait3A_41 : memref<10000xi32, #tpu.memory_space<hbm>>) dst(%arg8 : memref<10000xi32, #tpu.memory_space<vmem>>)
      tpu.yield
    }) : () -> ()
    "tpu.region"() ({
      %run_scoped3A = tpu.sem_alloc : memref<!tpu.dma_semaphore, #tpu.memory_space<semaphore_mem>>
      %dma_start3A = tpu.memref_slice %arg5[%mul3A_2] : memref<320000xf32, #tpu.memory_space<hbm>> -> memref<10000xf32, #tpu.memory_space<hbm>>
      %dma_start3A_40 = tpu.memref_slice %arg5[%mul3A_2] : memref<320000xf32, #tpu.memory_space<hbm>> -> memref<10000xf32, #tpu.memory_space<hbm>>
      tpu.enqueue_dma source(%dma_start3A_40 : memref<10000xf32, #tpu.memory_space<hbm>>) target(%arg9 : memref<10000xf32, #tpu.memory_space<vmem>>) target_semaphore(%run_scoped3A : memref<!tpu.dma_semaphore, #tpu.memory_space<semaphore_mem>>)
      %dma_wait3A = tpu.memref_slice %arg5[%mul3A_2] : memref<320000xf32, #tpu.memory_space<hbm>> -> memref<10000xf32, #tpu.memory_space<hbm>>
      %dma_wait3A_41 = tpu.memref_slice %arg5[%mul3A_2] : memref<320000xf32, #tpu.memory_space<hbm>> -> memref<10000xf32, #tpu.memory_space<hbm>>
      tpu.wait_dma2 semaphore(%run_scoped3A : memref<!tpu.dma_semaphore, #tpu.memory_space<semaphore_mem>>) src(%dma_wait3A_41 : memref<10000xf32, #tpu.memory_space<hbm>>) dst(%arg9 : memref<10000xf32, #tpu.memory_space<vmem>>)
      tpu.yield
    }) : () -> ()
    %barrier3A = arith.constant 0 : index
    tpu.barrier barrier_id(%barrier3A)
    %scan3A_29 = arith.constant 0 : i32
    %scan3A_30 = arith.constant 0 : i32
    %scan3A_31 = arith.constant 125 : i32
    %scan3A_32 = arith.addi %scan3A_30, %scan3A_31 : i32
    %scan3A_33 = arith.constant 1 : i32
    scf.for %scan3A_40 = %scan3A_30 to %scan3A_32 step %scan3A_33  : i32 {
      %mul3A_41 = arith.constant 80 : i32
      %mul3A_42 = arith.muli %scan3A_40, %mul3A_41 : i32
      %add3A_43 = arith.addi %mul3A_2, %mul3A_42 : i32
      "tpu.region"() ({
        %run_scoped3A = tpu.sem_alloc : memref<!tpu.dma_semaphore, #tpu.memory_space<semaphore_mem>>
        %dma_start3A_56 = tpu.memref_slice %arg4[%add3A_43] : memref<320000xi32, #tpu.memory_space<hbm>> -> memref<80xi32, #tpu.memory_space<hbm>>
        %dma_start3A_57 = tpu.memref_slice %arg4[%add3A_43] : memref<320000xi32, #tpu.memory_space<hbm>> -> memref<80xi32, #tpu.memory_space<hbm>>
        tpu.enqueue_dma source(%dma_start3A_57 : memref<80xi32, #tpu.memory_space<hbm>>) target(%arg10 : memref<80xi32, #tpu.memory_space<vmem>>) target_semaphore(%run_scoped3A : memref<!tpu.dma_semaphore, #tpu.memory_space<semaphore_mem>>)
        %dma_wait3A_58 = tpu.memref_slice %arg4[%add3A_43] : memref<320000xi32, #tpu.memory_space<hbm>> -> memref<80xi32, #tpu.memory_space<hbm>>
        %dma_wait3A_59 = tpu.memref_slice %arg4[%add3A_43] : memref<320000xi32, #tpu.memory_space<hbm>> -> memref<80xi32, #tpu.memory_space<hbm>>
        tpu.wait_dma2 semaphore(%run_scoped3A : memref<!tpu.dma_semaphore, #tpu.memory_space<semaphore_mem>>) src(%dma_wait3A_59 : memref<80xi32, #tpu.memory_space<hbm>>) dst(%arg10 : memref<80xi32, #tpu.memory_space<vmem>>)
        tpu.yield
      }) : () -> ()
      %dma_start3A = tpu.memref_slice %arg8[%mul3A_42] : memref<10000xi32, #tpu.memory_space<vmem>> -> memref<80xi32, #tpu.memory_space<vmem>>
      %dma_start3A_44 = arith.constant 0 : i32
      %dma_start3A_45 = arith.constant 0 : i32
      %dma_start3A_46 = tpu.memref_slice %arg2[%dma_start3A_44, %dma_start3A_45] : memref<10000x128xf32, #tpu.memory_space<hbm>> -> memref<10000x128xf32, #tpu.memory_space<hbm>>
      tpu.enqueue_indirect_dma source(%dma_start3A_46 : memref<10000x128xf32, #tpu.memory_space<hbm>>) target(%arg11 : memref<80x128xf32, #tpu.memory_space<vmem>>) offsets(%dma_start3A : memref<80xi32, #tpu.memory_space<vmem>>) semaphore(%arg13 : memref<!tpu.dma_semaphore, #tpu.memory_space<semaphore_mem>>)
      %dma_wait3A = tpu.memref_slice %arg8[%mul3A_42] : memref<10000xi32, #tpu.memory_space<vmem>> -> memref<80xi32, #tpu.memory_space<vmem>>
      %dma_wait3A_47 = arith.constant 0 : i32
      %dma_wait3A_48 = arith.constant 0 : i32
      %dma_wait3A_49 = tpu.memref_slice %arg2[%dma_wait3A_47, %dma_wait3A_48] : memref<10000x128xf32, #tpu.memory_space<hbm>> -> memref<10000x128xf32, #tpu.memory_space<hbm>>
      tpu.wait_indirect_dma semaphore(%arg13 : memref<!tpu.dma_semaphore, #tpu.memory_space<semaphore_mem>>) src(%dma_wait3A_49 : memref<10000x128xf32, #tpu.memory_space<hbm>>) dst(%arg11 : memref<80x128xf32, #tpu.memory_space<vmem>>)
      %scan3A_50 = arith.constant 0 : i32
      %scan3A_51 = arith.constant 0 : i32
      %scan3A_52 = arith.constant 5 : i32
      %scan3A_53 = arith.addi %scan3A_51, %scan3A_52 : i32
      %scan3A_54 = arith.constant 1 : i32
      scf.for %scan3A_56 = %scan3A_51 to %scan3A_53 step %scan3A_54  : i32 {
        %mul3A_57 = arith.constant 16 : i32
        %mul3A_58 = arith.muli %scan3A_56, %mul3A_57 : i32
        %add3A_59 = arith.addi %mul3A_42, %mul3A_58 : i32
        %get3A = arith.index_cast %add3A_59 : i32 to index
        %get3A_60 = tpu.vector_load %arg9[%get3A] {strides = array<i32>} : memref<10000xf32, #tpu.memory_space<vmem>>, vector<16xf32>,
        %get3A_61 = vector.shape_cast %get3A_60 : vector<16xf32> to vector<16xf32>
        %slice3A = vector.extract_strided_slice %get3A_61 {offsets = [0], sizes = [1], strides = [1]} : vector<16xf32> to vector<1xf32>
        %squeeze3A = vector.extract %slice3A[0] : f32 from vector<1xf32>
        %broadcast_in_dim3A_62 = vector.broadcast %squeeze3A : f32 to vector<16xf32>
        %add3A_63 = arith.constant 0 : i32
        %add3A_64 = arith.addi %mul3A_58, %add3A_63 : i32
        %get3A_65 = arith.index_cast %add3A_64 : i32 to index
        %get3A_66 = arith.constant 0 : index
        %get3A_67 = tpu.vector_load %arg11[%get3A_65, %get3A_66] {strides = array<i32>} : memref<80x128xf32, #tpu.memory_space<vmem>>, vector<1x16xf32>,
        %get3A_68 = vector.shape_cast %get3A_67 : vector<1x16xf32> to vector<16xf32>
        %mul3A_69 = arith.mulf %get3A_68, %broadcast_in_dim3A_62 : vector<16xf32>
        %add3A_70 = arith.constant 0 : i32
        %add3A_71 = arith.addi %mul3A_58, %add3A_70 : i32
        %swap3A = arith.index_cast %add3A_71 : i32 to index
        %swap3A_72 = arith.constant 0 : index
        %swap3A_73 = tpu.vector_load %arg11[%swap3A, %swap3A_72] {strides = array<i32>} : memref<80x128xf32, #tpu.memory_space<vmem>>, vector<1x16xf32>,
        %swap3A_74 = vector.shape_cast %swap3A_73 : vector<1x16xf32> to vector<16xf32>
        %swap3A_75 = vector.shape_cast %mul3A_69 : vector<16xf32> to vector<1x16xf32>
        tpu.vector_store %arg11[%swap3A, %swap3A_72], %swap3A_75 {strides = array<i32>} : memref<80x128xf32, #tpu.memory_space<vmem>>, vector<1x16xf32>,
        %add3A_76 = arith.constant 0 : i32
        %add3A_77 = arith.addi %mul3A_58, %add3A_76 : i32
        %get3A_78 = arith.index_cast %add3A_77 : i32 to index
        %get3A_79 = arith.constant 16 : index
        %get3A_80 = tpu.vector_load %arg11[%get3A_78, %get3A_79] {strides = array<i32>} : memref<80x128xf32, #tpu.memory_space<vmem>>, vector<1x16xf32>,
        %get3A_81 = vector.shape_cast %get3A_80 : vector<1x16xf32> to vector<16xf32>
        %mul3A_82 = arith.mulf %get3A_81, %broadcast_in_dim3A_62 : vector<16xf32>
        %add3A_83 = arith.constant 0 : i32
        %add3A_84 = arith.addi %mul3A_58, %add3A_83 : i32
        %swap3A_85 = arith.index_cast %add3A_84 : i32 to index
        %swap3A_86 = arith.constant 16 : index
        %swap3A_87 = tpu.vector_load %arg11[%swap3A_85, %swap3A_86] {strides = array<i32>} : memref<80x128xf32, #tpu.memory_space<vmem>>, vector<1x16xf32>,
        %swap3A_88 = vector.shape_cast %swap3A_87 : vector<1x16xf32> to vector<16xf32>
        %swap3A_89 = vector.shape_cast %mul3A_82 : vector<16xf32> to vector<1x16xf32>
        tpu.vector_store %arg11[%swap3A_85, %swap3A_86], %swap3A_89 {strides = array<i32>} : memref<80x128xf32, #tpu.memory_space<vmem>>, vector<1x16xf32>,
        %add3A_90 = arith.constant 0 : i32
        %add3A_91 = arith.addi %mul3A_58, %add3A_90 : i32
        %get3A_92 = arith.index_cast %add3A_91 : i32 to index
        %get3A_93 = arith.constant 32 : index
        %get3A_94 = tpu.vector_load %arg11[%get3A_92, %get3A_93] {strides = array<i32>} : memref<80x128xf32, #tpu.memory_space<vmem>>, vector<1x16xf32>,
        %get3A_95 = vector.shape_cast %get3A_94 : vector<1x16xf32> to vector<16xf32>
        %mul3A_96 = arith.mulf %get3A_95, %broadcast_in_dim3A_62 : vector<16xf32>
        %add3A_97 = arith.constant 0 : i32
        %add3A_98 = arith.addi %mul3A_58, %add3A_97 : i32
        %swap3A_99 = arith.index_cast %add3A_98 : i32 to index
        %swap3A_100 = arith.constant 32 : index
        %swap3A_101 = tpu.vector_load %arg11[%swap3A_99, %swap3A_100] {strides = array<i32>} : memref<80x128xf32, #tpu.memory_space<vmem>>, vector<1x16xf32>,
        %swap3A_102 = vector.shape_cast %swap3A_101 : vector<1x16xf32> to vector<16xf32>
        %swap3A_103 = vector.shape_cast %mul3A_96 : vector<16xf32> to vector<1x16xf32>
        tpu.vector_store %arg11[%swap3A_99, %swap3A_100], %swap3A_103 {strides = array<i32>} : memref<80x128xf32, #tpu.memory_space<vmem>>, vector<1x16xf32>,
        %add3A_104 = arith.constant 0 : i32
        %add3A_105 = arith.addi %mul3A_58, %add3A_104 : i32
        %get3A_106 = arith.index_cast %add3A_105 : i32 to index
        %get3A_107 = arith.constant 48 : index
        %get3A_108 = tpu.vector_load %arg11[%get3A_106, %get3A_107] {strides = array<i32>} : memref<80x128xf32, #tpu.memory_space<vmem>>, vector<1x16xf32>,
        %get3A_109 = vector.shape_cast %get3A_108 : vector<1x16xf32> to vector<16xf32>
        %mul3A_110 = arith.mulf %get3A_109, %broadcast_in_dim3A_62 : vector<16xf32>
        %add3A_111 = arith.constant 0 : i32
        %add3A_112 = arith.addi %mul3A_58, %add3A_111 : i32
        %swap3A_113 = arith.index_cast %add3A_112 : i32 to index
        %swap3A_114 = arith.constant 48 : index
        %swap3A_115 = tpu.vector_load %arg11[%swap3A_113, %swap3A_114] {strides = array<i32>} : memref<80x128xf32, #tpu.memory_space<vmem>>, vector<1x16xf32>,
        %swap3A_116 = vector.shape_cast %swap3A_115 : vector<1x16xf32> to vector<16xf32>
        %swap3A_117 = vector.shape_cast %mul3A_110 : vector<16xf32> to vector<1x16xf32>
        tpu.vector_store %arg11[%swap3A_113, %swap3A_114], %swap3A_117 {strides = array<i32>} : memref<80x128xf32, #tpu.memory_space<vmem>>, vector<1x16xf32>,
        %add3A_118 = arith.constant 0 : i32
        %add3A_119 = arith.addi %mul3A_58, %add3A_118 : i32
        %get3A_120 = arith.index_cast %add3A_119 : i32 to index
        %get3A_121 = arith.constant 64 : index
        %get3A_122 = tpu.vector_load %arg11[%get3A_120, %get3A_121] {strides = array<i32>} : memref<80x128xf32, #tpu.memory_space<vmem>>, vector<1x16xf32>,
        %get3A_123 = vector.shape_cast %get3A_122 : vector<1x16xf32> to vector<16xf32>
        %mul3A_124 = arith.mulf %get3A_123, %broadcast_in_dim3A_62 : vector<16xf32>
        %add3A_125 = arith.constant 0 : i32
        %add3A_126 = arith.addi %mul3A_58, %add3A_125 : i32
        %swap3A_127 = arith.index_cast %add3A_126 : i32 to index
        %swap3A_128 = arith.constant 64 : index
        %swap3A_129 = tpu.vector_load %arg11[%swap3A_127, %swap3A_128] {strides = array<i32>} : memref<80x128xf32, #tpu.memory_space<vmem>>, vector<1x16xf32>,
        %swap3A_130 = vector.shape_cast %swap3A_129 : vector<1x16xf32> to vector<16xf32>
        %swap3A_131 = vector.shape_cast %mul3A_124 : vector<16xf32> to vector<1x16xf32>
        tpu.vector_store %arg11[%swap3A_127, %swap3A_128], %swap3A_131 {strides = array<i32>} : memref<80x128xf32, #tpu.memory_space<vmem>>, vector<1x16xf32>,
        %add3A_132 = arith.constant 0 : i32
        %add3A_133 = arith.addi %mul3A_58, %add3A_132 : i32
        %get3A_134 = arith.index_cast %add3A_133 : i32 to index
        %get3A_135 = arith.constant 80 : index
        %get3A_136 = tpu.vector_load %arg11[%get3A_134, %get3A_135] {strides = array<i32>} : memref<80x128xf32, #tpu.memory_space<vmem>>, vector<1x16xf32>,
        %get3A_137 = vector.shape_cast %get3A_136 : vector<1x16xf32> to vector<16xf32>
        %mul3A_138 = arith.mulf %get3A_137, %broadcast_in_dim3A_62 : vector<16xf32>
        %add3A_139 = arith.constant 0 : i32
        %add3A_140 = arith.addi %mul3A_58, %add3A_139 : i32
        %swap3A_141 = arith.index_cast %add3A_140 : i32 to index
        %swap3A_142 = arith.constant 80 : index
        %swap3A_143 = tpu.vector_load %arg11[%swap3A_141, %swap3A_142] {strides = array<i32>} : memref<80x128xf32, #tpu.memory_space<vmem>>, vector<1x16xf32>,
        %swap3A_144 = vector.shape_cast %swap3A_143 : vector<1x16xf32> to vector<16xf32>
        %swap3A_145 = vector.shape_cast %mul3A_138 : vector<16xf32> to vector<1x16xf32>
        tpu.vector_store %arg11[%swap3A_141, %swap3A_142], %swap3A_145 {strides = array<i32>} : memref<80x128xf32, #tpu.memory_space<vmem>>, vector<1x16xf32>,
        %add3A_146 = arith.constant 0 : i32
        %add3A_147 = arith.addi %mul3A_58, %add3A_146 : i32
        %get3A_148 = arith.index_cast %add3A_147 : i32 to index
        %get3A_149 = arith.constant 96 : index
        %get3A_150 = tpu.vector_load %arg11[%get3A_148, %get3A_149] {strides = array<i32>} : memref<80x128xf32, #tpu.memory_space<vmem>>, vector<1x16xf32>,
        %get3A_151 = vector.shape_cast %get3A_150 : vector<1x16xf32> to vector<16xf32>
        %mul3A_152 = arith.mulf %get3A_151, %broadcast_in_dim3A_62 : vector<16xf32>
        %add3A_153 = arith.constant 0 : i32
        %add3A_154 = arith.addi %mul3A_58, %add3A_153 : i32
        %swap3A_155 = arith.index_cast %add3A_154 : i32 to index
        %swap3A_156 = arith.constant 96 : index
        %swap3A_157 = tpu.vector_load %arg11[%swap3A_155, %swap3A_156] {strides = array<i32>} : memref<80x128xf32, #tpu.memory_space<vmem>>, vector<1x16xf32>,
        %swap3A_158 = vector.shape_cast %swap3A_157 : vector<1x16xf32> to vector<16xf32>
        %swap3A_159 = vector.shape_cast %mul3A_152 : vector<16xf32> to vector<1x16xf32>
        tpu.vector_store %arg11[%swap3A_155, %swap3A_156], %swap3A_159 {strides = array<i32>} : memref<80x128xf32, #tpu.memory_space<vmem>>, vector<1x16xf32>,
        %add3A_160 = arith.constant 0 : i32
        %add3A_161 = arith.addi %mul3A_58, %add3A_160 : i32
        %get3A_162 = arith.index_cast %add3A_161 : i32 to index
        %get3A_163 = arith.constant 112 : index
        %get3A_164 = tpu.vector_load %arg11[%get3A_162, %get3A_163] {strides = array<i32>} : memref<80x128xf32, #tpu.memory_space<vmem>>, vector<1x16xf32>,
        %get3A_165 = vector.shape_cast %get3A_164 : vector<1x16xf32> to vector<16xf32>
        %mul3A_166 = arith.mulf %get3A_165, %broadcast_in_dim3A_62 : vector<16xf32>
        %add3A_167 = arith.constant 0 : i32
        %add3A_168 = arith.addi %mul3A_58, %add3A_167 : i32
        %swap3A_169 = arith.index_cast %add3A_168 : i32 to index
        %swap3A_170 = arith.constant 112 : index
        %swap3A_171 = tpu.vector_load %arg11[%swap3A_169, %swap3A_170] {strides = array<i32>} : memref<80x128xf32, #tpu.memory_space<vmem>>, vector<1x16xf32>,
        %swap3A_172 = vector.shape_cast %swap3A_171 : vector<1x16xf32> to vector<16xf32>
        %swap3A_173 = vector.shape_cast %mul3A_166 : vector<16xf32> to vector<1x16xf32>
        tpu.vector_store %arg11[%swap3A_169, %swap3A_170], %swap3A_173 {strides = array<i32>} : memref<80x128xf32, #tpu.memory_space<vmem>>, vector<1x16xf32>,
        %slice3A_174 = vector.extract_strided_slice %get3A_61 {offsets = [1], sizes = [1], strides = [1]} : vector<16xf32> to vector<1xf32>
        %squeeze3A_175 = vector.extract %slice3A_174[0] : f32 from vector<1xf32>
        %broadcast_in_dim3A_176 = vector.broadcast %squeeze3A_175 : f32 to vector<16xf32>
        %add3A_177 = arith.constant 1 : i32
        %add3A_178 = arith.addi %mul3A_58, %add3A_177 : i32
        %get3A_179 = arith.index_cast %add3A_178 : i32 to index
        %get3A_180 = arith.constant 0 : index
        %get3A_181 = tpu.vector_load %arg11[%get3A_179, %get3A_180] {strides = array<i32>} : memref<80x128xf32, #tpu.memory_space<vmem>>, vector<1x16xf32>,
        %get3A_182 = vector.shape_cast %get3A_181 : vector<1x16xf32> to vector<16xf32>
        %mul3A_183 = arith.mulf %get3A_182, %broadcast_in_dim3A_176 : vector<16xf32>
        %add3A_184 = arith.constant 1 : i32
        %add3A_185 = arith.addi %mul3A_58, %add3A_184 : i32
        %swap3A_186 = arith.index_cast %add3A_185 : i32 to index
        %swap3A_187 = arith.constant 0 : index
        %swap3A_188 = tpu.vector_load %arg11[%swap3A_186, %swap3A_187] {strides = array<i32>} : memref<80x128xf32, #tpu.memory_space<vmem>>, vector<1x16xf32>,
        %swap3A_189 = vector.shape_cast %swap3A_188 : vector<1x16xf32> to vector<16xf32>
        %swap3A_190 = vector.shape_cast %mul3A_183 : vector<16xf32> to vector<1x16xf32>
        tpu.vector_store %arg11[%swap3A_186, %swap3A_187], %swap3A_190 {strides = array<i32>} : memref<80x128xf32, #tpu.memory_space<vmem>>, vector<1x16xf32>,
        %add3A_191 = arith.constant 1 : i32
        %add3A_192 = arith.addi %mul3A_58, %add3A_191 : i32
        %get3A_193 = arith.index_cast %add3A_192 : i32 to index
        %get3A_194 = arith.constant 16 : index
        %get3A_195 = tpu.vector_load %arg11[%get3A_193, %get3A_194] {strides = array<i32>} : memref<80x128xf32, #tpu.memory_space<vmem>>, vector<1x16xf32>,
        %get3A_196 = vector.shape_cast %get3A_195 : vector<1x16xf32> to vector<16xf32>
        %mul3A_197 = arith.mulf %get3A_196, %broadcast_in_dim3A_176 : vector<16xf32>
        %add3A_198 = arith.constant 1 : i32
        %add3A_199 = arith.addi %mul3A_58, %add3A_198 : i32
        %swap3A_200 = arith.index_cast %add3A_199 : i32 to index
        %swap3A_201 = arith.constant 16 : index
        %swap3A_202 = tpu.vector_load %arg11[%swap3A_200, %swap3A_201] {strides = array<i32>} : memref<80x128xf32, #tpu.memory_space<vmem>>, vector<1x16xf32>,
        %swap3A_203 = vector.shape_cast %swap3A_202 : vector<1x16xf32> to vector<16xf32>
        %swap3A_204 = vector.shape_cast %mul3A_197 : vector<16xf32> to vector<1x16xf32>
        tpu.vector_store %arg11[%swap3A_200, %swap3A_201], %swap3A_204 {strides = array<i32>} : memref<80x128xf32, #tpu.memory_space<vmem>>, vector<1x16xf32>,
        %add3A_205 = arith.constant 1 : i32
        %add3A_206 = arith.addi %mul3A_58, %add3A_205 : i32
        %get3A_207 = arith.index_cast %add3A_206 : i32 to index
        %get3A_208 = arith.constant 32 : index
        %get3A_209 = tpu.vector_load %arg11[%get3A_207, %get3A_208] {strides = array<i32>} : memref<80x128xf32, #tpu.memory_space<vmem>>, vector<1x16xf32>,
        %get3A_210 = vector.shape_cast %get3A_209 : vector<1x16xf32> to vector<16xf32>
        %mul3A_211 = arith.mulf %get3A_210, %broadcast_in_dim3A_176 : vector<16xf32>
        %add3A_212 = arith.constant 1 : i32
        %add3A_213 = arith.addi %mul3A_58, %add3A_212 : i32
        %swap3A_214 = arith.index_cast %add3A_213 : i32 to index
        %swap3A_215 = arith.constant 32 : index
        %swap3A_216 = tpu.vector_load %arg11[%swap3A_214, %swap3A_215] {strides = array<i32>} : memref<80x128xf32, #tpu.memory_space<vmem>>, vector<1x16xf32>,
        %swap3A_217 = vector.shape_cast %swap3A_216 : vector<1x16xf32> to vector<16xf32>
        %swap3A_218 = vector.shape_cast %mul3A_211 : vector<16xf32> to vector<1x16xf32>
        tpu.vector_store %arg11[%swap3A_214, %swap3A_215], %swap3A_218 {strides = array<i32>} : memref<80x128xf32, #tpu.memory_space<vmem>>, vector<1x16xf32>,
        %add3A_219 = arith.constant 1 : i32
        %add3A_220 = arith.addi %mul3A_58, %add3A_219 : i32
        %get3A_221 = arith.index_cast %add3A_220 : i32 to index
        %get3A_222 = arith.constant 48 : index
        %get3A_223 = tpu.vector_load %arg11[%get3A_221, %get3A_222] {strides = array<i32>} : memref<80x128xf32, #tpu.memory_space<vmem>>, vector<1x16xf32>,
        %get3A_224 = vector.shape_cast %get3A_223 : vector<1x16xf32> to vector<16xf32>
        %mul3A_225 = arith.mulf %get3A_224, %broadcast_in_dim3A_176 : vector<16xf32>
        %add3A_226 = arith.constant 1 : i32
        %add3A_227 = arith.addi %mul3A_58, %add3A_226 : i32
        %swap3A_228 = arith.index_cast %add3A_227 : i32 to index
        %swap3A_229 = arith.constant 48 : index
        %swap3A_230 = tpu.vector_load %arg11[%swap3A_228, %swap3A_229] {strides = array<i32>} : memref<80x128xf32, #tpu.memory_space<vmem>>, vector<1x16xf32>,
        %swap3A_231 = vector.shape_cast %swap3A_230 : vector<1x16xf32> to vector<16xf32>
        %swap3A_232 = vector.shape_cast %mul3A_225 : vector<16xf32> to vector<1x16xf32>
        tpu.vector_store %arg11[%swap3A_228, %swap3A_229], %swap3A_232 {strides = array<i32>} : memref<80x128xf32, #tpu.memory_space<vmem>>, vector<1x16xf32>,
        %add3A_233 = arith.constant 1 : i32
        %add3A_234 = arith.addi %mul3A_58, %add3A_233 : i32
        %get3A_235 = arith.index_cast %add3A_234 : i32 to index
        %get3A_236 = arith.constant 64 : index
        %get3A_237 = tpu.vector_load %arg11[%get3A_235, %get3A_236] {strides = array<i32>} : memref<80x128xf32, #tpu.memory_space<vmem>>, vector<1x16xf32>,
        %get3A_238 = vector.shape_cast %get3A_237 : vector<1x16xf32> to vector<16xf32>
        %mul3A_239 = arith.mulf %get3A_238, %broadcast_in_dim3A_176 : vector<16xf32>
        %add3A_240 = arith.constant 1 : i32
        %add3A_241 = arith.addi %mul3A_58, %add3A_240 : i32
        %swap3A_242 = arith.index_cast %add3A_241 : i32 to index
        %swap3A_243 = arith.constant 64 : index
        %swap3A_244 = tpu.vector_load %arg11[%swap3A_242, %swap3A_243] {strides = array<i32>} : memref<80x128xf32, #tpu.memory_space<vmem>>, vector<1x16xf32>,
        %swap3A_245 = vector.shape_cast %swap3A_244 : vector<1x16xf32> to vector<16xf32>
        %swap3A_246 = vector.shape_cast %mul3A_239 : vector<16xf32> to vector<1x16xf32>
        tpu.vector_store %arg11[%swap3A_242, %swap3A_243], %swap3A_246 {strides = array<i32>} : memref<80x128xf32, #tpu.memory_space<vmem>>, vector<1x16xf32>,
        %add3A_247 = arith.constant 1 : i32
        %add3A_248 = arith.addi %mul3A_58, %add3A_247 : i32
        %get3A_249 = arith.index_cast %add3A_248 : i32 to index
        %get3A_250 = arith.constant 80 : index
        %get3A_251 = tpu.vector_load %arg11[%get3A_249, %get3A_250] {strides = array<i32>} : memref<80x128xf32, #tpu.memory_space<vmem>>, vector<1x16xf32>,
        %get3A_252 = vector.shape_cast %get3A_251 : vector<1x16xf32> to vector<16xf32>
        %mul3A_253 = arith.mulf %get3A_252, %broadcast_in_dim3A_176 : vector<16xf32>
        %add3A_254 = arith.constant 1 : i32
        %add3A_255 = arith.addi %mul3A_58, %add3A_254 : i32
        %swap3A_256 = arith.index_cast %add3A_255 : i32 to index
        %swap3A_257 = arith.constant 80 : index
        %swap3A_258 = tpu.vector_load %arg11[%swap3A_256, %swap3A_257] {strides = array<i32>} : memref<80x128xf32, #tpu.memory_space<vmem>>, vector<1x16xf32>,
        %swap3A_259 = vector.shape_cast %swap3A_258 : vector<1x16xf32> to vector<16xf32>
        %swap3A_260 = vector.shape_cast %mul3A_253 : vector<16xf32> to vector<1x16xf32>
        tpu.vector_store %arg11[%swap3A_256, %swap3A_257], %swap3A_260 {strides = array<i32>} : memref<80x128xf32, #tpu.memory_space<vmem>>, vector<1x16xf32>,
        %add3A_261 = arith.constant 1 : i32
        %add3A_262 = arith.addi %mul3A_58, %add3A_261 : i32
        %get3A_263 = arith.index_cast %add3A_262 : i32 to index
        %get3A_264 = arith.constant 96 : index
        %get3A_265 = tpu.vector_load %arg11[%get3A_263, %get3A_264] {strides = array<i32>} : memref<80x128xf32, #tpu.memory_space<vmem>>, vector<1x16xf32>,
        %get3A_266 = vector.shape_cast %get3A_265 : vector<1x16xf32> to vector<16xf32>
        %mul3A_267 = arith.mulf %get3A_266, %broadcast_in_dim3A_176 : vector<16xf32>
        %add3A_268 = arith.constant 1 : i32
        %add3A_269 = arith.addi %mul3A_58, %add3A_268 : i32
        %swap3A_270 = arith.index_cast %add3A_269 : i32 to index
        %swap3A_271 = arith.constant 96 : index
        %swap3A_272 = tpu.vector_load %arg11[%swap3A_270, %swap3A_271] {strides = array<i32>} : memref<80x128xf32, #tpu.memory_space<vmem>>, vector<1x16xf32>,
        %swap3A_273 = vector.shape_cast %swap3A_272 : vector<1x16xf32> to vector<16xf32>
        %swap3A_274 = vector.shape_cast %mul3A_267 : vector<16xf32> to vector<1x16xf32>
        tpu.vector_store %arg11[%swap3A_270, %swap3A_271], %swap3A_274 {strides = array<i32>} : memref<80x128xf32, #tpu.memory_space<vmem>>, vector<1x16xf32>,
        %add3A_275 = arith.constant 1 : i32
        %add3A_276 = arith.addi %mul3A_58, %add3A_275 : i32
        %get3A_277 = arith.index_cast %add3A_276 : i32 to index
        %get3A_278 = arith.constant 112 : index
        %get3A_279 = tpu.vector_load %arg11[%get3A_277, %get3A_278] {strides = array<i32>} : memref<80x128xf32, #tpu.memory_space<vmem>>, vector<1x16xf32>,
        %get3A_280 = vector.shape_cast %get3A_279 : vector<1x16xf32> to vector<16xf32>
        %mul3A_281 = arith.mulf %get3A_280, %broadcast_in_dim3A_176 : vector<16xf32>
        %add3A_282 = arith.constant 1 : i32
        %add3A_283 = arith.addi %mul3A_58, %add3A_282 : i32
        %swap3A_284 = arith.index_cast %add3A_283 : i32 to index
        %swap3A_285 = arith.constant 112 : index
        %swap3A_286 = tpu.vector_load %arg11[%swap3A_284, %swap3A_285] {strides = array<i32>} : memref<80x128xf32, #tpu.memory_space<vmem>>, vector<1x16xf32>,
        %swap3A_287 = vector.shape_cast %swap3A_286 : vector<1x16xf32> to vector<16xf32>
        %swap3A_288 = vector.shape_cast %mul3A_281 : vector<16xf32> to vector<1x16xf32>
        tpu.vector_store %arg11[%swap3A_284, %swap3A_285], %swap3A_288 {strides = array<i32>} : memref<80x128xf32, #tpu.memory_space<vmem>>, vector<1x16xf32>,
        %slice3A_289 = vector.extract_strided_slice %get3A_61 {offsets = [2], sizes = [1], strides = [1]} : vector<16xf32> to vector<1xf32>
        %squeeze3A_290 = vector.extract %slice3A_289[0] : f32 from vector<1xf32>
        %broadcast_in_dim3A_291 = vector.broadcast %squeeze3A_290 : f32 to vector<16xf32>
        %add3A_292 = arith.constant 2 : i32
        %add3A_293 = arith.addi %mul3A_58, %add3A_292 : i32
        %get3A_294 = arith.index_cast %add3A_293 : i32 to index
        %get3A_295 = arith.constant 0 : index
        %get3A_296 = tpu.vector_load %arg11[%get3A_294, %get3A_295] {strides = array<i32>} : memref<80x128xf32, #tpu.memory_space<vmem>>, vector<1x16xf32>,
        %get3A_297 = vector.shape_cast %get3A_296 : vector<1x16xf32> to vector<16xf32>
        %mul3A_298 = arith.mulf %get3A_297, %broadcast_in_dim3A_291 : vector<16xf32>
        %add3A_299 = arith.constant 2 : i32
        %add3A_300 = arith.addi %mul3A_58, %add3A_299 : i32
        %swap3A_301 = arith.index_cast %add3A_300 : i32 to index
        %swap3A_302 = arith.constant 0 : index
        %swap3A_303 = tpu.vector_load %arg11[%swap3A_301, %swap3A_302] {strides = array<i32>} : memref<80x128xf32, #tpu.memory_space<vmem>>, vector<1x16xf32>,
        %swap3A_304 = vector.shape_cast %swap3A_303 : vector<1x16xf32> to vector<16xf32>
        %swap3A_305 = vector.shape_cast %mul3A_298 : vector<16xf32> to vector<1x16xf32>
        tpu.vector_store %arg11[%swap3A_301, %swap3A_302], %swap3A_305 {strides = array<i32>} : memref<80x128xf32, #tpu.memory_space<vmem>>, vector<1x16xf32>,
        %add3A_306 = arith.constant 2 : i32
        %add3A_307 = arith.addi %mul3A_58, %add3A_306 : i32
        %get3A_308 = arith.index_cast %add3A_307 : i32 to index
        %get3A_309 = arith.constant 16 : index
        %get3A_310 = tpu.vector_load %arg11[%get3A_308, %get3A_309] {strides = array<i32>} : memref<80x128xf32, #tpu.memory_space<vmem>>, vector<1x16xf32>,
        %get3A_311 = vector.shape_cast %get3A_310 : vector<1x16xf32> to vector<16xf32>
        %mul3A_312 = arith.mulf %get3A_311, %broadcast_in_dim3A_291 : vector<16xf32>
        %add3A_313 = arith.constant 2 : i32
        %add3A_314 = arith.addi %mul3A_58, %add3A_313 : i32
        %swap3A_315 = arith.index_cast %add3A_314 : i32 to index
        %swap3A_316 = arith.constant 16 : index
        %swap3A_317 = tpu.vector_load %arg11[%swap3A_315, %swap3A_316] {strides = array<i32>} : memref<80x128xf32, #tpu.memory_space<vmem>>, vector<1x16xf32>,
        %swap3A_318 = vector.shape_cast %swap3A_317 : vector<1x16xf32> to vector<16xf32>
        %swap3A_319 = vector.shape_cast %mul3A_312 : vector<16xf32> to vector<1x16xf32>
        tpu.vector_store %arg11[%swap3A_315, %swap3A_316], %swap3A_319 {strides = array<i32>} : memref<80x128xf32, #tpu.memory_space<vmem>>, vector<1x16xf32>,
        %add3A_320 = arith.constant 2 : i32
        %add3A_321 = arith.addi %mul3A_58, %add3A_320 : i32
        %get3A_322 = arith.index_cast %add3A_321 : i32 to index
        %get3A_323 = arith.constant 32 : index
        %get3A_324 = tpu.vector_load %arg11[%get3A_322, %get3A_323] {strides = array<i32>} : memref<80x128xf32, #tpu.memory_space<vmem>>, vector<1x16xf32>,
        %get3A_325 = vector.shape_cast %get3A_324 : vector<1x16xf32> to vector<16xf32>
        %mul3A_326 = arith.mulf %get3A_325, %broadcast_in_dim3A_291 : vector<16xf32>
        %add3A_327 = arith.constant 2 : i32
        %add3A_328 = arith.addi %mul3A_58, %add3A_327 : i32
        %swap3A_329 = arith.index_cast %add3A_328 : i32 to index
        %swap3A_330 = arith.constant 32 : index
        %swap3A_331 = tpu.vector_load %arg11[%swap3A_329, %swap3A_330] {strides = array<i32>} : memref<80x128xf32, #tpu.memory_space<vmem>>, vector<1x16xf32>,
        %swap3A_332 = vector.shape_cast %swap3A_331 : vector<1x16xf32> to vector<16xf32>
        %swap3A_333 = vector.shape_cast %mul3A_326 : vector<16xf32> to vector<1x16xf32>
        tpu.vector_store %arg11[%swap3A_329, %swap3A_330], %swap3A_333 {strides = array<i32>} : memref<80x128xf32, #tpu.memory_space<vmem>>, vector<1x16xf32>,
        %add3A_334 = arith.constant 2 : i32
        %add3A_335 = arith.addi %mul3A_58, %add3A_334 : i32
        %get3A_336 = arith.index_cast %add3A_335 : i32 to index
        %get3A_337 = arith.constant 48 : index
        %get3A_338 = tpu.vector_load %arg11[%get3A_336, %get3A_337] {strides = array<i32>} : memref<80x128xf32, #tpu.memory_space<vmem>>, vector<1x16xf32>,
        %get3A_339 = vector.shape_cast %get3A_338 : vector<1x16xf32> to vector<16xf32>
        %mul3A_340 = arith.mulf %get3A_339, %broadcast_in_dim3A_291 : vector<16xf32>
        %add3A_341 = arith.constant 2 : i32
        %add3A_342 = arith.addi %mul3A_58, %add3A_341 : i32
        %swap3A_343 = arith.index_cast %add3A_342 : i32 to index
        %swap3A_344 = arith.constant 48 : index
        %swap3A_345 = tpu.vector_load %arg11[%swap3A_343, %swap3A_344] {strides = array<i32>} : memref<80x128xf32, #tpu.memory_space<vmem>>, vector<1x16xf32>,
        %swap3A_346 = vector.shape_cast %swap3A_345 : vector<1x16xf32> to vector<16xf32>
        %swap3A_347 = vector.shape_cast %mul3A_340 : vector<16xf32> to vector<1x16xf32>
        tpu.vector_store %arg11[%swap3A_343, %swap3A_344], %swap3A_347 {strides = array<i32>} : memref<80x128xf32, #tpu.memory_space<vmem>>, vector<1x16xf32>,
        %add3A_348 = arith.constant 2 : i32
        %add3A_349 = arith.addi %mul3A_58, %add3A_348 : i32
        %get3A_350 = arith.index_cast %add3A_349 : i32 to index
        %get3A_351 = arith.constant 64 : index
        %get3A_352 = tpu.vector_load %arg11[%get3A_350, %get3A_351] {strides = array<i32>} : memref<80x128xf32, #tpu.memory_space<vmem>>, vector<1x16xf32>,
        %get3A_353 = vector.shape_cast %get3A_352 : vector<1x16xf32> to vector<16xf32>
        %mul3A_354 = arith.mulf %get3A_353, %broadcast_in_dim3A_291 : vector<16xf32>
        %add3A_355 = arith.constant 2 : i32
        %add3A_356 = arith.addi %mul3A_58, %add3A_355 : i32
        %swap3A_357 = arith.index_cast %add3A_356 : i32 to index
        %swap3A_358 = arith.constant 64 : index
        %swap3A_359 = tpu.vector_load %arg11[%swap3A_357, %swap3A_358] {strides = array<i32>} : memref<80x128xf32, #tpu.memory_space<vmem>>, vector<1x16xf32>,
        %swap3A_360 = vector.shape_cast %swap3A_359 : vector<1x16xf32> to vector<16xf32>
        %swap3A_361 = vector.shape_cast %mul3A_354 : vector<16xf32> to vector<1x16xf32>
        tpu.vector_store %arg11[%swap3A_357, %swap3A_358], %swap3A_361 {strides = array<i32>} : memref<80x128xf32, #tpu.memory_space<vmem>>, vector<1x16xf32>,
        %add3A_362 = arith.constant 2 : i32
        %add3A_363 = arith.addi %mul3A_58, %add3A_362 : i32
        %get3A_364 = arith.index_cast %add3A_363 : i32 to index
        %get3A_365 = arith.constant 80 : index
        %get3A_366 = tpu.vector_load %arg11[%get3A_364, %get3A_365] {strides = array<i32>} : memref<80x128xf32, #tpu.memory_space<vmem>>, vector<1x16xf32>,
        %get3A_367 = vector.shape_cast %get3A_366 : vector<1x16xf32> to vector<16xf32>
        %mul3A_368 = arith.mulf %get3A_367, %broadcast_in_dim3A_291 : vector<16xf32>
        %add3A_369 = arith.constant 2 : i32
        %add3A_370 = arith.addi %mul3A_58, %add3A_369 : i32
        %swap3A_371 = arith.index_cast %add3A_370 : i32 to index
        %swap3A_372 = arith.constant 80 : index
        %swap3A_373 = tpu.vector_load %arg11[%swap3A_371, %swap3A_372] {strides = array<i32>} : memref<80x128xf32, #tpu.memory_space<vmem>>, vector<1x16xf32>,
        %swap3A_374 = vector.shape_cast %swap3A_373 : vector<1x16xf32> to vector<16xf32>
        %swap3A_375 = vector.shape_cast %mul3A_368 : vector<16xf32> to vector<1x16xf32>
        tpu.vector_store %arg11[%swap3A_371, %swap3A_372], %swap3A_375 {strides = array<i32>} : memref<80x128xf32, #tpu.memory_space<vmem>>, vector<1x16xf32>,
        %add3A_376 = arith.constant 2 : i32
        %add3A_377 = arith.addi %mul3A_58, %add3A_376 : i32
        %get3A_378 = arith.index_cast %add3A_377 : i32 to index
        %get3A_379 = arith.constant 96 : index
        %get3A_380 = tpu.vector_load %arg11[%get3A_378, %get3A_379] {strides = array<i32>} : memref<80x128xf32, #tpu.memory_space<vmem>>, vector<1x16xf32>,
        %get3A_381 = vector.shape_cast %get3A_380 : vector<1x16xf32> to vector<16xf32>
        %mul3A_382 = arith.mulf %get3A_381, %broadcast_in_dim3A_291 : vector<16xf32>
        %add3A_383 = arith.constant 2 : i32
        %add3A_384 = arith.addi %mul3A_58, %add3A_383 : i32
        %swap3A_385 = arith.index_cast %add3A_384 : i32 to index
        %swap3A_386 = arith.constant 96 : index
        %swap3A_387 = tpu.vector_load %arg11[%swap3A_385, %swap3A_386] {strides = array<i32>} : memref<80x128xf32, #tpu.memory_space<vmem>>, vector<1x16xf32>,
        %swap3A_388 = vector.shape_cast %swap3A_387 : vector<1x16xf32> to vector<16xf32>
        %swap3A_389 = vector.shape_cast %mul3A_382 : vector<16xf32> to vector<1x16xf32>
        tpu.vector_store %arg11[%swap3A_385, %swap3A_386], %swap3A_389 {strides = array<i32>} : memref<80x128xf32, #tpu.memory_space<vmem>>, vector<1x16xf32>,
        %add3A_390 = arith.constant 2 : i32
        %add3A_391 = arith.addi %mul3A_58, %add3A_390 : i32
        %get3A_392 = arith.index_cast %add3A_391 : i32 to index
        %get3A_393 = arith.constant 112 : index
        %get3A_394 = tpu.vector_load %arg11[%get3A_392, %get3A_393] {strides = array<i32>} : memref<80x128xf32, #tpu.memory_space<vmem>>, vector<1x16xf32>,
        %get3A_395 = vector.shape_cast %get3A_394 : vector<1x16xf32> to vector<16xf32>
        %mul3A_396 = arith.mulf %get3A_395, %broadcast_in_dim3A_291 : vector<16xf32>
        %add3A_397 = arith.constant 2 : i32
        %add3A_398 = arith.addi %mul3A_58, %add3A_397 : i32
        %swap3A_399 = arith.index_cast %add3A_398 : i32 to index
        %swap3A_400 = arith.constant 112 : index
        %swap3A_401 = tpu.vector_load %arg11[%swap3A_399, %swap3A_400] {strides = array<i32>} : memref<80x128xf32, #tpu.memory_space<vmem>>, vector<1x16xf32>,
        %swap3A_402 = vector.shape_cast %swap3A_401 : vector<1x16xf32> to vector<16xf32>
        %swap3A_403 = vector.shape_cast %mul3A_396 : vector<16xf32> to vector<1x16xf32>
        tpu.vector_store %arg11[%swap3A_399, %swap3A_400], %swap3A_403 {strides = array<i32>} : memref<80x128xf32, #tpu.memory_space<vmem>>, vector<1x16xf32>,
        %slice3A_404 = vector.extract_strided_slice %get3A_61 {offsets = [3], sizes = [1], strides = [1]} : vector<16xf32> to vector<1xf32>
        %squeeze3A_405 = vector.extract %slice3A_404[0] : f32 from vector<1xf32>
        %broadcast_in_dim3A_406 = vector.broadcast %squeeze3A_405 : f32 to vector<16xf32>
        %add3A_407 = arith.constant 3 : i32
        %add3A_408 = arith.addi %mul3A_58, %add3A_407 : i32
        %get3A_409 = arith.index_cast %add3A_408 : i32 to index
        %get3A_410 = arith.constant 0 : index
        %get3A_411 = tpu.vector_load %arg11[%get3A_409, %get3A_410] {strides = array<i32>} : memref<80x128xf32, #tpu.memory_space<vmem>>, vector<1x16xf32>,
        %get3A_412 = vector.shape_cast %get3A_411 : vector<1x16xf32> to vector<16xf32>
        %mul3A_413 = arith.mulf %get3A_412, %broadcast_in_dim3A_406 : vector<16xf32>
        %add3A_414 = arith.constant 3 : i32
        %add3A_415 = arith.addi %mul3A_58, %add3A_414 : i32
        %swap3A_416 = arith.index_cast %add3A_415 : i32 to index
        %swap3A_417 = arith.constant 0 : index
        %swap3A_418 = tpu.vector_load %arg11[%swap3A_416, %swap3A_417] {strides = array<i32>} : memref<80x128xf32, #tpu.memory_space<vmem>>, vector<1x16xf32>,
        %swap3A_419 = vector.shape_cast %swap3A_418 : vector<1x16xf32> to vector<16xf32>
        %swap3A_420 = vector.shape_cast %mul3A_413 : vector<16xf32> to vector<1x16xf32>
        tpu.vector_store %arg11[%swap3A_416, %swap3A_417], %swap3A_420 {strides = array<i32>} : memref<80x128xf32, #tpu.memory_space<vmem>>, vector<1x16xf32>,
        %add3A_421 = arith.constant 3 : i32
        %add3A_422 = arith.addi %mul3A_58, %add3A_421 : i32
        %get3A_423 = arith.index_cast %add3A_422 : i32 to index
        %get3A_424 = arith.constant 16 : index
        %get3A_425 = tpu.vector_load %arg11[%get3A_423, %get3A_424] {strides = array<i32>} : memref<80x128xf32, #tpu.memory_space<vmem>>, vector<1x16xf32>,
        %get3A_426 = vector.shape_cast %get3A_425 : vector<1x16xf32> to vector<16xf32>
        %mul3A_427 = arith.mulf %get3A_426, %broadcast_in_dim3A_406 : vector<16xf32>
        %add3A_428 = arith.constant 3 : i32
        %add3A_429 = arith.addi %mul3A_58, %add3A_428 : i32
        %swap3A_430 = arith.index_cast %add3A_429 : i32 to index
        %swap3A_431 = arith.constant 16 : index
        %swap3A_432 = tpu.vector_load %arg11[%swap3A_430, %swap3A_431] {strides = array<i32>} : memref<80x128xf32, #tpu.memory_space<vmem>>, vector<1x16xf32>,
        %swap3A_433 = vector.shape_cast %swap3A_432 : vector<1x16xf32> to vector<16xf32>
        %swap3A_434 = vector.shape_cast %mul3A_427 : vector<16xf32> to vector<1x16xf32>
        tpu.vector_store %arg11[%swap3A_430, %swap3A_431], %swap3A_434 {strides = array<i32>} : memref<80x128xf32, #tpu.memory_space<vmem>>, vector<1x16xf32>,
        %add3A_435 = arith.constant 3 : i32
        %add3A_436 = arith.addi %mul3A_58, %add3A_435 : i32
        %get3A_437 = arith.index_cast %add3A_436 : i32 to index
        %get3A_438 = arith.constant 32 : index
        %get3A_439 = tpu.vector_load %arg11[%get3A_437, %get3A_438] {strides = array<i32>} : memref<80x128xf32, #tpu.memory_space<vmem>>, vector<1x16xf32>,
        %get3A_440 = vector.shape_cast %get3A_439 : vector<1x16xf32> to vector<16xf32>
        %mul3A_441 = arith.mulf %get3A_440, %broadcast_in_dim3A_406 : vector<16xf32>
        %add3A_442 = arith.constant 3 : i32
        %add3A_443 = arith.addi %mul3A_58, %add3A_442 : i32
        %swap3A_444 = arith.index_cast %add3A_443 : i32 to index
        %swap3A_445 = arith.constant 32 : index
        %swap3A_446 = tpu.vector_load %arg11[%swap3A_444, %swap3A_445] {strides = array<i32>} : memref<80x128xf32, #tpu.memory_space<vmem>>, vector<1x16xf32>,
        %swap3A_447 = vector.shape_cast %swap3A_446 : vector<1x16xf32> to vector<16xf32>
        %swap3A_448 = vector.shape_cast %mul3A_441 : vector<16xf32> to vector<1x16xf32>
        tpu.vector_store %arg11[%swap3A_444, %swap3A_445], %swap3A_448 {strides = array<i32>} : memref<80x128xf32, #tpu.memory_space<vmem>>, vector<1x16xf32>,
        %add3A_449 = arith.constant 3 : i32
        %add3A_450 = arith.addi %mul3A_58, %add3A_449 : i32
        %get3A_451 = arith.index_cast %add3A_450 : i32 to index
        %get3A_452 = arith.constant 48 : index
        %get3A_453 = tpu.vector_load %arg11[%get3A_451, %get3A_452] {strides = array<i32>} : memref<80x128xf32, #tpu.memory_space<vmem>>, vector<1x16xf32>,
        %get3A_454 = vector.shape_cast %get3A_453 : vector<1x16xf32> to vector<16xf32>
        %mul3A_455 = arith.mulf %get3A_454, %broadcast_in_dim3A_406 : vector<16xf32>
        %add3A_456 = arith.constant 3 : i32
        %add3A_457 = arith.addi %mul3A_58, %add3A_456 : i32
        %swap3A_458 = arith.index_cast %add3A_457 : i32 to index
        %swap3A_459 = arith.constant 48 : index
        %swap3A_460 = tpu.vector_load %arg11[%swap3A_458, %swap3A_459] {strides = array<i32>} : memref<80x128xf32, #tpu.memory_space<vmem>>, vector<1x16xf32>,
        %swap3A_461 = vector.shape_cast %swap3A_460 : vector<1x16xf32> to vector<16xf32>
        %swap3A_462 = vector.shape_cast %mul3A_455 : vector<16xf32> to vector<1x16xf32>
        tpu.vector_store %arg11[%swap3A_458, %swap3A_459], %swap3A_462 {strides = array<i32>} : memref<80x128xf32, #tpu.memory_space<vmem>>, vector<1x16xf32>,
        %add3A_463 = arith.constant 3 : i32
        %add3A_464 = arith.addi %mul3A_58, %add3A_463 : i32
        %get3A_465 = arith.index_cast %add3A_464 : i32 to index
        %get3A_466 = arith.constant 64 : index
        %get3A_467 = tpu.vector_load %arg11[%get3A_465, %get3A_466] {strides = array<i32>} : memref<80x128xf32, #tpu.memory_space<vmem>>, vector<1x16xf32>,
        %get3A_468 = vector.shape_cast %get3A_467 : vector<1x16xf32> to vector<16xf32>
        %mul3A_469 = arith.mulf %get3A_468, %broadcast_in_dim3A_406 : vector<16xf32>
        %add3A_470 = arith.constant 3 : i32
        %add3A_471 = arith.addi %mul3A_58, %add3A_470 : i32
        %swap3A_472 = arith.index_cast %add3A_471 : i32 to index
        %swap3A_473 = arith.constant 64 : index
        %swap3A_474 = tpu.vector_load %arg11[%swap3A_472, %swap3A_473] {strides = array<i32>} : memref<80x128xf32, #tpu.memory_space<vmem>>, vector<1x16xf32>,
        %swap3A_475 = vector.shape_cast %swap3A_474 : vector<1x16xf32> to vector<16xf32>
        %swap3A_476 = vector.shape_cast %mul3A_469 : vector<16xf32> to vector<1x16xf32>
        tpu.vector_store %arg11[%swap3A_472, %swap3A_473], %swap3A_476 {strides = array<i32>} : memref<80x128xf32, #tpu.memory_space<vmem>>, vector<1x16xf32>,
        %add3A_477 = arith.constant 3 : i32
        %add3A_478 = arith.addi %mul3A_58, %add3A_477 : i32
        %get3A_479 = arith.index_cast %add3A_478 : i32 to index
        %get3A_480 = arith.constant 80 : index
        %get3A_481 = tpu.vector_load %arg11[%get3A_479, %get3A_480] {strides = array<i32>} : memref<80x128xf32, #tpu.memory_space<vmem>>, vector<1x16xf32>,
        %get3A_482 = vector.shape_cast %get3A_481 : vector<1x16xf32> to vector<16xf32>
        %mul3A_483 = arith.mulf %get3A_482, %broadcast_in_dim3A_406 : vector<16xf32>
        %add3A_484 = arith.constant 3 : i32
        %add3A_485 = arith.addi %mul3A_58, %add3A_484 : i32
        %swap3A_486 = arith.index_cast %add3A_485 : i32 to index
        %swap3A_487 = arith.constant 80 : index
        %swap3A_488 = tpu.vector_load %arg11[%swap3A_486, %swap3A_487] {strides = array<i32>} : memref<80x128xf32, #tpu.memory_space<vmem>>, vector<1x16xf32>,
        %swap3A_489 = vector.shape_cast %swap3A_488 : vector<1x16xf32> to vector<16xf32>
        %swap3A_490 = vector.shape_cast %mul3A_483 : vector<16xf32> to vector<1x16xf32>
        tpu.vector_store %arg11[%swap3A_486, %swap3A_487], %swap3A_490 {strides = array<i32>} : memref<80x128xf32, #tpu.memory_space<vmem>>, vector<1x16xf32>,
        %add3A_491 = arith.constant 3 : i32
        %add3A_492 = arith.addi %mul3A_58, %add3A_491 : i32
        %get3A_493 = arith.index_cast %add3A_492 : i32 to index
        %get3A_494 = arith.constant 96 : index
        %get3A_495 = tpu.vector_load %arg11[%get3A_493, %get3A_494] {strides = array<i32>} : memref<80x128xf32, #tpu.memory_space<vmem>>, vector<1x16xf32>,
        %get3A_496 = vector.shape_cast %get3A_495 : vector<1x16xf32> to vector<16xf32>
        %mul3A_497 = arith.mulf %get3A_496, %broadcast_in_dim3A_406 : vector<16xf32>
        %add3A_498 = arith.constant 3 : i32
        %add3A_499 = arith.addi %mul3A_58, %add3A_498 : i32
        %swap3A_500 = arith.index_cast %add3A_499 : i32 to index
        %swap3A_501 = arith.constant 96 : index
        %swap3A_502 = tpu.vector_load %arg11[%swap3A_500, %swap3A_501] {strides = array<i32>} : memref<80x128xf32, #tpu.memory_space<vmem>>, vector<1x16xf32>,
        %swap3A_503 = vector.shape_cast %swap3A_502 : vector<1x16xf32> to vector<16xf32>
        %swap3A_504 = vector.shape_cast %mul3A_497 : vector<16xf32> to vector<1x16xf32>
        tpu.vector_store %arg11[%swap3A_500, %swap3A_501], %swap3A_504 {strides = array<i32>} : memref<80x128xf32, #tpu.memory_space<vmem>>, vector<1x16xf32>,
        %add3A_505 = arith.constant 3 : i32
        %add3A_506 = arith.addi %mul3A_58, %add3A_505 : i32
        %get3A_507 = arith.index_cast %add3A_506 : i32 to index
        %get3A_508 = arith.constant 112 : index
        %get3A_509 = tpu.vector_load %arg11[%get3A_507, %get3A_508] {strides = array<i32>} : memref<80x128xf32, #tpu.memory_space<vmem>>, vector<1x16xf32>,
        %get3A_510 = vector.shape_cast %get3A_509 : vector<1x16xf32> to vector<16xf32>
        %mul3A_511 = arith.mulf %get3A_510, %broadcast_in_dim3A_406 : vector<16xf32>
        %add3A_512 = arith.constant 3 : i32
        %add3A_513 = arith.addi %mul3A_58, %add3A_512 : i32
        %swap3A_514 = arith.index_cast %add3A_513 : i32 to index
        %swap3A_515 = arith.constant 112 : index
        %swap3A_516 = tpu.vector_load %arg11[%swap3A_514, %swap3A_515] {strides = array<i32>} : memref<80x128xf32, #tpu.memory_space<vmem>>, vector<1x16xf32>,
        %swap3A_517 = vector.shape_cast %swap3A_516 : vector<1x16xf32> to vector<16xf32>
        %swap3A_518 = vector.shape_cast %mul3A_511 : vector<16xf32> to vector<1x16xf32>
        tpu.vector_store %arg11[%swap3A_514, %swap3A_515], %swap3A_518 {strides = array<i32>} : memref<80x128xf32, #tpu.memory_space<vmem>>, vector<1x16xf32>,
        %slice3A_519 = vector.extract_strided_slice %get3A_61 {offsets = [4], sizes = [1], strides = [1]} : vector<16xf32> to vector<1xf32>
        %squeeze3A_520 = vector.extract %slice3A_519[0] : f32 from vector<1xf32>
        %broadcast_in_dim3A_521 = vector.broadcast %squeeze3A_520 : f32 to vector<16xf32>
        %add3A_522 = arith.constant 4 : i32
        %add3A_523 = arith.addi %mul3A_58, %add3A_522 : i32
        %get3A_524 = arith.index_cast %add3A_523 : i32 to index
        %get3A_525 = arith.constant 0 : index
        %get3A_526 = tpu.vector_load %arg11[%get3A_524, %get3A_525] {strides = array<i32>} : memref<80x128xf32, #tpu.memory_space<vmem>>, vector<1x16xf32>,
        %get3A_527 = vector.shape_cast %get3A_526 : vector<1x16xf32> to vector<16xf32>
        %mul3A_528 = arith.mulf %get3A_527, %broadcast_in_dim3A_521 : vector<16xf32>
        %add3A_529 = arith.constant 4 : i32
        %add3A_530 = arith.addi %mul3A_58, %add3A_529 : i32
        %swap3A_531 = arith.index_cast %add3A_530 : i32 to index
        %swap3A_532 = arith.constant 0 : index
        %swap3A_533 = tpu.vector_load %arg11[%swap3A_531, %swap3A_532] {strides = array<i32>} : memref<80x128xf32, #tpu.memory_space<vmem>>, vector<1x16xf32>,
        %swap3A_534 = vector.shape_cast %swap3A_533 : vector<1x16xf32> to vector<16xf32>
        %swap3A_535 = vector.shape_cast %mul3A_528 : vector<16xf32> to vector<1x16xf32>
        tpu.vector_store %arg11[%swap3A_531, %swap3A_532], %swap3A_535 {strides = array<i32>} : memref<80x128xf32, #tpu.memory_space<vmem>>, vector<1x16xf32>,
        %add3A_536 = arith.constant 4 : i32
        %add3A_537 = arith.addi %mul3A_58, %add3A_536 : i32
        %get3A_538 = arith.index_cast %add3A_537 : i32 to index
        %get3A_539 = arith.constant 16 : index
        %get3A_540 = tpu.vector_load %arg11[%get3A_538, %get3A_539] {strides = array<i32>} : memref<80x128xf32, #tpu.memory_space<vmem>>, vector<1x16xf32>,
        %get3A_541 = vector.shape_cast %get3A_540 : vector<1x16xf32> to vector<16xf32>
        %mul3A_542 = arith.mulf %get3A_541, %broadcast_in_dim3A_521 : vector<16xf32>
        %add3A_543 = arith.constant 4 : i32
        %add3A_544 = arith.addi %mul3A_58, %add3A_543 : i32
        %swap3A_545 = arith.index_cast %add3A_544 : i32 to index
        %swap3A_546 = arith.constant 16 : index
        %swap3A_547 = tpu.vector_load %arg11[%swap3A_545, %swap3A_546] {strides = array<i32>} : memref<80x128xf32, #tpu.memory_space<vmem>>, vector<1x16xf32>,
        %swap3A_548 = vector.shape_cast %swap3A_547 : vector<1x16xf32> to vector<16xf32>
        %swap3A_549 = vector.shape_cast %mul3A_542 : vector<16xf32> to vector<1x16xf32>
        tpu.vector_store %arg11[%swap3A_545, %swap3A_546], %swap3A_549 {strides = array<i32>} : memref<80x128xf32, #tpu.memory_space<vmem>>, vector<1x16xf32>,
        %add3A_550 = arith.constant 4 : i32
        %add3A_551 = arith.addi %mul3A_58, %add3A_550 : i32
        %get3A_552 = arith.index_cast %add3A_551 : i32 to index
        %get3A_553 = arith.constant 32 : index
        %get3A_554 = tpu.vector_load %arg11[%get3A_552, %get3A_553] {strides = array<i32>} : memref<80x128xf32, #tpu.memory_space<vmem>>, vector<1x16xf32>,
        %get3A_555 = vector.shape_cast %get3A_554 : vector<1x16xf32> to vector<16xf32>
        %mul3A_556 = arith.mulf %get3A_555, %broadcast_in_dim3A_521 : vector<16xf32>
        %add3A_557 = arith.constant 4 : i32
        %add3A_558 = arith.addi %mul3A_58, %add3A_557 : i32
        %swap3A_559 = arith.index_cast %add3A_558 : i32 to index
        %swap3A_560 = arith.constant 32 : index
        %swap3A_561 = tpu.vector_load %arg11[%swap3A_559, %swap3A_560] {strides = array<i32>} : memref<80x128xf32, #tpu.memory_space<vmem>>, vector<1x16xf32>,
        %swap3A_562 = vector.shape_cast %swap3A_561 : vector<1x16xf32> to vector<16xf32>
        %swap3A_563 = vector.shape_cast %mul3A_556 : vector<16xf32> to vector<1x16xf32>
        tpu.vector_store %arg11[%swap3A_559, %swap3A_560], %swap3A_563 {strides = array<i32>} : memref<80x128xf32, #tpu.memory_space<vmem>>, vector<1x16xf32>,
        %add3A_564 = arith.constant 4 : i32
        %add3A_565 = arith.addi %mul3A_58, %add3A_564 : i32
        %get3A_566 = arith.index_cast %add3A_565 : i32 to index
        %get3A_567 = arith.constant 48 : index
        %get3A_568 = tpu.vector_load %arg11[%get3A_566, %get3A_567] {strides = array<i32>} : memref<80x128xf32, #tpu.memory_space<vmem>>, vector<1x16xf32>,
        %get3A_569 = vector.shape_cast %get3A_568 : vector<1x16xf32> to vector<16xf32>
        %mul3A_570 = arith.mulf %get3A_569, %broadcast_in_dim3A_521 : vector<16xf32>
        %add3A_571 = arith.constant 4 : i32
        %add3A_572 = arith.addi %mul3A_58, %add3A_571 : i32
        %swap3A_573 = arith.index_cast %add3A_572 : i32 to index
        %swap3A_574 = arith.constant 48 : index
        %swap3A_575 = tpu.vector_load %arg11[%swap3A_573, %swap3A_574] {strides = array<i32>} : memref<80x128xf32, #tpu.memory_space<vmem>>, vector<1x16xf32>,
        %swap3A_576 = vector.shape_cast %swap3A_575 : vector<1x16xf32> to vector<16xf32>
        %swap3A_577 = vector.shape_cast %mul3A_570 : vector<16xf32> to vector<1x16xf32>
        tpu.vector_store %arg11[%swap3A_573, %swap3A_574], %swap3A_577 {strides = array<i32>} : memref<80x128xf32, #tpu.memory_space<vmem>>, vector<1x16xf32>,
        %add3A_578 = arith.constant 4 : i32
        %add3A_579 = arith.addi %mul3A_58, %add3A_578 : i32
        %get3A_580 = arith.index_cast %add3A_579 : i32 to index
        %get3A_581 = arith.constant 64 : index
        %get3A_582 = tpu.vector_load %arg11[%get3A_580, %get3A_581] {strides = array<i32>} : memref<80x128xf32, #tpu.memory_space<vmem>>, vector<1x16xf32>,
        %get3A_583 = vector.shape_cast %get3A_582 : vector<1x16xf32> to vector<16xf32>
        %mul3A_584 = arith.mulf %get3A_583, %broadcast_in_dim3A_521 : vector<16xf32>
        %add3A_585 = arith.constant 4 : i32
        %add3A_586 = arith.addi %mul3A_58, %add3A_585 : i32
        %swap3A_587 = arith.index_cast %add3A_586 : i32 to index
        %swap3A_588 = arith.constant 64 : index
        %swap3A_589 = tpu.vector_load %arg11[%swap3A_587, %swap3A_588] {strides = array<i32>} : memref<80x128xf32, #tpu.memory_space<vmem>>, vector<1x16xf32>,
        %swap3A_590 = vector.shape_cast %swap3A_589 : vector<1x16xf32> to vector<16xf32>
        %swap3A_591 = vector.shape_cast %mul3A_584 : vector<16xf32> to vector<1x16xf32>
        tpu.vector_store %arg11[%swap3A_587, %swap3A_588], %swap3A_591 {strides = array<i32>} : memref<80x128xf32, #tpu.memory_space<vmem>>, vector<1x16xf32>,
        %add3A_592 = arith.constant 4 : i32
        %add3A_593 = arith.addi %mul3A_58, %add3A_592 : i32
        %get3A_594 = arith.index_cast %add3A_593 : i32 to index
        %get3A_595 = arith.constant 80 : index
        %get3A_596 = tpu.vector_load %arg11[%get3A_594, %get3A_595] {strides = array<i32>} : memref<80x128xf32, #tpu.memory_space<vmem>>, vector<1x16xf32>,
        %get3A_597 = vector.shape_cast %get3A_596 : vector<1x16xf32> to vector<16xf32>
        %mul3A_598 = arith.mulf %get3A_597, %broadcast_in_dim3A_521 : vector<16xf32>
        %add3A_599 = arith.constant 4 : i32
        %add3A_600 = arith.addi %mul3A_58, %add3A_599 : i32
        %swap3A_601 = arith.index_cast %add3A_600 : i32 to index
        %swap3A_602 = arith.constant 80 : index
        %swap3A_603 = tpu.vector_load %arg11[%swap3A_601, %swap3A_602] {strides = array<i32>} : memref<80x128xf32, #tpu.memory_space<vmem>>, vector<1x16xf32>,
        %swap3A_604 = vector.shape_cast %swap3A_603 : vector<1x16xf32> to vector<16xf32>
        %swap3A_605 = vector.shape_cast %mul3A_598 : vector<16xf32> to vector<1x16xf32>
        tpu.vector_store %arg11[%swap3A_601, %swap3A_602], %swap3A_605 {strides = array<i32>} : memref<80x128xf32, #tpu.memory_space<vmem>>, vector<1x16xf32>,
        %add3A_606 = arith.constant 4 : i32
        %add3A_607 = arith.addi %mul3A_58, %add3A_606 : i32
        %get3A_608 = arith.index_cast %add3A_607 : i32 to index
        %get3A_609 = arith.constant 96 : index
        %get3A_610 = tpu.vector_load %arg11[%get3A_608, %get3A_609] {strides = array<i32>} : memref<80x128xf32, #tpu.memory_space<vmem>>, vector<1x16xf32>,
        %get3A_611 = vector.shape_cast %get3A_610 : vector<1x16xf32> to vector<16xf32>
        %mul3A_612 = arith.mulf %get3A_611, %broadcast_in_dim3A_521 : vector<16xf32>
        %add3A_613 = arith.constant 4 : i32
        %add3A_614 = arith.addi %mul3A_58, %add3A_613 : i32
        %swap3A_615 = arith.index_cast %add3A_614 : i32 to index
        %swap3A_616 = arith.constant 96 : index
        %swap3A_617 = tpu.vector_load %arg11[%swap3A_615, %swap3A_616] {strides = array<i32>} : memref<80x128xf32, #tpu.memory_space<vmem>>, vector<1x16xf32>,
        %swap3A_618 = vector.shape_cast %swap3A_617 : vector<1x16xf32> to vector<16xf32>
        %swap3A_619 = vector.shape_cast %mul3A_612 : vector<16xf32> to vector<1x16xf32>
        tpu.vector_store %arg11[%swap3A_615, %swap3A_616], %swap3A_619 {strides = array<i32>} : memref<80x128xf32, #tpu.memory_space<vmem>>, vector<1x16xf32>,
        %add3A_620 = arith.constant 4 : i32
        %add3A_621 = arith.addi %mul3A_58, %add3A_620 : i32
        %get3A_622 = arith.index_cast %add3A_621 : i32 to index
        %get3A_623 = arith.constant 112 : index
        %get3A_624 = tpu.vector_load %arg11[%get3A_622, %get3A_623] {strides = array<i32>} : memref<80x128xf32, #tpu.memory_space<vmem>>, vector<1x16xf32>,
        %get3A_625 = vector.shape_cast %get3A_624 : vector<1x16xf32> to vector<16xf32>
        %mul3A_626 = arith.mulf %get3A_625, %broadcast_in_dim3A_521 : vector<16xf32>
        %add3A_627 = arith.constant 4 : i32
        %add3A_628 = arith.addi %mul3A_58, %add3A_627 : i32
        %swap3A_629 = arith.index_cast %add3A_628 : i32 to index
        %swap3A_630 = arith.constant 112 : index
        %swap3A_631 = tpu.vector_load %arg11[%swap3A_629, %swap3A_630] {strides = array<i32>} : memref<80x128xf32, #tpu.memory_space<vmem>>, vector<1x16xf32>,
        %swap3A_632 = vector.shape_cast %swap3A_631 : vector<1x16xf32> to vector<16xf32>
        %swap3A_633 = vector.shape_cast %mul3A_626 : vector<16xf32> to vector<1x16xf32>
        tpu.vector_store %arg11[%swap3A_629, %swap3A_630], %swap3A_633 {strides = array<i32>} : memref<80x128xf32, #tpu.memory_space<vmem>>, vector<1x16xf32>,
        %slice3A_634 = vector.extract_strided_slice %get3A_61 {offsets = [5], sizes = [1], strides = [1]} : vector<16xf32> to vector<1xf32>
        %squeeze3A_635 = vector.extract %slice3A_634[0] : f32 from vector<1xf32>
        %broadcast_in_dim3A_636 = vector.broadcast %squeeze3A_635 : f32 to vector<16xf32>
        %add3A_637 = arith.constant 5 : i32
        %add3A_638 = arith.addi %mul3A_58, %add3A_637 : i32
        %get3A_639 = arith.index_cast %add3A_638 : i32 to index
        %get3A_640 = arith.constant 0 : index
        %get3A_641 = tpu.vector_load %arg11[%get3A_639, %get3A_640] {strides = array<i32>} : memref<80x128xf32, #tpu.memory_space<vmem>>, vector<1x16xf32>,
        %get3A_642 = vector.shape_cast %get3A_641 : vector<1x16xf32> to vector<16xf32>
        %mul3A_643 = arith.mulf %get3A_642, %broadcast_in_dim3A_636 : vector<16xf32>
        %add3A_644 = arith.constant 5 : i32
        %add3A_645 = arith.addi %mul3A_58, %add3A_644 : i32
        %swap3A_646 = arith.index_cast %add3A_645 : i32 to index
        %swap3A_647 = arith.constant 0 : index
        %swap3A_648 = tpu.vector_load %arg11[%swap3A_646, %swap3A_647] {strides = array<i32>} : memref<80x128xf32, #tpu.memory_space<vmem>>, vector<1x16xf32>,
        %swap3A_649 = vector.shape_cast %swap3A_648 : vector<1x16xf32> to vector<16xf32>
        %swap3A_650 = vector.shape_cast %mul3A_643 : vector<16xf32> to vector<1x16xf32>
        tpu.vector_store %arg11[%swap3A_646, %swap3A_647], %swap3A_650 {strides = array<i32>} : memref<80x128xf32, #tpu.memory_space<vmem>>, vector<1x16xf32>,
        %add3A_651 = arith.constant 5 : i32
        %add3A_652 = arith.addi %mul3A_58, %add3A_651 : i32
        %get3A_653 = arith.index_cast %add3A_652 : i32 to index
        %get3A_654 = arith.constant 16 : index
        %get3A_655 = tpu.vector_load %arg11[%get3A_653, %get3A_654] {strides = array<i32>} : memref<80x128xf32, #tpu.memory_space<vmem>>, vector<1x16xf32>,
        %get3A_656 = vector.shape_cast %get3A_655 : vector<1x16xf32> to vector<16xf32>
        %mul3A_657 = arith.mulf %get3A_656, %broadcast_in_dim3A_636 : vector<16xf32>
        %add3A_658 = arith.constant 5 : i32
        %add3A_659 = arith.addi %mul3A_58, %add3A_658 : i32
        %swap3A_660 = arith.index_cast %add3A_659 : i32 to index
        %swap3A_661 = arith.constant 16 : index
        %swap3A_662 = tpu.vector_load %arg11[%swap3A_660, %swap3A_661] {strides = array<i32>} : memref<80x128xf32, #tpu.memory_space<vmem>>, vector<1x16xf32>,
        %swap3A_663 = vector.shape_cast %swap3A_662 : vector<1x16xf32> to vector<16xf32>
        %swap3A_664 = vector.shape_cast %mul3A_657 : vector<16xf32> to vector<1x16xf32>
        tpu.vector_store %arg11[%swap3A_660, %swap3A_661], %swap3A_664 {strides = array<i32>} : memref<80x128xf32, #tpu.memory_space<vmem>>, vector<1x16xf32>,
        %add3A_665 = arith.constant 5 : i32
        %add3A_666 = arith.addi %mul3A_58, %add3A_665 : i32
        %get3A_667 = arith.index_cast %add3A_666 : i32 to index
        %get3A_668 = arith.constant 32 : index
        %get3A_669 = tpu.vector_load %arg11[%get3A_667, %get3A_668] {strides = array<i32>} : memref<80x128xf32, #tpu.memory_space<vmem>>, vector<1x16xf32>,
        %get3A_670 = vector.shape_cast %get3A_669 : vector<1x16xf32> to vector<16xf32>
        %mul3A_671 = arith.mulf %get3A_670, %broadcast_in_dim3A_636 : vector<16xf32>
        %add3A_672 = arith.constant 5 : i32
        %add3A_673 = arith.addi %mul3A_58, %add3A_672 : i32
        %swap3A_674 = arith.index_cast %add3A_673 : i32 to index
        %swap3A_675 = arith.constant 32 : index
        %swap3A_676 = tpu.vector_load %arg11[%swap3A_674, %swap3A_675] {strides = array<i32>} : memref<80x128xf32, #tpu.memory_space<vmem>>, vector<1x16xf32>,
        %swap3A_677 = vector.shape_cast %swap3A_676 : vector<1x16xf32> to vector<16xf32>
        %swap3A_678 = vector.shape_cast %mul3A_671 : vector<16xf32> to vector<1x16xf32>
        tpu.vector_store %arg11[%swap3A_674, %swap3A_675], %swap3A_678 {strides = array<i32>} : memref<80x128xf32, #tpu.memory_space<vmem>>, vector<1x16xf32>,
        %add3A_679 = arith.constant 5 : i32
        %add3A_680 = arith.addi %mul3A_58, %add3A_679 : i32
        %get3A_681 = arith.index_cast %add3A_680 : i32 to index
        %get3A_682 = arith.constant 48 : index
        %get3A_683 = tpu.vector_load %arg11[%get3A_681, %get3A_682] {strides = array<i32>} : memref<80x128xf32, #tpu.memory_space<vmem>>, vector<1x16xf32>,
        %get3A_684 = vector.shape_cast %get3A_683 : vector<1x16xf32> to vector<16xf32>
        %mul3A_685 = arith.mulf %get3A_684, %broadcast_in_dim3A_636 : vector<16xf32>
        %add3A_686 = arith.constant 5 : i32
        %add3A_687 = arith.addi %mul3A_58, %add3A_686 : i32
        %swap3A_688 = arith.index_cast %add3A_687 : i32 to index
        %swap3A_689 = arith.constant 48 : index
        %swap3A_690 = tpu.vector_load %arg11[%swap3A_688, %swap3A_689] {strides = array<i32>} : memref<80x128xf32, #tpu.memory_space<vmem>>, vector<1x16xf32>,
        %swap3A_691 = vector.shape_cast %swap3A_690 : vector<1x16xf32> to vector<16xf32>
        %swap3A_692 = vector.shape_cast %mul3A_685 : vector<16xf32> to vector<1x16xf32>
        tpu.vector_store %arg11[%swap3A_688, %swap3A_689], %swap3A_692 {strides = array<i32>} : memref<80x128xf32, #tpu.memory_space<vmem>>, vector<1x16xf32>,
        %add3A_693 = arith.constant 5 : i32
        %add3A_694 = arith.addi %mul3A_58, %add3A_693 : i32
        %get3A_695 = arith.index_cast %add3A_694 : i32 to index
        %get3A_696 = arith.constant 64 : index
        %get3A_697 = tpu.vector_load %arg11[%get3A_695, %get3A_696] {strides = array<i32>} : memref<80x128xf32, #tpu.memory_space<vmem>>, vector<1x16xf32>,
        %get3A_698 = vector.shape_cast %get3A_697 : vector<1x16xf32> to vector<16xf32>
        %mul3A_699 = arith.mulf %get3A_698, %broadcast_in_dim3A_636 : vector<16xf32>
        %add3A_700 = arith.constant 5 : i32
        %add3A_701 = arith.addi %mul3A_58, %add3A_700 : i32
        %swap3A_702 = arith.index_cast %add3A_701 : i32 to index
        %swap3A_703 = arith.constant 64 : index
        %swap3A_704 = tpu.vector_load %arg11[%swap3A_702, %swap3A_703] {strides = array<i32>} : memref<80x128xf32, #tpu.memory_space<vmem>>, vector<1x16xf32>,
        %swap3A_705 = vector.shape_cast %swap3A_704 : vector<1x16xf32> to vector<16xf32>
        %swap3A_706 = vector.shape_cast %mul3A_699 : vector<16xf32> to vector<1x16xf32>
        tpu.vector_store %arg11[%swap3A_702, %swap3A_703], %swap3A_706 {strides = array<i32>} : memref<80x128xf32, #tpu.memory_space<vmem>>, vector<1x16xf32>,
        %add3A_707 = arith.constant 5 : i32
        %add3A_708 = arith.addi %mul3A_58, %add3A_707 : i32
        %get3A_709 = arith.index_cast %add3A_708 : i32 to index
        %get3A_710 = arith.constant 80 : index
        %get3A_711 = tpu.vector_load %arg11[%get3A_709, %get3A_710] {strides = array<i32>} : memref<80x128xf32, #tpu.memory_space<vmem>>, vector<1x16xf32>,
        %get3A_712 = vector.shape_cast %get3A_711 : vector<1x16xf32> to vector<16xf32>
        %mul3A_713 = arith.mulf %get3A_712, %broadcast_in_dim3A_636 : vector<16xf32>
        %add3A_714 = arith.constant 5 : i32
        %add3A_715 = arith.addi %mul3A_58, %add3A_714 : i32
        %swap3A_716 = arith.index_cast %add3A_715 : i32 to index
        %swap3A_717 = arith.constant 80 : index
        %swap3A_718 = tpu.vector_load %arg11[%swap3A_716, %swap3A_717] {strides = array<i32>} : memref<80x128xf32, #tpu.memory_space<vmem>>, vector<1x16xf32>,
        %swap3A_719 = vector.shape_cast %swap3A_718 : vector<1x16xf32> to vector<16xf32>
        %swap3A_720 = vector.shape_cast %mul3A_713 : vector<16xf32> to vector<1x16xf32>
        tpu.vector_store %arg11[%swap3A_716, %swap3A_717], %swap3A_720 {strides = array<i32>} : memref<80x128xf32, #tpu.memory_space<vmem>>, vector<1x16xf32>,
        %add3A_721 = arith.constant 5 : i32
        %add3A_722 = arith.addi %mul3A_58, %add3A_721 : i32
        %get3A_723 = arith.index_cast %add3A_722 : i32 to index
        %get3A_724 = arith.constant 96 : index
        %get3A_725 = tpu.vector_load %arg11[%get3A_723, %get3A_724] {strides = array<i32>} : memref<80x128xf32, #tpu.memory_space<vmem>>, vector<1x16xf32>,
        %get3A_726 = vector.shape_cast %get3A_725 : vector<1x16xf32> to vector<16xf32>
        %mul3A_727 = arith.mulf %get3A_726, %broadcast_in_dim3A_636 : vector<16xf32>
        %add3A_728 = arith.constant 5 : i32
        %add3A_729 = arith.addi %mul3A_58, %add3A_728 : i32
        %swap3A_730 = arith.index_cast %add3A_729 : i32 to index
        %swap3A_731 = arith.constant 96 : index
        %swap3A_732 = tpu.vector_load %arg11[%swap3A_730, %swap3A_731] {strides = array<i32>} : memref<80x128xf32, #tpu.memory_space<vmem>>, vector<1x16xf32>,
        %swap3A_733 = vector.shape_cast %swap3A_732 : vector<1x16xf32> to vector<16xf32>
        %swap3A_734 = vector.shape_cast %mul3A_727 : vector<16xf32> to vector<1x16xf32>
        tpu.vector_store %arg11[%swap3A_730, %swap3A_731], %swap3A_734 {strides = array<i32>} : memref<80x128xf32, #tpu.memory_space<vmem>>, vector<1x16xf32>,
        %add3A_735 = arith.constant 5 : i32
        %add3A_736 = arith.addi %mul3A_58, %add3A_735 : i32
        %get3A_737 = arith.index_cast %add3A_736 : i32 to index
        %get3A_738 = arith.constant 112 : index
        %get3A_739 = tpu.vector_load %arg11[%get3A_737, %get3A_738] {strides = array<i32>} : memref<80x128xf32, #tpu.memory_space<vmem>>, vector<1x16xf32>,
        %get3A_740 = vector.shape_cast %get3A_739 : vector<1x16xf32> to vector<16xf32>
        %mul3A_741 = arith.mulf %get3A_740, %broadcast_in_dim3A_636 : vector<16xf32>
        %add3A_742 = arith.constant 5 : i32
        %add3A_743 = arith.addi %mul3A_58, %add3A_742 : i32
        %swap3A_744 = arith.index_cast %add3A_743 : i32 to index
        %swap3A_745 = arith.constant 112 : index
        %swap3A_746 = tpu.vector_load %arg11[%swap3A_744, %swap3A_745] {strides = array<i32>} : memref<80x128xf32, #tpu.memory_space<vmem>>, vector<1x16xf32>,
        %swap3A_747 = vector.shape_cast %swap3A_746 : vector<1x16xf32> to vector<16xf32>
        %swap3A_748 = vector.shape_cast %mul3A_741 : vector<16xf32> to vector<1x16xf32>
        tpu.vector_store %arg11[%swap3A_744, %swap3A_745], %swap3A_748 {strides = array<i32>} : memref<80x128xf32, #tpu.memory_space<vmem>>, vector<1x16xf32>,
        %slice3A_749 = vector.extract_strided_slice %get3A_61 {offsets = [6], sizes = [1], strides = [1]} : vector<16xf32> to vector<1xf32>
        %squeeze3A_750 = vector.extract %slice3A_749[0] : f32 from vector<1xf32>
        %broadcast_in_dim3A_751 = vector.broadcast %squeeze3A_750 : f32 to vector<16xf32>
        %add3A_752 = arith.constant 6 : i32
        %add3A_753 = arith.addi %mul3A_58, %add3A_752 : i32
        %get3A_754 = arith.index_cast %add3A_753 : i32 to index
        %get3A_755 = arith.constant 0 : index
        %get3A_756 = tpu.vector_load %arg11[%get3A_754, %get3A_755] {strides = array<i32>} : memref<80x128xf32, #tpu.memory_space<vmem>>, vector<1x16xf32>,
        %get3A_757 = vector.shape_cast %get3A_756 : vector<1x16xf32> to vector<16xf32>
        %mul3A_758 = arith.mulf %get3A_757, %broadcast_in_dim3A_751 : vector<16xf32>
        %add3A_759 = arith.constant 6 : i32
        %add3A_760 = arith.addi %mul3A_58, %add3A_759 : i32
        %swap3A_761 = arith.index_cast %add3A_760 : i32 to index
        %swap3A_762 = arith.constant 0 : index
        %swap3A_763 = tpu.vector_load %arg11[%swap3A_761, %swap3A_762] {strides = array<i32>} : memref<80x128xf32, #tpu.memory_space<vmem>>, vector<1x16xf32>,
        %swap3A_764 = vector.shape_cast %swap3A_763 : vector<1x16xf32> to vector<16xf32>
        %swap3A_765 = vector.shape_cast %mul3A_758 : vector<16xf32> to vector<1x16xf32>
        tpu.vector_store %arg11[%swap3A_761, %swap3A_762], %swap3A_765 {strides = array<i32>} : memref<80x128xf32, #tpu.memory_space<vmem>>, vector<1x16xf32>,
        %add3A_766 = arith.constant 6 : i32
        %add3A_767 = arith.addi %mul3A_58, %add3A_766 : i32
        %get3A_768 = arith.index_cast %add3A_767 : i32 to index
        %get3A_769 = arith.constant 16 : index
        %get3A_770 = tpu.vector_load %arg11[%get3A_768, %get3A_769] {strides = array<i32>} : memref<80x128xf32, #tpu.memory_space<vmem>>, vector<1x16xf32>,
        %get3A_771 = vector.shape_cast %get3A_770 : vector<1x16xf32> to vector<16xf32>
        %mul3A_772 = arith.mulf %get3A_771, %broadcast_in_dim3A_751 : vector<16xf32>
        %add3A_773 = arith.constant 6 : i32
        %add3A_774 = arith.addi %mul3A_58, %add3A_773 : i32
        %swap3A_775 = arith.index_cast %add3A_774 : i32 to index
        %swap3A_776 = arith.constant 16 : index
        %swap3A_777 = tpu.vector_load %arg11[%swap3A_775, %swap3A_776] {strides = array<i32>} : memref<80x128xf32, #tpu.memory_space<vmem>>, vector<1x16xf32>,
        %swap3A_778 = vector.shape_cast %swap3A_777 : vector<1x16xf32> to vector<16xf32>
        %swap3A_779 = vector.shape_cast %mul3A_772 : vector<16xf32> to vector<1x16xf32>
        tpu.vector_store %arg11[%swap3A_775, %swap3A_776], %swap3A_779 {strides = array<i32>} : memref<80x128xf32, #tpu.memory_space<vmem>>, vector<1x16xf32>,
        %add3A_780 = arith.constant 6 : i32
        %add3A_781 = arith.addi %mul3A_58, %add3A_780 : i32
        %get3A_782 = arith.index_cast %add3A_781 : i32 to index
        %get3A_783 = arith.constant 32 : index
        %get3A_784 = tpu.vector_load %arg11[%get3A_782, %get3A_783] {strides = array<i32>} : memref<80x128xf32, #tpu.memory_space<vmem>>, vector<1x16xf32>,
        %get3A_785 = vector.shape_cast %get3A_784 : vector<1x16xf32> to vector<16xf32>
        %mul3A_786 = arith.mulf %get3A_785, %broadcast_in_dim3A_751 : vector<16xf32>
        %add3A_787 = arith.constant 6 : i32
        %add3A_788 = arith.addi %mul3A_58, %add3A_787 : i32
        %swap3A_789 = arith.index_cast %add3A_788 : i32 to index
        %swap3A_790 = arith.constant 32 : index
        %swap3A_791 = tpu.vector_load %arg11[%swap3A_789, %swap3A_790] {strides = array<i32>} : memref<80x128xf32, #tpu.memory_space<vmem>>, vector<1x16xf32>,
        %swap3A_792 = vector.shape_cast %swap3A_791 : vector<1x16xf32> to vector<16xf32>
        %swap3A_793 = vector.shape_cast %mul3A_786 : vector<16xf32> to vector<1x16xf32>
        tpu.vector_store %arg11[%swap3A_789, %swap3A_790], %swap3A_793 {strides = array<i32>} : memref<80x128xf32, #tpu.memory_space<vmem>>, vector<1x16xf32>,
        %add3A_794 = arith.constant 6 : i32
        %add3A_795 = arith.addi %mul3A_58, %add3A_794 : i32
        %get3A_796 = arith.index_cast %add3A_795 : i32 to index
        %get3A_797 = arith.constant 48 : index
        %get3A_798 = tpu.vector_load %arg11[%get3A_796, %get3A_797] {strides = array<i32>} : memref<80x128xf32, #tpu.memory_space<vmem>>, vector<1x16xf32>,
        %get3A_799 = vector.shape_cast %get3A_798 : vector<1x16xf32> to vector<16xf32>
        %mul3A_800 = arith.mulf %get3A_799, %broadcast_in_dim3A_751 : vector<16xf32>
        %add3A_801 = arith.constant 6 : i32
        %add3A_802 = arith.addi %mul3A_58, %add3A_801 : i32
        %swap3A_803 = arith.index_cast %add3A_802 : i32 to index
        %swap3A_804 = arith.constant 48 : index
        %swap3A_805 = tpu.vector_load %arg11[%swap3A_803, %swap3A_804] {strides = array<i32>} : memref<80x128xf32, #tpu.memory_space<vmem>>, vector<1x16xf32>,
        %swap3A_806 = vector.shape_cast %swap3A_805 : vector<1x16xf32> to vector<16xf32>
        %swap3A_807 = vector.shape_cast %mul3A_800 : vector<16xf32> to vector<1x16xf32>
        tpu.vector_store %arg11[%swap3A_803, %swap3A_804], %swap3A_807 {strides = array<i32>} : memref<80x128xf32, #tpu.memory_space<vmem>>, vector<1x16xf32>,
        %add3A_808 = arith.constant 6 : i32
        %add3A_809 = arith.addi %mul3A_58, %add3A_808 : i32
        %get3A_810 = arith.index_cast %add3A_809 : i32 to index
        %get3A_811 = arith.constant 64 : index
        %get3A_812 = tpu.vector_load %arg11[%get3A_810, %get3A_811] {strides = array<i32>} : memref<80x128xf32, #tpu.memory_space<vmem>>, vector<1x16xf32>,
        %get3A_813 = vector.shape_cast %get3A_812 : vector<1x16xf32> to vector<16xf32>
        %mul3A_814 = arith.mulf %get3A_813, %broadcast_in_dim3A_751 : vector<16xf32>
        %add3A_815 = arith.constant 6 : i32
        %add3A_816 = arith.addi %mul3A_58, %add3A_815 : i32
        %swap3A_817 = arith.index_cast %add3A_816 : i32 to index
        %swap3A_818 = arith.constant 64 : index
        %swap3A_819 = tpu.vector_load %arg11[%swap3A_817, %swap3A_818] {strides = array<i32>} : memref<80x128xf32, #tpu.memory_space<vmem>>, vector<1x16xf32>,
        %swap3A_820 = vector.shape_cast %swap3A_819 : vector<1x16xf32> to vector<16xf32>
        %swap3A_821 = vector.shape_cast %mul3A_814 : vector<16xf32> to vector<1x16xf32>
        tpu.vector_store %arg11[%swap3A_817, %swap3A_818], %swap3A_821 {strides = array<i32>} : memref<80x128xf32, #tpu.memory_space<vmem>>, vector<1x16xf32>,
        %add3A_822 = arith.constant 6 : i32
        %add3A_823 = arith.addi %mul3A_58, %add3A_822 : i32
        %get3A_824 = arith.index_cast %add3A_823 : i32 to index
        %get3A_825 = arith.constant 80 : index
        %get3A_826 = tpu.vector_load %arg11[%get3A_824, %get3A_825] {strides = array<i32>} : memref<80x128xf32, #tpu.memory_space<vmem>>, vector<1x16xf32>,
        %get3A_827 = vector.shape_cast %get3A_826 : vector<1x16xf32> to vector<16xf32>
        %mul3A_828 = arith.mulf %get3A_827, %broadcast_in_dim3A_751 : vector<16xf32>
        %add3A_829 = arith.constant 6 : i32
        %add3A_830 = arith.addi %mul3A_58, %add3A_829 : i32
        %swap3A_831 = arith.index_cast %add3A_830 : i32 to index
        %swap3A_832 = arith.constant 80 : index
        %swap3A_833 = tpu.vector_load %arg11[%swap3A_831, %swap3A_832] {strides = array<i32>} : memref<80x128xf32, #tpu.memory_space<vmem>>, vector<1x16xf32>,
        %swap3A_834 = vector.shape_cast %swap3A_833 : vector<1x16xf32> to vector<16xf32>
        %swap3A_835 = vector.shape_cast %mul3A_828 : vector<16xf32> to vector<1x16xf32>
        tpu.vector_store %arg11[%swap3A_831, %swap3A_832], %swap3A_835 {strides = array<i32>} : memref<80x128xf32, #tpu.memory_space<vmem>>, vector<1x16xf32>,
        %add3A_836 = arith.constant 6 : i32
        %add3A_837 = arith.addi %mul3A_58, %add3A_836 : i32
        %get3A_838 = arith.index_cast %add3A_837 : i32 to index
        %get3A_839 = arith.constant 96 : index
        %get3A_840 = tpu.vector_load %arg11[%get3A_838, %get3A_839] {strides = array<i32>} : memref<80x128xf32, #tpu.memory_space<vmem>>, vector<1x16xf32>,
        %get3A_841 = vector.shape_cast %get3A_840 : vector<1x16xf32> to vector<16xf32>
        %mul3A_842 = arith.mulf %get3A_841, %broadcast_in_dim3A_751 : vector<16xf32>
        %add3A_843 = arith.constant 6 : i32
        %add3A_844 = arith.addi %mul3A_58, %add3A_843 : i32
        %swap3A_845 = arith.index_cast %add3A_844 : i32 to index
        %swap3A_846 = arith.constant 96 : index
        %swap3A_847 = tpu.vector_load %arg11[%swap3A_845, %swap3A_846] {strides = array<i32>} : memref<80x128xf32, #tpu.memory_space<vmem>>, vector<1x16xf32>,
        %swap3A_848 = vector.shape_cast %swap3A_847 : vector<1x16xf32> to vector<16xf32>
        %swap3A_849 = vector.shape_cast %mul3A_842 : vector<16xf32> to vector<1x16xf32>
        tpu.vector_store %arg11[%swap3A_845, %swap3A_846], %swap3A_849 {strides = array<i32>} : memref<80x128xf32, #tpu.memory_space<vmem>>, vector<1x16xf32>,
        %add3A_850 = arith.constant 6 : i32
        %add3A_851 = arith.addi %mul3A_58, %add3A_850 : i32
        %get3A_852 = arith.index_cast %add3A_851 : i32 to index
        %get3A_853 = arith.constant 112 : index
        %get3A_854 = tpu.vector_load %arg11[%get3A_852, %get3A_853] {strides = array<i32>} : memref<80x128xf32, #tpu.memory_space<vmem>>, vector<1x16xf32>,
        %get3A_855 = vector.shape_cast %get3A_854 : vector<1x16xf32> to vector<16xf32>
        %mul3A_856 = arith.mulf %get3A_855, %broadcast_in_dim3A_751 : vector<16xf32>
        %add3A_857 = arith.constant 6 : i32
        %add3A_858 = arith.addi %mul3A_58, %add3A_857 : i32
        %swap3A_859 = arith.index_cast %add3A_858 : i32 to index
        %swap3A_860 = arith.constant 112 : index
        %swap3A_861 = tpu.vector_load %arg11[%swap3A_859, %swap3A_860] {strides = array<i32>} : memref<80x128xf32, #tpu.memory_space<vmem>>, vector<1x16xf32>,
        %swap3A_862 = vector.shape_cast %swap3A_861 : vector<1x16xf32> to vector<16xf32>
        %swap3A_863 = vector.shape_cast %mul3A_856 : vector<16xf32> to vector<1x16xf32>
        tpu.vector_store %arg11[%swap3A_859, %swap3A_860], %swap3A_863 {strides = array<i32>} : memref<80x128xf32, #tpu.memory_space<vmem>>, vector<1x16xf32>,
        %slice3A_864 = vector.extract_strided_slice %get3A_61 {offsets = [7], sizes = [1], strides = [1]} : vector<16xf32> to vector<1xf32>
        %squeeze3A_865 = vector.extract %slice3A_864[0] : f32 from vector<1xf32>
        %broadcast_in_dim3A_866 = vector.broadcast %squeeze3A_865 : f32 to vector<16xf32>
        %add3A_867 = arith.constant 7 : i32
        %add3A_868 = arith.addi %mul3A_58, %add3A_867 : i32
        %get3A_869 = arith.index_cast %add3A_868 : i32 to index
        %get3A_870 = arith.constant 0 : index
        %get3A_871 = tpu.vector_load %arg11[%get3A_869, %get3A_870] {strides = array<i32>} : memref<80x128xf32, #tpu.memory_space<vmem>>, vector<1x16xf32>,
        %get3A_872 = vector.shape_cast %get3A_871 : vector<1x16xf32> to vector<16xf32>
        %mul3A_873 = arith.mulf %get3A_872, %broadcast_in_dim3A_866 : vector<16xf32>
        %add3A_874 = arith.constant 7 : i32
        %add3A_875 = arith.addi %mul3A_58, %add3A_874 : i32
        %swap3A_876 = arith.index_cast %add3A_875 : i32 to index
        %swap3A_877 = arith.constant 0 : index
        %swap3A_878 = tpu.vector_load %arg11[%swap3A_876, %swap3A_877] {strides = array<i32>} : memref<80x128xf32, #tpu.memory_space<vmem>>, vector<1x16xf32>,
        %swap3A_879 = vector.shape_cast %swap3A_878 : vector<1x16xf32> to vector<16xf32>
        %swap3A_880 = vector.shape_cast %mul3A_873 : vector<16xf32> to vector<1x16xf32>
        tpu.vector_store %arg11[%swap3A_876, %swap3A_877], %swap3A_880 {strides = array<i32>} : memref<80x128xf32, #tpu.memory_space<vmem>>, vector<1x16xf32>,
        %add3A_881 = arith.constant 7 : i32
        %add3A_882 = arith.addi %mul3A_58, %add3A_881 : i32
        %get3A_883 = arith.index_cast %add3A_882 : i32 to index
        %get3A_884 = arith.constant 16 : index
        %get3A_885 = tpu.vector_load %arg11[%get3A_883, %get3A_884] {strides = array<i32>} : memref<80x128xf32, #tpu.memory_space<vmem>>, vector<1x16xf32>,
        %get3A_886 = vector.shape_cast %get3A_885 : vector<1x16xf32> to vector<16xf32>
        %mul3A_887 = arith.mulf %get3A_886, %broadcast_in_dim3A_866 : vector<16xf32>
        %add3A_888 = arith.constant 7 : i32
        %add3A_889 = arith.addi %mul3A_58, %add3A_888 : i32
        %swap3A_890 = arith.index_cast %add3A_889 : i32 to index
        %swap3A_891 = arith.constant 16 : index
        %swap3A_892 = tpu.vector_load %arg11[%swap3A_890, %swap3A_891] {strides = array<i32>} : memref<80x128xf32, #tpu.memory_space<vmem>>, vector<1x16xf32>,
        %swap3A_893 = vector.shape_cast %swap3A_892 : vector<1x16xf32> to vector<16xf32>
        %swap3A_894 = vector.shape_cast %mul3A_887 : vector<16xf32> to vector<1x16xf32>
        tpu.vector_store %arg11[%swap3A_890, %swap3A_891], %swap3A_894 {strides = array<i32>} : memref<80x128xf32, #tpu.memory_space<vmem>>, vector<1x16xf32>,
        %add3A_895 = arith.constant 7 : i32
        %add3A_896 = arith.addi %mul3A_58, %add3A_895 : i32
        %get3A_897 = arith.index_cast %add3A_896 : i32 to index
        %get3A_898 = arith.constant 32 : index
        %get3A_899 = tpu.vector_load %arg11[%get3A_897, %get3A_898] {strides = array<i32>} : memref<80x128xf32, #tpu.memory_space<vmem>>, vector<1x16xf32>,
        %get3A_900 = vector.shape_cast %get3A_899 : vector<1x16xf32> to vector<16xf32>
        %mul3A_901 = arith.mulf %get3A_900, %broadcast_in_dim3A_866 : vector<16xf32>
        %add3A_902 = arith.constant 7 : i32
        %add3A_903 = arith.addi %mul3A_58, %add3A_902 : i32
        %swap3A_904 = arith.index_cast %add3A_903 : i32 to index
        %swap3A_905 = arith.constant 32 : index
        %swap3A_906 = tpu.vector_load %arg11[%swap3A_904, %swap3A_905] {strides = array<i32>} : memref<80x128xf32, #tpu.memory_space<vmem>>, vector<1x16xf32>,
        %swap3A_907 = vector.shape_cast %swap3A_906 : vector<1x16xf32> to vector<16xf32>
        %swap3A_908 = vector.shape_cast %mul3A_901 : vector<16xf32> to vector<1x16xf32>
        tpu.vector_store %arg11[%swap3A_904, %swap3A_905], %swap3A_908 {strides = array<i32>} : memref<80x128xf32, #tpu.memory_space<vmem>>, vector<1x16xf32>,
        %add3A_909 = arith.constant 7 : i32
        %add3A_910 = arith.addi %mul3A_58, %add3A_909 : i32
        %get3A_911 = arith.index_cast %add3A_910 : i32 to index
        %get3A_912 = arith.constant 48 : index
        %get3A_913 = tpu.vector_load %arg11[%get3A_911, %get3A_912] {strides = array<i32>} : memref<80x128xf32, #tpu.memory_space<vmem>>, vector<1x16xf32>,
        %get3A_914 = vector.shape_cast %get3A_913 : vector<1x16xf32> to vector<16xf32>
        %mul3A_915 = arith.mulf %get3A_914, %broadcast_in_dim3A_866 : vector<16xf32>
        %add3A_916 = arith.constant 7 : i32
        %add3A_917 = arith.addi %mul3A_58, %add3A_916 : i32
        %swap3A_918 = arith.index_cast %add3A_917 : i32 to index
        %swap3A_919 = arith.constant 48 : index
        %swap3A_920 = tpu.vector_load %arg11[%swap3A_918, %swap3A_919] {strides = array<i32>} : memref<80x128xf32, #tpu.memory_space<vmem>>, vector<1x16xf32>,
        %swap3A_921 = vector.shape_cast %swap3A_920 : vector<1x16xf32> to vector<16xf32>
        %swap3A_922 = vector.shape_cast %mul3A_915 : vector<16xf32> to vector<1x16xf32>
        tpu.vector_store %arg11[%swap3A_918, %swap3A_919], %swap3A_922 {strides = array<i32>} : memref<80x128xf32, #tpu.memory_space<vmem>>, vector<1x16xf32>,
        %add3A_923 = arith.constant 7 : i32
        %add3A_924 = arith.addi %mul3A_58, %add3A_923 : i32
        %get3A_925 = arith.index_cast %add3A_924 : i32 to index
        %get3A_926 = arith.constant 64 : index
        %get3A_927 = tpu.vector_load %arg11[%get3A_925, %get3A_926] {strides = array<i32>} : memref<80x128xf32, #tpu.memory_space<vmem>>, vector<1x16xf32>,
        %get3A_928 = vector.shape_cast %get3A_927 : vector<1x16xf32> to vector<16xf32>
        %mul3A_929 = arith.mulf %get3A_928, %broadcast_in_dim3A_866 : vector<16xf32>
        %add3A_930 = arith.constant 7 : i32
        %add3A_931 = arith.addi %mul3A_58, %add3A_930 : i32
        %swap3A_932 = arith.index_cast %add3A_931 : i32 to index
        %swap3A_933 = arith.constant 64 : index
        %swap3A_934 = tpu.vector_load %arg11[%swap3A_932, %swap3A_933] {strides = array<i32>} : memref<80x128xf32, #tpu.memory_space<vmem>>, vector<1x16xf32>,
        %swap3A_935 = vector.shape_cast %swap3A_934 : vector<1x16xf32> to vector<16xf32>
        %swap3A_936 = vector.shape_cast %mul3A_929 : vector<16xf32> to vector<1x16xf32>
        tpu.vector_store %arg11[%swap3A_932, %swap3A_933], %swap3A_936 {strides = array<i32>} : memref<80x128xf32, #tpu.memory_space<vmem>>, vector<1x16xf32>,
        %add3A_937 = arith.constant 7 : i32
        %add3A_938 = arith.addi %mul3A_58, %add3A_937 : i32
        %get3A_939 = arith.index_cast %add3A_938 : i32 to index
        %get3A_940 = arith.constant 80 : index
        %get3A_941 = tpu.vector_load %arg11[%get3A_939, %get3A_940] {strides = array<i32>} : memref<80x128xf32, #tpu.memory_space<vmem>>, vector<1x16xf32>,
        %get3A_942 = vector.shape_cast %get3A_941 : vector<1x16xf32> to vector<16xf32>
        %mul3A_943 = arith.mulf %get3A_942, %broadcast_in_dim3A_866 : vector<16xf32>
        %add3A_944 = arith.constant 7 : i32
        %add3A_945 = arith.addi %mul3A_58, %add3A_944 : i32
        %swap3A_946 = arith.index_cast %add3A_945 : i32 to index
        %swap3A_947 = arith.constant 80 : index
        %swap3A_948 = tpu.vector_load %arg11[%swap3A_946, %swap3A_947] {strides = array<i32>} : memref<80x128xf32, #tpu.memory_space<vmem>>, vector<1x16xf32>,
        %swap3A_949 = vector.shape_cast %swap3A_948 : vector<1x16xf32> to vector<16xf32>
        %swap3A_950 = vector.shape_cast %mul3A_943 : vector<16xf32> to vector<1x16xf32>
        tpu.vector_store %arg11[%swap3A_946, %swap3A_947], %swap3A_950 {strides = array<i32>} : memref<80x128xf32, #tpu.memory_space<vmem>>, vector<1x16xf32>,
        %add3A_951 = arith.constant 7 : i32
        %add3A_952 = arith.addi %mul3A_58, %add3A_951 : i32
        %get3A_953 = arith.index_cast %add3A_952 : i32 to index
        %get3A_954 = arith.constant 96 : index
        %get3A_955 = tpu.vector_load %arg11[%get3A_953, %get3A_954] {strides = array<i32>} : memref<80x128xf32, #tpu.memory_space<vmem>>, vector<1x16xf32>,
        %get3A_956 = vector.shape_cast %get3A_955 : vector<1x16xf32> to vector<16xf32>
        %mul3A_957 = arith.mulf %get3A_956, %broadcast_in_dim3A_866 : vector<16xf32>
        %add3A_958 = arith.constant 7 : i32
        %add3A_959 = arith.addi %mul3A_58, %add3A_958 : i32
        %swap3A_960 = arith.index_cast %add3A_959 : i32 to index
        %swap3A_961 = arith.constant 96 : index
        %swap3A_962 = tpu.vector_load %arg11[%swap3A_960, %swap3A_961] {strides = array<i32>} : memref<80x128xf32, #tpu.memory_space<vmem>>, vector<1x16xf32>,
        %swap3A_963 = vector.shape_cast %swap3A_962 : vector<1x16xf32> to vector<16xf32>
        %swap3A_964 = vector.shape_cast %mul3A_957 : vector<16xf32> to vector<1x16xf32>
        tpu.vector_store %arg11[%swap3A_960, %swap3A_961], %swap3A_964 {strides = array<i32>} : memref<80x128xf32, #tpu.memory_space<vmem>>, vector<1x16xf32>,
        %add3A_965 = arith.constant 7 : i32
        %add3A_966 = arith.addi %mul3A_58, %add3A_965 : i32
        %get3A_967 = arith.index_cast %add3A_966 : i32 to index
        %get3A_968 = arith.constant 112 : index
        %get3A_969 = tpu.vector_load %arg11[%get3A_967, %get3A_968] {strides = array<i32>} : memref<80x128xf32, #tpu.memory_space<vmem>>, vector<1x16xf32>,
        %get3A_970 = vector.shape_cast %get3A_969 : vector<1x16xf32> to vector<16xf32>
        %mul3A_971 = arith.mulf %get3A_970, %broadcast_in_dim3A_866 : vector<16xf32>
        %add3A_972 = arith.constant 7 : i32
        %add3A_973 = arith.addi %mul3A_58, %add3A_972 : i32
        %swap3A_974 = arith.index_cast %add3A_973 : i32 to index
        %swap3A_975 = arith.constant 112 : index
        %swap3A_976 = tpu.vector_load %arg11[%swap3A_974, %swap3A_975] {strides = array<i32>} : memref<80x128xf32, #tpu.memory_space<vmem>>, vector<1x16xf32>,
        %swap3A_977 = vector.shape_cast %swap3A_976 : vector<1x16xf32> to vector<16xf32>
        %swap3A_978 = vector.shape_cast %mul3A_971 : vector<16xf32> to vector<1x16xf32>
        tpu.vector_store %arg11[%swap3A_974, %swap3A_975], %swap3A_978 {strides = array<i32>} : memref<80x128xf32, #tpu.memory_space<vmem>>, vector<1x16xf32>,
        %slice3A_979 = vector.extract_strided_slice %get3A_61 {offsets = [8], sizes = [1], strides = [1]} : vector<16xf32> to vector<1xf32>
        %squeeze3A_980 = vector.extract %slice3A_979[0] : f32 from vector<1xf32>
        %broadcast_in_dim3A_981 = vector.broadcast %squeeze3A_980 : f32 to vector<16xf32>
        %add3A_982 = arith.constant 8 : i32
        %add3A_983 = arith.addi %mul3A_58, %add3A_982 : i32
        %get3A_984 = arith.index_cast %add3A_983 : i32 to index
        %get3A_985 = arith.constant 0 : index
        %get3A_986 = tpu.vector_load %arg11[%get3A_984, %get3A_985] {strides = array<i32>} : memref<80x128xf32, #tpu.memory_space<vmem>>, vector<1x16xf32>,
        %get3A_987 = vector.shape_cast %get3A_986 : vector<1x16xf32> to vector<16xf32>
        %mul3A_988 = arith.mulf %get3A_987, %broadcast_in_dim3A_981 : vector<16xf32>
        %add3A_989 = arith.constant 8 : i32
        %add3A_990 = arith.addi %mul3A_58, %add3A_989 : i32
        %swap3A_991 = arith.index_cast %add3A_990 : i32 to index
        %swap3A_992 = arith.constant 0 : index
        %swap3A_993 = tpu.vector_load %arg11[%swap3A_991, %swap3A_992] {strides = array<i32>} : memref<80x128xf32, #tpu.memory_space<vmem>>, vector<1x16xf32>,
        %swap3A_994 = vector.shape_cast %swap3A_993 : vector<1x16xf32> to vector<16xf32>
        %swap3A_995 = vector.shape_cast %mul3A_988 : vector<16xf32> to vector<1x16xf32>
        tpu.vector_store %arg11[%swap3A_991, %swap3A_992], %swap3A_995 {strides = array<i32>} : memref<80x128xf32, #tpu.memory_space<vmem>>, vector<1x16xf32>,
        %add3A_996 = arith.constant 8 : i32
        %add3A_997 = arith.addi %mul3A_58, %add3A_996 : i32
        %get3A_998 = arith.index_cast %add3A_997 : i32 to index
        %get3A_999 = arith.constant 16 : index
        %get3A_1000 = tpu.vector_load %arg11[%get3A_998, %get3A_999] {strides = array<i32>} : memref<80x128xf32, #tpu.memory_space<vmem>>, vector<1x16xf32>,
        %get3A_1001 = vector.shape_cast %get3A_1000 : vector<1x16xf32> to vector<16xf32>
        %mul3A_1002 = arith.mulf %get3A_1001, %broadcast_in_dim3A_981 : vector<16xf32>
        %add3A_1003 = arith.constant 8 : i32
        %add3A_1004 = arith.addi %mul3A_58, %add3A_1003 : i32
        %swap3A_1005 = arith.index_cast %add3A_1004 : i32 to index
        %swap3A_1006 = arith.constant 16 : index
        %swap3A_1007 = tpu.vector_load %arg11[%swap3A_1005, %swap3A_1006] {strides = array<i32>} : memref<80x128xf32, #tpu.memory_space<vmem>>, vector<1x16xf32>,
        %swap3A_1008 = vector.shape_cast %swap3A_1007 : vector<1x16xf32> to vector<16xf32>
        %swap3A_1009 = vector.shape_cast %mul3A_1002 : vector<16xf32> to vector<1x16xf32>
        tpu.vector_store %arg11[%swap3A_1005, %swap3A_1006], %swap3A_1009 {strides = array<i32>} : memref<80x128xf32, #tpu.memory_space<vmem>>, vector<1x16xf32>,
        %add3A_1010 = arith.constant 8 : i32
        %add3A_1011 = arith.addi %mul3A_58, %add3A_1010 : i32
        %get3A_1012 = arith.index_cast %add3A_1011 : i32 to index
        %get3A_1013 = arith.constant 32 : index
        %get3A_1014 = tpu.vector_load %arg11[%get3A_1012, %get3A_1013] {strides = array<i32>} : memref<80x128xf32, #tpu.memory_space<vmem>>, vector<1x16xf32>,
        %get3A_1015 = vector.shape_cast %get3A_1014 : vector<1x16xf32> to vector<16xf32>
        %mul3A_1016 = arith.mulf %get3A_1015, %broadcast_in_dim3A_981 : vector<16xf32>
        %add3A_1017 = arith.constant 8 : i32
        %add3A_1018 = arith.addi %mul3A_58, %add3A_1017 : i32
        %swap3A_1019 = arith.index_cast %add3A_1018 : i32 to index
        %swap3A_1020 = arith.constant 32 : index
        %swap3A_1021 = tpu.vector_load %arg11[%swap3A_1019, %swap3A_1020] {strides = array<i32>} : memref<80x128xf32, #tpu.memory_space<vmem>>, vector<1x16xf32>,
        %swap3A_1022 = vector.shape_cast %swap3A_1021 : vector<1x16xf32> to vector<16xf32>
        %swap3A_1023 = vector.shape_cast %mul3A_1016 : vector<16xf32> to vector<1x16xf32>
        tpu.vector_store %arg11[%swap3A_1019, %swap3A_1020], %swap3A_1023 {strides = array<i32>} : memref<80x128xf32, #tpu.memory_space<vmem>>, vector<1x16xf32>,
        %add3A_1024 = arith.constant 8 : i32
        %add3A_1025 = arith.addi %mul3A_58, %add3A_1024 : i32
        %get3A_1026 = arith.index_cast %add3A_1025 : i32 to index
        %get3A_1027 = arith.constant 48 : index
        %get3A_1028 = tpu.vector_load %arg11[%get3A_1026, %get3A_1027] {strides = array<i32>} : memref<80x128xf32, #tpu.memory_space<vmem>>, vector<1x16xf32>,
        %get3A_1029 = vector.shape_cast %get3A_1028 : vector<1x16xf32> to vector<16xf32>
        %mul3A_1030 = arith.mulf %get3A_1029, %broadcast_in_dim3A_981 : vector<16xf32>
        %add3A_1031 = arith.constant 8 : i32
        %add3A_1032 = arith.addi %mul3A_58, %add3A_1031 : i32
        %swap3A_1033 = arith.index_cast %add3A_1032 : i32 to index
        %swap3A_1034 = arith.constant 48 : index
        %swap3A_1035 = tpu.vector_load %arg11[%swap3A_1033, %swap3A_1034] {strides = array<i32>} : memref<80x128xf32, #tpu.memory_space<vmem>>, vector<1x16xf32>,
        %swap3A_1036 = vector.shape_cast %swap3A_1035 : vector<1x16xf32> to vector<16xf32>
        %swap3A_1037 = vector.shape_cast %mul3A_1030 : vector<16xf32> to vector<1x16xf32>
        tpu.vector_store %arg11[%swap3A_1033, %swap3A_1034], %swap3A_1037 {strides = array<i32>} : memref<80x128xf32, #tpu.memory_space<vmem>>, vector<1x16xf32>,
        %add3A_1038 = arith.constant 8 : i32
        %add3A_1039 = arith.addi %mul3A_58, %add3A_1038 : i32
        %get3A_1040 = arith.index_cast %add3A_1039 : i32 to index
        %get3A_1041 = arith.constant 64 : index
        %get3A_1042 = tpu.vector_load %arg11[%get3A_1040, %get3A_1041] {strides = array<i32>} : memref<80x128xf32, #tpu.memory_space<vmem>>, vector<1x16xf32>,
        %get3A_1043 = vector.shape_cast %get3A_1042 : vector<1x16xf32> to vector<16xf32>
        %mul3A_1044 = arith.mulf %get3A_1043, %broadcast_in_dim3A_981 : vector<16xf32>
        %add3A_1045 = arith.constant 8 : i32
        %add3A_1046 = arith.addi %mul3A_58, %add3A_1045 : i32
        %swap3A_1047 = arith.index_cast %add3A_1046 : i32 to index
        %swap3A_1048 = arith.constant 64 : index
        %swap3A_1049 = tpu.vector_load %arg11[%swap3A_1047, %swap3A_1048] {strides = array<i32>} : memref<80x128xf32, #tpu.memory_space<vmem>>, vector<1x16xf32>,
        %swap3A_1050 = vector.shape_cast %swap3A_1049 : vector<1x16xf32> to vector<16xf32>
        %swap3A_1051 = vector.shape_cast %mul3A_1044 : vector<16xf32> to vector<1x16xf32>
        tpu.vector_store %arg11[%swap3A_1047, %swap3A_1048], %swap3A_1051 {strides = array<i32>} : memref<80x128xf32, #tpu.memory_space<vmem>>, vector<1x16xf32>,
        %add3A_1052 = arith.constant 8 : i32
        %add3A_1053 = arith.addi %mul3A_58, %add3A_1052 : i32
        %get3A_1054 = arith.index_cast %add3A_1053 : i32 to index
        %get3A_1055 = arith.constant 80 : index
        %get3A_1056 = tpu.vector_load %arg11[%get3A_1054, %get3A_1055] {strides = array<i32>} : memref<80x128xf32, #tpu.memory_space<vmem>>, vector<1x16xf32>,
        %get3A_1057 = vector.shape_cast %get3A_1056 : vector<1x16xf32> to vector<16xf32>
        %mul3A_1058 = arith.mulf %get3A_1057, %broadcast_in_dim3A_981 : vector<16xf32>
        %add3A_1059 = arith.constant 8 : i32
        %add3A_1060 = arith.addi %mul3A_58, %add3A_1059 : i32
        %swap3A_1061 = arith.index_cast %add3A_1060 : i32 to index
        %swap3A_1062 = arith.constant 80 : index
        %swap3A_1063 = tpu.vector_load %arg11[%swap3A_1061, %swap3A_1062] {strides = array<i32>} : memref<80x128xf32, #tpu.memory_space<vmem>>, vector<1x16xf32>,
        %swap3A_1064 = vector.shape_cast %swap3A_1063 : vector<1x16xf32> to vector<16xf32>
        %swap3A_1065 = vector.shape_cast %mul3A_1058 : vector<16xf32> to vector<1x16xf32>
        tpu.vector_store %arg11[%swap3A_1061, %swap3A_1062], %swap3A_1065 {strides = array<i32>} : memref<80x128xf32, #tpu.memory_space<vmem>>, vector<1x16xf32>,
        %add3A_1066 = arith.constant 8 : i32
        %add3A_1067 = arith.addi %mul3A_58, %add3A_1066 : i32
        %get3A_1068 = arith.index_cast %add3A_1067 : i32 to index
        %get3A_1069 = arith.constant 96 : index
        %get3A_1070 = tpu.vector_load %arg11[%get3A_1068, %get3A_1069] {strides = array<i32>} : memref<80x128xf32, #tpu.memory_space<vmem>>, vector<1x16xf32>,
        %get3A_1071 = vector.shape_cast %get3A_1070 : vector<1x16xf32> to vector<16xf32>
        %mul3A_1072 = arith.mulf %get3A_1071, %broadcast_in_dim3A_981 : vector<16xf32>
        %add3A_1073 = arith.constant 8 : i32
        %add3A_1074 = arith.addi %mul3A_58, %add3A_1073 : i32
        %swap3A_1075 = arith.index_cast %add3A_1074 : i32 to index
        %swap3A_1076 = arith.constant 96 : index
        %swap3A_1077 = tpu.vector_load %arg11[%swap3A_1075, %swap3A_1076] {strides = array<i32>} : memref<80x128xf32, #tpu.memory_space<vmem>>, vector<1x16xf32>,
        %swap3A_1078 = vector.shape_cast %swap3A_1077 : vector<1x16xf32> to vector<16xf32>
        %swap3A_1079 = vector.shape_cast %mul3A_1072 : vector<16xf32> to vector<1x16xf32>
        tpu.vector_store %arg11[%swap3A_1075, %swap3A_1076], %swap3A_1079 {strides = array<i32>} : memref<80x128xf32, #tpu.memory_space<vmem>>, vector<1x16xf32>,
        %add3A_1080 = arith.constant 8 : i32
        %add3A_1081 = arith.addi %mul3A_58, %add3A_1080 : i32
        %get3A_1082 = arith.index_cast %add3A_1081 : i32 to index
        %get3A_1083 = arith.constant 112 : index
        %get3A_1084 = tpu.vector_load %arg11[%get3A_1082, %get3A_1083] {strides = array<i32>} : memref<80x128xf32, #tpu.memory_space<vmem>>, vector<1x16xf32>,
        %get3A_1085 = vector.shape_cast %get3A_1084 : vector<1x16xf32> to vector<16xf32>
        %mul3A_1086 = arith.mulf %get3A_1085, %broadcast_in_dim3A_981 : vector<16xf32>
        %add3A_1087 = arith.constant 8 : i32
        %add3A_1088 = arith.addi %mul3A_58, %add3A_1087 : i32
        %swap3A_1089 = arith.index_cast %add3A_1088 : i32 to index
        %swap3A_1090 = arith.constant 112 : index
        %swap3A_1091 = tpu.vector_load %arg11[%swap3A_1089, %swap3A_1090] {strides = array<i32>} : memref<80x128xf32, #tpu.memory_space<vmem>>, vector<1x16xf32>,
        %swap3A_1092 = vector.shape_cast %swap3A_1091 : vector<1x16xf32> to vector<16xf32>
        %swap3A_1093 = vector.shape_cast %mul3A_1086 : vector<16xf32> to vector<1x16xf32>
        tpu.vector_store %arg11[%swap3A_1089, %swap3A_1090], %swap3A_1093 {strides = array<i32>} : memref<80x128xf32, #tpu.memory_space<vmem>>, vector<1x16xf32>,
        %slice3A_1094 = vector.extract_strided_slice %get3A_61 {offsets = [9], sizes = [1], strides = [1]} : vector<16xf32> to vector<1xf32>
        %squeeze3A_1095 = vector.extract %slice3A_1094[0] : f32 from vector<1xf32>
        %broadcast_in_dim3A_1096 = vector.broadcast %squeeze3A_1095 : f32 to vector<16xf32>
        %add3A_1097 = arith.constant 9 : i32
        %add3A_1098 = arith.addi %mul3A_58, %add3A_1097 : i32
        %get3A_1099 = arith.index_cast %add3A_1098 : i32 to index
        %get3A_1100 = arith.constant 0 : index
        %get3A_1101 = tpu.vector_load %arg11[%get3A_1099, %get3A_1100] {strides = array<i32>} : memref<80x128xf32, #tpu.memory_space<vmem>>, vector<1x16xf32>,
        %get3A_1102 = vector.shape_cast %get3A_1101 : vector<1x16xf32> to vector<16xf32>
        %mul3A_1103 = arith.mulf %get3A_1102, %broadcast_in_dim3A_1096 : vector<16xf32>
        %add3A_1104 = arith.constant 9 : i32
        %add3A_1105 = arith.addi %mul3A_58, %add3A_1104 : i32
        %swap3A_1106 = arith.index_cast %add3A_1105 : i32 to index
        %swap3A_1107 = arith.constant 0 : index
        %swap3A_1108 = tpu.vector_load %arg11[%swap3A_1106, %swap3A_1107] {strides = array<i32>} : memref<80x128xf32, #tpu.memory_space<vmem>>, vector<1x16xf32>,
        %swap3A_1109 = vector.shape_cast %swap3A_1108 : vector<1x16xf32> to vector<16xf32>
        %swap3A_1110 = vector.shape_cast %mul3A_1103 : vector<16xf32> to vector<1x16xf32>
        tpu.vector_store %arg11[%swap3A_1106, %swap3A_1107], %swap3A_1110 {strides = array<i32>} : memref<80x128xf32, #tpu.memory_space<vmem>>, vector<1x16xf32>,
        %add3A_1111 = arith.constant 9 : i32
        %add3A_1112 = arith.addi %mul3A_58, %add3A_1111 : i32
        %get3A_1113 = arith.index_cast %add3A_1112 : i32 to index
        %get3A_1114 = arith.constant 16 : index
        %get3A_1115 = tpu.vector_load %arg11[%get3A_1113, %get3A_1114] {strides = array<i32>} : memref<80x128xf32, #tpu.memory_space<vmem>>, vector<1x16xf32>,
        %get3A_1116 = vector.shape_cast %get3A_1115 : vector<1x16xf32> to vector<16xf32>
        %mul3A_1117 = arith.mulf %get3A_1116, %broadcast_in_dim3A_1096 : vector<16xf32>
        %add3A_1118 = arith.constant 9 : i32
        %add3A_1119 = arith.addi %mul3A_58, %add3A_1118 : i32
        %swap3A_1120 = arith.index_cast %add3A_1119 : i32 to index
        %swap3A_1121 = arith.constant 16 : index
        %swap3A_1122 = tpu.vector_load %arg11[%swap3A_1120, %swap3A_1121] {strides = array<i32>} : memref<80x128xf32, #tpu.memory_space<vmem>>, vector<1x16xf32>,
        %swap3A_1123 = vector.shape_cast %swap3A_1122 : vector<1x16xf32> to vector<16xf32>
        %swap3A_1124 = vector.shape_cast %mul3A_1117 : vector<16xf32> to vector<1x16xf32>
        tpu.vector_store %arg11[%swap3A_1120, %swap3A_1121], %swap3A_1124 {strides = array<i32>} : memref<80x128xf32, #tpu.memory_space<vmem>>, vector<1x16xf32>,
        %add3A_1125 = arith.constant 9 : i32
        %add3A_1126 = arith.addi %mul3A_58, %add3A_1125 : i32
        %get3A_1127 = arith.index_cast %add3A_1126 : i32 to index
        %get3A_1128 = arith.constant 32 : index
        %get3A_1129 = tpu.vector_load %arg11[%get3A_1127, %get3A_1128] {strides = array<i32>} : memref<80x128xf32, #tpu.memory_space<vmem>>, vector<1x16xf32>,
        %get3A_1130 = vector.shape_cast %get3A_1129 : vector<1x16xf32> to vector<16xf32>
        %mul3A_1131 = arith.mulf %get3A_1130, %broadcast_in_dim3A_1096 : vector<16xf32>
        %add3A_1132 = arith.constant 9 : i32
        %add3A_1133 = arith.addi %mul3A_58, %add3A_1132 : i32
        %swap3A_1134 = arith.index_cast %add3A_1133 : i32 to index
        %swap3A_1135 = arith.constant 32 : index
        %swap3A_1136 = tpu.vector_load %arg11[%swap3A_1134, %swap3A_1135] {strides = array<i32>} : memref<80x128xf32, #tpu.memory_space<vmem>>, vector<1x16xf32>,
        %swap3A_1137 = vector.shape_cast %swap3A_1136 : vector<1x16xf32> to vector<16xf32>
        %swap3A_1138 = vector.shape_cast %mul3A_1131 : vector<16xf32> to vector<1x16xf32>
        tpu.vector_store %arg11[%swap3A_1134, %swap3A_1135], %swap3A_1138 {strides = array<i32>} : memref<80x128xf32, #tpu.memory_space<vmem>>, vector<1x16xf32>,
        %add3A_1139 = arith.constant 9 : i32
        %add3A_1140 = arith.addi %mul3A_58, %add3A_1139 : i32
        %get3A_1141 = arith.index_cast %add3A_1140 : i32 to index
        %get3A_1142 = arith.constant 48 : index
        %get3A_1143 = tpu.vector_load %arg11[%get3A_1141, %get3A_1142] {strides = array<i32>} : memref<80x128xf32, #tpu.memory_space<vmem>>, vector<1x16xf32>,
        %get3A_1144 = vector.shape_cast %get3A_1143 : vector<1x16xf32> to vector<16xf32>
        %mul3A_1145 = arith.mulf %get3A_1144, %broadcast_in_dim3A_1096 : vector<16xf32>
        %add3A_1146 = arith.constant 9 : i32
        %add3A_1147 = arith.addi %mul3A_58, %add3A_1146 : i32
        %swap3A_1148 = arith.index_cast %add3A_1147 : i32 to index
        %swap3A_1149 = arith.constant 48 : index
        %swap3A_1150 = tpu.vector_load %arg11[%swap3A_1148, %swap3A_1149] {strides = array<i32>} : memref<80x128xf32, #tpu.memory_space<vmem>>, vector<1x16xf32>,
        %swap3A_1151 = vector.shape_cast %swap3A_1150 : vector<1x16xf32> to vector<16xf32>
        %swap3A_1152 = vector.shape_cast %mul3A_1145 : vector<16xf32> to vector<1x16xf32>
        tpu.vector_store %arg11[%swap3A_1148, %swap3A_1149], %swap3A_1152 {strides = array<i32>} : memref<80x128xf32, #tpu.memory_space<vmem>>, vector<1x16xf32>,
        %add3A_1153 = arith.constant 9 : i32
        %add3A_1154 = arith.addi %mul3A_58, %add3A_1153 : i32
        %get3A_1155 = arith.index_cast %add3A_1154 : i32 to index
        %get3A_1156 = arith.constant 64 : index
        %get3A_1157 = tpu.vector_load %arg11[%get3A_1155, %get3A_1156] {strides = array<i32>} : memref<80x128xf32, #tpu.memory_space<vmem>>, vector<1x16xf32>,
        %get3A_1158 = vector.shape_cast %get3A_1157 : vector<1x16xf32> to vector<16xf32>
        %mul3A_1159 = arith.mulf %get3A_1158, %broadcast_in_dim3A_1096 : vector<16xf32>
        %add3A_1160 = arith.constant 9 : i32
        %add3A_1161 = arith.addi %mul3A_58, %add3A_1160 : i32
        %swap3A_1162 = arith.index_cast %add3A_1161 : i32 to index
        %swap3A_1163 = arith.constant 64 : index
        %swap3A_1164 = tpu.vector_load %arg11[%swap3A_1162, %swap3A_1163] {strides = array<i32>} : memref<80x128xf32, #tpu.memory_space<vmem>>, vector<1x16xf32>,
        %swap3A_1165 = vector.shape_cast %swap3A_1164 : vector<1x16xf32> to vector<16xf32>
        %swap3A_1166 = vector.shape_cast %mul3A_1159 : vector<16xf32> to vector<1x16xf32>
        tpu.vector_store %arg11[%swap3A_1162, %swap3A_1163], %swap3A_1166 {strides = array<i32>} : memref<80x128xf32, #tpu.memory_space<vmem>>, vector<1x16xf32>,
        %add3A_1167 = arith.constant 9 : i32
        %add3A_1168 = arith.addi %mul3A_58, %add3A_1167 : i32
        %get3A_1169 = arith.index_cast %add3A_1168 : i32 to index
        %get3A_1170 = arith.constant 80 : index
        %get3A_1171 = tpu.vector_load %arg11[%get3A_1169, %get3A_1170] {strides = array<i32>} : memref<80x128xf32, #tpu.memory_space<vmem>>, vector<1x16xf32>,
        %get3A_1172 = vector.shape_cast %get3A_1171 : vector<1x16xf32> to vector<16xf32>
        %mul3A_1173 = arith.mulf %get3A_1172, %broadcast_in_dim3A_1096 : vector<16xf32>
        %add3A_1174 = arith.constant 9 : i32
        %add3A_1175 = arith.addi %mul3A_58, %add3A_1174 : i32
        %swap3A_1176 = arith.index_cast %add3A_1175 : i32 to index
        %swap3A_1177 = arith.constant 80 : index
        %swap3A_1178 = tpu.vector_load %arg11[%swap3A_1176, %swap3A_1177] {strides = array<i32>} : memref<80x128xf32, #tpu.memory_space<vmem>>, vector<1x16xf32>,
        %swap3A_1179 = vector.shape_cast %swap3A_1178 : vector<1x16xf32> to vector<16xf32>
        %swap3A_1180 = vector.shape_cast %mul3A_1173 : vector<16xf32> to vector<1x16xf32>
        tpu.vector_store %arg11[%swap3A_1176, %swap3A_1177], %swap3A_1180 {strides = array<i32>} : memref<80x128xf32, #tpu.memory_space<vmem>>, vector<1x16xf32>,
        %add3A_1181 = arith.constant 9 : i32
        %add3A_1182 = arith.addi %mul3A_58, %add3A_1181 : i32
        %get3A_1183 = arith.index_cast %add3A_1182 : i32 to index
        %get3A_1184 = arith.constant 96 : index
        %get3A_1185 = tpu.vector_load %arg11[%get3A_1183, %get3A_1184] {strides = array<i32>} : memref<80x128xf32, #tpu.memory_space<vmem>>, vector<1x16xf32>,
        %get3A_1186 = vector.shape_cast %get3A_1185 : vector<1x16xf32> to vector<16xf32>
        %mul3A_1187 = arith.mulf %get3A_1186, %broadcast_in_dim3A_1096 : vector<16xf32>
        %add3A_1188 = arith.constant 9 : i32
        %add3A_1189 = arith.addi %mul3A_58, %add3A_1188 : i32
        %swap3A_1190 = arith.index_cast %add3A_1189 : i32 to index
        %swap3A_1191 = arith.constant 96 : index
        %swap3A_1192 = tpu.vector_load %arg11[%swap3A_1190, %swap3A_1191] {strides = array<i32>} : memref<80x128xf32, #tpu.memory_space<vmem>>, vector<1x16xf32>,
        %swap3A_1193 = vector.shape_cast %swap3A_1192 : vector<1x16xf32> to vector<16xf32>
        %swap3A_1194 = vector.shape_cast %mul3A_1187 : vector<16xf32> to vector<1x16xf32>
        tpu.vector_store %arg11[%swap3A_1190, %swap3A_1191], %swap3A_1194 {strides = array<i32>} : memref<80x128xf32, #tpu.memory_space<vmem>>, vector<1x16xf32>,
        %add3A_1195 = arith.constant 9 : i32
        %add3A_1196 = arith.addi %mul3A_58, %add3A_1195 : i32
        %get3A_1197 = arith.index_cast %add3A_1196 : i32 to index
        %get3A_1198 = arith.constant 112 : index
        %get3A_1199 = tpu.vector_load %arg11[%get3A_1197, %get3A_1198] {strides = array<i32>} : memref<80x128xf32, #tpu.memory_space<vmem>>, vector<1x16xf32>,
        %get3A_1200 = vector.shape_cast %get3A_1199 : vector<1x16xf32> to vector<16xf32>
        %mul3A_1201 = arith.mulf %get3A_1200, %broadcast_in_dim3A_1096 : vector<16xf32>
        %add3A_1202 = arith.constant 9 : i32
        %add3A_1203 = arith.addi %mul3A_58, %add3A_1202 : i32
        %swap3A_1204 = arith.index_cast %add3A_1203 : i32 to index
        %swap3A_1205 = arith.constant 112 : index
        %swap3A_1206 = tpu.vector_load %arg11[%swap3A_1204, %swap3A_1205] {strides = array<i32>} : memref<80x128xf32, #tpu.memory_space<vmem>>, vector<1x16xf32>,
        %swap3A_1207 = vector.shape_cast %swap3A_1206 : vector<1x16xf32> to vector<16xf32>
        %swap3A_1208 = vector.shape_cast %mul3A_1201 : vector<16xf32> to vector<1x16xf32>
        tpu.vector_store %arg11[%swap3A_1204, %swap3A_1205], %swap3A_1208 {strides = array<i32>} : memref<80x128xf32, #tpu.memory_space<vmem>>, vector<1x16xf32>,
        %slice3A_1209 = vector.extract_strided_slice %get3A_61 {offsets = [10], sizes = [1], strides = [1]} : vector<16xf32> to vector<1xf32>
        %squeeze3A_1210 = vector.extract %slice3A_1209[0] : f32 from vector<1xf32>
        %broadcast_in_dim3A_1211 = vector.broadcast %squeeze3A_1210 : f32 to vector<16xf32>
        %add3A_1212 = arith.constant 10 : i32
        %add3A_1213 = arith.addi %mul3A_58, %add3A_1212 : i32
        %get3A_1214 = arith.index_cast %add3A_1213 : i32 to index
        %get3A_1215 = arith.constant 0 : index
        %get3A_1216 = tpu.vector_load %arg11[%get3A_1214, %get3A_1215] {strides = array<i32>} : memref<80x128xf32, #tpu.memory_space<vmem>>, vector<1x16xf32>,
        %get3A_1217 = vector.shape_cast %get3A_1216 : vector<1x16xf32> to vector<16xf32>
        %mul3A_1218 = arith.mulf %get3A_1217, %broadcast_in_dim3A_1211 : vector<16xf32>
        %add3A_1219 = arith.constant 10 : i32
        %add3A_1220 = arith.addi %mul3A_58, %add3A_1219 : i32
        %swap3A_1221 = arith.index_cast %add3A_1220 : i32 to index
        %swap3A_1222 = arith.constant 0 : index
        %swap3A_1223 = tpu.vector_load %arg11[%swap3A_1221, %swap3A_1222] {strides = array<i32>} : memref<80x128xf32, #tpu.memory_space<vmem>>, vector<1x16xf32>,
        %swap3A_1224 = vector.shape_cast %swap3A_1223 : vector<1x16xf32> to vector<16xf32>
        %swap3A_1225 = vector.shape_cast %mul3A_1218 : vector<16xf32> to vector<1x16xf32>
        tpu.vector_store %arg11[%swap3A_1221, %swap3A_1222], %swap3A_1225 {strides = array<i32>} : memref<80x128xf32, #tpu.memory_space<vmem>>, vector<1x16xf32>,
        %add3A_1226 = arith.constant 10 : i32
        %add3A_1227 = arith.addi %mul3A_58, %add3A_1226 : i32
        %get3A_1228 = arith.index_cast %add3A_1227 : i32 to index
        %get3A_1229 = arith.constant 16 : index
        %get3A_1230 = tpu.vector_load %arg11[%get3A_1228, %get3A_1229] {strides = array<i32>} : memref<80x128xf32, #tpu.memory_space<vmem>>, vector<1x16xf32>,
        %get3A_1231 = vector.shape_cast %get3A_1230 : vector<1x16xf32> to vector<16xf32>
        %mul3A_1232 = arith.mulf %get3A_1231, %broadcast_in_dim3A_1211 : vector<16xf32>
        %add3A_1233 = arith.constant 10 : i32
        %add3A_1234 = arith.addi %mul3A_58, %add3A_1233 : i32
        %swap3A_1235 = arith.index_cast %add3A_1234 : i32 to index
        %swap3A_1236 = arith.constant 16 : index
        %swap3A_1237 = tpu.vector_load %arg11[%swap3A_1235, %swap3A_1236] {strides = array<i32>} : memref<80x128xf32, #tpu.memory_space<vmem>>, vector<1x16xf32>,
        %swap3A_1238 = vector.shape_cast %swap3A_1237 : vector<1x16xf32> to vector<16xf32>
        %swap3A_1239 = vector.shape_cast %mul3A_1232 : vector<16xf32> to vector<1x16xf32>
        tpu.vector_store %arg11[%swap3A_1235, %swap3A_1236], %swap3A_1239 {strides = array<i32>} : memref<80x128xf32, #tpu.memory_space<vmem>>, vector<1x16xf32>,
        %add3A_1240 = arith.constant 10 : i32
        %add3A_1241 = arith.addi %mul3A_58, %add3A_1240 : i32
        %get3A_1242 = arith.index_cast %add3A_1241 : i32 to index
        %get3A_1243 = arith.constant 32 : index
        %get3A_1244 = tpu.vector_load %arg11[%get3A_1242, %get3A_1243] {strides = array<i32>} : memref<80x128xf32, #tpu.memory_space<vmem>>, vector<1x16xf32>,
        %get3A_1245 = vector.shape_cast %get3A_1244 : vector<1x16xf32> to vector<16xf32>
        %mul3A_1246 = arith.mulf %get3A_1245, %broadcast_in_dim3A_1211 : vector<16xf32>
        %add3A_1247 = arith.constant 10 : i32
        %add3A_1248 = arith.addi %mul3A_58, %add3A_1247 : i32
        %swap3A_1249 = arith.index_cast %add3A_1248 : i32 to index
        %swap3A_1250 = arith.constant 32 : index
        %swap3A_1251 = tpu.vector_load %arg11[%swap3A_1249, %swap3A_1250] {strides = array<i32>} : memref<80x128xf32, #tpu.memory_space<vmem>>, vector<1x16xf32>,
        %swap3A_1252 = vector.shape_cast %swap3A_1251 : vector<1x16xf32> to vector<16xf32>
        %swap3A_1253 = vector.shape_cast %mul3A_1246 : vector<16xf32> to vector<1x16xf32>
        tpu.vector_store %arg11[%swap3A_1249, %swap3A_1250], %swap3A_1253 {strides = array<i32>} : memref<80x128xf32, #tpu.memory_space<vmem>>, vector<1x16xf32>,
        %add3A_1254 = arith.constant 10 : i32
        %add3A_1255 = arith.addi %mul3A_58, %add3A_1254 : i32
        %get3A_1256 = arith.index_cast %add3A_1255 : i32 to index
        %get3A_1257 = arith.constant 48 : index
        %get3A_1258 = tpu.vector_load %arg11[%get3A_1256, %get3A_1257] {strides = array<i32>} : memref<80x128xf32, #tpu.memory_space<vmem>>, vector<1x16xf32>,
        %get3A_1259 = vector.shape_cast %get3A_1258 : vector<1x16xf32> to vector<16xf32>
        %mul3A_1260 = arith.mulf %get3A_1259, %broadcast_in_dim3A_1211 : vector<16xf32>
        %add3A_1261 = arith.constant 10 : i32
        %add3A_1262 = arith.addi %mul3A_58, %add3A_1261 : i32
        %swap3A_1263 = arith.index_cast %add3A_1262 : i32 to index
        %swap3A_1264 = arith.constant 48 : index
        %swap3A_1265 = tpu.vector_load %arg11[%swap3A_1263, %swap3A_1264] {strides = array<i32>} : memref<80x128xf32, #tpu.memory_space<vmem>>, vector<1x16xf32>,
        %swap3A_1266 = vector.shape_cast %swap3A_1265 : vector<1x16xf32> to vector<16xf32>
        %swap3A_1267 = vector.shape_cast %mul3A_1260 : vector<16xf32> to vector<1x16xf32>
        tpu.vector_store %arg11[%swap3A_1263, %swap3A_1264], %swap3A_1267 {strides = array<i32>} : memref<80x128xf32, #tpu.memory_space<vmem>>, vector<1x16xf32>,
        %add3A_1268 = arith.constant 10 : i32
        %add3A_1269 = arith.addi %mul3A_58, %add3A_1268 : i32
        %get3A_1270 = arith.index_cast %add3A_1269 : i32 to index
        %get3A_1271 = arith.constant 64 : index
        %get3A_1272 = tpu.vector_load %arg11[%get3A_1270, %get3A_1271] {strides = array<i32>} : memref<80x128xf32, #tpu.memory_space<vmem>>, vector<1x16xf32>,
        %get3A_1273 = vector.shape_cast %get3A_1272 : vector<1x16xf32> to vector<16xf32>
        %mul3A_1274 = arith.mulf %get3A_1273, %broadcast_in_dim3A_1211 : vector<16xf32>
        %add3A_1275 = arith.constant 10 : i32
        %add3A_1276 = arith.addi %mul3A_58, %add3A_1275 : i32
        %swap3A_1277 = arith.index_cast %add3A_1276 : i32 to index
        %swap3A_1278 = arith.constant 64 : index
        %swap3A_1279 = tpu.vector_load %arg11[%swap3A_1277, %swap3A_1278] {strides = array<i32>} : memref<80x128xf32, #tpu.memory_space<vmem>>, vector<1x16xf32>,
        %swap3A_1280 = vector.shape_cast %swap3A_1279 : vector<1x16xf32> to vector<16xf32>
        %swap3A_1281 = vector.shape_cast %mul3A_1274 : vector<16xf32> to vector<1x16xf32>
        tpu.vector_store %arg11[%swap3A_1277, %swap3A_1278], %swap3A_1281 {strides = array<i32>} : memref<80x128xf32, #tpu.memory_space<vmem>>, vector<1x16xf32>,
        %add3A_1282 = arith.constant 10 : i32
        %add3A_1283 = arith.addi %mul3A_58, %add3A_1282 : i32
        %get3A_1284 = arith.index_cast %add3A_1283 : i32 to index
        %get3A_1285 = arith.constant 80 : index
        %get3A_1286 = tpu.vector_load %arg11[%get3A_1284, %get3A_1285] {strides = array<i32>} : memref<80x128xf32, #tpu.memory_space<vmem>>, vector<1x16xf32>,
        %get3A_1287 = vector.shape_cast %get3A_1286 : vector<1x16xf32> to vector<16xf32>
        %mul3A_1288 = arith.mulf %get3A_1287, %broadcast_in_dim3A_1211 : vector<16xf32>
        %add3A_1289 = arith.constant 10 : i32
        %add3A_1290 = arith.addi %mul3A_58, %add3A_1289 : i32
        %swap3A_1291 = arith.index_cast %add3A_1290 : i32 to index
        %swap3A_1292 = arith.constant 80 : index
        %swap3A_1293 = tpu.vector_load %arg11[%swap3A_1291, %swap3A_1292] {strides = array<i32>} : memref<80x128xf32, #tpu.memory_space<vmem>>, vector<1x16xf32>,
        %swap3A_1294 = vector.shape_cast %swap3A_1293 : vector<1x16xf32> to vector<16xf32>
        %swap3A_1295 = vector.shape_cast %mul3A_1288 : vector<16xf32> to vector<1x16xf32>
        tpu.vector_store %arg11[%swap3A_1291, %swap3A_1292], %swap3A_1295 {strides = array<i32>} : memref<80x128xf32, #tpu.memory_space<vmem>>, vector<1x16xf32>,
        %add3A_1296 = arith.constant 10 : i32
        %add3A_1297 = arith.addi %mul3A_58, %add3A_1296 : i32
        %get3A_1298 = arith.index_cast %add3A_1297 : i32 to index
        %get3A_1299 = arith.constant 96 : index
        %get3A_1300 = tpu.vector_load %arg11[%get3A_1298, %get3A_1299] {strides = array<i32>} : memref<80x128xf32, #tpu.memory_space<vmem>>, vector<1x16xf32>,
        %get3A_1301 = vector.shape_cast %get3A_1300 : vector<1x16xf32> to vector<16xf32>
        %mul3A_1302 = arith.mulf %get3A_1301, %broadcast_in_dim3A_1211 : vector<16xf32>
        %add3A_1303 = arith.constant 10 : i32
        %add3A_1304 = arith.addi %mul3A_58, %add3A_1303 : i32
        %swap3A_1305 = arith.index_cast %add3A_1304 : i32 to index
        %swap3A_1306 = arith.constant 96 : index
        %swap3A_1307 = tpu.vector_load %arg11[%swap3A_1305, %swap3A_1306] {strides = array<i32>} : memref<80x128xf32, #tpu.memory_space<vmem>>, vector<1x16xf32>,
        %swap3A_1308 = vector.shape_cast %swap3A_1307 : vector<1x16xf32> to vector<16xf32>
        %swap3A_1309 = vector.shape_cast %mul3A_1302 : vector<16xf32> to vector<1x16xf32>
        tpu.vector_store %arg11[%swap3A_1305, %swap3A_1306], %swap3A_1309 {strides = array<i32>} : memref<80x128xf32, #tpu.memory_space<vmem>>, vector<1x16xf32>,
        %add3A_1310 = arith.constant 10 : i32
        %add3A_1311 = arith.addi %mul3A_58, %add3A_1310 : i32
        %get3A_1312 = arith.index_cast %add3A_1311 : i32 to index
        %get3A_1313 = arith.constant 112 : index
        %get3A_1314 = tpu.vector_load %arg11[%get3A_1312, %get3A_1313] {strides = array<i32>} : memref<80x128xf32, #tpu.memory_space<vmem>>, vector<1x16xf32>,
        %get3A_1315 = vector.shape_cast %get3A_1314 : vector<1x16xf32> to vector<16xf32>
        %mul3A_1316 = arith.mulf %get3A_1315, %broadcast_in_dim3A_1211 : vector<16xf32>
        %add3A_1317 = arith.constant 10 : i32
        %add3A_1318 = arith.addi %mul3A_58, %add3A_1317 : i32
        %swap3A_1319 = arith.index_cast %add3A_1318 : i32 to index
        %swap3A_1320 = arith.constant 112 : index
        %swap3A_1321 = tpu.vector_load %arg11[%swap3A_1319, %swap3A_1320] {strides = array<i32>} : memref<80x128xf32, #tpu.memory_space<vmem>>, vector<1x16xf32>,
        %swap3A_1322 = vector.shape_cast %swap3A_1321 : vector<1x16xf32> to vector<16xf32>
        %swap3A_1323 = vector.shape_cast %mul3A_1316 : vector<16xf32> to vector<1x16xf32>
        tpu.vector_store %arg11[%swap3A_1319, %swap3A_1320], %swap3A_1323 {strides = array<i32>} : memref<80x128xf32, #tpu.memory_space<vmem>>, vector<1x16xf32>,
        %slice3A_1324 = vector.extract_strided_slice %get3A_61 {offsets = [11], sizes = [1], strides = [1]} : vector<16xf32> to vector<1xf32>
        %squeeze3A_1325 = vector.extract %slice3A_1324[0] : f32 from vector<1xf32>
        %broadcast_in_dim3A_1326 = vector.broadcast %squeeze3A_1325 : f32 to vector<16xf32>
        %add3A_1327 = arith.constant 11 : i32
        %add3A_1328 = arith.addi %mul3A_58, %add3A_1327 : i32
        %get3A_1329 = arith.index_cast %add3A_1328 : i32 to index
        %get3A_1330 = arith.constant 0 : index
        %get3A_1331 = tpu.vector_load %arg11[%get3A_1329, %get3A_1330] {strides = array<i32>} : memref<80x128xf32, #tpu.memory_space<vmem>>, vector<1x16xf32>,
        %get3A_1332 = vector.shape_cast %get3A_1331 : vector<1x16xf32> to vector<16xf32>
        %mul3A_1333 = arith.mulf %get3A_1332, %broadcast_in_dim3A_1326 : vector<16xf32>
        %add3A_1334 = arith.constant 11 : i32
        %add3A_1335 = arith.addi %mul3A_58, %add3A_1334 : i32
        %swap3A_1336 = arith.index_cast %add3A_1335 : i32 to index
        %swap3A_1337 = arith.constant 0 : index
        %swap3A_1338 = tpu.vector_load %arg11[%swap3A_1336, %swap3A_1337] {strides = array<i32>} : memref<80x128xf32, #tpu.memory_space<vmem>>, vector<1x16xf32>,
        %swap3A_1339 = vector.shape_cast %swap3A_1338 : vector<1x16xf32> to vector<16xf32>
        %swap3A_1340 = vector.shape_cast %mul3A_1333 : vector<16xf32> to vector<1x16xf32>
        tpu.vector_store %arg11[%swap3A_1336, %swap3A_1337], %swap3A_1340 {strides = array<i32>} : memref<80x128xf32, #tpu.memory_space<vmem>>, vector<1x16xf32>,
        %add3A_1341 = arith.constant 11 : i32
        %add3A_1342 = arith.addi %mul3A_58, %add3A_1341 : i32
        %get3A_1343 = arith.index_cast %add3A_1342 : i32 to index
        %get3A_1344 = arith.constant 16 : index
        %get3A_1345 = tpu.vector_load %arg11[%get3A_1343, %get3A_1344] {strides = array<i32>} : memref<80x128xf32, #tpu.memory_space<vmem>>, vector<1x16xf32>,
        %get3A_1346 = vector.shape_cast %get3A_1345 : vector<1x16xf32> to vector<16xf32>
        %mul3A_1347 = arith.mulf %get3A_1346, %broadcast_in_dim3A_1326 : vector<16xf32>
        %add3A_1348 = arith.constant 11 : i32
        %add3A_1349 = arith.addi %mul3A_58, %add3A_1348 : i32
        %swap3A_1350 = arith.index_cast %add3A_1349 : i32 to index
        %swap3A_1351 = arith.constant 16 : index
        %swap3A_1352 = tpu.vector_load %arg11[%swap3A_1350, %swap3A_1351] {strides = array<i32>} : memref<80x128xf32, #tpu.memory_space<vmem>>, vector<1x16xf32>,
        %swap3A_1353 = vector.shape_cast %swap3A_1352 : vector<1x16xf32> to vector<16xf32>
        %swap3A_1354 = vector.shape_cast %mul3A_1347 : vector<16xf32> to vector<1x16xf32>
        tpu.vector_store %arg11[%swap3A_1350, %swap3A_1351], %swap3A_1354 {strides = array<i32>} : memref<80x128xf32, #tpu.memory_space<vmem>>, vector<1x16xf32>,
        %add3A_1355 = arith.constant 11 : i32
        %add3A_1356 = arith.addi %mul3A_58, %add3A_1355 : i32
        %get3A_1357 = arith.index_cast %add3A_1356 : i32 to index
        %get3A_1358 = arith.constant 32 : index
        %get3A_1359 = tpu.vector_load %arg11[%get3A_1357, %get3A_1358] {strides = array<i32>} : memref<80x128xf32, #tpu.memory_space<vmem>>, vector<1x16xf32>,
        %get3A_1360 = vector.shape_cast %get3A_1359 : vector<1x16xf32> to vector<16xf32>
        %mul3A_1361 = arith.mulf %get3A_1360, %broadcast_in_dim3A_1326 : vector<16xf32>
        %add3A_1362 = arith.constant 11 : i32
        %add3A_1363 = arith.addi %mul3A_58, %add3A_1362 : i32
        %swap3A_1364 = arith.index_cast %add3A_1363 : i32 to index
        %swap3A_1365 = arith.constant 32 : index
        %swap3A_1366 = tpu.vector_load %arg11[%swap3A_1364, %swap3A_1365] {strides = array<i32>} : memref<80x128xf32, #tpu.memory_space<vmem>>, vector<1x16xf32>,
        %swap3A_1367 = vector.shape_cast %swap3A_1366 : vector<1x16xf32> to vector<16xf32>
        %swap3A_1368 = vector.shape_cast %mul3A_1361 : vector<16xf32> to vector<1x16xf32>
        tpu.vector_store %arg11[%swap3A_1364, %swap3A_1365], %swap3A_1368 {strides = array<i32>} : memref<80x128xf32, #tpu.memory_space<vmem>>, vector<1x16xf32>,
        %add3A_1369 = arith.constant 11 : i32
        %add3A_1370 = arith.addi %mul3A_58, %add3A_1369 : i32
        %get3A_1371 = arith.index_cast %add3A_1370 : i32 to index
        %get3A_1372 = arith.constant 48 : index
        %get3A_1373 = tpu.vector_load %arg11[%get3A_1371, %get3A_1372] {strides = array<i32>} : memref<80x128xf32, #tpu.memory_space<vmem>>, vector<1x16xf32>,
        %get3A_1374 = vector.shape_cast %get3A_1373 : vector<1x16xf32> to vector<16xf32>
        %mul3A_1375 = arith.mulf %get3A_1374, %broadcast_in_dim3A_1326 : vector<16xf32>
        %add3A_1376 = arith.constant 11 : i32
        %add3A_1377 = arith.addi %mul3A_58, %add3A_1376 : i32
        %swap3A_1378 = arith.index_cast %add3A_1377 : i32 to index
        %swap3A_1379 = arith.constant 48 : index
        %swap3A_1380 = tpu.vector_load %arg11[%swap3A_1378, %swap3A_1379] {strides = array<i32>} : memref<80x128xf32, #tpu.memory_space<vmem>>, vector<1x16xf32>,
        %swap3A_1381 = vector.shape_cast %swap3A_1380 : vector<1x16xf32> to vector<16xf32>
        %swap3A_1382 = vector.shape_cast %mul3A_1375 : vector<16xf32> to vector<1x16xf32>
        tpu.vector_store %arg11[%swap3A_1378, %swap3A_1379], %swap3A_1382 {strides = array<i32>} : memref<80x128xf32, #tpu.memory_space<vmem>>, vector<1x16xf32>,
        %add3A_1383 = arith.constant 11 : i32
        %add3A_1384 = arith.addi %mul3A_58, %add3A_1383 : i32
        %get3A_1385 = arith.index_cast %add3A_1384 : i32 to index
        %get3A_1386 = arith.constant 64 : index
        %get3A_1387 = tpu.vector_load %arg11[%get3A_1385, %get3A_1386] {strides = array<i32>} : memref<80x128xf32, #tpu.memory_space<vmem>>, vector<1x16xf32>,
        %get3A_1388 = vector.shape_cast %get3A_1387 : vector<1x16xf32> to vector<16xf32>
        %mul3A_1389 = arith.mulf %get3A_1388, %broadcast_in_dim3A_1326 : vector<16xf32>
        %add3A_1390 = arith.constant 11 : i32
        %add3A_1391 = arith.addi %mul3A_58, %add3A_1390 : i32
        %swap3A_1392 = arith.index_cast %add3A_1391 : i32 to index
        %swap3A_1393 = arith.constant 64 : index
        %swap3A_1394 = tpu.vector_load %arg11[%swap3A_1392, %swap3A_1393] {strides = array<i32>} : memref<80x128xf32, #tpu.memory_space<vmem>>, vector<1x16xf32>,
        %swap3A_1395 = vector.shape_cast %swap3A_1394 : vector<1x16xf32> to vector<16xf32>
        %swap3A_1396 = vector.shape_cast %mul3A_1389 : vector<16xf32> to vector<1x16xf32>
        tpu.vector_store %arg11[%swap3A_1392, %swap3A_1393], %swap3A_1396 {strides = array<i32>} : memref<80x128xf32, #tpu.memory_space<vmem>>, vector<1x16xf32>,
        %add3A_1397 = arith.constant 11 : i32
        %add3A_1398 = arith.addi %mul3A_58, %add3A_1397 : i32
        %get3A_1399 = arith.index_cast %add3A_1398 : i32 to index
        %get3A_1400 = arith.constant 80 : index
        %get3A_1401 = tpu.vector_load %arg11[%get3A_1399, %get3A_1400] {strides = array<i32>} : memref<80x128xf32, #tpu.memory_space<vmem>>, vector<1x16xf32>,
        %get3A_1402 = vector.shape_cast %get3A_1401 : vector<1x16xf32> to vector<16xf32>
        %mul3A_1403 = arith.mulf %get3A_1402, %broadcast_in_dim3A_1326 : vector<16xf32>
        %add3A_1404 = arith.constant 11 : i32
        %add3A_1405 = arith.addi %mul3A_58, %add3A_1404 : i32
        %swap3A_1406 = arith.index_cast %add3A_1405 : i32 to index
        %swap3A_1407 = arith.constant 80 : index
        %swap3A_1408 = tpu.vector_load %arg11[%swap3A_1406, %swap3A_1407] {strides = array<i32>} : memref<80x128xf32, #tpu.memory_space<vmem>>, vector<1x16xf32>,
        %swap3A_1409 = vector.shape_cast %swap3A_1408 : vector<1x16xf32> to vector<16xf32>
        %swap3A_1410 = vector.shape_cast %mul3A_1403 : vector<16xf32> to vector<1x16xf32>
        tpu.vector_store %arg11[%swap3A_1406, %swap3A_1407], %swap3A_1410 {strides = array<i32>} : memref<80x128xf32, #tpu.memory_space<vmem>>, vector<1x16xf32>,
        %add3A_1411 = arith.constant 11 : i32
        %add3A_1412 = arith.addi %mul3A_58, %add3A_1411 : i32
        %get3A_1413 = arith.index_cast %add3A_1412 : i32 to index
        %get3A_1414 = arith.constant 96 : index
        %get3A_1415 = tpu.vector_load %arg11[%get3A_1413, %get3A_1414] {strides = array<i32>} : memref<80x128xf32, #tpu.memory_space<vmem>>, vector<1x16xf32>,
        %get3A_1416 = vector.shape_cast %get3A_1415 : vector<1x16xf32> to vector<16xf32>
        %mul3A_1417 = arith.mulf %get3A_1416, %broadcast_in_dim3A_1326 : vector<16xf32>
        %add3A_1418 = arith.constant 11 : i32
        %add3A_1419 = arith.addi %mul3A_58, %add3A_1418 : i32
        %swap3A_1420 = arith.index_cast %add3A_1419 : i32 to index
        %swap3A_1421 = arith.constant 96 : index
        %swap3A_1422 = tpu.vector_load %arg11[%swap3A_1420, %swap3A_1421] {strides = array<i32>} : memref<80x128xf32, #tpu.memory_space<vmem>>, vector<1x16xf32>,
        %swap3A_1423 = vector.shape_cast %swap3A_1422 : vector<1x16xf32> to vector<16xf32>
        %swap3A_1424 = vector.shape_cast %mul3A_1417 : vector<16xf32> to vector<1x16xf32>
        tpu.vector_store %arg11[%swap3A_1420, %swap3A_1421], %swap3A_1424 {strides = array<i32>} : memref<80x128xf32, #tpu.memory_space<vmem>>, vector<1x16xf32>,
        %add3A_1425 = arith.constant 11 : i32
        %add3A_1426 = arith.addi %mul3A_58, %add3A_1425 : i32
        %get3A_1427 = arith.index_cast %add3A_1426 : i32 to index
        %get3A_1428 = arith.constant 112 : index
        %get3A_1429 = tpu.vector_load %arg11[%get3A_1427, %get3A_1428] {strides = array<i32>} : memref<80x128xf32, #tpu.memory_space<vmem>>, vector<1x16xf32>,
        %get3A_1430 = vector.shape_cast %get3A_1429 : vector<1x16xf32> to vector<16xf32>
        %mul3A_1431 = arith.mulf %get3A_1430, %broadcast_in_dim3A_1326 : vector<16xf32>
        %add3A_1432 = arith.constant 11 : i32
        %add3A_1433 = arith.addi %mul3A_58, %add3A_1432 : i32
        %swap3A_1434 = arith.index_cast %add3A_1433 : i32 to index
        %swap3A_1435 = arith.constant 112 : index
        %swap3A_1436 = tpu.vector_load %arg11[%swap3A_1434, %swap3A_1435] {strides = array<i32>} : memref<80x128xf32, #tpu.memory_space<vmem>>, vector<1x16xf32>,
        %swap3A_1437 = vector.shape_cast %swap3A_1436 : vector<1x16xf32> to vector<16xf32>
        %swap3A_1438 = vector.shape_cast %mul3A_1431 : vector<16xf32> to vector<1x16xf32>
        tpu.vector_store %arg11[%swap3A_1434, %swap3A_1435], %swap3A_1438 {strides = array<i32>} : memref<80x128xf32, #tpu.memory_space<vmem>>, vector<1x16xf32>,
        %slice3A_1439 = vector.extract_strided_slice %get3A_61 {offsets = [12], sizes = [1], strides = [1]} : vector<16xf32> to vector<1xf32>
        %squeeze3A_1440 = vector.extract %slice3A_1439[0] : f32 from vector<1xf32>
        %broadcast_in_dim3A_1441 = vector.broadcast %squeeze3A_1440 : f32 to vector<16xf32>
        %add3A_1442 = arith.constant 12 : i32
        %add3A_1443 = arith.addi %mul3A_58, %add3A_1442 : i32
        %get3A_1444 = arith.index_cast %add3A_1443 : i32 to index
        %get3A_1445 = arith.constant 0 : index
        %get3A_1446 = tpu.vector_load %arg11[%get3A_1444, %get3A_1445] {strides = array<i32>} : memref<80x128xf32, #tpu.memory_space<vmem>>, vector<1x16xf32>,
        %get3A_1447 = vector.shape_cast %get3A_1446 : vector<1x16xf32> to vector<16xf32>
        %mul3A_1448 = arith.mulf %get3A_1447, %broadcast_in_dim3A_1441 : vector<16xf32>
        %add3A_1449 = arith.constant 12 : i32
        %add3A_1450 = arith.addi %mul3A_58, %add3A_1449 : i32
        %swap3A_1451 = arith.index_cast %add3A_1450 : i32 to index
        %swap3A_1452 = arith.constant 0 : index
        %swap3A_1453 = tpu.vector_load %arg11[%swap3A_1451, %swap3A_1452] {strides = array<i32>} : memref<80x128xf32, #tpu.memory_space<vmem>>, vector<1x16xf32>,
        %swap3A_1454 = vector.shape_cast %swap3A_1453 : vector<1x16xf32> to vector<16xf32>
        %swap3A_1455 = vector.shape_cast %mul3A_1448 : vector<16xf32> to vector<1x16xf32>
        tpu.vector_store %arg11[%swap3A_1451, %swap3A_1452], %swap3A_1455 {strides = array<i32>} : memref<80x128xf32, #tpu.memory_space<vmem>>, vector<1x16xf32>,
        %add3A_1456 = arith.constant 12 : i32
        %add3A_1457 = arith.addi %mul3A_58, %add3A_1456 : i32
        %get3A_1458 = arith.index_cast %add3A_1457 : i32 to index
        %get3A_1459 = arith.constant 16 : index
        %get3A_1460 = tpu.vector_load %arg11[%get3A_1458, %get3A_1459] {strides = array<i32>} : memref<80x128xf32, #tpu.memory_space<vmem>>, vector<1x16xf32>,
        %get3A_1461 = vector.shape_cast %get3A_1460 : vector<1x16xf32> to vector<16xf32>
        %mul3A_1462 = arith.mulf %get3A_1461, %broadcast_in_dim3A_1441 : vector<16xf32>
        %add3A_1463 = arith.constant 12 : i32
        %add3A_1464 = arith.addi %mul3A_58, %add3A_1463 : i32
        %swap3A_1465 = arith.index_cast %add3A_1464 : i32 to index
        %swap3A_1466 = arith.constant 16 : index
        %swap3A_1467 = tpu.vector_load %arg11[%swap3A_1465, %swap3A_1466] {strides = array<i32>} : memref<80x128xf32, #tpu.memory_space<vmem>>, vector<1x16xf32>,
        %swap3A_1468 = vector.shape_cast %swap3A_1467 : vector<1x16xf32> to vector<16xf32>
        %swap3A_1469 = vector.shape_cast %mul3A_1462 : vector<16xf32> to vector<1x16xf32>
        tpu.vector_store %arg11[%swap3A_1465, %swap3A_1466], %swap3A_1469 {strides = array<i32>} : memref<80x128xf32, #tpu.memory_space<vmem>>, vector<1x16xf32>,
        %add3A_1470 = arith.constant 12 : i32
        %add3A_1471 = arith.addi %mul3A_58, %add3A_1470 : i32
        %get3A_1472 = arith.index_cast %add3A_1471 : i32 to index
        %get3A_1473 = arith.constant 32 : index
        %get3A_1474 = tpu.vector_load %arg11[%get3A_1472, %get3A_1473] {strides = array<i32>} : memref<80x128xf32, #tpu.memory_space<vmem>>, vector<1x16xf32>,
        %get3A_1475 = vector.shape_cast %get3A_1474 : vector<1x16xf32> to vector<16xf32>
        %mul3A_1476 = arith.mulf %get3A_1475, %broadcast_in_dim3A_1441 : vector<16xf32>
        %add3A_1477 = arith.constant 12 : i32
        %add3A_1478 = arith.addi %mul3A_58, %add3A_1477 : i32
        %swap3A_1479 = arith.index_cast %add3A_1478 : i32 to index
        %swap3A_1480 = arith.constant 32 : index
        %swap3A_1481 = tpu.vector_load %arg11[%swap3A_1479, %swap3A_1480] {strides = array<i32>} : memref<80x128xf32, #tpu.memory_space<vmem>>, vector<1x16xf32>,
        %swap3A_1482 = vector.shape_cast %swap3A_1481 : vector<1x16xf32> to vector<16xf32>
        %swap3A_1483 = vector.shape_cast %mul3A_1476 : vector<16xf32> to vector<1x16xf32>
        tpu.vector_store %arg11[%swap3A_1479, %swap3A_1480], %swap3A_1483 {strides = array<i32>} : memref<80x128xf32, #tpu.memory_space<vmem>>, vector<1x16xf32>,
        %add3A_1484 = arith.constant 12 : i32
        %add3A_1485 = arith.addi %mul3A_58, %add3A_1484 : i32
        %get3A_1486 = arith.index_cast %add3A_1485 : i32 to index
        %get3A_1487 = arith.constant 48 : index
        %get3A_1488 = tpu.vector_load %arg11[%get3A_1486, %get3A_1487] {strides = array<i32>} : memref<80x128xf32, #tpu.memory_space<vmem>>, vector<1x16xf32>,
        %get3A_1489 = vector.shape_cast %get3A_1488 : vector<1x16xf32> to vector<16xf32>
        %mul3A_1490 = arith.mulf %get3A_1489, %broadcast_in_dim3A_1441 : vector<16xf32>
        %add3A_1491 = arith.constant 12 : i32
        %add3A_1492 = arith.addi %mul3A_58, %add3A_1491 : i32
        %swap3A_1493 = arith.index_cast %add3A_1492 : i32 to index
        %swap3A_1494 = arith.constant 48 : index
        %swap3A_1495 = tpu.vector_load %arg11[%swap3A_1493, %swap3A_1494] {strides = array<i32>} : memref<80x128xf32, #tpu.memory_space<vmem>>, vector<1x16xf32>,
        %swap3A_1496 = vector.shape_cast %swap3A_1495 : vector<1x16xf32> to vector<16xf32>
        %swap3A_1497 = vector.shape_cast %mul3A_1490 : vector<16xf32> to vector<1x16xf32>
        tpu.vector_store %arg11[%swap3A_1493, %swap3A_1494], %swap3A_1497 {strides = array<i32>} : memref<80x128xf32, #tpu.memory_space<vmem>>, vector<1x16xf32>,
        %add3A_1498 = arith.constant 12 : i32
        %add3A_1499 = arith.addi %mul3A_58, %add3A_1498 : i32
        %get3A_1500 = arith.index_cast %add3A_1499 : i32 to index
        %get3A_1501 = arith.constant 64 : index
        %get3A_1502 = tpu.vector_load %arg11[%get3A_1500, %get3A_1501] {strides = array<i32>} : memref<80x128xf32, #tpu.memory_space<vmem>>, vector<1x16xf32>,
        %get3A_1503 = vector.shape_cast %get3A_1502 : vector<1x16xf32> to vector<16xf32>
        %mul3A_1504 = arith.mulf %get3A_1503, %broadcast_in_dim3A_1441 : vector<16xf32>
        %add3A_1505 = arith.constant 12 : i32
        %add3A_1506 = arith.addi %mul3A_58, %add3A_1505 : i32
        %swap3A_1507 = arith.index_cast %add3A_1506 : i32 to index
        %swap3A_1508 = arith.constant 64 : index
        %swap3A_1509 = tpu.vector_load %arg11[%swap3A_1507, %swap3A_1508] {strides = array<i32>} : memref<80x128xf32, #tpu.memory_space<vmem>>, vector<1x16xf32>,
        %swap3A_1510 = vector.shape_cast %swap3A_1509 : vector<1x16xf32> to vector<16xf32>
        %swap3A_1511 = vector.shape_cast %mul3A_1504 : vector<16xf32> to vector<1x16xf32>
        tpu.vector_store %arg11[%swap3A_1507, %swap3A_1508], %swap3A_1511 {strides = array<i32>} : memref<80x128xf32, #tpu.memory_space<vmem>>, vector<1x16xf32>,
        %add3A_1512 = arith.constant 12 : i32
        %add3A_1513 = arith.addi %mul3A_58, %add3A_1512 : i32
        %get3A_1514 = arith.index_cast %add3A_1513 : i32 to index
        %get3A_1515 = arith.constant 80 : index
        %get3A_1516 = tpu.vector_load %arg11[%get3A_1514, %get3A_1515] {strides = array<i32>} : memref<80x128xf32, #tpu.memory_space<vmem>>, vector<1x16xf32>,
        %get3A_1517 = vector.shape_cast %get3A_1516 : vector<1x16xf32> to vector<16xf32>
        %mul3A_1518 = arith.mulf %get3A_1517, %broadcast_in_dim3A_1441 : vector<16xf32>
        %add3A_1519 = arith.constant 12 : i32
        %add3A_1520 = arith.addi %mul3A_58, %add3A_1519 : i32
        %swap3A_1521 = arith.index_cast %add3A_1520 : i32 to index
        %swap3A_1522 = arith.constant 80 : index
        %swap3A_1523 = tpu.vector_load %arg11[%swap3A_1521, %swap3A_1522] {strides = array<i32>} : memref<80x128xf32, #tpu.memory_space<vmem>>, vector<1x16xf32>,
        %swap3A_1524 = vector.shape_cast %swap3A_1523 : vector<1x16xf32> to vector<16xf32>
        %swap3A_1525 = vector.shape_cast %mul3A_1518 : vector<16xf32> to vector<1x16xf32>
        tpu.vector_store %arg11[%swap3A_1521, %swap3A_1522], %swap3A_1525 {strides = array<i32>} : memref<80x128xf32, #tpu.memory_space<vmem>>, vector<1x16xf32>,
        %add3A_1526 = arith.constant 12 : i32
        %add3A_1527 = arith.addi %mul3A_58, %add3A_1526 : i32
        %get3A_1528 = arith.index_cast %add3A_1527 : i32 to index
        %get3A_1529 = arith.constant 96 : index
        %get3A_1530 = tpu.vector_load %arg11[%get3A_1528, %get3A_1529] {strides = array<i32>} : memref<80x128xf32, #tpu.memory_space<vmem>>, vector<1x16xf32>,
        %get3A_1531 = vector.shape_cast %get3A_1530 : vector<1x16xf32> to vector<16xf32>
        %mul3A_1532 = arith.mulf %get3A_1531, %broadcast_in_dim3A_1441 : vector<16xf32>
        %add3A_1533 = arith.constant 12 : i32
        %add3A_1534 = arith.addi %mul3A_58, %add3A_1533 : i32
        %swap3A_1535 = arith.index_cast %add3A_1534 : i32 to index
        %swap3A_1536 = arith.constant 96 : index
        %swap3A_1537 = tpu.vector_load %arg11[%swap3A_1535, %swap3A_1536] {strides = array<i32>} : memref<80x128xf32, #tpu.memory_space<vmem>>, vector<1x16xf32>,
        %swap3A_1538 = vector.shape_cast %swap3A_1537 : vector<1x16xf32> to vector<16xf32>
        %swap3A_1539 = vector.shape_cast %mul3A_1532 : vector<16xf32> to vector<1x16xf32>
        tpu.vector_store %arg11[%swap3A_1535, %swap3A_1536], %swap3A_1539 {strides = array<i32>} : memref<80x128xf32, #tpu.memory_space<vmem>>, vector<1x16xf32>,
        %add3A_1540 = arith.constant 12 : i32
        %add3A_1541 = arith.addi %mul3A_58, %add3A_1540 : i32
        %get3A_1542 = arith.index_cast %add3A_1541 : i32 to index
        %get3A_1543 = arith.constant 112 : index
        %get3A_1544 = tpu.vector_load %arg11[%get3A_1542, %get3A_1543] {strides = array<i32>} : memref<80x128xf32, #tpu.memory_space<vmem>>, vector<1x16xf32>,
        %get3A_1545 = vector.shape_cast %get3A_1544 : vector<1x16xf32> to vector<16xf32>
        %mul3A_1546 = arith.mulf %get3A_1545, %broadcast_in_dim3A_1441 : vector<16xf32>
        %add3A_1547 = arith.constant 12 : i32
        %add3A_1548 = arith.addi %mul3A_58, %add3A_1547 : i32
        %swap3A_1549 = arith.index_cast %add3A_1548 : i32 to index
        %swap3A_1550 = arith.constant 112 : index
        %swap3A_1551 = tpu.vector_load %arg11[%swap3A_1549, %swap3A_1550] {strides = array<i32>} : memref<80x128xf32, #tpu.memory_space<vmem>>, vector<1x16xf32>,
        %swap3A_1552 = vector.shape_cast %swap3A_1551 : vector<1x16xf32> to vector<16xf32>
        %swap3A_1553 = vector.shape_cast %mul3A_1546 : vector<16xf32> to vector<1x16xf32>
        tpu.vector_store %arg11[%swap3A_1549, %swap3A_1550], %swap3A_1553 {strides = array<i32>} : memref<80x128xf32, #tpu.memory_space<vmem>>, vector<1x16xf32>,
        %slice3A_1554 = vector.extract_strided_slice %get3A_61 {offsets = [13], sizes = [1], strides = [1]} : vector<16xf32> to vector<1xf32>
        %squeeze3A_1555 = vector.extract %slice3A_1554[0] : f32 from vector<1xf32>
        %broadcast_in_dim3A_1556 = vector.broadcast %squeeze3A_1555 : f32 to vector<16xf32>
        %add3A_1557 = arith.constant 13 : i32
        %add3A_1558 = arith.addi %mul3A_58, %add3A_1557 : i32
        %get3A_1559 = arith.index_cast %add3A_1558 : i32 to index
        %get3A_1560 = arith.constant 0 : index
        %get3A_1561 = tpu.vector_load %arg11[%get3A_1559, %get3A_1560] {strides = array<i32>} : memref<80x128xf32, #tpu.memory_space<vmem>>, vector<1x16xf32>,
        %get3A_1562 = vector.shape_cast %get3A_1561 : vector<1x16xf32> to vector<16xf32>
        %mul3A_1563 = arith.mulf %get3A_1562, %broadcast_in_dim3A_1556 : vector<16xf32>
        %add3A_1564 = arith.constant 13 : i32
        %add3A_1565 = arith.addi %mul3A_58, %add3A_1564 : i32
        %swap3A_1566 = arith.index_cast %add3A_1565 : i32 to index
        %swap3A_1567 = arith.constant 0 : index
        %swap3A_1568 = tpu.vector_load %arg11[%swap3A_1566, %swap3A_1567] {strides = array<i32>} : memref<80x128xf32, #tpu.memory_space<vmem>>, vector<1x16xf32>,
        %swap3A_1569 = vector.shape_cast %swap3A_1568 : vector<1x16xf32> to vector<16xf32>
        %swap3A_1570 = vector.shape_cast %mul3A_1563 : vector<16xf32> to vector<1x16xf32>
        tpu.vector_store %arg11[%swap3A_1566, %swap3A_1567], %swap3A_1570 {strides = array<i32>} : memref<80x128xf32, #tpu.memory_space<vmem>>, vector<1x16xf32>,
        %add3A_1571 = arith.constant 13 : i32
        %add3A_1572 = arith.addi %mul3A_58, %add3A_1571 : i32
        %get3A_1573 = arith.index_cast %add3A_1572 : i32 to index
        %get3A_1574 = arith.constant 16 : index
        %get3A_1575 = tpu.vector_load %arg11[%get3A_1573, %get3A_1574] {strides = array<i32>} : memref<80x128xf32, #tpu.memory_space<vmem>>, vector<1x16xf32>,
        %get3A_1576 = vector.shape_cast %get3A_1575 : vector<1x16xf32> to vector<16xf32>
        %mul3A_1577 = arith.mulf %get3A_1576, %broadcast_in_dim3A_1556 : vector<16xf32>
        %add3A_1578 = arith.constant 13 : i32
        %add3A_1579 = arith.addi %mul3A_58, %add3A_1578 : i32
        %swap3A_1580 = arith.index_cast %add3A_1579 : i32 to index
        %swap3A_1581 = arith.constant 16 : index
        %swap3A_1582 = tpu.vector_load %arg11[%swap3A_1580, %swap3A_1581] {strides = array<i32>} : memref<80x128xf32, #tpu.memory_space<vmem>>, vector<1x16xf32>,
        %swap3A_1583 = vector.shape_cast %swap3A_1582 : vector<1x16xf32> to vector<16xf32>
        %swap3A_1584 = vector.shape_cast %mul3A_1577 : vector<16xf32> to vector<1x16xf32>
        tpu.vector_store %arg11[%swap3A_1580, %swap3A_1581], %swap3A_1584 {strides = array<i32>} : memref<80x128xf32, #tpu.memory_space<vmem>>, vector<1x16xf32>,
        %add3A_1585 = arith.constant 13 : i32
        %add3A_1586 = arith.addi %mul3A_58, %add3A_1585 : i32
        %get3A_1587 = arith.index_cast %add3A_1586 : i32 to index
        %get3A_1588 = arith.constant 32 : index
        %get3A_1589 = tpu.vector_load %arg11[%get3A_1587, %get3A_1588] {strides = array<i32>} : memref<80x128xf32, #tpu.memory_space<vmem>>, vector<1x16xf32>,
        %get3A_1590 = vector.shape_cast %get3A_1589 : vector<1x16xf32> to vector<16xf32>
        %mul3A_1591 = arith.mulf %get3A_1590, %broadcast_in_dim3A_1556 : vector<16xf32>
        %add3A_1592 = arith.constant 13 : i32
        %add3A_1593 = arith.addi %mul3A_58, %add3A_1592 : i32
        %swap3A_1594 = arith.index_cast %add3A_1593 : i32 to index
        %swap3A_1595 = arith.constant 32 : index
        %swap3A_1596 = tpu.vector_load %arg11[%swap3A_1594, %swap3A_1595] {strides = array<i32>} : memref<80x128xf32, #tpu.memory_space<vmem>>, vector<1x16xf32>,
        %swap3A_1597 = vector.shape_cast %swap3A_1596 : vector<1x16xf32> to vector<16xf32>
        %swap3A_1598 = vector.shape_cast %mul3A_1591 : vector<16xf32> to vector<1x16xf32>
        tpu.vector_store %arg11[%swap3A_1594, %swap3A_1595], %swap3A_1598 {strides = array<i32>} : memref<80x128xf32, #tpu.memory_space<vmem>>, vector<1x16xf32>,
        %add3A_1599 = arith.constant 13 : i32
        %add3A_1600 = arith.addi %mul3A_58, %add3A_1599 : i32
        %get3A_1601 = arith.index_cast %add3A_1600 : i32 to index
        %get3A_1602 = arith.constant 48 : index
        %get3A_1603 = tpu.vector_load %arg11[%get3A_1601, %get3A_1602] {strides = array<i32>} : memref<80x128xf32, #tpu.memory_space<vmem>>, vector<1x16xf32>,
        %get3A_1604 = vector.shape_cast %get3A_1603 : vector<1x16xf32> to vector<16xf32>
        %mul3A_1605 = arith.mulf %get3A_1604, %broadcast_in_dim3A_1556 : vector<16xf32>
        %add3A_1606 = arith.constant 13 : i32
        %add3A_1607 = arith.addi %mul3A_58, %add3A_1606 : i32
        %swap3A_1608 = arith.index_cast %add3A_1607 : i32 to index
        %swap3A_1609 = arith.constant 48 : index
        %swap3A_1610 = tpu.vector_load %arg11[%swap3A_1608, %swap3A_1609] {strides = array<i32>} : memref<80x128xf32, #tpu.memory_space<vmem>>, vector<1x16xf32>,
        %swap3A_1611 = vector.shape_cast %swap3A_1610 : vector<1x16xf32> to vector<16xf32>
        %swap3A_1612 = vector.shape_cast %mul3A_1605 : vector<16xf32> to vector<1x16xf32>
        tpu.vector_store %arg11[%swap3A_1608, %swap3A_1609], %swap3A_1612 {strides = array<i32>} : memref<80x128xf32, #tpu.memory_space<vmem>>, vector<1x16xf32>,
        %add3A_1613 = arith.constant 13 : i32
        %add3A_1614 = arith.addi %mul3A_58, %add3A_1613 : i32
        %get3A_1615 = arith.index_cast %add3A_1614 : i32 to index
        %get3A_1616 = arith.constant 64 : index
        %get3A_1617 = tpu.vector_load %arg11[%get3A_1615, %get3A_1616] {strides = array<i32>} : memref<80x128xf32, #tpu.memory_space<vmem>>, vector<1x16xf32>,
        %get3A_1618 = vector.shape_cast %get3A_1617 : vector<1x16xf32> to vector<16xf32>
        %mul3A_1619 = arith.mulf %get3A_1618, %broadcast_in_dim3A_1556 : vector<16xf32>
        %add3A_1620 = arith.constant 13 : i32
        %add3A_1621 = arith.addi %mul3A_58, %add3A_1620 : i32
        %swap3A_1622 = arith.index_cast %add3A_1621 : i32 to index
        %swap3A_1623 = arith.constant 64 : index
        %swap3A_1624 = tpu.vector_load %arg11[%swap3A_1622, %swap3A_1623] {strides = array<i32>} : memref<80x128xf32, #tpu.memory_space<vmem>>, vector<1x16xf32>,
        %swap3A_1625 = vector.shape_cast %swap3A_1624 : vector<1x16xf32> to vector<16xf32>
        %swap3A_1626 = vector.shape_cast %mul3A_1619 : vector<16xf32> to vector<1x16xf32>
        tpu.vector_store %arg11[%swap3A_1622, %swap3A_1623], %swap3A_1626 {strides = array<i32>} : memref<80x128xf32, #tpu.memory_space<vmem>>, vector<1x16xf32>,
        %add3A_1627 = arith.constant 13 : i32
        %add3A_1628 = arith.addi %mul3A_58, %add3A_1627 : i32
        %get3A_1629 = arith.index_cast %add3A_1628 : i32 to index
        %get3A_1630 = arith.constant 80 : index
        %get3A_1631 = tpu.vector_load %arg11[%get3A_1629, %get3A_1630] {strides = array<i32>} : memref<80x128xf32, #tpu.memory_space<vmem>>, vector<1x16xf32>,
        %get3A_1632 = vector.shape_cast %get3A_1631 : vector<1x16xf32> to vector<16xf32>
        %mul3A_1633 = arith.mulf %get3A_1632, %broadcast_in_dim3A_1556 : vector<16xf32>
        %add3A_1634 = arith.constant 13 : i32
        %add3A_1635 = arith.addi %mul3A_58, %add3A_1634 : i32
        %swap3A_1636 = arith.index_cast %add3A_1635 : i32 to index
        %swap3A_1637 = arith.constant 80 : index
        %swap3A_1638 = tpu.vector_load %arg11[%swap3A_1636, %swap3A_1637] {strides = array<i32>} : memref<80x128xf32, #tpu.memory_space<vmem>>, vector<1x16xf32>,
        %swap3A_1639 = vector.shape_cast %swap3A_1638 : vector<1x16xf32> to vector<16xf32>
        %swap3A_1640 = vector.shape_cast %mul3A_1633 : vector<16xf32> to vector<1x16xf32>
        tpu.vector_store %arg11[%swap3A_1636, %swap3A_1637], %swap3A_1640 {strides = array<i32>} : memref<80x128xf32, #tpu.memory_space<vmem>>, vector<1x16xf32>,
        %add3A_1641 = arith.constant 13 : i32
        %add3A_1642 = arith.addi %mul3A_58, %add3A_1641 : i32
        %get3A_1643 = arith.index_cast %add3A_1642 : i32 to index
        %get3A_1644 = arith.constant 96 : index
        %get3A_1645 = tpu.vector_load %arg11[%get3A_1643, %get3A_1644] {strides = array<i32>} : memref<80x128xf32, #tpu.memory_space<vmem>>, vector<1x16xf32>,
        %get3A_1646 = vector.shape_cast %get3A_1645 : vector<1x16xf32> to vector<16xf32>
        %mul3A_1647 = arith.mulf %get3A_1646, %broadcast_in_dim3A_1556 : vector<16xf32>
        %add3A_1648 = arith.constant 13 : i32
        %add3A_1649 = arith.addi %mul3A_58, %add3A_1648 : i32
        %swap3A_1650 = arith.index_cast %add3A_1649 : i32 to index
        %swap3A_1651 = arith.constant 96 : index
        %swap3A_1652 = tpu.vector_load %arg11[%swap3A_1650, %swap3A_1651] {strides = array<i32>} : memref<80x128xf32, #tpu.memory_space<vmem>>, vector<1x16xf32>,
        %swap3A_1653 = vector.shape_cast %swap3A_1652 : vector<1x16xf32> to vector<16xf32>
        %swap3A_1654 = vector.shape_cast %mul3A_1647 : vector<16xf32> to vector<1x16xf32>
        tpu.vector_store %arg11[%swap3A_1650, %swap3A_1651], %swap3A_1654 {strides = array<i32>} : memref<80x128xf32, #tpu.memory_space<vmem>>, vector<1x16xf32>,
        %add3A_1655 = arith.constant 13 : i32
        %add3A_1656 = arith.addi %mul3A_58, %add3A_1655 : i32
        %get3A_1657 = arith.index_cast %add3A_1656 : i32 to index
        %get3A_1658 = arith.constant 112 : index
        %get3A_1659 = tpu.vector_load %arg11[%get3A_1657, %get3A_1658] {strides = array<i32>} : memref<80x128xf32, #tpu.memory_space<vmem>>, vector<1x16xf32>,
        %get3A_1660 = vector.shape_cast %get3A_1659 : vector<1x16xf32> to vector<16xf32>
        %mul3A_1661 = arith.mulf %get3A_1660, %broadcast_in_dim3A_1556 : vector<16xf32>
        %add3A_1662 = arith.constant 13 : i32
        %add3A_1663 = arith.addi %mul3A_58, %add3A_1662 : i32
        %swap3A_1664 = arith.index_cast %add3A_1663 : i32 to index
        %swap3A_1665 = arith.constant 112 : index
        %swap3A_1666 = tpu.vector_load %arg11[%swap3A_1664, %swap3A_1665] {strides = array<i32>} : memref<80x128xf32, #tpu.memory_space<vmem>>, vector<1x16xf32>,
        %swap3A_1667 = vector.shape_cast %swap3A_1666 : vector<1x16xf32> to vector<16xf32>
        %swap3A_1668 = vector.shape_cast %mul3A_1661 : vector<16xf32> to vector<1x16xf32>
        tpu.vector_store %arg11[%swap3A_1664, %swap3A_1665], %swap3A_1668 {strides = array<i32>} : memref<80x128xf32, #tpu.memory_space<vmem>>, vector<1x16xf32>,
        %slice3A_1669 = vector.extract_strided_slice %get3A_61 {offsets = [14], sizes = [1], strides = [1]} : vector<16xf32> to vector<1xf32>
        %squeeze3A_1670 = vector.extract %slice3A_1669[0] : f32 from vector<1xf32>
        %broadcast_in_dim3A_1671 = vector.broadcast %squeeze3A_1670 : f32 to vector<16xf32>
        %add3A_1672 = arith.constant 14 : i32
        %add3A_1673 = arith.addi %mul3A_58, %add3A_1672 : i32
        %get3A_1674 = arith.index_cast %add3A_1673 : i32 to index
        %get3A_1675 = arith.constant 0 : index
        %get3A_1676 = tpu.vector_load %arg11[%get3A_1674, %get3A_1675] {strides = array<i32>} : memref<80x128xf32, #tpu.memory_space<vmem>>, vector<1x16xf32>,
        %get3A_1677 = vector.shape_cast %get3A_1676 : vector<1x16xf32> to vector<16xf32>
        %mul3A_1678 = arith.mulf %get3A_1677, %broadcast_in_dim3A_1671 : vector<16xf32>
        %add3A_1679 = arith.constant 14 : i32
        %add3A_1680 = arith.addi %mul3A_58, %add3A_1679 : i32
        %swap3A_1681 = arith.index_cast %add3A_1680 : i32 to index
        %swap3A_1682 = arith.constant 0 : index
        %swap3A_1683 = tpu.vector_load %arg11[%swap3A_1681, %swap3A_1682] {strides = array<i32>} : memref<80x128xf32, #tpu.memory_space<vmem>>, vector<1x16xf32>,
        %swap3A_1684 = vector.shape_cast %swap3A_1683 : vector<1x16xf32> to vector<16xf32>
        %swap3A_1685 = vector.shape_cast %mul3A_1678 : vector<16xf32> to vector<1x16xf32>
        tpu.vector_store %arg11[%swap3A_1681, %swap3A_1682], %swap3A_1685 {strides = array<i32>} : memref<80x128xf32, #tpu.memory_space<vmem>>, vector<1x16xf32>,
        %add3A_1686 = arith.constant 14 : i32
        %add3A_1687 = arith.addi %mul3A_58, %add3A_1686 : i32
        %get3A_1688 = arith.index_cast %add3A_1687 : i32 to index
        %get3A_1689 = arith.constant 16 : index
        %get3A_1690 = tpu.vector_load %arg11[%get3A_1688, %get3A_1689] {strides = array<i32>} : memref<80x128xf32, #tpu.memory_space<vmem>>, vector<1x16xf32>,
        %get3A_1691 = vector.shape_cast %get3A_1690 : vector<1x16xf32> to vector<16xf32>
        %mul3A_1692 = arith.mulf %get3A_1691, %broadcast_in_dim3A_1671 : vector<16xf32>
        %add3A_1693 = arith.constant 14 : i32
        %add3A_1694 = arith.addi %mul3A_58, %add3A_1693 : i32
        %swap3A_1695 = arith.index_cast %add3A_1694 : i32 to index
        %swap3A_1696 = arith.constant 16 : index
        %swap3A_1697 = tpu.vector_load %arg11[%swap3A_1695, %swap3A_1696] {strides = array<i32>} : memref<80x128xf32, #tpu.memory_space<vmem>>, vector<1x16xf32>,
        %swap3A_1698 = vector.shape_cast %swap3A_1697 : vector<1x16xf32> to vector<16xf32>
        %swap3A_1699 = vector.shape_cast %mul3A_1692 : vector<16xf32> to vector<1x16xf32>
        tpu.vector_store %arg11[%swap3A_1695, %swap3A_1696], %swap3A_1699 {strides = array<i32>} : memref<80x128xf32, #tpu.memory_space<vmem>>, vector<1x16xf32>,
        %add3A_1700 = arith.constant 14 : i32
        %add3A_1701 = arith.addi %mul3A_58, %add3A_1700 : i32
        %get3A_1702 = arith.index_cast %add3A_1701 : i32 to index
        %get3A_1703 = arith.constant 32 : index
        %get3A_1704 = tpu.vector_load %arg11[%get3A_1702, %get3A_1703] {strides = array<i32>} : memref<80x128xf32, #tpu.memory_space<vmem>>, vector<1x16xf32>,
        %get3A_1705 = vector.shape_cast %get3A_1704 : vector<1x16xf32> to vector<16xf32>
        %mul3A_1706 = arith.mulf %get3A_1705, %broadcast_in_dim3A_1671 : vector<16xf32>
        %add3A_1707 = arith.constant 14 : i32
        %add3A_1708 = arith.addi %mul3A_58, %add3A_1707 : i32
        %swap3A_1709 = arith.index_cast %add3A_1708 : i32 to index
        %swap3A_1710 = arith.constant 32 : index
        %swap3A_1711 = tpu.vector_load %arg11[%swap3A_1709, %swap3A_1710] {strides = array<i32>} : memref<80x128xf32, #tpu.memory_space<vmem>>, vector<1x16xf32>,
        %swap3A_1712 = vector.shape_cast %swap3A_1711 : vector<1x16xf32> to vector<16xf32>
        %swap3A_1713 = vector.shape_cast %mul3A_1706 : vector<16xf32> to vector<1x16xf32>
        tpu.vector_store %arg11[%swap3A_1709, %swap3A_1710], %swap3A_1713 {strides = array<i32>} : memref<80x128xf32, #tpu.memory_space<vmem>>, vector<1x16xf32>,
        %add3A_1714 = arith.constant 14 : i32
        %add3A_1715 = arith.addi %mul3A_58, %add3A_1714 : i32
        %get3A_1716 = arith.index_cast %add3A_1715 : i32 to index
        %get3A_1717 = arith.constant 48 : index
        %get3A_1718 = tpu.vector_load %arg11[%get3A_1716, %get3A_1717] {strides = array<i32>} : memref<80x128xf32, #tpu.memory_space<vmem>>, vector<1x16xf32>,
        %get3A_1719 = vector.shape_cast %get3A_1718 : vector<1x16xf32> to vector<16xf32>
        %mul3A_1720 = arith.mulf %get3A_1719, %broadcast_in_dim3A_1671 : vector<16xf32>
        %add3A_1721 = arith.constant 14 : i32
        %add3A_1722 = arith.addi %mul3A_58, %add3A_1721 : i32
        %swap3A_1723 = arith.index_cast %add3A_1722 : i32 to index
        %swap3A_1724 = arith.constant 48 : index
        %swap3A_1725 = tpu.vector_load %arg11[%swap3A_1723, %swap3A_1724] {strides = array<i32>} : memref<80x128xf32, #tpu.memory_space<vmem>>, vector<1x16xf32>,
        %swap3A_1726 = vector.shape_cast %swap3A_1725 : vector<1x16xf32> to vector<16xf32>
        %swap3A_1727 = vector.shape_cast %mul3A_1720 : vector<16xf32> to vector<1x16xf32>
        tpu.vector_store %arg11[%swap3A_1723, %swap3A_1724], %swap3A_1727 {strides = array<i32>} : memref<80x128xf32, #tpu.memory_space<vmem>>, vector<1x16xf32>,
        %add3A_1728 = arith.constant 14 : i32
        %add3A_1729 = arith.addi %mul3A_58, %add3A_1728 : i32
        %get3A_1730 = arith.index_cast %add3A_1729 : i32 to index
        %get3A_1731 = arith.constant 64 : index
        %get3A_1732 = tpu.vector_load %arg11[%get3A_1730, %get3A_1731] {strides = array<i32>} : memref<80x128xf32, #tpu.memory_space<vmem>>, vector<1x16xf32>,
        %get3A_1733 = vector.shape_cast %get3A_1732 : vector<1x16xf32> to vector<16xf32>
        %mul3A_1734 = arith.mulf %get3A_1733, %broadcast_in_dim3A_1671 : vector<16xf32>
        %add3A_1735 = arith.constant 14 : i32
        %add3A_1736 = arith.addi %mul3A_58, %add3A_1735 : i32
        %swap3A_1737 = arith.index_cast %add3A_1736 : i32 to index
        %swap3A_1738 = arith.constant 64 : index
        %swap3A_1739 = tpu.vector_load %arg11[%swap3A_1737, %swap3A_1738] {strides = array<i32>} : memref<80x128xf32, #tpu.memory_space<vmem>>, vector<1x16xf32>,
        %swap3A_1740 = vector.shape_cast %swap3A_1739 : vector<1x16xf32> to vector<16xf32>
        %swap3A_1741 = vector.shape_cast %mul3A_1734 : vector<16xf32> to vector<1x16xf32>
        tpu.vector_store %arg11[%swap3A_1737, %swap3A_1738], %swap3A_1741 {strides = array<i32>} : memref<80x128xf32, #tpu.memory_space<vmem>>, vector<1x16xf32>,
        %add3A_1742 = arith.constant 14 : i32
        %add3A_1743 = arith.addi %mul3A_58, %add3A_1742 : i32
        %get3A_1744 = arith.index_cast %add3A_1743 : i32 to index
        %get3A_1745 = arith.constant 80 : index
        %get3A_1746 = tpu.vector_load %arg11[%get3A_1744, %get3A_1745] {strides = array<i32>} : memref<80x128xf32, #tpu.memory_space<vmem>>, vector<1x16xf32>,
        %get3A_1747 = vector.shape_cast %get3A_1746 : vector<1x16xf32> to vector<16xf32>
        %mul3A_1748 = arith.mulf %get3A_1747, %broadcast_in_dim3A_1671 : vector<16xf32>
        %add3A_1749 = arith.constant 14 : i32
        %add3A_1750 = arith.addi %mul3A_58, %add3A_1749 : i32
        %swap3A_1751 = arith.index_cast %add3A_1750 : i32 to index
        %swap3A_1752 = arith.constant 80 : index
        %swap3A_1753 = tpu.vector_load %arg11[%swap3A_1751, %swap3A_1752] {strides = array<i32>} : memref<80x128xf32, #tpu.memory_space<vmem>>, vector<1x16xf32>,
        %swap3A_1754 = vector.shape_cast %swap3A_1753 : vector<1x16xf32> to vector<16xf32>
        %swap3A_1755 = vector.shape_cast %mul3A_1748 : vector<16xf32> to vector<1x16xf32>
        tpu.vector_store %arg11[%swap3A_1751, %swap3A_1752], %swap3A_1755 {strides = array<i32>} : memref<80x128xf32, #tpu.memory_space<vmem>>, vector<1x16xf32>,
        %add3A_1756 = arith.constant 14 : i32
        %add3A_1757 = arith.addi %mul3A_58, %add3A_1756 : i32
        %get3A_1758 = arith.index_cast %add3A_1757 : i32 to index
        %get3A_1759 = arith.constant 96 : index
        %get3A_1760 = tpu.vector_load %arg11[%get3A_1758, %get3A_1759] {strides = array<i32>} : memref<80x128xf32, #tpu.memory_space<vmem>>, vector<1x16xf32>,
        %get3A_1761 = vector.shape_cast %get3A_1760 : vector<1x16xf32> to vector<16xf32>
        %mul3A_1762 = arith.mulf %get3A_1761, %broadcast_in_dim3A_1671 : vector<16xf32>
        %add3A_1763 = arith.constant 14 : i32
        %add3A_1764 = arith.addi %mul3A_58, %add3A_1763 : i32
        %swap3A_1765 = arith.index_cast %add3A_1764 : i32 to index
        %swap3A_1766 = arith.constant 96 : index
        %swap3A_1767 = tpu.vector_load %arg11[%swap3A_1765, %swap3A_1766] {strides = array<i32>} : memref<80x128xf32, #tpu.memory_space<vmem>>, vector<1x16xf32>,
        %swap3A_1768 = vector.shape_cast %swap3A_1767 : vector<1x16xf32> to vector<16xf32>
        %swap3A_1769 = vector.shape_cast %mul3A_1762 : vector<16xf32> to vector<1x16xf32>
        tpu.vector_store %arg11[%swap3A_1765, %swap3A_1766], %swap3A_1769 {strides = array<i32>} : memref<80x128xf32, #tpu.memory_space<vmem>>, vector<1x16xf32>,
        %add3A_1770 = arith.constant 14 : i32
        %add3A_1771 = arith.addi %mul3A_58, %add3A_1770 : i32
        %get3A_1772 = arith.index_cast %add3A_1771 : i32 to index
        %get3A_1773 = arith.constant 112 : index
        %get3A_1774 = tpu.vector_load %arg11[%get3A_1772, %get3A_1773] {strides = array<i32>} : memref<80x128xf32, #tpu.memory_space<vmem>>, vector<1x16xf32>,
        %get3A_1775 = vector.shape_cast %get3A_1774 : vector<1x16xf32> to vector<16xf32>
        %mul3A_1776 = arith.mulf %get3A_1775, %broadcast_in_dim3A_1671 : vector<16xf32>
        %add3A_1777 = arith.constant 14 : i32
        %add3A_1778 = arith.addi %mul3A_58, %add3A_1777 : i32
        %swap3A_1779 = arith.index_cast %add3A_1778 : i32 to index
        %swap3A_1780 = arith.constant 112 : index
        %swap3A_1781 = tpu.vector_load %arg11[%swap3A_1779, %swap3A_1780] {strides = array<i32>} : memref<80x128xf32, #tpu.memory_space<vmem>>, vector<1x16xf32>,
        %swap3A_1782 = vector.shape_cast %swap3A_1781 : vector<1x16xf32> to vector<16xf32>
        %swap3A_1783 = vector.shape_cast %mul3A_1776 : vector<16xf32> to vector<1x16xf32>
        tpu.vector_store %arg11[%swap3A_1779, %swap3A_1780], %swap3A_1783 {strides = array<i32>} : memref<80x128xf32, #tpu.memory_space<vmem>>, vector<1x16xf32>,
        %slice3A_1784 = vector.extract_strided_slice %get3A_61 {offsets = [15], sizes = [1], strides = [1]} : vector<16xf32> to vector<1xf32>
        %squeeze3A_1785 = vector.extract %slice3A_1784[0] : f32 from vector<1xf32>
        %broadcast_in_dim3A_1786 = vector.broadcast %squeeze3A_1785 : f32 to vector<16xf32>
        %add3A_1787 = arith.constant 15 : i32
        %add3A_1788 = arith.addi %mul3A_58, %add3A_1787 : i32
        %get3A_1789 = arith.index_cast %add3A_1788 : i32 to index
        %get3A_1790 = arith.constant 0 : index
        %get3A_1791 = tpu.vector_load %arg11[%get3A_1789, %get3A_1790] {strides = array<i32>} : memref<80x128xf32, #tpu.memory_space<vmem>>, vector<1x16xf32>,
        %get3A_1792 = vector.shape_cast %get3A_1791 : vector<1x16xf32> to vector<16xf32>
        %mul3A_1793 = arith.mulf %get3A_1792, %broadcast_in_dim3A_1786 : vector<16xf32>
        %add3A_1794 = arith.constant 15 : i32
        %add3A_1795 = arith.addi %mul3A_58, %add3A_1794 : i32
        %swap3A_1796 = arith.index_cast %add3A_1795 : i32 to index
        %swap3A_1797 = arith.constant 0 : index
        %swap3A_1798 = tpu.vector_load %arg11[%swap3A_1796, %swap3A_1797] {strides = array<i32>} : memref<80x128xf32, #tpu.memory_space<vmem>>, vector<1x16xf32>,
        %swap3A_1799 = vector.shape_cast %swap3A_1798 : vector<1x16xf32> to vector<16xf32>
        %swap3A_1800 = vector.shape_cast %mul3A_1793 : vector<16xf32> to vector<1x16xf32>
        tpu.vector_store %arg11[%swap3A_1796, %swap3A_1797], %swap3A_1800 {strides = array<i32>} : memref<80x128xf32, #tpu.memory_space<vmem>>, vector<1x16xf32>,
        %add3A_1801 = arith.constant 15 : i32
        %add3A_1802 = arith.addi %mul3A_58, %add3A_1801 : i32
        %get3A_1803 = arith.index_cast %add3A_1802 : i32 to index
        %get3A_1804 = arith.constant 16 : index
        %get3A_1805 = tpu.vector_load %arg11[%get3A_1803, %get3A_1804] {strides = array<i32>} : memref<80x128xf32, #tpu.memory_space<vmem>>, vector<1x16xf32>,
        %get3A_1806 = vector.shape_cast %get3A_1805 : vector<1x16xf32> to vector<16xf32>
        %mul3A_1807 = arith.mulf %get3A_1806, %broadcast_in_dim3A_1786 : vector<16xf32>
        %add3A_1808 = arith.constant 15 : i32
        %add3A_1809 = arith.addi %mul3A_58, %add3A_1808 : i32
        %swap3A_1810 = arith.index_cast %add3A_1809 : i32 to index
        %swap3A_1811 = arith.constant 16 : index
        %swap3A_1812 = tpu.vector_load %arg11[%swap3A_1810, %swap3A_1811] {strides = array<i32>} : memref<80x128xf32, #tpu.memory_space<vmem>>, vector<1x16xf32>,
        %swap3A_1813 = vector.shape_cast %swap3A_1812 : vector<1x16xf32> to vector<16xf32>
        %swap3A_1814 = vector.shape_cast %mul3A_1807 : vector<16xf32> to vector<1x16xf32>
        tpu.vector_store %arg11[%swap3A_1810, %swap3A_1811], %swap3A_1814 {strides = array<i32>} : memref<80x128xf32, #tpu.memory_space<vmem>>, vector<1x16xf32>,
        %add3A_1815 = arith.constant 15 : i32
        %add3A_1816 = arith.addi %mul3A_58, %add3A_1815 : i32
        %get3A_1817 = arith.index_cast %add3A_1816 : i32 to index
        %get3A_1818 = arith.constant 32 : index
        %get3A_1819 = tpu.vector_load %arg11[%get3A_1817, %get3A_1818] {strides = array<i32>} : memref<80x128xf32, #tpu.memory_space<vmem>>, vector<1x16xf32>,
        %get3A_1820 = vector.shape_cast %get3A_1819 : vector<1x16xf32> to vector<16xf32>
        %mul3A_1821 = arith.mulf %get3A_1820, %broadcast_in_dim3A_1786 : vector<16xf32>
        %add3A_1822 = arith.constant 15 : i32
        %add3A_1823 = arith.addi %mul3A_58, %add3A_1822 : i32
        %swap3A_1824 = arith.index_cast %add3A_1823 : i32 to index
        %swap3A_1825 = arith.constant 32 : index
        %swap3A_1826 = tpu.vector_load %arg11[%swap3A_1824, %swap3A_1825] {strides = array<i32>} : memref<80x128xf32, #tpu.memory_space<vmem>>, vector<1x16xf32>,
        %swap3A_1827 = vector.shape_cast %swap3A_1826 : vector<1x16xf32> to vector<16xf32>
        %swap3A_1828 = vector.shape_cast %mul3A_1821 : vector<16xf32> to vector<1x16xf32>
        tpu.vector_store %arg11[%swap3A_1824, %swap3A_1825], %swap3A_1828 {strides = array<i32>} : memref<80x128xf32, #tpu.memory_space<vmem>>, vector<1x16xf32>,
        %add3A_1829 = arith.constant 15 : i32
        %add3A_1830 = arith.addi %mul3A_58, %add3A_1829 : i32
        %get3A_1831 = arith.index_cast %add3A_1830 : i32 to index
        %get3A_1832 = arith.constant 48 : index
        %get3A_1833 = tpu.vector_load %arg11[%get3A_1831, %get3A_1832] {strides = array<i32>} : memref<80x128xf32, #tpu.memory_space<vmem>>, vector<1x16xf32>,
        %get3A_1834 = vector.shape_cast %get3A_1833 : vector<1x16xf32> to vector<16xf32>
        %mul3A_1835 = arith.mulf %get3A_1834, %broadcast_in_dim3A_1786 : vector<16xf32>
        %add3A_1836 = arith.constant 15 : i32
        %add3A_1837 = arith.addi %mul3A_58, %add3A_1836 : i32
        %swap3A_1838 = arith.index_cast %add3A_1837 : i32 to index
        %swap3A_1839 = arith.constant 48 : index
        %swap3A_1840 = tpu.vector_load %arg11[%swap3A_1838, %swap3A_1839] {strides = array<i32>} : memref<80x128xf32, #tpu.memory_space<vmem>>, vector<1x16xf32>,
        %swap3A_1841 = vector.shape_cast %swap3A_1840 : vector<1x16xf32> to vector<16xf32>
        %swap3A_1842 = vector.shape_cast %mul3A_1835 : vector<16xf32> to vector<1x16xf32>
        tpu.vector_store %arg11[%swap3A_1838, %swap3A_1839], %swap3A_1842 {strides = array<i32>} : memref<80x128xf32, #tpu.memory_space<vmem>>, vector<1x16xf32>,
        %add3A_1843 = arith.constant 15 : i32
        %add3A_1844 = arith.addi %mul3A_58, %add3A_1843 : i32
        %get3A_1845 = arith.index_cast %add3A_1844 : i32 to index
        %get3A_1846 = arith.constant 64 : index
        %get3A_1847 = tpu.vector_load %arg11[%get3A_1845, %get3A_1846] {strides = array<i32>} : memref<80x128xf32, #tpu.memory_space<vmem>>, vector<1x16xf32>,
        %get3A_1848 = vector.shape_cast %get3A_1847 : vector<1x16xf32> to vector<16xf32>
        %mul3A_1849 = arith.mulf %get3A_1848, %broadcast_in_dim3A_1786 : vector<16xf32>
        %add3A_1850 = arith.constant 15 : i32
        %add3A_1851 = arith.addi %mul3A_58, %add3A_1850 : i32
        %swap3A_1852 = arith.index_cast %add3A_1851 : i32 to index
        %swap3A_1853 = arith.constant 64 : index
        %swap3A_1854 = tpu.vector_load %arg11[%swap3A_1852, %swap3A_1853] {strides = array<i32>} : memref<80x128xf32, #tpu.memory_space<vmem>>, vector<1x16xf32>,
        %swap3A_1855 = vector.shape_cast %swap3A_1854 : vector<1x16xf32> to vector<16xf32>
        %swap3A_1856 = vector.shape_cast %mul3A_1849 : vector<16xf32> to vector<1x16xf32>
        tpu.vector_store %arg11[%swap3A_1852, %swap3A_1853], %swap3A_1856 {strides = array<i32>} : memref<80x128xf32, #tpu.memory_space<vmem>>, vector<1x16xf32>,
        %add3A_1857 = arith.constant 15 : i32
        %add3A_1858 = arith.addi %mul3A_58, %add3A_1857 : i32
        %get3A_1859 = arith.index_cast %add3A_1858 : i32 to index
        %get3A_1860 = arith.constant 80 : index
        %get3A_1861 = tpu.vector_load %arg11[%get3A_1859, %get3A_1860] {strides = array<i32>} : memref<80x128xf32, #tpu.memory_space<vmem>>, vector<1x16xf32>,
        %get3A_1862 = vector.shape_cast %get3A_1861 : vector<1x16xf32> to vector<16xf32>
        %mul3A_1863 = arith.mulf %get3A_1862, %broadcast_in_dim3A_1786 : vector<16xf32>
        %add3A_1864 = arith.constant 15 : i32
        %add3A_1865 = arith.addi %mul3A_58, %add3A_1864 : i32
        %swap3A_1866 = arith.index_cast %add3A_1865 : i32 to index
        %swap3A_1867 = arith.constant 80 : index
        %swap3A_1868 = tpu.vector_load %arg11[%swap3A_1866, %swap3A_1867] {strides = array<i32>} : memref<80x128xf32, #tpu.memory_space<vmem>>, vector<1x16xf32>,
        %swap3A_1869 = vector.shape_cast %swap3A_1868 : vector<1x16xf32> to vector<16xf32>
        %swap3A_1870 = vector.shape_cast %mul3A_1863 : vector<16xf32> to vector<1x16xf32>
        tpu.vector_store %arg11[%swap3A_1866, %swap3A_1867], %swap3A_1870 {strides = array<i32>} : memref<80x128xf32, #tpu.memory_space<vmem>>, vector<1x16xf32>,
        %add3A_1871 = arith.constant 15 : i32
        %add3A_1872 = arith.addi %mul3A_58, %add3A_1871 : i32
        %get3A_1873 = arith.index_cast %add3A_1872 : i32 to index
        %get3A_1874 = arith.constant 96 : index
        %get3A_1875 = tpu.vector_load %arg11[%get3A_1873, %get3A_1874] {strides = array<i32>} : memref<80x128xf32, #tpu.memory_space<vmem>>, vector<1x16xf32>,
        %get3A_1876 = vector.shape_cast %get3A_1875 : vector<1x16xf32> to vector<16xf32>
        %mul3A_1877 = arith.mulf %get3A_1876, %broadcast_in_dim3A_1786 : vector<16xf32>
        %add3A_1878 = arith.constant 15 : i32
        %add3A_1879 = arith.addi %mul3A_58, %add3A_1878 : i32
        %swap3A_1880 = arith.index_cast %add3A_1879 : i32 to index
        %swap3A_1881 = arith.constant 96 : index
        %swap3A_1882 = tpu.vector_load %arg11[%swap3A_1880, %swap3A_1881] {strides = array<i32>} : memref<80x128xf32, #tpu.memory_space<vmem>>, vector<1x16xf32>,
        %swap3A_1883 = vector.shape_cast %swap3A_1882 : vector<1x16xf32> to vector<16xf32>
        %swap3A_1884 = vector.shape_cast %mul3A_1877 : vector<16xf32> to vector<1x16xf32>
        tpu.vector_store %arg11[%swap3A_1880, %swap3A_1881], %swap3A_1884 {strides = array<i32>} : memref<80x128xf32, #tpu.memory_space<vmem>>, vector<1x16xf32>,
        %add3A_1885 = arith.constant 15 : i32
        %add3A_1886 = arith.addi %mul3A_58, %add3A_1885 : i32
        %get3A_1887 = arith.index_cast %add3A_1886 : i32 to index
        %get3A_1888 = arith.constant 112 : index
        %get3A_1889 = tpu.vector_load %arg11[%get3A_1887, %get3A_1888] {strides = array<i32>} : memref<80x128xf32, #tpu.memory_space<vmem>>, vector<1x16xf32>,
        %get3A_1890 = vector.shape_cast %get3A_1889 : vector<1x16xf32> to vector<16xf32>
        %mul3A_1891 = arith.mulf %get3A_1890, %broadcast_in_dim3A_1786 : vector<16xf32>
        %add3A_1892 = arith.constant 15 : i32
        %add3A_1893 = arith.addi %mul3A_58, %add3A_1892 : i32
        %swap3A_1894 = arith.index_cast %add3A_1893 : i32 to index
        %swap3A_1895 = arith.constant 112 : index
        %swap3A_1896 = tpu.vector_load %arg11[%swap3A_1894, %swap3A_1895] {strides = array<i32>} : memref<80x128xf32, #tpu.memory_space<vmem>>, vector<1x16xf32>,
        %swap3A_1897 = vector.shape_cast %swap3A_1896 : vector<1x16xf32> to vector<16xf32>
        %swap3A_1898 = vector.shape_cast %mul3A_1891 : vector<16xf32> to vector<1x16xf32>
        tpu.vector_store %arg11[%swap3A_1894, %swap3A_1895], %swap3A_1898 {strides = array<i32>} : memref<80x128xf32, #tpu.memory_space<vmem>>, vector<1x16xf32>,
      }
      %scan3A_55 = arith.constant 5 : i32
      "tpu.region"() ({
        %run_scoped3A = tpu.sem_alloc : memref<!tpu.dma_semaphore, #tpu.memory_space<semaphore_mem>>
        %dma_start3A_56 = arith.constant 0 : i32
        %dma_start3A_57 = arith.constant 0 : i32
        %dma_start3A_58 = tpu.memref_slice %arg7[%dma_start3A_56, %dma_start3A_57] : memref<10240x128xf32, #tpu.memory_space<vmem_shared>> -> memref<10240x128xf32, #tpu.memory_space<vmem_shared>>
        tpu.enqueue_indirect_dma source(%arg11 : memref<80x128xf32, #tpu.memory_space<vmem>>) target(%dma_start3A_58 : memref<10240x128xf32, #tpu.memory_space<vmem_shared>>) offsets(%arg10 : memref<80xi32, #tpu.memory_space<vmem>>) semaphore(%run_scoped3A : memref<!tpu.dma_semaphore, #tpu.memory_space<semaphore_mem>>) {add = true}
        %dma_wait3A_59 = arith.constant 0 : i32
        %dma_wait3A_60 = arith.constant 0 : i32
        %dma_wait3A_61 = tpu.memref_slice %arg7[%dma_wait3A_59, %dma_wait3A_60] : memref<10240x128xf32, #tpu.memory_space<vmem_shared>> -> memref<10240x128xf32, #tpu.memory_space<vmem_shared>>
        tpu.wait_indirect_dma semaphore(%run_scoped3A : memref<!tpu.dma_semaphore, #tpu.memory_space<semaphore_mem>>) src(%arg11 : memref<80x128xf32, #tpu.memory_space<vmem>>) dst(%dma_wait3A_61 : memref<10240x128xf32, #tpu.memory_space<vmem_shared>>)
        tpu.yield
      }) : () -> ()
    }
    %scan3A_34 = arith.constant 125 : i32
    %barrier3A_35 = arith.constant 0 : index
    tpu.barrier barrier_id(%barrier3A_35)
    %mul3A_36 = arith.constant 640 : i32
    %mul3A_37 = arith.muli %arg1, %mul3A_36 : i32
    %mul3A_38 = arith.constant 640 : i32
    %mul3A_39 = arith.muli %arg1, %mul3A_38 : i32
    "tpu.region"() ({
      %run_scoped3A = tpu.sem_alloc : memref<!tpu.dma_semaphore, #tpu.memory_space<semaphore_mem>>
      %dma_start3A = arith.constant 0 : i32
      %dma_start3A_40 = tpu.memref_slice %arg6[%arg0, %mul3A_39, %dma_start3A] : memref<2x10240x128xf32, #tpu.memory_space<hbm>> -> memref<1x640x128xf32, #tpu.memory_space<hbm>>
      %dma_start3A_41 = tpu.memref_squeeze %dma_start3A_40 : memref<1x640x128xf32, #tpu.memory_space<hbm>> -> memref<640x128xf32, #tpu.memory_space<hbm>>
      %dma_start3A_42 = arith.constant 0 : i32
      %dma_start3A_43 = tpu.memref_slice %arg7[%mul3A_37, %dma_start3A_42] : memref<10240x128xf32, #tpu.memory_space<vmem_shared>> -> memref<640x128xf32, #tpu.memory_space<vmem_shared>>
      tpu.enqueue_dma source(%dma_start3A_43 : memref<640x128xf32, #tpu.memory_space<vmem_shared>>) target(%dma_start3A_41 : memref<640x128xf32, #tpu.memory_space<hbm>>) target_semaphore(%run_scoped3A : memref<!tpu.dma_semaphore, #tpu.memory_space<semaphore_mem>>)
      %dma_wait3A = arith.constant 0 : i32
      %dma_wait3A_44 = tpu.memref_slice %arg6[%arg0, %mul3A_39, %dma_wait3A] : memref<2x10240x128xf32, #tpu.memory_space<hbm>> -> memref<1x640x128xf32, #tpu.memory_space<hbm>>
      %dma_wait3A_45 = tpu.memref_squeeze %dma_wait3A_44 : memref<1x640x128xf32, #tpu.memory_space<hbm>> -> memref<640x128xf32, #tpu.memory_space<hbm>>
      %dma_wait3A_46 = arith.constant 0 : i32
      %dma_wait3A_47 = tpu.memref_slice %arg7[%mul3A_37, %dma_wait3A_46] : memref<10240x128xf32, #tpu.memory_space<vmem_shared>> -> memref<640x128xf32, #tpu.memory_space<vmem_shared>>
      tpu.wait_dma2 semaphore(%run_scoped3A : memref<!tpu.dma_semaphore, #tpu.memory_space<semaphore_mem>>) src(%dma_wait3A_47 : memref<640x128xf32, #tpu.memory_space<vmem_shared>>) dst(%dma_wait3A_45 : memref<640x128xf32, #tpu.memory_space<hbm>>)
      tpu.yield
    }) : () -> ()
    return
  }
}

#map = affine_map<(d0, d1) -> (0)>
#map1 = affine_map<(d0, d1) -> (0, 0)>
module attributes {stable_mosaic.version = 14 : i64} {
  func.func @_deg_sc(%arg0: i32, %arg1: i32, %arg2: memref<320000xi32, #tpu.memory_space<hbm>>, %arg3: memref<320000xf32, #tpu.memory_space<hbm>>, %arg4: memref<2x10240xf32, #tpu.memory_space<hbm>>, %arg5: memref<10240xf32, #tpu.memory_space<vmem_shared>>, %arg6: memref<80xi32, #tpu.memory_space<vmem>>, %arg7: memref<80xf32, #tpu.memory_space<vmem>>, %arg8: memref<640xf32, #tpu.memory_space<vmem>>) attributes {dimension_semantics = [#tpu.dimension_semantics<core_parallel>, #tpu.dimension_semantics<subcore_parallel>], iteration_bounds = array<i64: 2, 16>, scalar_prefetch = 0 : i64, scratch_operands = 4 : i64, tpu.core_type = #tpu.core_type<sc_vector_subcore>, window_params = [{transform_indices = #map}, {transform_indices = #map}, {transform_indices = #map1}]} {
    %mul3A = arith.constant 16 : i32
    %mul3A_0 = arith.muli %arg0, %mul3A : i32
    %add3A = arith.addi %mul3A_0, %arg1 : i32
    %broadcast_in_dim3A = arith.constant 0.000000e+00 : f32
    %broadcast_in_dim3A_1 = vector.broadcast %broadcast_in_dim3A : f32 to vector<16xf32>
    %swap3A = arith.constant 0 : index
    %swap3A_2 = tpu.vector_load %arg8[%swap3A] {strides = array<i32>} : memref<640xf32, #tpu.memory_space<vmem>>, vector<16xf32>,
    %swap3A_3 = vector.shape_cast %swap3A_2 : vector<16xf32> to vector<16xf32>
    %swap3A_4 = vector.shape_cast %broadcast_in_dim3A_1 : vector<16xf32> to vector<16xf32>
    tpu.vector_store %arg8[%swap3A], %swap3A_4 {strides = array<i32>} : memref<640xf32, #tpu.memory_space<vmem>>, vector<16xf32>,
    %swap3A_5 = arith.constant 16 : index
    %swap3A_6 = tpu.vector_load %arg8[%swap3A_5] {strides = array<i32>} : memref<640xf32, #tpu.memory_space<vmem>>, vector<16xf32>,
    %swap3A_7 = vector.shape_cast %swap3A_6 : vector<16xf32> to vector<16xf32>
    %swap3A_8 = vector.shape_cast %broadcast_in_dim3A_1 : vector<16xf32> to vector<16xf32>
    tpu.vector_store %arg8[%swap3A_5], %swap3A_8 {strides = array<i32>} : memref<640xf32, #tpu.memory_space<vmem>>, vector<16xf32>,
    %swap3A_9 = arith.constant 32 : index
    %swap3A_10 = tpu.vector_load %arg8[%swap3A_9] {strides = array<i32>} : memref<640xf32, #tpu.memory_space<vmem>>, vector<16xf32>,
    %swap3A_11 = vector.shape_cast %swap3A_10 : vector<16xf32> to vector<16xf32>
    %swap3A_12 = vector.shape_cast %broadcast_in_dim3A_1 : vector<16xf32> to vector<16xf32>
    tpu.vector_store %arg8[%swap3A_9], %swap3A_12 {strides = array<i32>} : memref<640xf32, #tpu.memory_space<vmem>>, vector<16xf32>,
    %swap3A_13 = arith.constant 48 : index
    %swap3A_14 = tpu.vector_load %arg8[%swap3A_13] {strides = array<i32>} : memref<640xf32, #tpu.memory_space<vmem>>, vector<16xf32>,
    %swap3A_15 = vector.shape_cast %swap3A_14 : vector<16xf32> to vector<16xf32>
    %swap3A_16 = vector.shape_cast %broadcast_in_dim3A_1 : vector<16xf32> to vector<16xf32>
    tpu.vector_store %arg8[%swap3A_13], %swap3A_16 {strides = array<i32>} : memref<640xf32, #tpu.memory_space<vmem>>, vector<16xf32>,
    %swap3A_17 = arith.constant 64 : index
    %swap3A_18 = tpu.vector_load %arg8[%swap3A_17] {strides = array<i32>} : memref<640xf32, #tpu.memory_space<vmem>>, vector<16xf32>,
    %swap3A_19 = vector.shape_cast %swap3A_18 : vector<16xf32> to vector<16xf32>
    %swap3A_20 = vector.shape_cast %broadcast_in_dim3A_1 : vector<16xf32> to vector<16xf32>
    tpu.vector_store %arg8[%swap3A_17], %swap3A_20 {strides = array<i32>} : memref<640xf32, #tpu.memory_space<vmem>>, vector<16xf32>,
    %swap3A_21 = arith.constant 80 : index
    %swap3A_22 = tpu.vector_load %arg8[%swap3A_21] {strides = array<i32>} : memref<640xf32, #tpu.memory_space<vmem>>, vector<16xf32>,
    %swap3A_23 = vector.shape_cast %swap3A_22 : vector<16xf32> to vector<16xf32>
    %swap3A_24 = vector.shape_cast %broadcast_in_dim3A_1 : vector<16xf32> to vector<16xf32>
    tpu.vector_store %arg8[%swap3A_21], %swap3A_24 {strides = array<i32>} : memref<640xf32, #tpu.memory_space<vmem>>, vector<16xf32>,
    %swap3A_25 = arith.constant 96 : index
    %swap3A_26 = tpu.vector_load %arg8[%swap3A_25] {strides = array<i32>} : memref<640xf32, #tpu.memory_space<vmem>>, vector<16xf32>,
    %swap3A_27 = vector.shape_cast %swap3A_26 : vector<16xf32> to vector<16xf32>
    %swap3A_28 = vector.shape_cast %broadcast_in_dim3A_1 : vector<16xf32> to vector<16xf32>
    tpu.vector_store %arg8[%swap3A_25], %swap3A_28 {strides = array<i32>} : memref<640xf32, #tpu.memory_space<vmem>>, vector<16xf32>,
    %swap3A_29 = arith.constant 112 : index
    %swap3A_30 = tpu.vector_load %arg8[%swap3A_29] {strides = array<i32>} : memref<640xf32, #tpu.memory_space<vmem>>, vector<16xf32>,
    %swap3A_31 = vector.shape_cast %swap3A_30 : vector<16xf32> to vector<16xf32>
    %swap3A_32 = vector.shape_cast %broadcast_in_dim3A_1 : vector<16xf32> to vector<16xf32>
    tpu.vector_store %arg8[%swap3A_29], %swap3A_32 {strides = array<i32>} : memref<640xf32, #tpu.memory_space<vmem>>, vector<16xf32>,
    %swap3A_33 = arith.constant 128 : index
    %swap3A_34 = tpu.vector_load %arg8[%swap3A_33] {strides = array<i32>} : memref<640xf32, #tpu.memory_space<vmem>>, vector<16xf32>,
    %swap3A_35 = vector.shape_cast %swap3A_34 : vector<16xf32> to vector<16xf32>
    %swap3A_36 = vector.shape_cast %broadcast_in_dim3A_1 : vector<16xf32> to vector<16xf32>
    tpu.vector_store %arg8[%swap3A_33], %swap3A_36 {strides = array<i32>} : memref<640xf32, #tpu.memory_space<vmem>>, vector<16xf32>,
    %swap3A_37 = arith.constant 144 : index
    %swap3A_38 = tpu.vector_load %arg8[%swap3A_37] {strides = array<i32>} : memref<640xf32, #tpu.memory_space<vmem>>, vector<16xf32>,
    %swap3A_39 = vector.shape_cast %swap3A_38 : vector<16xf32> to vector<16xf32>
    %swap3A_40 = vector.shape_cast %broadcast_in_dim3A_1 : vector<16xf32> to vector<16xf32>
    tpu.vector_store %arg8[%swap3A_37], %swap3A_40 {strides = array<i32>} : memref<640xf32, #tpu.memory_space<vmem>>, vector<16xf32>,
    %swap3A_41 = arith.constant 160 : index
    %swap3A_42 = tpu.vector_load %arg8[%swap3A_41] {strides = array<i32>} : memref<640xf32, #tpu.memory_space<vmem>>, vector<16xf32>,
    %swap3A_43 = vector.shape_cast %swap3A_42 : vector<16xf32> to vector<16xf32>
    %swap3A_44 = vector.shape_cast %broadcast_in_dim3A_1 : vector<16xf32> to vector<16xf32>
    tpu.vector_store %arg8[%swap3A_41], %swap3A_44 {strides = array<i32>} : memref<640xf32, #tpu.memory_space<vmem>>, vector<16xf32>,
    %swap3A_45 = arith.constant 176 : index
    %swap3A_46 = tpu.vector_load %arg8[%swap3A_45] {strides = array<i32>} : memref<640xf32, #tpu.memory_space<vmem>>, vector<16xf32>,
    %swap3A_47 = vector.shape_cast %swap3A_46 : vector<16xf32> to vector<16xf32>
    %swap3A_48 = vector.shape_cast %broadcast_in_dim3A_1 : vector<16xf32> to vector<16xf32>
    tpu.vector_store %arg8[%swap3A_45], %swap3A_48 {strides = array<i32>} : memref<640xf32, #tpu.memory_space<vmem>>, vector<16xf32>,
    %swap3A_49 = arith.constant 192 : index
    %swap3A_50 = tpu.vector_load %arg8[%swap3A_49] {strides = array<i32>} : memref<640xf32, #tpu.memory_space<vmem>>, vector<16xf32>,
    %swap3A_51 = vector.shape_cast %swap3A_50 : vector<16xf32> to vector<16xf32>
    %swap3A_52 = vector.shape_cast %broadcast_in_dim3A_1 : vector<16xf32> to vector<16xf32>
    tpu.vector_store %arg8[%swap3A_49], %swap3A_52 {strides = array<i32>} : memref<640xf32, #tpu.memory_space<vmem>>, vector<16xf32>,
    %swap3A_53 = arith.constant 208 : index
    %swap3A_54 = tpu.vector_load %arg8[%swap3A_53] {strides = array<i32>} : memref<640xf32, #tpu.memory_space<vmem>>, vector<16xf32>,
    %swap3A_55 = vector.shape_cast %swap3A_54 : vector<16xf32> to vector<16xf32>
    %swap3A_56 = vector.shape_cast %broadcast_in_dim3A_1 : vector<16xf32> to vector<16xf32>
    tpu.vector_store %arg8[%swap3A_53], %swap3A_56 {strides = array<i32>} : memref<640xf32, #tpu.memory_space<vmem>>, vector<16xf32>,
    %swap3A_57 = arith.constant 224 : index
    %swap3A_58 = tpu.vector_load %arg8[%swap3A_57] {strides = array<i32>} : memref<640xf32, #tpu.memory_space<vmem>>, vector<16xf32>,
    %swap3A_59 = vector.shape_cast %swap3A_58 : vector<16xf32> to vector<16xf32>
    %swap3A_60 = vector.shape_cast %broadcast_in_dim3A_1 : vector<16xf32> to vector<16xf32>
    tpu.vector_store %arg8[%swap3A_57], %swap3A_60 {strides = array<i32>} : memref<640xf32, #tpu.memory_space<vmem>>, vector<16xf32>,
    %swap3A_61 = arith.constant 240 : index
    %swap3A_62 = tpu.vector_load %arg8[%swap3A_61] {strides = array<i32>} : memref<640xf32, #tpu.memory_space<vmem>>, vector<16xf32>,
    %swap3A_63 = vector.shape_cast %swap3A_62 : vector<16xf32> to vector<16xf32>
    %swap3A_64 = vector.shape_cast %broadcast_in_dim3A_1 : vector<16xf32> to vector<16xf32>
    tpu.vector_store %arg8[%swap3A_61], %swap3A_64 {strides = array<i32>} : memref<640xf32, #tpu.memory_space<vmem>>, vector<16xf32>,
    %swap3A_65 = arith.constant 256 : index
    %swap3A_66 = tpu.vector_load %arg8[%swap3A_65] {strides = array<i32>} : memref<640xf32, #tpu.memory_space<vmem>>, vector<16xf32>,
    %swap3A_67 = vector.shape_cast %swap3A_66 : vector<16xf32> to vector<16xf32>
    %swap3A_68 = vector.shape_cast %broadcast_in_dim3A_1 : vector<16xf32> to vector<16xf32>
    tpu.vector_store %arg8[%swap3A_65], %swap3A_68 {strides = array<i32>} : memref<640xf32, #tpu.memory_space<vmem>>, vector<16xf32>,
    %swap3A_69 = arith.constant 272 : index
    %swap3A_70 = tpu.vector_load %arg8[%swap3A_69] {strides = array<i32>} : memref<640xf32, #tpu.memory_space<vmem>>, vector<16xf32>,
    %swap3A_71 = vector.shape_cast %swap3A_70 : vector<16xf32> to vector<16xf32>
    %swap3A_72 = vector.shape_cast %broadcast_in_dim3A_1 : vector<16xf32> to vector<16xf32>
    tpu.vector_store %arg8[%swap3A_69], %swap3A_72 {strides = array<i32>} : memref<640xf32, #tpu.memory_space<vmem>>, vector<16xf32>,
    %swap3A_73 = arith.constant 288 : index
    %swap3A_74 = tpu.vector_load %arg8[%swap3A_73] {strides = array<i32>} : memref<640xf32, #tpu.memory_space<vmem>>, vector<16xf32>,
    %swap3A_75 = vector.shape_cast %swap3A_74 : vector<16xf32> to vector<16xf32>
    %swap3A_76 = vector.shape_cast %broadcast_in_dim3A_1 : vector<16xf32> to vector<16xf32>
    tpu.vector_store %arg8[%swap3A_73], %swap3A_76 {strides = array<i32>} : memref<640xf32, #tpu.memory_space<vmem>>, vector<16xf32>,
    %swap3A_77 = arith.constant 304 : index
    %swap3A_78 = tpu.vector_load %arg8[%swap3A_77] {strides = array<i32>} : memref<640xf32, #tpu.memory_space<vmem>>, vector<16xf32>,
    %swap3A_79 = vector.shape_cast %swap3A_78 : vector<16xf32> to vector<16xf32>
    %swap3A_80 = vector.shape_cast %broadcast_in_dim3A_1 : vector<16xf32> to vector<16xf32>
    tpu.vector_store %arg8[%swap3A_77], %swap3A_80 {strides = array<i32>} : memref<640xf32, #tpu.memory_space<vmem>>, vector<16xf32>,
    %swap3A_81 = arith.constant 320 : index
    %swap3A_82 = tpu.vector_load %arg8[%swap3A_81] {strides = array<i32>} : memref<640xf32, #tpu.memory_space<vmem>>, vector<16xf32>,
    %swap3A_83 = vector.shape_cast %swap3A_82 : vector<16xf32> to vector<16xf32>
    %swap3A_84 = vector.shape_cast %broadcast_in_dim3A_1 : vector<16xf32> to vector<16xf32>
    tpu.vector_store %arg8[%swap3A_81], %swap3A_84 {strides = array<i32>} : memref<640xf32, #tpu.memory_space<vmem>>, vector<16xf32>,
    %swap3A_85 = arith.constant 336 : index
    %swap3A_86 = tpu.vector_load %arg8[%swap3A_85] {strides = array<i32>} : memref<640xf32, #tpu.memory_space<vmem>>, vector<16xf32>,
    %swap3A_87 = vector.shape_cast %swap3A_86 : vector<16xf32> to vector<16xf32>
    %swap3A_88 = vector.shape_cast %broadcast_in_dim3A_1 : vector<16xf32> to vector<16xf32>
    tpu.vector_store %arg8[%swap3A_85], %swap3A_88 {strides = array<i32>} : memref<640xf32, #tpu.memory_space<vmem>>, vector<16xf32>,
    %swap3A_89 = arith.constant 352 : index
    %swap3A_90 = tpu.vector_load %arg8[%swap3A_89] {strides = array<i32>} : memref<640xf32, #tpu.memory_space<vmem>>, vector<16xf32>,
    %swap3A_91 = vector.shape_cast %swap3A_90 : vector<16xf32> to vector<16xf32>
    %swap3A_92 = vector.shape_cast %broadcast_in_dim3A_1 : vector<16xf32> to vector<16xf32>
    tpu.vector_store %arg8[%swap3A_89], %swap3A_92 {strides = array<i32>} : memref<640xf32, #tpu.memory_space<vmem>>, vector<16xf32>,
    %swap3A_93 = arith.constant 368 : index
    %swap3A_94 = tpu.vector_load %arg8[%swap3A_93] {strides = array<i32>} : memref<640xf32, #tpu.memory_space<vmem>>, vector<16xf32>,
    %swap3A_95 = vector.shape_cast %swap3A_94 : vector<16xf32> to vector<16xf32>
    %swap3A_96 = vector.shape_cast %broadcast_in_dim3A_1 : vector<16xf32> to vector<16xf32>
    tpu.vector_store %arg8[%swap3A_93], %swap3A_96 {strides = array<i32>} : memref<640xf32, #tpu.memory_space<vmem>>, vector<16xf32>,
    %swap3A_97 = arith.constant 384 : index
    %swap3A_98 = tpu.vector_load %arg8[%swap3A_97] {strides = array<i32>} : memref<640xf32, #tpu.memory_space<vmem>>, vector<16xf32>,
    %swap3A_99 = vector.shape_cast %swap3A_98 : vector<16xf32> to vector<16xf32>
    %swap3A_100 = vector.shape_cast %broadcast_in_dim3A_1 : vector<16xf32> to vector<16xf32>
    tpu.vector_store %arg8[%swap3A_97], %swap3A_100 {strides = array<i32>} : memref<640xf32, #tpu.memory_space<vmem>>, vector<16xf32>,
    %swap3A_101 = arith.constant 400 : index
    %swap3A_102 = tpu.vector_load %arg8[%swap3A_101] {strides = array<i32>} : memref<640xf32, #tpu.memory_space<vmem>>, vector<16xf32>,
    %swap3A_103 = vector.shape_cast %swap3A_102 : vector<16xf32> to vector<16xf32>
    %swap3A_104 = vector.shape_cast %broadcast_in_dim3A_1 : vector<16xf32> to vector<16xf32>
    tpu.vector_store %arg8[%swap3A_101], %swap3A_104 {strides = array<i32>} : memref<640xf32, #tpu.memory_space<vmem>>, vector<16xf32>,
    %swap3A_105 = arith.constant 416 : index
    %swap3A_106 = tpu.vector_load %arg8[%swap3A_105] {strides = array<i32>} : memref<640xf32, #tpu.memory_space<vmem>>, vector<16xf32>,
    %swap3A_107 = vector.shape_cast %swap3A_106 : vector<16xf32> to vector<16xf32>
    %swap3A_108 = vector.shape_cast %broadcast_in_dim3A_1 : vector<16xf32> to vector<16xf32>
    tpu.vector_store %arg8[%swap3A_105], %swap3A_108 {strides = array<i32>} : memref<640xf32, #tpu.memory_space<vmem>>, vector<16xf32>,
    %swap3A_109 = arith.constant 432 : index
    %swap3A_110 = tpu.vector_load %arg8[%swap3A_109] {strides = array<i32>} : memref<640xf32, #tpu.memory_space<vmem>>, vector<16xf32>,
    %swap3A_111 = vector.shape_cast %swap3A_110 : vector<16xf32> to vector<16xf32>
    %swap3A_112 = vector.shape_cast %broadcast_in_dim3A_1 : vector<16xf32> to vector<16xf32>
    tpu.vector_store %arg8[%swap3A_109], %swap3A_112 {strides = array<i32>} : memref<640xf32, #tpu.memory_space<vmem>>, vector<16xf32>,
    %swap3A_113 = arith.constant 448 : index
    %swap3A_114 = tpu.vector_load %arg8[%swap3A_113] {strides = array<i32>} : memref<640xf32, #tpu.memory_space<vmem>>, vector<16xf32>,
    %swap3A_115 = vector.shape_cast %swap3A_114 : vector<16xf32> to vector<16xf32>
    %swap3A_116 = vector.shape_cast %broadcast_in_dim3A_1 : vector<16xf32> to vector<16xf32>
    tpu.vector_store %arg8[%swap3A_113], %swap3A_116 {strides = array<i32>} : memref<640xf32, #tpu.memory_space<vmem>>, vector<16xf32>,
    %swap3A_117 = arith.constant 464 : index
    %swap3A_118 = tpu.vector_load %arg8[%swap3A_117] {strides = array<i32>} : memref<640xf32, #tpu.memory_space<vmem>>, vector<16xf32>,
    %swap3A_119 = vector.shape_cast %swap3A_118 : vector<16xf32> to vector<16xf32>
    %swap3A_120 = vector.shape_cast %broadcast_in_dim3A_1 : vector<16xf32> to vector<16xf32>
    tpu.vector_store %arg8[%swap3A_117], %swap3A_120 {strides = array<i32>} : memref<640xf32, #tpu.memory_space<vmem>>, vector<16xf32>,
    %swap3A_121 = arith.constant 480 : index
    %swap3A_122 = tpu.vector_load %arg8[%swap3A_121] {strides = array<i32>} : memref<640xf32, #tpu.memory_space<vmem>>, vector<16xf32>,
    %swap3A_123 = vector.shape_cast %swap3A_122 : vector<16xf32> to vector<16xf32>
    %swap3A_124 = vector.shape_cast %broadcast_in_dim3A_1 : vector<16xf32> to vector<16xf32>
    tpu.vector_store %arg8[%swap3A_121], %swap3A_124 {strides = array<i32>} : memref<640xf32, #tpu.memory_space<vmem>>, vector<16xf32>,
    %swap3A_125 = arith.constant 496 : index
    %swap3A_126 = tpu.vector_load %arg8[%swap3A_125] {strides = array<i32>} : memref<640xf32, #tpu.memory_space<vmem>>, vector<16xf32>,
    %swap3A_127 = vector.shape_cast %swap3A_126 : vector<16xf32> to vector<16xf32>
    %swap3A_128 = vector.shape_cast %broadcast_in_dim3A_1 : vector<16xf32> to vector<16xf32>
    tpu.vector_store %arg8[%swap3A_125], %swap3A_128 {strides = array<i32>} : memref<640xf32, #tpu.memory_space<vmem>>, vector<16xf32>,
    %swap3A_129 = arith.constant 512 : index
    %swap3A_130 = tpu.vector_load %arg8[%swap3A_129] {strides = array<i32>} : memref<640xf32, #tpu.memory_space<vmem>>, vector<16xf32>,
    %swap3A_131 = vector.shape_cast %swap3A_130 : vector<16xf32> to vector<16xf32>
    %swap3A_132 = vector.shape_cast %broadcast_in_dim3A_1 : vector<16xf32> to vector<16xf32>
    tpu.vector_store %arg8[%swap3A_129], %swap3A_132 {strides = array<i32>} : memref<640xf32, #tpu.memory_space<vmem>>, vector<16xf32>,
    %swap3A_133 = arith.constant 528 : index
    %swap3A_134 = tpu.vector_load %arg8[%swap3A_133] {strides = array<i32>} : memref<640xf32, #tpu.memory_space<vmem>>, vector<16xf32>,
    %swap3A_135 = vector.shape_cast %swap3A_134 : vector<16xf32> to vector<16xf32>
    %swap3A_136 = vector.shape_cast %broadcast_in_dim3A_1 : vector<16xf32> to vector<16xf32>
    tpu.vector_store %arg8[%swap3A_133], %swap3A_136 {strides = array<i32>} : memref<640xf32, #tpu.memory_space<vmem>>, vector<16xf32>,
    %swap3A_137 = arith.constant 544 : index
    %swap3A_138 = tpu.vector_load %arg8[%swap3A_137] {strides = array<i32>} : memref<640xf32, #tpu.memory_space<vmem>>, vector<16xf32>,
    %swap3A_139 = vector.shape_cast %swap3A_138 : vector<16xf32> to vector<16xf32>
    %swap3A_140 = vector.shape_cast %broadcast_in_dim3A_1 : vector<16xf32> to vector<16xf32>
    tpu.vector_store %arg8[%swap3A_137], %swap3A_140 {strides = array<i32>} : memref<640xf32, #tpu.memory_space<vmem>>, vector<16xf32>,
    %swap3A_141 = arith.constant 560 : index
    %swap3A_142 = tpu.vector_load %arg8[%swap3A_141] {strides = array<i32>} : memref<640xf32, #tpu.memory_space<vmem>>, vector<16xf32>,
    %swap3A_143 = vector.shape_cast %swap3A_142 : vector<16xf32> to vector<16xf32>
    %swap3A_144 = vector.shape_cast %broadcast_in_dim3A_1 : vector<16xf32> to vector<16xf32>
    tpu.vector_store %arg8[%swap3A_141], %swap3A_144 {strides = array<i32>} : memref<640xf32, #tpu.memory_space<vmem>>, vector<16xf32>,
    %swap3A_145 = arith.constant 576 : index
    %swap3A_146 = tpu.vector_load %arg8[%swap3A_145] {strides = array<i32>} : memref<640xf32, #tpu.memory_space<vmem>>, vector<16xf32>,
    %swap3A_147 = vector.shape_cast %swap3A_146 : vector<16xf32> to vector<16xf32>
    %swap3A_148 = vector.shape_cast %broadcast_in_dim3A_1 : vector<16xf32> to vector<16xf32>
    tpu.vector_store %arg8[%swap3A_145], %swap3A_148 {strides = array<i32>} : memref<640xf32, #tpu.memory_space<vmem>>, vector<16xf32>,
    %swap3A_149 = arith.constant 592 : index
    %swap3A_150 = tpu.vector_load %arg8[%swap3A_149] {strides = array<i32>} : memref<640xf32, #tpu.memory_space<vmem>>, vector<16xf32>,
    %swap3A_151 = vector.shape_cast %swap3A_150 : vector<16xf32> to vector<16xf32>
    %swap3A_152 = vector.shape_cast %broadcast_in_dim3A_1 : vector<16xf32> to vector<16xf32>
    tpu.vector_store %arg8[%swap3A_149], %swap3A_152 {strides = array<i32>} : memref<640xf32, #tpu.memory_space<vmem>>, vector<16xf32>,
    %swap3A_153 = arith.constant 608 : index
    %swap3A_154 = tpu.vector_load %arg8[%swap3A_153] {strides = array<i32>} : memref<640xf32, #tpu.memory_space<vmem>>, vector<16xf32>,
    %swap3A_155 = vector.shape_cast %swap3A_154 : vector<16xf32> to vector<16xf32>
    %swap3A_156 = vector.shape_cast %broadcast_in_dim3A_1 : vector<16xf32> to vector<16xf32>
    tpu.vector_store %arg8[%swap3A_153], %swap3A_156 {strides = array<i32>} : memref<640xf32, #tpu.memory_space<vmem>>, vector<16xf32>,
    %swap3A_157 = arith.constant 624 : index
    %swap3A_158 = tpu.vector_load %arg8[%swap3A_157] {strides = array<i32>} : memref<640xf32, #tpu.memory_space<vmem>>, vector<16xf32>,
    %swap3A_159 = vector.shape_cast %swap3A_158 : vector<16xf32> to vector<16xf32>
    %swap3A_160 = vector.shape_cast %broadcast_in_dim3A_1 : vector<16xf32> to vector<16xf32>
    tpu.vector_store %arg8[%swap3A_157], %swap3A_160 {strides = array<i32>} : memref<640xf32, #tpu.memory_space<vmem>>, vector<16xf32>,
    %mul3A_161 = arith.constant 640 : i32
    %mul3A_162 = arith.muli %arg1, %mul3A_161 : i32
    "tpu.region"() ({
      %run_scoped3A = tpu.sem_alloc : memref<!tpu.dma_semaphore, #tpu.memory_space<semaphore_mem>>
      %dma_start3A = tpu.memref_slice %arg5[%mul3A_162] : memref<10240xf32, #tpu.memory_space<vmem_shared>> -> memref<640xf32, #tpu.memory_space<vmem_shared>>
      %dma_start3A_173 = tpu.memref_slice %arg5[%mul3A_162] : memref<10240xf32, #tpu.memory_space<vmem_shared>> -> memref<640xf32, #tpu.memory_space<vmem_shared>>
      tpu.enqueue_dma source(%arg8 : memref<640xf32, #tpu.memory_space<vmem>>) target(%dma_start3A_173 : memref<640xf32, #tpu.memory_space<vmem_shared>>) target_semaphore(%run_scoped3A : memref<!tpu.dma_semaphore, #tpu.memory_space<semaphore_mem>>)
      %dma_wait3A = tpu.memref_slice %arg5[%mul3A_162] : memref<10240xf32, #tpu.memory_space<vmem_shared>> -> memref<640xf32, #tpu.memory_space<vmem_shared>>
      %dma_wait3A_174 = tpu.memref_slice %arg5[%mul3A_162] : memref<10240xf32, #tpu.memory_space<vmem_shared>> -> memref<640xf32, #tpu.memory_space<vmem_shared>>
      tpu.wait_dma2 semaphore(%run_scoped3A : memref<!tpu.dma_semaphore, #tpu.memory_space<semaphore_mem>>) src(%arg8 : memref<640xf32, #tpu.memory_space<vmem>>) dst(%dma_wait3A_174 : memref<640xf32, #tpu.memory_space<vmem_shared>>)
      tpu.yield
    }) : () -> ()
    %barrier3A = arith.constant 0 : index
    tpu.barrier barrier_id(%barrier3A)
    %scan3A = arith.constant 0 : i32
    %scan3A_163 = arith.constant 0 : i32
    %scan3A_164 = arith.constant 125 : i32
    %scan3A_165 = arith.addi %scan3A_163, %scan3A_164 : i32
    %scan3A_166 = arith.constant 1 : i32
    scf.for %scan3A_173 = %scan3A_163 to %scan3A_165 step %scan3A_166  : i32 {
      %mul3A_174 = arith.constant 10000 : i32
      %mul3A_175 = arith.muli %add3A, %mul3A_174 : i32
      %mul3A_176 = arith.constant 80 : i32
      %mul3A_177 = arith.muli %scan3A_173, %mul3A_176 : i32
      %add3A_178 = arith.addi %mul3A_175, %mul3A_177 : i32
      "tpu.region"() ({
        %run_scoped3A = tpu.sem_alloc : memref<!tpu.dma_semaphore, #tpu.memory_space<semaphore_mem>>
        %dma_start3A = tpu.memref_slice %arg2[%add3A_178] : memref<320000xi32, #tpu.memory_space<hbm>> -> memref<80xi32, #tpu.memory_space<hbm>>
        %dma_start3A_179 = tpu.memref_slice %arg2[%add3A_178] : memref<320000xi32, #tpu.memory_space<hbm>> -> memref<80xi32, #tpu.memory_space<hbm>>
        tpu.enqueue_dma source(%dma_start3A_179 : memref<80xi32, #tpu.memory_space<hbm>>) target(%arg6 : memref<80xi32, #tpu.memory_space<vmem>>) target_semaphore(%run_scoped3A : memref<!tpu.dma_semaphore, #tpu.memory_space<semaphore_mem>>)
        %dma_wait3A = tpu.memref_slice %arg2[%add3A_178] : memref<320000xi32, #tpu.memory_space<hbm>> -> memref<80xi32, #tpu.memory_space<hbm>>
        %dma_wait3A_180 = tpu.memref_slice %arg2[%add3A_178] : memref<320000xi32, #tpu.memory_space<hbm>> -> memref<80xi32, #tpu.memory_space<hbm>>
        tpu.wait_dma2 semaphore(%run_scoped3A : memref<!tpu.dma_semaphore, #tpu.memory_space<semaphore_mem>>) src(%dma_wait3A_180 : memref<80xi32, #tpu.memory_space<hbm>>) dst(%arg6 : memref<80xi32, #tpu.memory_space<vmem>>)
        tpu.yield
      }) : () -> ()
      "tpu.region"() ({
        %run_scoped3A = tpu.sem_alloc : memref<!tpu.dma_semaphore, #tpu.memory_space<semaphore_mem>>
        %dma_start3A = tpu.memref_slice %arg3[%add3A_178] : memref<320000xf32, #tpu.memory_space<hbm>> -> memref<80xf32, #tpu.memory_space<hbm>>
        %dma_start3A_179 = tpu.memref_slice %arg3[%add3A_178] : memref<320000xf32, #tpu.memory_space<hbm>> -> memref<80xf32, #tpu.memory_space<hbm>>
        tpu.enqueue_dma source(%dma_start3A_179 : memref<80xf32, #tpu.memory_space<hbm>>) target(%arg7 : memref<80xf32, #tpu.memory_space<vmem>>) target_semaphore(%run_scoped3A : memref<!tpu.dma_semaphore, #tpu.memory_space<semaphore_mem>>)
        %dma_wait3A = tpu.memref_slice %arg3[%add3A_178] : memref<320000xf32, #tpu.memory_space<hbm>> -> memref<80xf32, #tpu.memory_space<hbm>>
        %dma_wait3A_180 = tpu.memref_slice %arg3[%add3A_178] : memref<320000xf32, #tpu.memory_space<hbm>> -> memref<80xf32, #tpu.memory_space<hbm>>
        tpu.wait_dma2 semaphore(%run_scoped3A : memref<!tpu.dma_semaphore, #tpu.memory_space<semaphore_mem>>) src(%dma_wait3A_180 : memref<80xf32, #tpu.memory_space<hbm>>) dst(%arg7 : memref<80xf32, #tpu.memory_space<vmem>>)
        tpu.yield
      }) : () -> ()
      "tpu.region"() ({
        %run_scoped3A = tpu.sem_alloc : memref<!tpu.dma_semaphore, #tpu.memory_space<semaphore_mem>>
        %dma_start3A = arith.constant 0 : i32
        %dma_start3A_179 = tpu.memref_slice %arg5[%dma_start3A] : memref<10240xf32, #tpu.memory_space<vmem_shared>> -> memref<10240xf32, #tpu.memory_space<vmem_shared>>
        tpu.enqueue_indirect_dma source(%arg7 : memref<80xf32, #tpu.memory_space<vmem>>) target(%dma_start3A_179 : memref<10240xf32, #tpu.memory_space<vmem_shared>>) offsets(%arg6 : memref<80xi32, #tpu.memory_space<vmem>>) semaphore(%run_scoped3A : memref<!tpu.dma_semaphore, #tpu.memory_space<semaphore_mem>>) {add = true}
        %dma_wait3A = arith.constant 0 : i32
        %dma_wait3A_180 = tpu.memref_slice %arg5[%dma_wait3A] : memref<10240xf32, #tpu.memory_space<vmem_shared>> -> memref<10240xf32, #tpu.memory_space<vmem_shared>>
        tpu.wait_indirect_dma semaphore(%run_scoped3A : memref<!tpu.dma_semaphore, #tpu.memory_space<semaphore_mem>>) src(%arg7 : memref<80xf32, #tpu.memory_space<vmem>>) dst(%dma_wait3A_180 : memref<10240xf32, #tpu.memory_space<vmem_shared>>)
        tpu.yield
      }) : () -> ()
    }
    %scan3A_167 = arith.constant 125 : i32
    %barrier3A_168 = arith.constant 0 : index
    tpu.barrier barrier_id(%barrier3A_168)
    %mul3A_169 = arith.constant 640 : i32
    %mul3A_170 = arith.muli %arg1, %mul3A_169 : i32
    %mul3A_171 = arith.constant 640 : i32
    %mul3A_172 = arith.muli %arg1, %mul3A_171 : i32
    "tpu.region"() ({
      %run_scoped3A = tpu.sem_alloc : memref<!tpu.dma_semaphore, #tpu.memory_space<semaphore_mem>>
      %dma_start3A = tpu.memref_slice %arg4[%arg0, %mul3A_172] : memref<2x10240xf32, #tpu.memory_space<hbm>> -> memref<1x640xf32, #tpu.memory_space<hbm>>
      %dma_start3A_173 = tpu.memref_squeeze %dma_start3A : memref<1x640xf32, #tpu.memory_space<hbm>> -> memref<640xf32, #tpu.memory_space<hbm>>
      %dma_start3A_174 = tpu.memref_slice %arg5[%mul3A_170] : memref<10240xf32, #tpu.memory_space<vmem_shared>> -> memref<640xf32, #tpu.memory_space<vmem_shared>>
      tpu.enqueue_dma source(%dma_start3A_174 : memref<640xf32, #tpu.memory_space<vmem_shared>>) target(%dma_start3A_173 : memref<640xf32, #tpu.memory_space<hbm>>) target_semaphore(%run_scoped3A : memref<!tpu.dma_semaphore, #tpu.memory_space<semaphore_mem>>)
      %dma_wait3A = tpu.memref_slice %arg4[%arg0, %mul3A_172] : memref<2x10240xf32, #tpu.memory_space<hbm>> -> memref<1x640xf32, #tpu.memory_space<hbm>>
      %dma_wait3A_175 = tpu.memref_squeeze %dma_wait3A : memref<1x640xf32, #tpu.memory_space<hbm>> -> memref<640xf32, #tpu.memory_space<hbm>>
      %dma_wait3A_176 = tpu.memref_slice %arg5[%mul3A_170] : memref<10240xf32, #tpu.memory_space<vmem_shared>> -> memref<640xf32, #tpu.memory_space<vmem_shared>>
      tpu.wait_dma2 semaphore(%run_scoped3A : memref<!tpu.dma_semaphore, #tpu.memory_space<semaphore_mem>>) src(%dma_wait3A_176 : memref<640xf32, #tpu.memory_space<vmem_shared>>) dst(%dma_wait3A_175 : memref<640xf32, #tpu.memory_space<hbm>>)
      tpu.yield
    }) : () -> ()
    return
  }
}

#map = affine_map<(d0, d1) -> (0, 0)>
#map1 = affine_map<(d0, d1) -> (0)>
#map2 = affine_map<(d0, d1) -> (0, 0, 0)>
module attributes {stable_mosaic.version = 14 : i64} {
  func.func @_spmm_sc(%arg0: i32, %arg1: i32, %arg2: memref<10000x128xf32, #tpu.memory_space<hbm>>, %arg3: memref<320000xi32, #tpu.memory_space<hbm>>, %arg4: memref<320000xi32, #tpu.memory_space<hbm>>, %arg5: memref<320000xf32, #tpu.memory_space<hbm>>, %arg6: memref<2x10240x128xf32, #tpu.memory_space<hbm>>, %arg7: memref<10240x128xf32, #tpu.memory_space<vmem_shared>>, %arg8: memref<10000xi32, #tpu.memory_space<vmem>>, %arg9: memref<10000xf32, #tpu.memory_space<vmem>>, %arg10: memref<80xi32, #tpu.memory_space<vmem>>, %arg11: memref<80x128xf32, #tpu.memory_space<vmem>>, %arg12: memref<128x128xf32, #tpu.memory_space<vmem>>, %arg13: memref<!tpu.dma_semaphore, #tpu.memory_space<semaphore_mem>>) attributes {dimension_semantics = [#tpu.dimension_semantics<core_parallel>, #tpu.dimension_semantics<subcore_parallel>], iteration_bounds = array<i64: 2, 16>, scalar_prefetch = 0 : i64, scratch_operands = 7 : i64, tpu.core_type = #tpu.core_type<sc_vector_subcore>, window_params = [{transform_indices = #map}, {transform_indices = #map1}, {transform_indices = #map1}, {transform_indices = #map1}, {transform_indices = #map2}]} {
    %mul3A = arith.constant 16 : i32
    %mul3A_0 = arith.muli %arg0, %mul3A : i32
    %add3A = arith.addi %mul3A_0, %arg1 : i32
    %mul3A_1 = arith.constant 10000 : i32
    %mul3A_2 = arith.muli %add3A, %mul3A_1 : i32
    %broadcast_in_dim3A = arith.constant 0.000000e+00 : f32
    %broadcast_in_dim3A_3 = vector.broadcast %broadcast_in_dim3A : f32 to vector<16xf32>
    %scan3A = arith.constant 0 : i32
    %scan3A_4 = arith.constant 0 : i32
    %scan3A_5 = arith.constant 128 : i32
    %scan3A_6 = arith.addi %scan3A_4, %scan3A_5 : i32
    %scan3A_7 = arith.constant 1 : i32
    scf.for %scan3A_40 = %scan3A_4 to %scan3A_6 step %scan3A_7  : i32 {
      %swap3A = arith.index_cast %scan3A_40 : i32 to index
      %swap3A_41 = arith.constant 0 : index
      %swap3A_42 = tpu.vector_load %arg12[%swap3A, %swap3A_41] {strides = array<i32>} : memref<128x128xf32, #tpu.memory_space<vmem>>, vector<1x16xf32>,
      %swap3A_43 = vector.shape_cast %swap3A_42 : vector<1x16xf32> to vector<16xf32>
      %swap3A_44 = vector.shape_cast %broadcast_in_dim3A_3 : vector<16xf32> to vector<1x16xf32>
      tpu.vector_store %arg12[%swap3A, %swap3A_41], %swap3A_44 {strides = array<i32>} : memref<128x128xf32, #tpu.memory_space<vmem>>, vector<1x16xf32>,
      %swap3A_45 = arith.index_cast %scan3A_40 : i32 to index
      %swap3A_46 = arith.constant 16 : index
      %swap3A_47 = tpu.vector_load %arg12[%swap3A_45, %swap3A_46] {strides = array<i32>} : memref<128x128xf32, #tpu.memory_space<vmem>>, vector<1x16xf32>,
      %swap3A_48 = vector.shape_cast %swap3A_47 : vector<1x16xf32> to vector<16xf32>
      %swap3A_49 = vector.shape_cast %broadcast_in_dim3A_3 : vector<16xf32> to vector<1x16xf32>
      tpu.vector_store %arg12[%swap3A_45, %swap3A_46], %swap3A_49 {strides = array<i32>} : memref<128x128xf32, #tpu.memory_space<vmem>>, vector<1x16xf32>,
      %swap3A_50 = arith.index_cast %scan3A_40 : i32 to index
      %swap3A_51 = arith.constant 32 : index
      %swap3A_52 = tpu.vector_load %arg12[%swap3A_50, %swap3A_51] {strides = array<i32>} : memref<128x128xf32, #tpu.memory_space<vmem>>, vector<1x16xf32>,
      %swap3A_53 = vector.shape_cast %swap3A_52 : vector<1x16xf32> to vector<16xf32>
      %swap3A_54 = vector.shape_cast %broadcast_in_dim3A_3 : vector<16xf32> to vector<1x16xf32>
      tpu.vector_store %arg12[%swap3A_50, %swap3A_51], %swap3A_54 {strides = array<i32>} : memref<128x128xf32, #tpu.memory_space<vmem>>, vector<1x16xf32>,
      %swap3A_55 = arith.index_cast %scan3A_40 : i32 to index
      %swap3A_56 = arith.constant 48 : index
      %swap3A_57 = tpu.vector_load %arg12[%swap3A_55, %swap3A_56] {strides = array<i32>} : memref<128x128xf32, #tpu.memory_space<vmem>>, vector<1x16xf32>,
      %swap3A_58 = vector.shape_cast %swap3A_57 : vector<1x16xf32> to vector<16xf32>
      %swap3A_59 = vector.shape_cast %broadcast_in_dim3A_3 : vector<16xf32> to vector<1x16xf32>
      tpu.vector_store %arg12[%swap3A_55, %swap3A_56], %swap3A_59 {strides = array<i32>} : memref<128x128xf32, #tpu.memory_space<vmem>>, vector<1x16xf32>,
      %swap3A_60 = arith.index_cast %scan3A_40 : i32 to index
      %swap3A_61 = arith.constant 64 : index
      %swap3A_62 = tpu.vector_load %arg12[%swap3A_60, %swap3A_61] {strides = array<i32>} : memref<128x128xf32, #tpu.memory_space<vmem>>, vector<1x16xf32>,
      %swap3A_63 = vector.shape_cast %swap3A_62 : vector<1x16xf32> to vector<16xf32>
      %swap3A_64 = vector.shape_cast %broadcast_in_dim3A_3 : vector<16xf32> to vector<1x16xf32>
      tpu.vector_store %arg12[%swap3A_60, %swap3A_61], %swap3A_64 {strides = array<i32>} : memref<128x128xf32, #tpu.memory_space<vmem>>, vector<1x16xf32>,
      %swap3A_65 = arith.index_cast %scan3A_40 : i32 to index
      %swap3A_66 = arith.constant 80 : index
      %swap3A_67 = tpu.vector_load %arg12[%swap3A_65, %swap3A_66] {strides = array<i32>} : memref<128x128xf32, #tpu.memory_space<vmem>>, vector<1x16xf32>,
      %swap3A_68 = vector.shape_cast %swap3A_67 : vector<1x16xf32> to vector<16xf32>
      %swap3A_69 = vector.shape_cast %broadcast_in_dim3A_3 : vector<16xf32> to vector<1x16xf32>
      tpu.vector_store %arg12[%swap3A_65, %swap3A_66], %swap3A_69 {strides = array<i32>} : memref<128x128xf32, #tpu.memory_space<vmem>>, vector<1x16xf32>,
      %swap3A_70 = arith.index_cast %scan3A_40 : i32 to index
      %swap3A_71 = arith.constant 96 : index
      %swap3A_72 = tpu.vector_load %arg12[%swap3A_70, %swap3A_71] {strides = array<i32>} : memref<128x128xf32, #tpu.memory_space<vmem>>, vector<1x16xf32>,
      %swap3A_73 = vector.shape_cast %swap3A_72 : vector<1x16xf32> to vector<16xf32>
      %swap3A_74 = vector.shape_cast %broadcast_in_dim3A_3 : vector<16xf32> to vector<1x16xf32>
      tpu.vector_store %arg12[%swap3A_70, %swap3A_71], %swap3A_74 {strides = array<i32>} : memref<128x128xf32, #tpu.memory_space<vmem>>, vector<1x16xf32>,
      %swap3A_75 = arith.index_cast %scan3A_40 : i32 to index
      %swap3A_76 = arith.constant 112 : index
      %swap3A_77 = tpu.vector_load %arg12[%swap3A_75, %swap3A_76] {strides = array<i32>} : memref<128x128xf32, #tpu.memory_space<vmem>>, vector<1x16xf32>,
      %swap3A_78 = vector.shape_cast %swap3A_77 : vector<1x16xf32> to vector<16xf32>
      %swap3A_79 = vector.shape_cast %broadcast_in_dim3A_3 : vector<16xf32> to vector<1x16xf32>
      tpu.vector_store %arg12[%swap3A_75, %swap3A_76], %swap3A_79 {strides = array<i32>} : memref<128x128xf32, #tpu.memory_space<vmem>>, vector<1x16xf32>,
    }
    %scan3A_8 = arith.constant 128 : i32
    %mul3A_9 = arith.constant 640 : i32
    %mul3A_10 = arith.muli %arg1, %mul3A_9 : i32
    %add3A_11 = arith.constant 0 : i32
    %add3A_12 = arith.addi %mul3A_10, %add3A_11 : i32
    "tpu.region"() ({
      %run_scoped3A = tpu.sem_alloc : memref<!tpu.dma_semaphore, #tpu.memory_space<semaphore_mem>>
      %dma_start3A = arith.constant 0 : i32
      %dma_start3A_40 = tpu.memref_slice %arg7[%add3A_12, %dma_start3A] : memref<10240x128xf32, #tpu.memory_space<vmem_shared>> -> memref<128x128xf32, #tpu.memory_space<vmem_shared>>
      %dma_start3A_41 = arith.constant 0 : i32
      %dma_start3A_42 = tpu.memref_slice %arg7[%add3A_12, %dma_start3A_41] : memref<10240x128xf32, #tpu.memory_space<vmem_shared>> -> memref<128x128xf32, #tpu.memory_space<vmem_shared>>
      tpu.enqueue_dma source(%arg12 : memref<128x128xf32, #tpu.memory_space<vmem>>) target(%dma_start3A_42 : memref<128x128xf32, #tpu.memory_space<vmem_shared>>) target_semaphore(%run_scoped3A : memref<!tpu.dma_semaphore, #tpu.memory_space<semaphore_mem>>)
      %dma_wait3A = arith.constant 0 : i32
      %dma_wait3A_43 = tpu.memref_slice %arg7[%add3A_12, %dma_wait3A] : memref<10240x128xf32, #tpu.memory_space<vmem_shared>> -> memref<128x128xf32, #tpu.memory_space<vmem_shared>>
      %dma_wait3A_44 = arith.constant 0 : i32
      %dma_wait3A_45 = tpu.memref_slice %arg7[%add3A_12, %dma_wait3A_44] : memref<10240x128xf32, #tpu.memory_space<vmem_shared>> -> memref<128x128xf32, #tpu.memory_space<vmem_shared>>
      tpu.wait_dma2 semaphore(%run_scoped3A : memref<!tpu.dma_semaphore, #tpu.memory_space<semaphore_mem>>) src(%arg12 : memref<128x128xf32, #tpu.memory_space<vmem>>) dst(%dma_wait3A_45 : memref<128x128xf32, #tpu.memory_space<vmem_shared>>)
      tpu.yield
    }) : () -> ()
    %mul3A_13 = arith.constant 640 : i32
    %mul3A_14 = arith.muli %arg1, %mul3A_13 : i32
    %add3A_15 = arith.constant 128 : i32
    %add3A_16 = arith.addi %mul3A_14, %add3A_15 : i32
    "tpu.region"() ({
      %run_scoped3A = tpu.sem_alloc : memref<!tpu.dma_semaphore, #tpu.memory_space<semaphore_mem>>
      %dma_start3A = arith.constant 0 : i32
      %dma_start3A_40 = tpu.memref_slice %arg7[%add3A_16, %dma_start3A] : memref<10240x128xf32, #tpu.memory_space<vmem_shared>> -> memref<128x128xf32, #tpu.memory_space<vmem_shared>>
      %dma_start3A_41 = arith.constant 0 : i32
      %dma_start3A_42 = tpu.memref_slice %arg7[%add3A_16, %dma_start3A_41] : memref<10240x128xf32, #tpu.memory_space<vmem_shared>> -> memref<128x128xf32, #tpu.memory_space<vmem_shared>>
      tpu.enqueue_dma source(%arg12 : memref<128x128xf32, #tpu.memory_space<vmem>>) target(%dma_start3A_42 : memref<128x128xf32, #tpu.memory_space<vmem_shared>>) target_semaphore(%run_scoped3A : memref<!tpu.dma_semaphore, #tpu.memory_space<semaphore_mem>>)
      %dma_wait3A = arith.constant 0 : i32
      %dma_wait3A_43 = tpu.memref_slice %arg7[%add3A_16, %dma_wait3A] : memref<10240x128xf32, #tpu.memory_space<vmem_shared>> -> memref<128x128xf32, #tpu.memory_space<vmem_shared>>
      %dma_wait3A_44 = arith.constant 0 : i32
      %dma_wait3A_45 = tpu.memref_slice %arg7[%add3A_16, %dma_wait3A_44] : memref<10240x128xf32, #tpu.memory_space<vmem_shared>> -> memref<128x128xf32, #tpu.memory_space<vmem_shared>>
      tpu.wait_dma2 semaphore(%run_scoped3A : memref<!tpu.dma_semaphore, #tpu.memory_space<semaphore_mem>>) src(%arg12 : memref<128x128xf32, #tpu.memory_space<vmem>>) dst(%dma_wait3A_45 : memref<128x128xf32, #tpu.memory_space<vmem_shared>>)
      tpu.yield
    }) : () -> ()
    %mul3A_17 = arith.constant 640 : i32
    %mul3A_18 = arith.muli %arg1, %mul3A_17 : i32
    %add3A_19 = arith.constant 256 : i32
    %add3A_20 = arith.addi %mul3A_18, %add3A_19 : i32
    "tpu.region"() ({
      %run_scoped3A = tpu.sem_alloc : memref<!tpu.dma_semaphore, #tpu.memory_space<semaphore_mem>>
      %dma_start3A = arith.constant 0 : i32
      %dma_start3A_40 = tpu.memref_slice %arg7[%add3A_20, %dma_start3A] : memref<10240x128xf32, #tpu.memory_space<vmem_shared>> -> memref<128x128xf32, #tpu.memory_space<vmem_shared>>
      %dma_start3A_41 = arith.constant 0 : i32
      %dma_start3A_42 = tpu.memref_slice %arg7[%add3A_20, %dma_start3A_41] : memref<10240x128xf32, #tpu.memory_space<vmem_shared>> -> memref<128x128xf32, #tpu.memory_space<vmem_shared>>
      tpu.enqueue_dma source(%arg12 : memref<128x128xf32, #tpu.memory_space<vmem>>) target(%dma_start3A_42 : memref<128x128xf32, #tpu.memory_space<vmem_shared>>) target_semaphore(%run_scoped3A : memref<!tpu.dma_semaphore, #tpu.memory_space<semaphore_mem>>)
      %dma_wait3A = arith.constant 0 : i32
      %dma_wait3A_43 = tpu.memref_slice %arg7[%add3A_20, %dma_wait3A] : memref<10240x128xf32, #tpu.memory_space<vmem_shared>> -> memref<128x128xf32, #tpu.memory_space<vmem_shared>>
      %dma_wait3A_44 = arith.constant 0 : i32
      %dma_wait3A_45 = tpu.memref_slice %arg7[%add3A_20, %dma_wait3A_44] : memref<10240x128xf32, #tpu.memory_space<vmem_shared>> -> memref<128x128xf32, #tpu.memory_space<vmem_shared>>
      tpu.wait_dma2 semaphore(%run_scoped3A : memref<!tpu.dma_semaphore, #tpu.memory_space<semaphore_mem>>) src(%arg12 : memref<128x128xf32, #tpu.memory_space<vmem>>) dst(%dma_wait3A_45 : memref<128x128xf32, #tpu.memory_space<vmem_shared>>)
      tpu.yield
    }) : () -> ()
    %mul3A_21 = arith.constant 640 : i32
    %mul3A_22 = arith.muli %arg1, %mul3A_21 : i32
    %add3A_23 = arith.constant 384 : i32
    %add3A_24 = arith.addi %mul3A_22, %add3A_23 : i32
    "tpu.region"() ({
      %run_scoped3A = tpu.sem_alloc : memref<!tpu.dma_semaphore, #tpu.memory_space<semaphore_mem>>
      %dma_start3A = arith.constant 0 : i32
      %dma_start3A_40 = tpu.memref_slice %arg7[%add3A_24, %dma_start3A] : memref<10240x128xf32, #tpu.memory_space<vmem_shared>> -> memref<128x128xf32, #tpu.memory_space<vmem_shared>>
      %dma_start3A_41 = arith.constant 0 : i32
      %dma_start3A_42 = tpu.memref_slice %arg7[%add3A_24, %dma_start3A_41] : memref<10240x128xf32, #tpu.memory_space<vmem_shared>> -> memref<128x128xf32, #tpu.memory_space<vmem_shared>>
      tpu.enqueue_dma source(%arg12 : memref<128x128xf32, #tpu.memory_space<vmem>>) target(%dma_start3A_42 : memref<128x128xf32, #tpu.memory_space<vmem_shared>>) target_semaphore(%run_scoped3A : memref<!tpu.dma_semaphore, #tpu.memory_space<semaphore_mem>>)
      %dma_wait3A = arith.constant 0 : i32
      %dma_wait3A_43 = tpu.memref_slice %arg7[%add3A_24, %dma_wait3A] : memref<10240x128xf32, #tpu.memory_space<vmem_shared>> -> memref<128x128xf32, #tpu.memory_space<vmem_shared>>
      %dma_wait3A_44 = arith.constant 0 : i32
      %dma_wait3A_45 = tpu.memref_slice %arg7[%add3A_24, %dma_wait3A_44] : memref<10240x128xf32, #tpu.memory_space<vmem_shared>> -> memref<128x128xf32, #tpu.memory_space<vmem_shared>>
      tpu.wait_dma2 semaphore(%run_scoped3A : memref<!tpu.dma_semaphore, #tpu.memory_space<semaphore_mem>>) src(%arg12 : memref<128x128xf32, #tpu.memory_space<vmem>>) dst(%dma_wait3A_45 : memref<128x128xf32, #tpu.memory_space<vmem_shared>>)
      tpu.yield
    }) : () -> ()
    %mul3A_25 = arith.constant 640 : i32
    %mul3A_26 = arith.muli %arg1, %mul3A_25 : i32
    %add3A_27 = arith.constant 512 : i32
    %add3A_28 = arith.addi %mul3A_26, %add3A_27 : i32
    "tpu.region"() ({
      %run_scoped3A = tpu.sem_alloc : memref<!tpu.dma_semaphore, #tpu.memory_space<semaphore_mem>>
      %dma_start3A = arith.constant 0 : i32
      %dma_start3A_40 = tpu.memref_slice %arg7[%add3A_28, %dma_start3A] : memref<10240x128xf32, #tpu.memory_space<vmem_shared>> -> memref<128x128xf32, #tpu.memory_space<vmem_shared>>
      %dma_start3A_41 = arith.constant 0 : i32
      %dma_start3A_42 = tpu.memref_slice %arg7[%add3A_28, %dma_start3A_41] : memref<10240x128xf32, #tpu.memory_space<vmem_shared>> -> memref<128x128xf32, #tpu.memory_space<vmem_shared>>
      tpu.enqueue_dma source(%arg12 : memref<128x128xf32, #tpu.memory_space<vmem>>) target(%dma_start3A_42 : memref<128x128xf32, #tpu.memory_space<vmem_shared>>) target_semaphore(%run_scoped3A : memref<!tpu.dma_semaphore, #tpu.memory_space<semaphore_mem>>)
      %dma_wait3A = arith.constant 0 : i32
      %dma_wait3A_43 = tpu.memref_slice %arg7[%add3A_28, %dma_wait3A] : memref<10240x128xf32, #tpu.memory_space<vmem_shared>> -> memref<128x128xf32, #tpu.memory_space<vmem_shared>>
      %dma_wait3A_44 = arith.constant 0 : i32
      %dma_wait3A_45 = tpu.memref_slice %arg7[%add3A_28, %dma_wait3A_44] : memref<10240x128xf32, #tpu.memory_space<vmem_shared>> -> memref<128x128xf32, #tpu.memory_space<vmem_shared>>
      tpu.wait_dma2 semaphore(%run_scoped3A : memref<!tpu.dma_semaphore, #tpu.memory_space<semaphore_mem>>) src(%arg12 : memref<128x128xf32, #tpu.memory_space<vmem>>) dst(%dma_wait3A_45 : memref<128x128xf32, #tpu.memory_space<vmem_shared>>)
      tpu.yield
    }) : () -> ()
    "tpu.region"() ({
      %run_scoped3A = tpu.sem_alloc : memref<!tpu.dma_semaphore, #tpu.memory_space<semaphore_mem>>
      %dma_start3A = tpu.memref_slice %arg3[%mul3A_2] : memref<320000xi32, #tpu.memory_space<hbm>> -> memref<10000xi32, #tpu.memory_space<hbm>>
      %dma_start3A_40 = tpu.memref_slice %arg3[%mul3A_2] : memref<320000xi32, #tpu.memory_space<hbm>> -> memref<10000xi32, #tpu.memory_space<hbm>>
      tpu.enqueue_dma source(%dma_start3A_40 : memref<10000xi32, #tpu.memory_space<hbm>>) target(%arg8 : memref<10000xi32, #tpu.memory_space<vmem>>) target_semaphore(%run_scoped3A : memref<!tpu.dma_semaphore, #tpu.memory_space<semaphore_mem>>)
      %dma_wait3A = tpu.memref_slice %arg3[%mul3A_2] : memref<320000xi32, #tpu.memory_space<hbm>> -> memref<10000xi32, #tpu.memory_space<hbm>>
      %dma_wait3A_41 = tpu.memref_slice %arg3[%mul3A_2] : memref<320000xi32, #tpu.memory_space<hbm>> -> memref<10000xi32, #tpu.memory_space<hbm>>
      tpu.wait_dma2 semaphore(%run_scoped3A : memref<!tpu.dma_semaphore, #tpu.memory_space<semaphore_mem>>) src(%dma_wait3A_41 : memref<10000xi32, #tpu.memory_space<hbm>>) dst(%arg8 : memref<10000xi32, #tpu.memory_space<vmem>>)
      tpu.yield
    }) : () -> ()
    "tpu.region"() ({
      %run_scoped3A = tpu.sem_alloc : memref<!tpu.dma_semaphore, #tpu.memory_space<semaphore_mem>>
      %dma_start3A = tpu.memref_slice %arg5[%mul3A_2] : memref<320000xf32, #tpu.memory_space<hbm>> -> memref<10000xf32, #tpu.memory_space<hbm>>
      %dma_start3A_40 = tpu.memref_slice %arg5[%mul3A_2] : memref<320000xf32, #tpu.memory_space<hbm>> -> memref<10000xf32, #tpu.memory_space<hbm>>
      tpu.enqueue_dma source(%dma_start3A_40 : memref<10000xf32, #tpu.memory_space<hbm>>) target(%arg9 : memref<10000xf32, #tpu.memory_space<vmem>>) target_semaphore(%run_scoped3A : memref<!tpu.dma_semaphore, #tpu.memory_space<semaphore_mem>>)
      %dma_wait3A = tpu.memref_slice %arg5[%mul3A_2] : memref<320000xf32, #tpu.memory_space<hbm>> -> memref<10000xf32, #tpu.memory_space<hbm>>
      %dma_wait3A_41 = tpu.memref_slice %arg5[%mul3A_2] : memref<320000xf32, #tpu.memory_space<hbm>> -> memref<10000xf32, #tpu.memory_space<hbm>>
      tpu.wait_dma2 semaphore(%run_scoped3A : memref<!tpu.dma_semaphore, #tpu.memory_space<semaphore_mem>>) src(%dma_wait3A_41 : memref<10000xf32, #tpu.memory_space<hbm>>) dst(%arg9 : memref<10000xf32, #tpu.memory_space<vmem>>)
      tpu.yield
    }) : () -> ()
    %barrier3A = arith.constant 0 : index
    tpu.barrier barrier_id(%barrier3A)
    %scan3A_29 = arith.constant 0 : i32
    %scan3A_30 = arith.constant 0 : i32
    %scan3A_31 = arith.constant 125 : i32
    %scan3A_32 = arith.addi %scan3A_30, %scan3A_31 : i32
    %scan3A_33 = arith.constant 1 : i32
    scf.for %scan3A_40 = %scan3A_30 to %scan3A_32 step %scan3A_33  : i32 {
      %mul3A_41 = arith.constant 80 : i32
      %mul3A_42 = arith.muli %scan3A_40, %mul3A_41 : i32
      %add3A_43 = arith.addi %mul3A_2, %mul3A_42 : i32
      "tpu.region"() ({
        %run_scoped3A = tpu.sem_alloc : memref<!tpu.dma_semaphore, #tpu.memory_space<semaphore_mem>>
        %dma_start3A_56 = tpu.memref_slice %arg4[%add3A_43] : memref<320000xi32, #tpu.memory_space<hbm>> -> memref<80xi32, #tpu.memory_space<hbm>>
        %dma_start3A_57 = tpu.memref_slice %arg4[%add3A_43] : memref<320000xi32, #tpu.memory_space<hbm>> -> memref<80xi32, #tpu.memory_space<hbm>>
        tpu.enqueue_dma source(%dma_start3A_57 : memref<80xi32, #tpu.memory_space<hbm>>) target(%arg10 : memref<80xi32, #tpu.memory_space<vmem>>) target_semaphore(%run_scoped3A : memref<!tpu.dma_semaphore, #tpu.memory_space<semaphore_mem>>)
        %dma_wait3A_58 = tpu.memref_slice %arg4[%add3A_43] : memref<320000xi32, #tpu.memory_space<hbm>> -> memref<80xi32, #tpu.memory_space<hbm>>
        %dma_wait3A_59 = tpu.memref_slice %arg4[%add3A_43] : memref<320000xi32, #tpu.memory_space<hbm>> -> memref<80xi32, #tpu.memory_space<hbm>>
        tpu.wait_dma2 semaphore(%run_scoped3A : memref<!tpu.dma_semaphore, #tpu.memory_space<semaphore_mem>>) src(%dma_wait3A_59 : memref<80xi32, #tpu.memory_space<hbm>>) dst(%arg10 : memref<80xi32, #tpu.memory_space<vmem>>)
        tpu.yield
      }) : () -> ()
      %dma_start3A = tpu.memref_slice %arg8[%mul3A_42] : memref<10000xi32, #tpu.memory_space<vmem>> -> memref<80xi32, #tpu.memory_space<vmem>>
      %dma_start3A_44 = arith.constant 0 : i32
      %dma_start3A_45 = arith.constant 0 : i32
      %dma_start3A_46 = tpu.memref_slice %arg2[%dma_start3A_44, %dma_start3A_45] : memref<10000x128xf32, #tpu.memory_space<hbm>> -> memref<10000x128xf32, #tpu.memory_space<hbm>>
      tpu.enqueue_indirect_dma source(%dma_start3A_46 : memref<10000x128xf32, #tpu.memory_space<hbm>>) target(%arg11 : memref<80x128xf32, #tpu.memory_space<vmem>>) offsets(%dma_start3A : memref<80xi32, #tpu.memory_space<vmem>>) semaphore(%arg13 : memref<!tpu.dma_semaphore, #tpu.memory_space<semaphore_mem>>)
      %dma_wait3A = tpu.memref_slice %arg8[%mul3A_42] : memref<10000xi32, #tpu.memory_space<vmem>> -> memref<80xi32, #tpu.memory_space<vmem>>
      %dma_wait3A_47 = arith.constant 0 : i32
      %dma_wait3A_48 = arith.constant 0 : i32
      %dma_wait3A_49 = tpu.memref_slice %arg2[%dma_wait3A_47, %dma_wait3A_48] : memref<10000x128xf32, #tpu.memory_space<hbm>> -> memref<10000x128xf32, #tpu.memory_space<hbm>>
      tpu.wait_indirect_dma semaphore(%arg13 : memref<!tpu.dma_semaphore, #tpu.memory_space<semaphore_mem>>) src(%dma_wait3A_49 : memref<10000x128xf32, #tpu.memory_space<hbm>>) dst(%arg11 : memref<80x128xf32, #tpu.memory_space<vmem>>)
      %scan3A_50 = arith.constant 0 : i32
      %scan3A_51 = arith.constant 0 : i32
      %scan3A_52 = arith.constant 5 : i32
      %scan3A_53 = arith.addi %scan3A_51, %scan3A_52 : i32
      %scan3A_54 = arith.constant 1 : i32
      scf.for %scan3A_56 = %scan3A_51 to %scan3A_53 step %scan3A_54  : i32 {
        %mul3A_57 = arith.constant 16 : i32
        %mul3A_58 = arith.muli %scan3A_56, %mul3A_57 : i32
        %add3A_59 = arith.addi %mul3A_42, %mul3A_58 : i32
        %get3A = arith.index_cast %add3A_59 : i32 to index
        %get3A_60 = tpu.vector_load %arg9[%get3A] {strides = array<i32>} : memref<10000xf32, #tpu.memory_space<vmem>>, vector<16xf32>,
        %get3A_61 = vector.shape_cast %get3A_60 : vector<16xf32> to vector<16xf32>
        %slice3A = vector.extract_strided_slice %get3A_61 {offsets = [0], sizes = [1], strides = [1]} : vector<16xf32> to vector<1xf32>
        %squeeze3A = vector.extract %slice3A[0] : f32 from vector<1xf32>
        %broadcast_in_dim3A_62 = vector.broadcast %squeeze3A : f32 to vector<16xf32>
        %add3A_63 = arith.constant 0 : i32
        %add3A_64 = arith.addi %mul3A_58, %add3A_63 : i32
        %get3A_65 = arith.index_cast %add3A_64 : i32 to index
        %get3A_66 = arith.constant 0 : index
        %get3A_67 = tpu.vector_load %arg11[%get3A_65, %get3A_66] {strides = array<i32>} : memref<80x128xf32, #tpu.memory_space<vmem>>, vector<1x16xf32>,
        %get3A_68 = vector.shape_cast %get3A_67 : vector<1x16xf32> to vector<16xf32>
        %mul3A_69 = arith.mulf %get3A_68, %broadcast_in_dim3A_62 : vector<16xf32>
        %add3A_70 = arith.constant 0 : i32
        %add3A_71 = arith.addi %mul3A_58, %add3A_70 : i32
        %swap3A = arith.index_cast %add3A_71 : i32 to index
        %swap3A_72 = arith.constant 0 : index
        %swap3A_73 = tpu.vector_load %arg11[%swap3A, %swap3A_72] {strides = array<i32>} : memref<80x128xf32, #tpu.memory_space<vmem>>, vector<1x16xf32>,
        %swap3A_74 = vector.shape_cast %swap3A_73 : vector<1x16xf32> to vector<16xf32>
        %swap3A_75 = vector.shape_cast %mul3A_69 : vector<16xf32> to vector<1x16xf32>
        tpu.vector_store %arg11[%swap3A, %swap3A_72], %swap3A_75 {strides = array<i32>} : memref<80x128xf32, #tpu.memory_space<vmem>>, vector<1x16xf32>,
        %add3A_76 = arith.constant 0 : i32
        %add3A_77 = arith.addi %mul3A_58, %add3A_76 : i32
        %get3A_78 = arith.index_cast %add3A_77 : i32 to index
        %get3A_79 = arith.constant 16 : index
        %get3A_80 = tpu.vector_load %arg11[%get3A_78, %get3A_79] {strides = array<i32>} : memref<80x128xf32, #tpu.memory_space<vmem>>, vector<1x16xf32>,
        %get3A_81 = vector.shape_cast %get3A_80 : vector<1x16xf32> to vector<16xf32>
        %mul3A_82 = arith.mulf %get3A_81, %broadcast_in_dim3A_62 : vector<16xf32>
        %add3A_83 = arith.constant 0 : i32
        %add3A_84 = arith.addi %mul3A_58, %add3A_83 : i32
        %swap3A_85 = arith.index_cast %add3A_84 : i32 to index
        %swap3A_86 = arith.constant 16 : index
        %swap3A_87 = tpu.vector_load %arg11[%swap3A_85, %swap3A_86] {strides = array<i32>} : memref<80x128xf32, #tpu.memory_space<vmem>>, vector<1x16xf32>,
        %swap3A_88 = vector.shape_cast %swap3A_87 : vector<1x16xf32> to vector<16xf32>
        %swap3A_89 = vector.shape_cast %mul3A_82 : vector<16xf32> to vector<1x16xf32>
        tpu.vector_store %arg11[%swap3A_85, %swap3A_86], %swap3A_89 {strides = array<i32>} : memref<80x128xf32, #tpu.memory_space<vmem>>, vector<1x16xf32>,
        %add3A_90 = arith.constant 0 : i32
        %add3A_91 = arith.addi %mul3A_58, %add3A_90 : i32
        %get3A_92 = arith.index_cast %add3A_91 : i32 to index
        %get3A_93 = arith.constant 32 : index
        %get3A_94 = tpu.vector_load %arg11[%get3A_92, %get3A_93] {strides = array<i32>} : memref<80x128xf32, #tpu.memory_space<vmem>>, vector<1x16xf32>,
        %get3A_95 = vector.shape_cast %get3A_94 : vector<1x16xf32> to vector<16xf32>
        %mul3A_96 = arith.mulf %get3A_95, %broadcast_in_dim3A_62 : vector<16xf32>
        %add3A_97 = arith.constant 0 : i32
        %add3A_98 = arith.addi %mul3A_58, %add3A_97 : i32
        %swap3A_99 = arith.index_cast %add3A_98 : i32 to index
        %swap3A_100 = arith.constant 32 : index
        %swap3A_101 = tpu.vector_load %arg11[%swap3A_99, %swap3A_100] {strides = array<i32>} : memref<80x128xf32, #tpu.memory_space<vmem>>, vector<1x16xf32>,
        %swap3A_102 = vector.shape_cast %swap3A_101 : vector<1x16xf32> to vector<16xf32>
        %swap3A_103 = vector.shape_cast %mul3A_96 : vector<16xf32> to vector<1x16xf32>
        tpu.vector_store %arg11[%swap3A_99, %swap3A_100], %swap3A_103 {strides = array<i32>} : memref<80x128xf32, #tpu.memory_space<vmem>>, vector<1x16xf32>,
        %add3A_104 = arith.constant 0 : i32
        %add3A_105 = arith.addi %mul3A_58, %add3A_104 : i32
        %get3A_106 = arith.index_cast %add3A_105 : i32 to index
        %get3A_107 = arith.constant 48 : index
        %get3A_108 = tpu.vector_load %arg11[%get3A_106, %get3A_107] {strides = array<i32>} : memref<80x128xf32, #tpu.memory_space<vmem>>, vector<1x16xf32>,
        %get3A_109 = vector.shape_cast %get3A_108 : vector<1x16xf32> to vector<16xf32>
        %mul3A_110 = arith.mulf %get3A_109, %broadcast_in_dim3A_62 : vector<16xf32>
        %add3A_111 = arith.constant 0 : i32
        %add3A_112 = arith.addi %mul3A_58, %add3A_111 : i32
        %swap3A_113 = arith.index_cast %add3A_112 : i32 to index
        %swap3A_114 = arith.constant 48 : index
        %swap3A_115 = tpu.vector_load %arg11[%swap3A_113, %swap3A_114] {strides = array<i32>} : memref<80x128xf32, #tpu.memory_space<vmem>>, vector<1x16xf32>,
        %swap3A_116 = vector.shape_cast %swap3A_115 : vector<1x16xf32> to vector<16xf32>
        %swap3A_117 = vector.shape_cast %mul3A_110 : vector<16xf32> to vector<1x16xf32>
        tpu.vector_store %arg11[%swap3A_113, %swap3A_114], %swap3A_117 {strides = array<i32>} : memref<80x128xf32, #tpu.memory_space<vmem>>, vector<1x16xf32>,
        %add3A_118 = arith.constant 0 : i32
        %add3A_119 = arith.addi %mul3A_58, %add3A_118 : i32
        %get3A_120 = arith.index_cast %add3A_119 : i32 to index
        %get3A_121 = arith.constant 64 : index
        %get3A_122 = tpu.vector_load %arg11[%get3A_120, %get3A_121] {strides = array<i32>} : memref<80x128xf32, #tpu.memory_space<vmem>>, vector<1x16xf32>,
        %get3A_123 = vector.shape_cast %get3A_122 : vector<1x16xf32> to vector<16xf32>
        %mul3A_124 = arith.mulf %get3A_123, %broadcast_in_dim3A_62 : vector<16xf32>
        %add3A_125 = arith.constant 0 : i32
        %add3A_126 = arith.addi %mul3A_58, %add3A_125 : i32
        %swap3A_127 = arith.index_cast %add3A_126 : i32 to index
        %swap3A_128 = arith.constant 64 : index
        %swap3A_129 = tpu.vector_load %arg11[%swap3A_127, %swap3A_128] {strides = array<i32>} : memref<80x128xf32, #tpu.memory_space<vmem>>, vector<1x16xf32>,
        %swap3A_130 = vector.shape_cast %swap3A_129 : vector<1x16xf32> to vector<16xf32>
        %swap3A_131 = vector.shape_cast %mul3A_124 : vector<16xf32> to vector<1x16xf32>
        tpu.vector_store %arg11[%swap3A_127, %swap3A_128], %swap3A_131 {strides = array<i32>} : memref<80x128xf32, #tpu.memory_space<vmem>>, vector<1x16xf32>,
        %add3A_132 = arith.constant 0 : i32
        %add3A_133 = arith.addi %mul3A_58, %add3A_132 : i32
        %get3A_134 = arith.index_cast %add3A_133 : i32 to index
        %get3A_135 = arith.constant 80 : index
        %get3A_136 = tpu.vector_load %arg11[%get3A_134, %get3A_135] {strides = array<i32>} : memref<80x128xf32, #tpu.memory_space<vmem>>, vector<1x16xf32>,
        %get3A_137 = vector.shape_cast %get3A_136 : vector<1x16xf32> to vector<16xf32>
        %mul3A_138 = arith.mulf %get3A_137, %broadcast_in_dim3A_62 : vector<16xf32>
        %add3A_139 = arith.constant 0 : i32
        %add3A_140 = arith.addi %mul3A_58, %add3A_139 : i32
        %swap3A_141 = arith.index_cast %add3A_140 : i32 to index
        %swap3A_142 = arith.constant 80 : index
        %swap3A_143 = tpu.vector_load %arg11[%swap3A_141, %swap3A_142] {strides = array<i32>} : memref<80x128xf32, #tpu.memory_space<vmem>>, vector<1x16xf32>,
        %swap3A_144 = vector.shape_cast %swap3A_143 : vector<1x16xf32> to vector<16xf32>
        %swap3A_145 = vector.shape_cast %mul3A_138 : vector<16xf32> to vector<1x16xf32>
        tpu.vector_store %arg11[%swap3A_141, %swap3A_142], %swap3A_145 {strides = array<i32>} : memref<80x128xf32, #tpu.memory_space<vmem>>, vector<1x16xf32>,
        %add3A_146 = arith.constant 0 : i32
        %add3A_147 = arith.addi %mul3A_58, %add3A_146 : i32
        %get3A_148 = arith.index_cast %add3A_147 : i32 to index
        %get3A_149 = arith.constant 96 : index
        %get3A_150 = tpu.vector_load %arg11[%get3A_148, %get3A_149] {strides = array<i32>} : memref<80x128xf32, #tpu.memory_space<vmem>>, vector<1x16xf32>,
        %get3A_151 = vector.shape_cast %get3A_150 : vector<1x16xf32> to vector<16xf32>
        %mul3A_152 = arith.mulf %get3A_151, %broadcast_in_dim3A_62 : vector<16xf32>
        %add3A_153 = arith.constant 0 : i32
        %add3A_154 = arith.addi %mul3A_58, %add3A_153 : i32
        %swap3A_155 = arith.index_cast %add3A_154 : i32 to index
        %swap3A_156 = arith.constant 96 : index
        %swap3A_157 = tpu.vector_load %arg11[%swap3A_155, %swap3A_156] {strides = array<i32>} : memref<80x128xf32, #tpu.memory_space<vmem>>, vector<1x16xf32>,
        %swap3A_158 = vector.shape_cast %swap3A_157 : vector<1x16xf32> to vector<16xf32>
        %swap3A_159 = vector.shape_cast %mul3A_152 : vector<16xf32> to vector<1x16xf32>
        tpu.vector_store %arg11[%swap3A_155, %swap3A_156], %swap3A_159 {strides = array<i32>} : memref<80x128xf32, #tpu.memory_space<vmem>>, vector<1x16xf32>,
        %add3A_160 = arith.constant 0 : i32
        %add3A_161 = arith.addi %mul3A_58, %add3A_160 : i32
        %get3A_162 = arith.index_cast %add3A_161 : i32 to index
        %get3A_163 = arith.constant 112 : index
        %get3A_164 = tpu.vector_load %arg11[%get3A_162, %get3A_163] {strides = array<i32>} : memref<80x128xf32, #tpu.memory_space<vmem>>, vector<1x16xf32>,
        %get3A_165 = vector.shape_cast %get3A_164 : vector<1x16xf32> to vector<16xf32>
        %mul3A_166 = arith.mulf %get3A_165, %broadcast_in_dim3A_62 : vector<16xf32>
        %add3A_167 = arith.constant 0 : i32
        %add3A_168 = arith.addi %mul3A_58, %add3A_167 : i32
        %swap3A_169 = arith.index_cast %add3A_168 : i32 to index
        %swap3A_170 = arith.constant 112 : index
        %swap3A_171 = tpu.vector_load %arg11[%swap3A_169, %swap3A_170] {strides = array<i32>} : memref<80x128xf32, #tpu.memory_space<vmem>>, vector<1x16xf32>,
        %swap3A_172 = vector.shape_cast %swap3A_171 : vector<1x16xf32> to vector<16xf32>
        %swap3A_173 = vector.shape_cast %mul3A_166 : vector<16xf32> to vector<1x16xf32>
        tpu.vector_store %arg11[%swap3A_169, %swap3A_170], %swap3A_173 {strides = array<i32>} : memref<80x128xf32, #tpu.memory_space<vmem>>, vector<1x16xf32>,
        %slice3A_174 = vector.extract_strided_slice %get3A_61 {offsets = [1], sizes = [1], strides = [1]} : vector<16xf32> to vector<1xf32>
        %squeeze3A_175 = vector.extract %slice3A_174[0] : f32 from vector<1xf32>
        %broadcast_in_dim3A_176 = vector.broadcast %squeeze3A_175 : f32 to vector<16xf32>
        %add3A_177 = arith.constant 1 : i32
        %add3A_178 = arith.addi %mul3A_58, %add3A_177 : i32
        %get3A_179 = arith.index_cast %add3A_178 : i32 to index
        %get3A_180 = arith.constant 0 : index
        %get3A_181 = tpu.vector_load %arg11[%get3A_179, %get3A_180] {strides = array<i32>} : memref<80x128xf32, #tpu.memory_space<vmem>>, vector<1x16xf32>,
        %get3A_182 = vector.shape_cast %get3A_181 : vector<1x16xf32> to vector<16xf32>
        %mul3A_183 = arith.mulf %get3A_182, %broadcast_in_dim3A_176 : vector<16xf32>
        %add3A_184 = arith.constant 1 : i32
        %add3A_185 = arith.addi %mul3A_58, %add3A_184 : i32
        %swap3A_186 = arith.index_cast %add3A_185 : i32 to index
        %swap3A_187 = arith.constant 0 : index
        %swap3A_188 = tpu.vector_load %arg11[%swap3A_186, %swap3A_187] {strides = array<i32>} : memref<80x128xf32, #tpu.memory_space<vmem>>, vector<1x16xf32>,
        %swap3A_189 = vector.shape_cast %swap3A_188 : vector<1x16xf32> to vector<16xf32>
        %swap3A_190 = vector.shape_cast %mul3A_183 : vector<16xf32> to vector<1x16xf32>
        tpu.vector_store %arg11[%swap3A_186, %swap3A_187], %swap3A_190 {strides = array<i32>} : memref<80x128xf32, #tpu.memory_space<vmem>>, vector<1x16xf32>,
        %add3A_191 = arith.constant 1 : i32
        %add3A_192 = arith.addi %mul3A_58, %add3A_191 : i32
        %get3A_193 = arith.index_cast %add3A_192 : i32 to index
        %get3A_194 = arith.constant 16 : index
        %get3A_195 = tpu.vector_load %arg11[%get3A_193, %get3A_194] {strides = array<i32>} : memref<80x128xf32, #tpu.memory_space<vmem>>, vector<1x16xf32>,
        %get3A_196 = vector.shape_cast %get3A_195 : vector<1x16xf32> to vector<16xf32>
        %mul3A_197 = arith.mulf %get3A_196, %broadcast_in_dim3A_176 : vector<16xf32>
        %add3A_198 = arith.constant 1 : i32
        %add3A_199 = arith.addi %mul3A_58, %add3A_198 : i32
        %swap3A_200 = arith.index_cast %add3A_199 : i32 to index
        %swap3A_201 = arith.constant 16 : index
        %swap3A_202 = tpu.vector_load %arg11[%swap3A_200, %swap3A_201] {strides = array<i32>} : memref<80x128xf32, #tpu.memory_space<vmem>>, vector<1x16xf32>,
        %swap3A_203 = vector.shape_cast %swap3A_202 : vector<1x16xf32> to vector<16xf32>
        %swap3A_204 = vector.shape_cast %mul3A_197 : vector<16xf32> to vector<1x16xf32>
        tpu.vector_store %arg11[%swap3A_200, %swap3A_201], %swap3A_204 {strides = array<i32>} : memref<80x128xf32, #tpu.memory_space<vmem>>, vector<1x16xf32>,
        %add3A_205 = arith.constant 1 : i32
        %add3A_206 = arith.addi %mul3A_58, %add3A_205 : i32
        %get3A_207 = arith.index_cast %add3A_206 : i32 to index
        %get3A_208 = arith.constant 32 : index
        %get3A_209 = tpu.vector_load %arg11[%get3A_207, %get3A_208] {strides = array<i32>} : memref<80x128xf32, #tpu.memory_space<vmem>>, vector<1x16xf32>,
        %get3A_210 = vector.shape_cast %get3A_209 : vector<1x16xf32> to vector<16xf32>
        %mul3A_211 = arith.mulf %get3A_210, %broadcast_in_dim3A_176 : vector<16xf32>
        %add3A_212 = arith.constant 1 : i32
        %add3A_213 = arith.addi %mul3A_58, %add3A_212 : i32
        %swap3A_214 = arith.index_cast %add3A_213 : i32 to index
        %swap3A_215 = arith.constant 32 : index
        %swap3A_216 = tpu.vector_load %arg11[%swap3A_214, %swap3A_215] {strides = array<i32>} : memref<80x128xf32, #tpu.memory_space<vmem>>, vector<1x16xf32>,
        %swap3A_217 = vector.shape_cast %swap3A_216 : vector<1x16xf32> to vector<16xf32>
        %swap3A_218 = vector.shape_cast %mul3A_211 : vector<16xf32> to vector<1x16xf32>
        tpu.vector_store %arg11[%swap3A_214, %swap3A_215], %swap3A_218 {strides = array<i32>} : memref<80x128xf32, #tpu.memory_space<vmem>>, vector<1x16xf32>,
        %add3A_219 = arith.constant 1 : i32
        %add3A_220 = arith.addi %mul3A_58, %add3A_219 : i32
        %get3A_221 = arith.index_cast %add3A_220 : i32 to index
        %get3A_222 = arith.constant 48 : index
        %get3A_223 = tpu.vector_load %arg11[%get3A_221, %get3A_222] {strides = array<i32>} : memref<80x128xf32, #tpu.memory_space<vmem>>, vector<1x16xf32>,
        %get3A_224 = vector.shape_cast %get3A_223 : vector<1x16xf32> to vector<16xf32>
        %mul3A_225 = arith.mulf %get3A_224, %broadcast_in_dim3A_176 : vector<16xf32>
        %add3A_226 = arith.constant 1 : i32
        %add3A_227 = arith.addi %mul3A_58, %add3A_226 : i32
        %swap3A_228 = arith.index_cast %add3A_227 : i32 to index
        %swap3A_229 = arith.constant 48 : index
        %swap3A_230 = tpu.vector_load %arg11[%swap3A_228, %swap3A_229] {strides = array<i32>} : memref<80x128xf32, #tpu.memory_space<vmem>>, vector<1x16xf32>,
        %swap3A_231 = vector.shape_cast %swap3A_230 : vector<1x16xf32> to vector<16xf32>
        %swap3A_232 = vector.shape_cast %mul3A_225 : vector<16xf32> to vector<1x16xf32>
        tpu.vector_store %arg11[%swap3A_228, %swap3A_229], %swap3A_232 {strides = array<i32>} : memref<80x128xf32, #tpu.memory_space<vmem>>, vector<1x16xf32>,
        %add3A_233 = arith.constant 1 : i32
        %add3A_234 = arith.addi %mul3A_58, %add3A_233 : i32
        %get3A_235 = arith.index_cast %add3A_234 : i32 to index
        %get3A_236 = arith.constant 64 : index
        %get3A_237 = tpu.vector_load %arg11[%get3A_235, %get3A_236] {strides = array<i32>} : memref<80x128xf32, #tpu.memory_space<vmem>>, vector<1x16xf32>,
        %get3A_238 = vector.shape_cast %get3A_237 : vector<1x16xf32> to vector<16xf32>
        %mul3A_239 = arith.mulf %get3A_238, %broadcast_in_dim3A_176 : vector<16xf32>
        %add3A_240 = arith.constant 1 : i32
        %add3A_241 = arith.addi %mul3A_58, %add3A_240 : i32
        %swap3A_242 = arith.index_cast %add3A_241 : i32 to index
        %swap3A_243 = arith.constant 64 : index
        %swap3A_244 = tpu.vector_load %arg11[%swap3A_242, %swap3A_243] {strides = array<i32>} : memref<80x128xf32, #tpu.memory_space<vmem>>, vector<1x16xf32>,
        %swap3A_245 = vector.shape_cast %swap3A_244 : vector<1x16xf32> to vector<16xf32>
        %swap3A_246 = vector.shape_cast %mul3A_239 : vector<16xf32> to vector<1x16xf32>
        tpu.vector_store %arg11[%swap3A_242, %swap3A_243], %swap3A_246 {strides = array<i32>} : memref<80x128xf32, #tpu.memory_space<vmem>>, vector<1x16xf32>,
        %add3A_247 = arith.constant 1 : i32
        %add3A_248 = arith.addi %mul3A_58, %add3A_247 : i32
        %get3A_249 = arith.index_cast %add3A_248 : i32 to index
        %get3A_250 = arith.constant 80 : index
        %get3A_251 = tpu.vector_load %arg11[%get3A_249, %get3A_250] {strides = array<i32>} : memref<80x128xf32, #tpu.memory_space<vmem>>, vector<1x16xf32>,
        %get3A_252 = vector.shape_cast %get3A_251 : vector<1x16xf32> to vector<16xf32>
        %mul3A_253 = arith.mulf %get3A_252, %broadcast_in_dim3A_176 : vector<16xf32>
        %add3A_254 = arith.constant 1 : i32
        %add3A_255 = arith.addi %mul3A_58, %add3A_254 : i32
        %swap3A_256 = arith.index_cast %add3A_255 : i32 to index
        %swap3A_257 = arith.constant 80 : index
        %swap3A_258 = tpu.vector_load %arg11[%swap3A_256, %swap3A_257] {strides = array<i32>} : memref<80x128xf32, #tpu.memory_space<vmem>>, vector<1x16xf32>,
        %swap3A_259 = vector.shape_cast %swap3A_258 : vector<1x16xf32> to vector<16xf32>
        %swap3A_260 = vector.shape_cast %mul3A_253 : vector<16xf32> to vector<1x16xf32>
        tpu.vector_store %arg11[%swap3A_256, %swap3A_257], %swap3A_260 {strides = array<i32>} : memref<80x128xf32, #tpu.memory_space<vmem>>, vector<1x16xf32>,
        %add3A_261 = arith.constant 1 : i32
        %add3A_262 = arith.addi %mul3A_58, %add3A_261 : i32
        %get3A_263 = arith.index_cast %add3A_262 : i32 to index
        %get3A_264 = arith.constant 96 : index
        %get3A_265 = tpu.vector_load %arg11[%get3A_263, %get3A_264] {strides = array<i32>} : memref<80x128xf32, #tpu.memory_space<vmem>>, vector<1x16xf32>,
        %get3A_266 = vector.shape_cast %get3A_265 : vector<1x16xf32> to vector<16xf32>
        %mul3A_267 = arith.mulf %get3A_266, %broadcast_in_dim3A_176 : vector<16xf32>
        %add3A_268 = arith.constant 1 : i32
        %add3A_269 = arith.addi %mul3A_58, %add3A_268 : i32
        %swap3A_270 = arith.index_cast %add3A_269 : i32 to index
        %swap3A_271 = arith.constant 96 : index
        %swap3A_272 = tpu.vector_load %arg11[%swap3A_270, %swap3A_271] {strides = array<i32>} : memref<80x128xf32, #tpu.memory_space<vmem>>, vector<1x16xf32>,
        %swap3A_273 = vector.shape_cast %swap3A_272 : vector<1x16xf32> to vector<16xf32>
        %swap3A_274 = vector.shape_cast %mul3A_267 : vector<16xf32> to vector<1x16xf32>
        tpu.vector_store %arg11[%swap3A_270, %swap3A_271], %swap3A_274 {strides = array<i32>} : memref<80x128xf32, #tpu.memory_space<vmem>>, vector<1x16xf32>,
        %add3A_275 = arith.constant 1 : i32
        %add3A_276 = arith.addi %mul3A_58, %add3A_275 : i32
        %get3A_277 = arith.index_cast %add3A_276 : i32 to index
        %get3A_278 = arith.constant 112 : index
        %get3A_279 = tpu.vector_load %arg11[%get3A_277, %get3A_278] {strides = array<i32>} : memref<80x128xf32, #tpu.memory_space<vmem>>, vector<1x16xf32>,
        %get3A_280 = vector.shape_cast %get3A_279 : vector<1x16xf32> to vector<16xf32>
        %mul3A_281 = arith.mulf %get3A_280, %broadcast_in_dim3A_176 : vector<16xf32>
        %add3A_282 = arith.constant 1 : i32
        %add3A_283 = arith.addi %mul3A_58, %add3A_282 : i32
        %swap3A_284 = arith.index_cast %add3A_283 : i32 to index
        %swap3A_285 = arith.constant 112 : index
        %swap3A_286 = tpu.vector_load %arg11[%swap3A_284, %swap3A_285] {strides = array<i32>} : memref<80x128xf32, #tpu.memory_space<vmem>>, vector<1x16xf32>,
        %swap3A_287 = vector.shape_cast %swap3A_286 : vector<1x16xf32> to vector<16xf32>
        %swap3A_288 = vector.shape_cast %mul3A_281 : vector<16xf32> to vector<1x16xf32>
        tpu.vector_store %arg11[%swap3A_284, %swap3A_285], %swap3A_288 {strides = array<i32>} : memref<80x128xf32, #tpu.memory_space<vmem>>, vector<1x16xf32>,
        %slice3A_289 = vector.extract_strided_slice %get3A_61 {offsets = [2], sizes = [1], strides = [1]} : vector<16xf32> to vector<1xf32>
        %squeeze3A_290 = vector.extract %slice3A_289[0] : f32 from vector<1xf32>
        %broadcast_in_dim3A_291 = vector.broadcast %squeeze3A_290 : f32 to vector<16xf32>
        %add3A_292 = arith.constant 2 : i32
        %add3A_293 = arith.addi %mul3A_58, %add3A_292 : i32
        %get3A_294 = arith.index_cast %add3A_293 : i32 to index
        %get3A_295 = arith.constant 0 : index
        %get3A_296 = tpu.vector_load %arg11[%get3A_294, %get3A_295] {strides = array<i32>} : memref<80x128xf32, #tpu.memory_space<vmem>>, vector<1x16xf32>,
        %get3A_297 = vector.shape_cast %get3A_296 : vector<1x16xf32> to vector<16xf32>
        %mul3A_298 = arith.mulf %get3A_297, %broadcast_in_dim3A_291 : vector<16xf32>
        %add3A_299 = arith.constant 2 : i32
        %add3A_300 = arith.addi %mul3A_58, %add3A_299 : i32
        %swap3A_301 = arith.index_cast %add3A_300 : i32 to index
        %swap3A_302 = arith.constant 0 : index
        %swap3A_303 = tpu.vector_load %arg11[%swap3A_301, %swap3A_302] {strides = array<i32>} : memref<80x128xf32, #tpu.memory_space<vmem>>, vector<1x16xf32>,
        %swap3A_304 = vector.shape_cast %swap3A_303 : vector<1x16xf32> to vector<16xf32>
        %swap3A_305 = vector.shape_cast %mul3A_298 : vector<16xf32> to vector<1x16xf32>
        tpu.vector_store %arg11[%swap3A_301, %swap3A_302], %swap3A_305 {strides = array<i32>} : memref<80x128xf32, #tpu.memory_space<vmem>>, vector<1x16xf32>,
        %add3A_306 = arith.constant 2 : i32
        %add3A_307 = arith.addi %mul3A_58, %add3A_306 : i32
        %get3A_308 = arith.index_cast %add3A_307 : i32 to index
        %get3A_309 = arith.constant 16 : index
        %get3A_310 = tpu.vector_load %arg11[%get3A_308, %get3A_309] {strides = array<i32>} : memref<80x128xf32, #tpu.memory_space<vmem>>, vector<1x16xf32>,
        %get3A_311 = vector.shape_cast %get3A_310 : vector<1x16xf32> to vector<16xf32>
        %mul3A_312 = arith.mulf %get3A_311, %broadcast_in_dim3A_291 : vector<16xf32>
        %add3A_313 = arith.constant 2 : i32
        %add3A_314 = arith.addi %mul3A_58, %add3A_313 : i32
        %swap3A_315 = arith.index_cast %add3A_314 : i32 to index
        %swap3A_316 = arith.constant 16 : index
        %swap3A_317 = tpu.vector_load %arg11[%swap3A_315, %swap3A_316] {strides = array<i32>} : memref<80x128xf32, #tpu.memory_space<vmem>>, vector<1x16xf32>,
        %swap3A_318 = vector.shape_cast %swap3A_317 : vector<1x16xf32> to vector<16xf32>
        %swap3A_319 = vector.shape_cast %mul3A_312 : vector<16xf32> to vector<1x16xf32>
        tpu.vector_store %arg11[%swap3A_315, %swap3A_316], %swap3A_319 {strides = array<i32>} : memref<80x128xf32, #tpu.memory_space<vmem>>, vector<1x16xf32>,
        %add3A_320 = arith.constant 2 : i32
        %add3A_321 = arith.addi %mul3A_58, %add3A_320 : i32
        %get3A_322 = arith.index_cast %add3A_321 : i32 to index
        %get3A_323 = arith.constant 32 : index
        %get3A_324 = tpu.vector_load %arg11[%get3A_322, %get3A_323] {strides = array<i32>} : memref<80x128xf32, #tpu.memory_space<vmem>>, vector<1x16xf32>,
        %get3A_325 = vector.shape_cast %get3A_324 : vector<1x16xf32> to vector<16xf32>
        %mul3A_326 = arith.mulf %get3A_325, %broadcast_in_dim3A_291 : vector<16xf32>
        %add3A_327 = arith.constant 2 : i32
        %add3A_328 = arith.addi %mul3A_58, %add3A_327 : i32
        %swap3A_329 = arith.index_cast %add3A_328 : i32 to index
        %swap3A_330 = arith.constant 32 : index
        %swap3A_331 = tpu.vector_load %arg11[%swap3A_329, %swap3A_330] {strides = array<i32>} : memref<80x128xf32, #tpu.memory_space<vmem>>, vector<1x16xf32>,
        %swap3A_332 = vector.shape_cast %swap3A_331 : vector<1x16xf32> to vector<16xf32>
        %swap3A_333 = vector.shape_cast %mul3A_326 : vector<16xf32> to vector<1x16xf32>
        tpu.vector_store %arg11[%swap3A_329, %swap3A_330], %swap3A_333 {strides = array<i32>} : memref<80x128xf32, #tpu.memory_space<vmem>>, vector<1x16xf32>,
        %add3A_334 = arith.constant 2 : i32
        %add3A_335 = arith.addi %mul3A_58, %add3A_334 : i32
        %get3A_336 = arith.index_cast %add3A_335 : i32 to index
        %get3A_337 = arith.constant 48 : index
        %get3A_338 = tpu.vector_load %arg11[%get3A_336, %get3A_337] {strides = array<i32>} : memref<80x128xf32, #tpu.memory_space<vmem>>, vector<1x16xf32>,
        %get3A_339 = vector.shape_cast %get3A_338 : vector<1x16xf32> to vector<16xf32>
        %mul3A_340 = arith.mulf %get3A_339, %broadcast_in_dim3A_291 : vector<16xf32>
        %add3A_341 = arith.constant 2 : i32
        %add3A_342 = arith.addi %mul3A_58, %add3A_341 : i32
        %swap3A_343 = arith.index_cast %add3A_342 : i32 to index
        %swap3A_344 = arith.constant 48 : index
        %swap3A_345 = tpu.vector_load %arg11[%swap3A_343, %swap3A_344] {strides = array<i32>} : memref<80x128xf32, #tpu.memory_space<vmem>>, vector<1x16xf32>,
        %swap3A_346 = vector.shape_cast %swap3A_345 : vector<1x16xf32> to vector<16xf32>
        %swap3A_347 = vector.shape_cast %mul3A_340 : vector<16xf32> to vector<1x16xf32>
        tpu.vector_store %arg11[%swap3A_343, %swap3A_344], %swap3A_347 {strides = array<i32>} : memref<80x128xf32, #tpu.memory_space<vmem>>, vector<1x16xf32>,
        %add3A_348 = arith.constant 2 : i32
        %add3A_349 = arith.addi %mul3A_58, %add3A_348 : i32
        %get3A_350 = arith.index_cast %add3A_349 : i32 to index
        %get3A_351 = arith.constant 64 : index
        %get3A_352 = tpu.vector_load %arg11[%get3A_350, %get3A_351] {strides = array<i32>} : memref<80x128xf32, #tpu.memory_space<vmem>>, vector<1x16xf32>,
        %get3A_353 = vector.shape_cast %get3A_352 : vector<1x16xf32> to vector<16xf32>
        %mul3A_354 = arith.mulf %get3A_353, %broadcast_in_dim3A_291 : vector<16xf32>
        %add3A_355 = arith.constant 2 : i32
        %add3A_356 = arith.addi %mul3A_58, %add3A_355 : i32
        %swap3A_357 = arith.index_cast %add3A_356 : i32 to index
        %swap3A_358 = arith.constant 64 : index
        %swap3A_359 = tpu.vector_load %arg11[%swap3A_357, %swap3A_358] {strides = array<i32>} : memref<80x128xf32, #tpu.memory_space<vmem>>, vector<1x16xf32>,
        %swap3A_360 = vector.shape_cast %swap3A_359 : vector<1x16xf32> to vector<16xf32>
        %swap3A_361 = vector.shape_cast %mul3A_354 : vector<16xf32> to vector<1x16xf32>
        tpu.vector_store %arg11[%swap3A_357, %swap3A_358], %swap3A_361 {strides = array<i32>} : memref<80x128xf32, #tpu.memory_space<vmem>>, vector<1x16xf32>,
        %add3A_362 = arith.constant 2 : i32
        %add3A_363 = arith.addi %mul3A_58, %add3A_362 : i32
        %get3A_364 = arith.index_cast %add3A_363 : i32 to index
        %get3A_365 = arith.constant 80 : index
        %get3A_366 = tpu.vector_load %arg11[%get3A_364, %get3A_365] {strides = array<i32>} : memref<80x128xf32, #tpu.memory_space<vmem>>, vector<1x16xf32>,
        %get3A_367 = vector.shape_cast %get3A_366 : vector<1x16xf32> to vector<16xf32>
        %mul3A_368 = arith.mulf %get3A_367, %broadcast_in_dim3A_291 : vector<16xf32>
        %add3A_369 = arith.constant 2 : i32
        %add3A_370 = arith.addi %mul3A_58, %add3A_369 : i32
        %swap3A_371 = arith.index_cast %add3A_370 : i32 to index
        %swap3A_372 = arith.constant 80 : index
        %swap3A_373 = tpu.vector_load %arg11[%swap3A_371, %swap3A_372] {strides = array<i32>} : memref<80x128xf32, #tpu.memory_space<vmem>>, vector<1x16xf32>,
        %swap3A_374 = vector.shape_cast %swap3A_373 : vector<1x16xf32> to vector<16xf32>
        %swap3A_375 = vector.shape_cast %mul3A_368 : vector<16xf32> to vector<1x16xf32>
        tpu.vector_store %arg11[%swap3A_371, %swap3A_372], %swap3A_375 {strides = array<i32>} : memref<80x128xf32, #tpu.memory_space<vmem>>, vector<1x16xf32>,
        %add3A_376 = arith.constant 2 : i32
        %add3A_377 = arith.addi %mul3A_58, %add3A_376 : i32
        %get3A_378 = arith.index_cast %add3A_377 : i32 to index
        %get3A_379 = arith.constant 96 : index
        %get3A_380 = tpu.vector_load %arg11[%get3A_378, %get3A_379] {strides = array<i32>} : memref<80x128xf32, #tpu.memory_space<vmem>>, vector<1x16xf32>,
        %get3A_381 = vector.shape_cast %get3A_380 : vector<1x16xf32> to vector<16xf32>
        %mul3A_382 = arith.mulf %get3A_381, %broadcast_in_dim3A_291 : vector<16xf32>
        %add3A_383 = arith.constant 2 : i32
        %add3A_384 = arith.addi %mul3A_58, %add3A_383 : i32
        %swap3A_385 = arith.index_cast %add3A_384 : i32 to index
        %swap3A_386 = arith.constant 96 : index
        %swap3A_387 = tpu.vector_load %arg11[%swap3A_385, %swap3A_386] {strides = array<i32>} : memref<80x128xf32, #tpu.memory_space<vmem>>, vector<1x16xf32>,
        %swap3A_388 = vector.shape_cast %swap3A_387 : vector<1x16xf32> to vector<16xf32>
        %swap3A_389 = vector.shape_cast %mul3A_382 : vector<16xf32> to vector<1x16xf32>
        tpu.vector_store %arg11[%swap3A_385, %swap3A_386], %swap3A_389 {strides = array<i32>} : memref<80x128xf32, #tpu.memory_space<vmem>>, vector<1x16xf32>,
        %add3A_390 = arith.constant 2 : i32
        %add3A_391 = arith.addi %mul3A_58, %add3A_390 : i32
        %get3A_392 = arith.index_cast %add3A_391 : i32 to index
        %get3A_393 = arith.constant 112 : index
        %get3A_394 = tpu.vector_load %arg11[%get3A_392, %get3A_393] {strides = array<i32>} : memref<80x128xf32, #tpu.memory_space<vmem>>, vector<1x16xf32>,
        %get3A_395 = vector.shape_cast %get3A_394 : vector<1x16xf32> to vector<16xf32>
        %mul3A_396 = arith.mulf %get3A_395, %broadcast_in_dim3A_291 : vector<16xf32>
        %add3A_397 = arith.constant 2 : i32
        %add3A_398 = arith.addi %mul3A_58, %add3A_397 : i32
        %swap3A_399 = arith.index_cast %add3A_398 : i32 to index
        %swap3A_400 = arith.constant 112 : index
        %swap3A_401 = tpu.vector_load %arg11[%swap3A_399, %swap3A_400] {strides = array<i32>} : memref<80x128xf32, #tpu.memory_space<vmem>>, vector<1x16xf32>,
        %swap3A_402 = vector.shape_cast %swap3A_401 : vector<1x16xf32> to vector<16xf32>
        %swap3A_403 = vector.shape_cast %mul3A_396 : vector<16xf32> to vector<1x16xf32>
        tpu.vector_store %arg11[%swap3A_399, %swap3A_400], %swap3A_403 {strides = array<i32>} : memref<80x128xf32, #tpu.memory_space<vmem>>, vector<1x16xf32>,
        %slice3A_404 = vector.extract_strided_slice %get3A_61 {offsets = [3], sizes = [1], strides = [1]} : vector<16xf32> to vector<1xf32>
        %squeeze3A_405 = vector.extract %slice3A_404[0] : f32 from vector<1xf32>
        %broadcast_in_dim3A_406 = vector.broadcast %squeeze3A_405 : f32 to vector<16xf32>
        %add3A_407 = arith.constant 3 : i32
        %add3A_408 = arith.addi %mul3A_58, %add3A_407 : i32
        %get3A_409 = arith.index_cast %add3A_408 : i32 to index
        %get3A_410 = arith.constant 0 : index
        %get3A_411 = tpu.vector_load %arg11[%get3A_409, %get3A_410] {strides = array<i32>} : memref<80x128xf32, #tpu.memory_space<vmem>>, vector<1x16xf32>,
        %get3A_412 = vector.shape_cast %get3A_411 : vector<1x16xf32> to vector<16xf32>
        %mul3A_413 = arith.mulf %get3A_412, %broadcast_in_dim3A_406 : vector<16xf32>
        %add3A_414 = arith.constant 3 : i32
        %add3A_415 = arith.addi %mul3A_58, %add3A_414 : i32
        %swap3A_416 = arith.index_cast %add3A_415 : i32 to index
        %swap3A_417 = arith.constant 0 : index
        %swap3A_418 = tpu.vector_load %arg11[%swap3A_416, %swap3A_417] {strides = array<i32>} : memref<80x128xf32, #tpu.memory_space<vmem>>, vector<1x16xf32>,
        %swap3A_419 = vector.shape_cast %swap3A_418 : vector<1x16xf32> to vector<16xf32>
        %swap3A_420 = vector.shape_cast %mul3A_413 : vector<16xf32> to vector<1x16xf32>
        tpu.vector_store %arg11[%swap3A_416, %swap3A_417], %swap3A_420 {strides = array<i32>} : memref<80x128xf32, #tpu.memory_space<vmem>>, vector<1x16xf32>,
        %add3A_421 = arith.constant 3 : i32
        %add3A_422 = arith.addi %mul3A_58, %add3A_421 : i32
        %get3A_423 = arith.index_cast %add3A_422 : i32 to index
        %get3A_424 = arith.constant 16 : index
        %get3A_425 = tpu.vector_load %arg11[%get3A_423, %get3A_424] {strides = array<i32>} : memref<80x128xf32, #tpu.memory_space<vmem>>, vector<1x16xf32>,
        %get3A_426 = vector.shape_cast %get3A_425 : vector<1x16xf32> to vector<16xf32>
        %mul3A_427 = arith.mulf %get3A_426, %broadcast_in_dim3A_406 : vector<16xf32>
        %add3A_428 = arith.constant 3 : i32
        %add3A_429 = arith.addi %mul3A_58, %add3A_428 : i32
        %swap3A_430 = arith.index_cast %add3A_429 : i32 to index
        %swap3A_431 = arith.constant 16 : index
        %swap3A_432 = tpu.vector_load %arg11[%swap3A_430, %swap3A_431] {strides = array<i32>} : memref<80x128xf32, #tpu.memory_space<vmem>>, vector<1x16xf32>,
        %swap3A_433 = vector.shape_cast %swap3A_432 : vector<1x16xf32> to vector<16xf32>
        %swap3A_434 = vector.shape_cast %mul3A_427 : vector<16xf32> to vector<1x16xf32>
        tpu.vector_store %arg11[%swap3A_430, %swap3A_431], %swap3A_434 {strides = array<i32>} : memref<80x128xf32, #tpu.memory_space<vmem>>, vector<1x16xf32>,
        %add3A_435 = arith.constant 3 : i32
        %add3A_436 = arith.addi %mul3A_58, %add3A_435 : i32
        %get3A_437 = arith.index_cast %add3A_436 : i32 to index
        %get3A_438 = arith.constant 32 : index
        %get3A_439 = tpu.vector_load %arg11[%get3A_437, %get3A_438] {strides = array<i32>} : memref<80x128xf32, #tpu.memory_space<vmem>>, vector<1x16xf32>,
        %get3A_440 = vector.shape_cast %get3A_439 : vector<1x16xf32> to vector<16xf32>
        %mul3A_441 = arith.mulf %get3A_440, %broadcast_in_dim3A_406 : vector<16xf32>
        %add3A_442 = arith.constant 3 : i32
        %add3A_443 = arith.addi %mul3A_58, %add3A_442 : i32
        %swap3A_444 = arith.index_cast %add3A_443 : i32 to index
        %swap3A_445 = arith.constant 32 : index
        %swap3A_446 = tpu.vector_load %arg11[%swap3A_444, %swap3A_445] {strides = array<i32>} : memref<80x128xf32, #tpu.memory_space<vmem>>, vector<1x16xf32>,
        %swap3A_447 = vector.shape_cast %swap3A_446 : vector<1x16xf32> to vector<16xf32>
        %swap3A_448 = vector.shape_cast %mul3A_441 : vector<16xf32> to vector<1x16xf32>
        tpu.vector_store %arg11[%swap3A_444, %swap3A_445], %swap3A_448 {strides = array<i32>} : memref<80x128xf32, #tpu.memory_space<vmem>>, vector<1x16xf32>,
        %add3A_449 = arith.constant 3 : i32
        %add3A_450 = arith.addi %mul3A_58, %add3A_449 : i32
        %get3A_451 = arith.index_cast %add3A_450 : i32 to index
        %get3A_452 = arith.constant 48 : index
        %get3A_453 = tpu.vector_load %arg11[%get3A_451, %get3A_452] {strides = array<i32>} : memref<80x128xf32, #tpu.memory_space<vmem>>, vector<1x16xf32>,
        %get3A_454 = vector.shape_cast %get3A_453 : vector<1x16xf32> to vector<16xf32>
        %mul3A_455 = arith.mulf %get3A_454, %broadcast_in_dim3A_406 : vector<16xf32>
        %add3A_456 = arith.constant 3 : i32
        %add3A_457 = arith.addi %mul3A_58, %add3A_456 : i32
        %swap3A_458 = arith.index_cast %add3A_457 : i32 to index
        %swap3A_459 = arith.constant 48 : index
        %swap3A_460 = tpu.vector_load %arg11[%swap3A_458, %swap3A_459] {strides = array<i32>} : memref<80x128xf32, #tpu.memory_space<vmem>>, vector<1x16xf32>,
        %swap3A_461 = vector.shape_cast %swap3A_460 : vector<1x16xf32> to vector<16xf32>
        %swap3A_462 = vector.shape_cast %mul3A_455 : vector<16xf32> to vector<1x16xf32>
        tpu.vector_store %arg11[%swap3A_458, %swap3A_459], %swap3A_462 {strides = array<i32>} : memref<80x128xf32, #tpu.memory_space<vmem>>, vector<1x16xf32>,
        %add3A_463 = arith.constant 3 : i32
        %add3A_464 = arith.addi %mul3A_58, %add3A_463 : i32
        %get3A_465 = arith.index_cast %add3A_464 : i32 to index
        %get3A_466 = arith.constant 64 : index
        %get3A_467 = tpu.vector_load %arg11[%get3A_465, %get3A_466] {strides = array<i32>} : memref<80x128xf32, #tpu.memory_space<vmem>>, vector<1x16xf32>,
        %get3A_468 = vector.shape_cast %get3A_467 : vector<1x16xf32> to vector<16xf32>
        %mul3A_469 = arith.mulf %get3A_468, %broadcast_in_dim3A_406 : vector<16xf32>
        %add3A_470 = arith.constant 3 : i32
        %add3A_471 = arith.addi %mul3A_58, %add3A_470 : i32
        %swap3A_472 = arith.index_cast %add3A_471 : i32 to index
        %swap3A_473 = arith.constant 64 : index
        %swap3A_474 = tpu.vector_load %arg11[%swap3A_472, %swap3A_473] {strides = array<i32>} : memref<80x128xf32, #tpu.memory_space<vmem>>, vector<1x16xf32>,
        %swap3A_475 = vector.shape_cast %swap3A_474 : vector<1x16xf32> to vector<16xf32>
        %swap3A_476 = vector.shape_cast %mul3A_469 : vector<16xf32> to vector<1x16xf32>
        tpu.vector_store %arg11[%swap3A_472, %swap3A_473], %swap3A_476 {strides = array<i32>} : memref<80x128xf32, #tpu.memory_space<vmem>>, vector<1x16xf32>,
        %add3A_477 = arith.constant 3 : i32
        %add3A_478 = arith.addi %mul3A_58, %add3A_477 : i32
        %get3A_479 = arith.index_cast %add3A_478 : i32 to index
        %get3A_480 = arith.constant 80 : index
        %get3A_481 = tpu.vector_load %arg11[%get3A_479, %get3A_480] {strides = array<i32>} : memref<80x128xf32, #tpu.memory_space<vmem>>, vector<1x16xf32>,
        %get3A_482 = vector.shape_cast %get3A_481 : vector<1x16xf32> to vector<16xf32>
        %mul3A_483 = arith.mulf %get3A_482, %broadcast_in_dim3A_406 : vector<16xf32>
        %add3A_484 = arith.constant 3 : i32
        %add3A_485 = arith.addi %mul3A_58, %add3A_484 : i32
        %swap3A_486 = arith.index_cast %add3A_485 : i32 to index
        %swap3A_487 = arith.constant 80 : index
        %swap3A_488 = tpu.vector_load %arg11[%swap3A_486, %swap3A_487] {strides = array<i32>} : memref<80x128xf32, #tpu.memory_space<vmem>>, vector<1x16xf32>,
        %swap3A_489 = vector.shape_cast %swap3A_488 : vector<1x16xf32> to vector<16xf32>
        %swap3A_490 = vector.shape_cast %mul3A_483 : vector<16xf32> to vector<1x16xf32>
        tpu.vector_store %arg11[%swap3A_486, %swap3A_487], %swap3A_490 {strides = array<i32>} : memref<80x128xf32, #tpu.memory_space<vmem>>, vector<1x16xf32>,
        %add3A_491 = arith.constant 3 : i32
        %add3A_492 = arith.addi %mul3A_58, %add3A_491 : i32
        %get3A_493 = arith.index_cast %add3A_492 : i32 to index
        %get3A_494 = arith.constant 96 : index
        %get3A_495 = tpu.vector_load %arg11[%get3A_493, %get3A_494] {strides = array<i32>} : memref<80x128xf32, #tpu.memory_space<vmem>>, vector<1x16xf32>,
        %get3A_496 = vector.shape_cast %get3A_495 : vector<1x16xf32> to vector<16xf32>
        %mul3A_497 = arith.mulf %get3A_496, %broadcast_in_dim3A_406 : vector<16xf32>
        %add3A_498 = arith.constant 3 : i32
        %add3A_499 = arith.addi %mul3A_58, %add3A_498 : i32
        %swap3A_500 = arith.index_cast %add3A_499 : i32 to index
        %swap3A_501 = arith.constant 96 : index
        %swap3A_502 = tpu.vector_load %arg11[%swap3A_500, %swap3A_501] {strides = array<i32>} : memref<80x128xf32, #tpu.memory_space<vmem>>, vector<1x16xf32>,
        %swap3A_503 = vector.shape_cast %swap3A_502 : vector<1x16xf32> to vector<16xf32>
        %swap3A_504 = vector.shape_cast %mul3A_497 : vector<16xf32> to vector<1x16xf32>
        tpu.vector_store %arg11[%swap3A_500, %swap3A_501], %swap3A_504 {strides = array<i32>} : memref<80x128xf32, #tpu.memory_space<vmem>>, vector<1x16xf32>,
        %add3A_505 = arith.constant 3 : i32
        %add3A_506 = arith.addi %mul3A_58, %add3A_505 : i32
        %get3A_507 = arith.index_cast %add3A_506 : i32 to index
        %get3A_508 = arith.constant 112 : index
        %get3A_509 = tpu.vector_load %arg11[%get3A_507, %get3A_508] {strides = array<i32>} : memref<80x128xf32, #tpu.memory_space<vmem>>, vector<1x16xf32>,
        %get3A_510 = vector.shape_cast %get3A_509 : vector<1x16xf32> to vector<16xf32>
        %mul3A_511 = arith.mulf %get3A_510, %broadcast_in_dim3A_406 : vector<16xf32>
        %add3A_512 = arith.constant 3 : i32
        %add3A_513 = arith.addi %mul3A_58, %add3A_512 : i32
        %swap3A_514 = arith.index_cast %add3A_513 : i32 to index
        %swap3A_515 = arith.constant 112 : index
        %swap3A_516 = tpu.vector_load %arg11[%swap3A_514, %swap3A_515] {strides = array<i32>} : memref<80x128xf32, #tpu.memory_space<vmem>>, vector<1x16xf32>,
        %swap3A_517 = vector.shape_cast %swap3A_516 : vector<1x16xf32> to vector<16xf32>
        %swap3A_518 = vector.shape_cast %mul3A_511 : vector<16xf32> to vector<1x16xf32>
        tpu.vector_store %arg11[%swap3A_514, %swap3A_515], %swap3A_518 {strides = array<i32>} : memref<80x128xf32, #tpu.memory_space<vmem>>, vector<1x16xf32>,
        %slice3A_519 = vector.extract_strided_slice %get3A_61 {offsets = [4], sizes = [1], strides = [1]} : vector<16xf32> to vector<1xf32>
        %squeeze3A_520 = vector.extract %slice3A_519[0] : f32 from vector<1xf32>
        %broadcast_in_dim3A_521 = vector.broadcast %squeeze3A_520 : f32 to vector<16xf32>
        %add3A_522 = arith.constant 4 : i32
        %add3A_523 = arith.addi %mul3A_58, %add3A_522 : i32
        %get3A_524 = arith.index_cast %add3A_523 : i32 to index
        %get3A_525 = arith.constant 0 : index
        %get3A_526 = tpu.vector_load %arg11[%get3A_524, %get3A_525] {strides = array<i32>} : memref<80x128xf32, #tpu.memory_space<vmem>>, vector<1x16xf32>,
        %get3A_527 = vector.shape_cast %get3A_526 : vector<1x16xf32> to vector<16xf32>
        %mul3A_528 = arith.mulf %get3A_527, %broadcast_in_dim3A_521 : vector<16xf32>
        %add3A_529 = arith.constant 4 : i32
        %add3A_530 = arith.addi %mul3A_58, %add3A_529 : i32
        %swap3A_531 = arith.index_cast %add3A_530 : i32 to index
        %swap3A_532 = arith.constant 0 : index
        %swap3A_533 = tpu.vector_load %arg11[%swap3A_531, %swap3A_532] {strides = array<i32>} : memref<80x128xf32, #tpu.memory_space<vmem>>, vector<1x16xf32>,
        %swap3A_534 = vector.shape_cast %swap3A_533 : vector<1x16xf32> to vector<16xf32>
        %swap3A_535 = vector.shape_cast %mul3A_528 : vector<16xf32> to vector<1x16xf32>
        tpu.vector_store %arg11[%swap3A_531, %swap3A_532], %swap3A_535 {strides = array<i32>} : memref<80x128xf32, #tpu.memory_space<vmem>>, vector<1x16xf32>,
        %add3A_536 = arith.constant 4 : i32
        %add3A_537 = arith.addi %mul3A_58, %add3A_536 : i32
        %get3A_538 = arith.index_cast %add3A_537 : i32 to index
        %get3A_539 = arith.constant 16 : index
        %get3A_540 = tpu.vector_load %arg11[%get3A_538, %get3A_539] {strides = array<i32>} : memref<80x128xf32, #tpu.memory_space<vmem>>, vector<1x16xf32>,
        %get3A_541 = vector.shape_cast %get3A_540 : vector<1x16xf32> to vector<16xf32>
        %mul3A_542 = arith.mulf %get3A_541, %broadcast_in_dim3A_521 : vector<16xf32>
        %add3A_543 = arith.constant 4 : i32
        %add3A_544 = arith.addi %mul3A_58, %add3A_543 : i32
        %swap3A_545 = arith.index_cast %add3A_544 : i32 to index
        %swap3A_546 = arith.constant 16 : index
        %swap3A_547 = tpu.vector_load %arg11[%swap3A_545, %swap3A_546] {strides = array<i32>} : memref<80x128xf32, #tpu.memory_space<vmem>>, vector<1x16xf32>,
        %swap3A_548 = vector.shape_cast %swap3A_547 : vector<1x16xf32> to vector<16xf32>
        %swap3A_549 = vector.shape_cast %mul3A_542 : vector<16xf32> to vector<1x16xf32>
        tpu.vector_store %arg11[%swap3A_545, %swap3A_546], %swap3A_549 {strides = array<i32>} : memref<80x128xf32, #tpu.memory_space<vmem>>, vector<1x16xf32>,
        %add3A_550 = arith.constant 4 : i32
        %add3A_551 = arith.addi %mul3A_58, %add3A_550 : i32
        %get3A_552 = arith.index_cast %add3A_551 : i32 to index
        %get3A_553 = arith.constant 32 : index
        %get3A_554 = tpu.vector_load %arg11[%get3A_552, %get3A_553] {strides = array<i32>} : memref<80x128xf32, #tpu.memory_space<vmem>>, vector<1x16xf32>,
        %get3A_555 = vector.shape_cast %get3A_554 : vector<1x16xf32> to vector<16xf32>
        %mul3A_556 = arith.mulf %get3A_555, %broadcast_in_dim3A_521 : vector<16xf32>
        %add3A_557 = arith.constant 4 : i32
        %add3A_558 = arith.addi %mul3A_58, %add3A_557 : i32
        %swap3A_559 = arith.index_cast %add3A_558 : i32 to index
        %swap3A_560 = arith.constant 32 : index
        %swap3A_561 = tpu.vector_load %arg11[%swap3A_559, %swap3A_560] {strides = array<i32>} : memref<80x128xf32, #tpu.memory_space<vmem>>, vector<1x16xf32>,
        %swap3A_562 = vector.shape_cast %swap3A_561 : vector<1x16xf32> to vector<16xf32>
        %swap3A_563 = vector.shape_cast %mul3A_556 : vector<16xf32> to vector<1x16xf32>
        tpu.vector_store %arg11[%swap3A_559, %swap3A_560], %swap3A_563 {strides = array<i32>} : memref<80x128xf32, #tpu.memory_space<vmem>>, vector<1x16xf32>,
        %add3A_564 = arith.constant 4 : i32
        %add3A_565 = arith.addi %mul3A_58, %add3A_564 : i32
        %get3A_566 = arith.index_cast %add3A_565 : i32 to index
        %get3A_567 = arith.constant 48 : index
        %get3A_568 = tpu.vector_load %arg11[%get3A_566, %get3A_567] {strides = array<i32>} : memref<80x128xf32, #tpu.memory_space<vmem>>, vector<1x16xf32>,
        %get3A_569 = vector.shape_cast %get3A_568 : vector<1x16xf32> to vector<16xf32>
        %mul3A_570 = arith.mulf %get3A_569, %broadcast_in_dim3A_521 : vector<16xf32>
        %add3A_571 = arith.constant 4 : i32
        %add3A_572 = arith.addi %mul3A_58, %add3A_571 : i32
        %swap3A_573 = arith.index_cast %add3A_572 : i32 to index
        %swap3A_574 = arith.constant 48 : index
        %swap3A_575 = tpu.vector_load %arg11[%swap3A_573, %swap3A_574] {strides = array<i32>} : memref<80x128xf32, #tpu.memory_space<vmem>>, vector<1x16xf32>,
        %swap3A_576 = vector.shape_cast %swap3A_575 : vector<1x16xf32> to vector<16xf32>
        %swap3A_577 = vector.shape_cast %mul3A_570 : vector<16xf32> to vector<1x16xf32>
        tpu.vector_store %arg11[%swap3A_573, %swap3A_574], %swap3A_577 {strides = array<i32>} : memref<80x128xf32, #tpu.memory_space<vmem>>, vector<1x16xf32>,
        %add3A_578 = arith.constant 4 : i32
        %add3A_579 = arith.addi %mul3A_58, %add3A_578 : i32
        %get3A_580 = arith.index_cast %add3A_579 : i32 to index
        %get3A_581 = arith.constant 64 : index
        %get3A_582 = tpu.vector_load %arg11[%get3A_580, %get3A_581] {strides = array<i32>} : memref<80x128xf32, #tpu.memory_space<vmem>>, vector<1x16xf32>,
        %get3A_583 = vector.shape_cast %get3A_582 : vector<1x16xf32> to vector<16xf32>
        %mul3A_584 = arith.mulf %get3A_583, %broadcast_in_dim3A_521 : vector<16xf32>
        %add3A_585 = arith.constant 4 : i32
        %add3A_586 = arith.addi %mul3A_58, %add3A_585 : i32
        %swap3A_587 = arith.index_cast %add3A_586 : i32 to index
        %swap3A_588 = arith.constant 64 : index
        %swap3A_589 = tpu.vector_load %arg11[%swap3A_587, %swap3A_588] {strides = array<i32>} : memref<80x128xf32, #tpu.memory_space<vmem>>, vector<1x16xf32>,
        %swap3A_590 = vector.shape_cast %swap3A_589 : vector<1x16xf32> to vector<16xf32>
        %swap3A_591 = vector.shape_cast %mul3A_584 : vector<16xf32> to vector<1x16xf32>
        tpu.vector_store %arg11[%swap3A_587, %swap3A_588], %swap3A_591 {strides = array<i32>} : memref<80x128xf32, #tpu.memory_space<vmem>>, vector<1x16xf32>,
        %add3A_592 = arith.constant 4 : i32
        %add3A_593 = arith.addi %mul3A_58, %add3A_592 : i32
        %get3A_594 = arith.index_cast %add3A_593 : i32 to index
        %get3A_595 = arith.constant 80 : index
        %get3A_596 = tpu.vector_load %arg11[%get3A_594, %get3A_595] {strides = array<i32>} : memref<80x128xf32, #tpu.memory_space<vmem>>, vector<1x16xf32>,
        %get3A_597 = vector.shape_cast %get3A_596 : vector<1x16xf32> to vector<16xf32>
        %mul3A_598 = arith.mulf %get3A_597, %broadcast_in_dim3A_521 : vector<16xf32>
        %add3A_599 = arith.constant 4 : i32
        %add3A_600 = arith.addi %mul3A_58, %add3A_599 : i32
        %swap3A_601 = arith.index_cast %add3A_600 : i32 to index
        %swap3A_602 = arith.constant 80 : index
        %swap3A_603 = tpu.vector_load %arg11[%swap3A_601, %swap3A_602] {strides = array<i32>} : memref<80x128xf32, #tpu.memory_space<vmem>>, vector<1x16xf32>,
        %swap3A_604 = vector.shape_cast %swap3A_603 : vector<1x16xf32> to vector<16xf32>
        %swap3A_605 = vector.shape_cast %mul3A_598 : vector<16xf32> to vector<1x16xf32>
        tpu.vector_store %arg11[%swap3A_601, %swap3A_602], %swap3A_605 {strides = array<i32>} : memref<80x128xf32, #tpu.memory_space<vmem>>, vector<1x16xf32>,
        %add3A_606 = arith.constant 4 : i32
        %add3A_607 = arith.addi %mul3A_58, %add3A_606 : i32
        %get3A_608 = arith.index_cast %add3A_607 : i32 to index
        %get3A_609 = arith.constant 96 : index
        %get3A_610 = tpu.vector_load %arg11[%get3A_608, %get3A_609] {strides = array<i32>} : memref<80x128xf32, #tpu.memory_space<vmem>>, vector<1x16xf32>,
        %get3A_611 = vector.shape_cast %get3A_610 : vector<1x16xf32> to vector<16xf32>
        %mul3A_612 = arith.mulf %get3A_611, %broadcast_in_dim3A_521 : vector<16xf32>
        %add3A_613 = arith.constant 4 : i32
        %add3A_614 = arith.addi %mul3A_58, %add3A_613 : i32
        %swap3A_615 = arith.index_cast %add3A_614 : i32 to index
        %swap3A_616 = arith.constant 96 : index
        %swap3A_617 = tpu.vector_load %arg11[%swap3A_615, %swap3A_616] {strides = array<i32>} : memref<80x128xf32, #tpu.memory_space<vmem>>, vector<1x16xf32>,
        %swap3A_618 = vector.shape_cast %swap3A_617 : vector<1x16xf32> to vector<16xf32>
        %swap3A_619 = vector.shape_cast %mul3A_612 : vector<16xf32> to vector<1x16xf32>
        tpu.vector_store %arg11[%swap3A_615, %swap3A_616], %swap3A_619 {strides = array<i32>} : memref<80x128xf32, #tpu.memory_space<vmem>>, vector<1x16xf32>,
        %add3A_620 = arith.constant 4 : i32
        %add3A_621 = arith.addi %mul3A_58, %add3A_620 : i32
        %get3A_622 = arith.index_cast %add3A_621 : i32 to index
        %get3A_623 = arith.constant 112 : index
        %get3A_624 = tpu.vector_load %arg11[%get3A_622, %get3A_623] {strides = array<i32>} : memref<80x128xf32, #tpu.memory_space<vmem>>, vector<1x16xf32>,
        %get3A_625 = vector.shape_cast %get3A_624 : vector<1x16xf32> to vector<16xf32>
        %mul3A_626 = arith.mulf %get3A_625, %broadcast_in_dim3A_521 : vector<16xf32>
        %add3A_627 = arith.constant 4 : i32
        %add3A_628 = arith.addi %mul3A_58, %add3A_627 : i32
        %swap3A_629 = arith.index_cast %add3A_628 : i32 to index
        %swap3A_630 = arith.constant 112 : index
        %swap3A_631 = tpu.vector_load %arg11[%swap3A_629, %swap3A_630] {strides = array<i32>} : memref<80x128xf32, #tpu.memory_space<vmem>>, vector<1x16xf32>,
        %swap3A_632 = vector.shape_cast %swap3A_631 : vector<1x16xf32> to vector<16xf32>
        %swap3A_633 = vector.shape_cast %mul3A_626 : vector<16xf32> to vector<1x16xf32>
        tpu.vector_store %arg11[%swap3A_629, %swap3A_630], %swap3A_633 {strides = array<i32>} : memref<80x128xf32, #tpu.memory_space<vmem>>, vector<1x16xf32>,
        %slice3A_634 = vector.extract_strided_slice %get3A_61 {offsets = [5], sizes = [1], strides = [1]} : vector<16xf32> to vector<1xf32>
        %squeeze3A_635 = vector.extract %slice3A_634[0] : f32 from vector<1xf32>
        %broadcast_in_dim3A_636 = vector.broadcast %squeeze3A_635 : f32 to vector<16xf32>
        %add3A_637 = arith.constant 5 : i32
        %add3A_638 = arith.addi %mul3A_58, %add3A_637 : i32
        %get3A_639 = arith.index_cast %add3A_638 : i32 to index
        %get3A_640 = arith.constant 0 : index
        %get3A_641 = tpu.vector_load %arg11[%get3A_639, %get3A_640] {strides = array<i32>} : memref<80x128xf32, #tpu.memory_space<vmem>>, vector<1x16xf32>,
        %get3A_642 = vector.shape_cast %get3A_641 : vector<1x16xf32> to vector<16xf32>
        %mul3A_643 = arith.mulf %get3A_642, %broadcast_in_dim3A_636 : vector<16xf32>
        %add3A_644 = arith.constant 5 : i32
        %add3A_645 = arith.addi %mul3A_58, %add3A_644 : i32
        %swap3A_646 = arith.index_cast %add3A_645 : i32 to index
        %swap3A_647 = arith.constant 0 : index
        %swap3A_648 = tpu.vector_load %arg11[%swap3A_646, %swap3A_647] {strides = array<i32>} : memref<80x128xf32, #tpu.memory_space<vmem>>, vector<1x16xf32>,
        %swap3A_649 = vector.shape_cast %swap3A_648 : vector<1x16xf32> to vector<16xf32>
        %swap3A_650 = vector.shape_cast %mul3A_643 : vector<16xf32> to vector<1x16xf32>
        tpu.vector_store %arg11[%swap3A_646, %swap3A_647], %swap3A_650 {strides = array<i32>} : memref<80x128xf32, #tpu.memory_space<vmem>>, vector<1x16xf32>,
        %add3A_651 = arith.constant 5 : i32
        %add3A_652 = arith.addi %mul3A_58, %add3A_651 : i32
        %get3A_653 = arith.index_cast %add3A_652 : i32 to index
        %get3A_654 = arith.constant 16 : index
        %get3A_655 = tpu.vector_load %arg11[%get3A_653, %get3A_654] {strides = array<i32>} : memref<80x128xf32, #tpu.memory_space<vmem>>, vector<1x16xf32>,
        %get3A_656 = vector.shape_cast %get3A_655 : vector<1x16xf32> to vector<16xf32>
        %mul3A_657 = arith.mulf %get3A_656, %broadcast_in_dim3A_636 : vector<16xf32>
        %add3A_658 = arith.constant 5 : i32
        %add3A_659 = arith.addi %mul3A_58, %add3A_658 : i32
        %swap3A_660 = arith.index_cast %add3A_659 : i32 to index
        %swap3A_661 = arith.constant 16 : index
        %swap3A_662 = tpu.vector_load %arg11[%swap3A_660, %swap3A_661] {strides = array<i32>} : memref<80x128xf32, #tpu.memory_space<vmem>>, vector<1x16xf32>,
        %swap3A_663 = vector.shape_cast %swap3A_662 : vector<1x16xf32> to vector<16xf32>
        %swap3A_664 = vector.shape_cast %mul3A_657 : vector<16xf32> to vector<1x16xf32>
        tpu.vector_store %arg11[%swap3A_660, %swap3A_661], %swap3A_664 {strides = array<i32>} : memref<80x128xf32, #tpu.memory_space<vmem>>, vector<1x16xf32>,
        %add3A_665 = arith.constant 5 : i32
        %add3A_666 = arith.addi %mul3A_58, %add3A_665 : i32
        %get3A_667 = arith.index_cast %add3A_666 : i32 to index
        %get3A_668 = arith.constant 32 : index
        %get3A_669 = tpu.vector_load %arg11[%get3A_667, %get3A_668] {strides = array<i32>} : memref<80x128xf32, #tpu.memory_space<vmem>>, vector<1x16xf32>,
        %get3A_670 = vector.shape_cast %get3A_669 : vector<1x16xf32> to vector<16xf32>
        %mul3A_671 = arith.mulf %get3A_670, %broadcast_in_dim3A_636 : vector<16xf32>
        %add3A_672 = arith.constant 5 : i32
        %add3A_673 = arith.addi %mul3A_58, %add3A_672 : i32
        %swap3A_674 = arith.index_cast %add3A_673 : i32 to index
        %swap3A_675 = arith.constant 32 : index
        %swap3A_676 = tpu.vector_load %arg11[%swap3A_674, %swap3A_675] {strides = array<i32>} : memref<80x128xf32, #tpu.memory_space<vmem>>, vector<1x16xf32>,
        %swap3A_677 = vector.shape_cast %swap3A_676 : vector<1x16xf32> to vector<16xf32>
        %swap3A_678 = vector.shape_cast %mul3A_671 : vector<16xf32> to vector<1x16xf32>
        tpu.vector_store %arg11[%swap3A_674, %swap3A_675], %swap3A_678 {strides = array<i32>} : memref<80x128xf32, #tpu.memory_space<vmem>>, vector<1x16xf32>,
        %add3A_679 = arith.constant 5 : i32
        %add3A_680 = arith.addi %mul3A_58, %add3A_679 : i32
        %get3A_681 = arith.index_cast %add3A_680 : i32 to index
        %get3A_682 = arith.constant 48 : index
        %get3A_683 = tpu.vector_load %arg11[%get3A_681, %get3A_682] {strides = array<i32>} : memref<80x128xf32, #tpu.memory_space<vmem>>, vector<1x16xf32>,
        %get3A_684 = vector.shape_cast %get3A_683 : vector<1x16xf32> to vector<16xf32>
        %mul3A_685 = arith.mulf %get3A_684, %broadcast_in_dim3A_636 : vector<16xf32>
        %add3A_686 = arith.constant 5 : i32
        %add3A_687 = arith.addi %mul3A_58, %add3A_686 : i32
        %swap3A_688 = arith.index_cast %add3A_687 : i32 to index
        %swap3A_689 = arith.constant 48 : index
        %swap3A_690 = tpu.vector_load %arg11[%swap3A_688, %swap3A_689] {strides = array<i32>} : memref<80x128xf32, #tpu.memory_space<vmem>>, vector<1x16xf32>,
        %swap3A_691 = vector.shape_cast %swap3A_690 : vector<1x16xf32> to vector<16xf32>
        %swap3A_692 = vector.shape_cast %mul3A_685 : vector<16xf32> to vector<1x16xf32>
        tpu.vector_store %arg11[%swap3A_688, %swap3A_689], %swap3A_692 {strides = array<i32>} : memref<80x128xf32, #tpu.memory_space<vmem>>, vector<1x16xf32>,
        %add3A_693 = arith.constant 5 : i32
        %add3A_694 = arith.addi %mul3A_58, %add3A_693 : i32
        %get3A_695 = arith.index_cast %add3A_694 : i32 to index
        %get3A_696 = arith.constant 64 : index
        %get3A_697 = tpu.vector_load %arg11[%get3A_695, %get3A_696] {strides = array<i32>} : memref<80x128xf32, #tpu.memory_space<vmem>>, vector<1x16xf32>,
        %get3A_698 = vector.shape_cast %get3A_697 : vector<1x16xf32> to vector<16xf32>
        %mul3A_699 = arith.mulf %get3A_698, %broadcast_in_dim3A_636 : vector<16xf32>
        %add3A_700 = arith.constant 5 : i32
        %add3A_701 = arith.addi %mul3A_58, %add3A_700 : i32
        %swap3A_702 = arith.index_cast %add3A_701 : i32 to index
        %swap3A_703 = arith.constant 64 : index
        %swap3A_704 = tpu.vector_load %arg11[%swap3A_702, %swap3A_703] {strides = array<i32>} : memref<80x128xf32, #tpu.memory_space<vmem>>, vector<1x16xf32>,
        %swap3A_705 = vector.shape_cast %swap3A_704 : vector<1x16xf32> to vector<16xf32>
        %swap3A_706 = vector.shape_cast %mul3A_699 : vector<16xf32> to vector<1x16xf32>
        tpu.vector_store %arg11[%swap3A_702, %swap3A_703], %swap3A_706 {strides = array<i32>} : memref<80x128xf32, #tpu.memory_space<vmem>>, vector<1x16xf32>,
        %add3A_707 = arith.constant 5 : i32
        %add3A_708 = arith.addi %mul3A_58, %add3A_707 : i32
        %get3A_709 = arith.index_cast %add3A_708 : i32 to index
        %get3A_710 = arith.constant 80 : index
        %get3A_711 = tpu.vector_load %arg11[%get3A_709, %get3A_710] {strides = array<i32>} : memref<80x128xf32, #tpu.memory_space<vmem>>, vector<1x16xf32>,
        %get3A_712 = vector.shape_cast %get3A_711 : vector<1x16xf32> to vector<16xf32>
        %mul3A_713 = arith.mulf %get3A_712, %broadcast_in_dim3A_636 : vector<16xf32>
        %add3A_714 = arith.constant 5 : i32
        %add3A_715 = arith.addi %mul3A_58, %add3A_714 : i32
        %swap3A_716 = arith.index_cast %add3A_715 : i32 to index
        %swap3A_717 = arith.constant 80 : index
        %swap3A_718 = tpu.vector_load %arg11[%swap3A_716, %swap3A_717] {strides = array<i32>} : memref<80x128xf32, #tpu.memory_space<vmem>>, vector<1x16xf32>,
        %swap3A_719 = vector.shape_cast %swap3A_718 : vector<1x16xf32> to vector<16xf32>
        %swap3A_720 = vector.shape_cast %mul3A_713 : vector<16xf32> to vector<1x16xf32>
        tpu.vector_store %arg11[%swap3A_716, %swap3A_717], %swap3A_720 {strides = array<i32>} : memref<80x128xf32, #tpu.memory_space<vmem>>, vector<1x16xf32>,
        %add3A_721 = arith.constant 5 : i32
        %add3A_722 = arith.addi %mul3A_58, %add3A_721 : i32
        %get3A_723 = arith.index_cast %add3A_722 : i32 to index
        %get3A_724 = arith.constant 96 : index
        %get3A_725 = tpu.vector_load %arg11[%get3A_723, %get3A_724] {strides = array<i32>} : memref<80x128xf32, #tpu.memory_space<vmem>>, vector<1x16xf32>,
        %get3A_726 = vector.shape_cast %get3A_725 : vector<1x16xf32> to vector<16xf32>
        %mul3A_727 = arith.mulf %get3A_726, %broadcast_in_dim3A_636 : vector<16xf32>
        %add3A_728 = arith.constant 5 : i32
        %add3A_729 = arith.addi %mul3A_58, %add3A_728 : i32
        %swap3A_730 = arith.index_cast %add3A_729 : i32 to index
        %swap3A_731 = arith.constant 96 : index
        %swap3A_732 = tpu.vector_load %arg11[%swap3A_730, %swap3A_731] {strides = array<i32>} : memref<80x128xf32, #tpu.memory_space<vmem>>, vector<1x16xf32>,
        %swap3A_733 = vector.shape_cast %swap3A_732 : vector<1x16xf32> to vector<16xf32>
        %swap3A_734 = vector.shape_cast %mul3A_727 : vector<16xf32> to vector<1x16xf32>
        tpu.vector_store %arg11[%swap3A_730, %swap3A_731], %swap3A_734 {strides = array<i32>} : memref<80x128xf32, #tpu.memory_space<vmem>>, vector<1x16xf32>,
        %add3A_735 = arith.constant 5 : i32
        %add3A_736 = arith.addi %mul3A_58, %add3A_735 : i32
        %get3A_737 = arith.index_cast %add3A_736 : i32 to index
        %get3A_738 = arith.constant 112 : index
        %get3A_739 = tpu.vector_load %arg11[%get3A_737, %get3A_738] {strides = array<i32>} : memref<80x128xf32, #tpu.memory_space<vmem>>, vector<1x16xf32>,
        %get3A_740 = vector.shape_cast %get3A_739 : vector<1x16xf32> to vector<16xf32>
        %mul3A_741 = arith.mulf %get3A_740, %broadcast_in_dim3A_636 : vector<16xf32>
        %add3A_742 = arith.constant 5 : i32
        %add3A_743 = arith.addi %mul3A_58, %add3A_742 : i32
        %swap3A_744 = arith.index_cast %add3A_743 : i32 to index
        %swap3A_745 = arith.constant 112 : index
        %swap3A_746 = tpu.vector_load %arg11[%swap3A_744, %swap3A_745] {strides = array<i32>} : memref<80x128xf32, #tpu.memory_space<vmem>>, vector<1x16xf32>,
        %swap3A_747 = vector.shape_cast %swap3A_746 : vector<1x16xf32> to vector<16xf32>
        %swap3A_748 = vector.shape_cast %mul3A_741 : vector<16xf32> to vector<1x16xf32>
        tpu.vector_store %arg11[%swap3A_744, %swap3A_745], %swap3A_748 {strides = array<i32>} : memref<80x128xf32, #tpu.memory_space<vmem>>, vector<1x16xf32>,
        %slice3A_749 = vector.extract_strided_slice %get3A_61 {offsets = [6], sizes = [1], strides = [1]} : vector<16xf32> to vector<1xf32>
        %squeeze3A_750 = vector.extract %slice3A_749[0] : f32 from vector<1xf32>
        %broadcast_in_dim3A_751 = vector.broadcast %squeeze3A_750 : f32 to vector<16xf32>
        %add3A_752 = arith.constant 6 : i32
        %add3A_753 = arith.addi %mul3A_58, %add3A_752 : i32
        %get3A_754 = arith.index_cast %add3A_753 : i32 to index
        %get3A_755 = arith.constant 0 : index
        %get3A_756 = tpu.vector_load %arg11[%get3A_754, %get3A_755] {strides = array<i32>} : memref<80x128xf32, #tpu.memory_space<vmem>>, vector<1x16xf32>,
        %get3A_757 = vector.shape_cast %get3A_756 : vector<1x16xf32> to vector<16xf32>
        %mul3A_758 = arith.mulf %get3A_757, %broadcast_in_dim3A_751 : vector<16xf32>
        %add3A_759 = arith.constant 6 : i32
        %add3A_760 = arith.addi %mul3A_58, %add3A_759 : i32
        %swap3A_761 = arith.index_cast %add3A_760 : i32 to index
        %swap3A_762 = arith.constant 0 : index
        %swap3A_763 = tpu.vector_load %arg11[%swap3A_761, %swap3A_762] {strides = array<i32>} : memref<80x128xf32, #tpu.memory_space<vmem>>, vector<1x16xf32>,
        %swap3A_764 = vector.shape_cast %swap3A_763 : vector<1x16xf32> to vector<16xf32>
        %swap3A_765 = vector.shape_cast %mul3A_758 : vector<16xf32> to vector<1x16xf32>
        tpu.vector_store %arg11[%swap3A_761, %swap3A_762], %swap3A_765 {strides = array<i32>} : memref<80x128xf32, #tpu.memory_space<vmem>>, vector<1x16xf32>,
        %add3A_766 = arith.constant 6 : i32
        %add3A_767 = arith.addi %mul3A_58, %add3A_766 : i32
        %get3A_768 = arith.index_cast %add3A_767 : i32 to index
        %get3A_769 = arith.constant 16 : index
        %get3A_770 = tpu.vector_load %arg11[%get3A_768, %get3A_769] {strides = array<i32>} : memref<80x128xf32, #tpu.memory_space<vmem>>, vector<1x16xf32>,
        %get3A_771 = vector.shape_cast %get3A_770 : vector<1x16xf32> to vector<16xf32>
        %mul3A_772 = arith.mulf %get3A_771, %broadcast_in_dim3A_751 : vector<16xf32>
        %add3A_773 = arith.constant 6 : i32
        %add3A_774 = arith.addi %mul3A_58, %add3A_773 : i32
        %swap3A_775 = arith.index_cast %add3A_774 : i32 to index
        %swap3A_776 = arith.constant 16 : index
        %swap3A_777 = tpu.vector_load %arg11[%swap3A_775, %swap3A_776] {strides = array<i32>} : memref<80x128xf32, #tpu.memory_space<vmem>>, vector<1x16xf32>,
        %swap3A_778 = vector.shape_cast %swap3A_777 : vector<1x16xf32> to vector<16xf32>
        %swap3A_779 = vector.shape_cast %mul3A_772 : vector<16xf32> to vector<1x16xf32>
        tpu.vector_store %arg11[%swap3A_775, %swap3A_776], %swap3A_779 {strides = array<i32>} : memref<80x128xf32, #tpu.memory_space<vmem>>, vector<1x16xf32>,
        %add3A_780 = arith.constant 6 : i32
        %add3A_781 = arith.addi %mul3A_58, %add3A_780 : i32
        %get3A_782 = arith.index_cast %add3A_781 : i32 to index
        %get3A_783 = arith.constant 32 : index
        %get3A_784 = tpu.vector_load %arg11[%get3A_782, %get3A_783] {strides = array<i32>} : memref<80x128xf32, #tpu.memory_space<vmem>>, vector<1x16xf32>,
        %get3A_785 = vector.shape_cast %get3A_784 : vector<1x16xf32> to vector<16xf32>
        %mul3A_786 = arith.mulf %get3A_785, %broadcast_in_dim3A_751 : vector<16xf32>
        %add3A_787 = arith.constant 6 : i32
        %add3A_788 = arith.addi %mul3A_58, %add3A_787 : i32
        %swap3A_789 = arith.index_cast %add3A_788 : i32 to index
        %swap3A_790 = arith.constant 32 : index
        %swap3A_791 = tpu.vector_load %arg11[%swap3A_789, %swap3A_790] {strides = array<i32>} : memref<80x128xf32, #tpu.memory_space<vmem>>, vector<1x16xf32>,
        %swap3A_792 = vector.shape_cast %swap3A_791 : vector<1x16xf32> to vector<16xf32>
        %swap3A_793 = vector.shape_cast %mul3A_786 : vector<16xf32> to vector<1x16xf32>
        tpu.vector_store %arg11[%swap3A_789, %swap3A_790], %swap3A_793 {strides = array<i32>} : memref<80x128xf32, #tpu.memory_space<vmem>>, vector<1x16xf32>,
        %add3A_794 = arith.constant 6 : i32
        %add3A_795 = arith.addi %mul3A_58, %add3A_794 : i32
        %get3A_796 = arith.index_cast %add3A_795 : i32 to index
        %get3A_797 = arith.constant 48 : index
        %get3A_798 = tpu.vector_load %arg11[%get3A_796, %get3A_797] {strides = array<i32>} : memref<80x128xf32, #tpu.memory_space<vmem>>, vector<1x16xf32>,
        %get3A_799 = vector.shape_cast %get3A_798 : vector<1x16xf32> to vector<16xf32>
        %mul3A_800 = arith.mulf %get3A_799, %broadcast_in_dim3A_751 : vector<16xf32>
        %add3A_801 = arith.constant 6 : i32
        %add3A_802 = arith.addi %mul3A_58, %add3A_801 : i32
        %swap3A_803 = arith.index_cast %add3A_802 : i32 to index
        %swap3A_804 = arith.constant 48 : index
        %swap3A_805 = tpu.vector_load %arg11[%swap3A_803, %swap3A_804] {strides = array<i32>} : memref<80x128xf32, #tpu.memory_space<vmem>>, vector<1x16xf32>,
        %swap3A_806 = vector.shape_cast %swap3A_805 : vector<1x16xf32> to vector<16xf32>
        %swap3A_807 = vector.shape_cast %mul3A_800 : vector<16xf32> to vector<1x16xf32>
        tpu.vector_store %arg11[%swap3A_803, %swap3A_804], %swap3A_807 {strides = array<i32>} : memref<80x128xf32, #tpu.memory_space<vmem>>, vector<1x16xf32>,
        %add3A_808 = arith.constant 6 : i32
        %add3A_809 = arith.addi %mul3A_58, %add3A_808 : i32
        %get3A_810 = arith.index_cast %add3A_809 : i32 to index
        %get3A_811 = arith.constant 64 : index
        %get3A_812 = tpu.vector_load %arg11[%get3A_810, %get3A_811] {strides = array<i32>} : memref<80x128xf32, #tpu.memory_space<vmem>>, vector<1x16xf32>,
        %get3A_813 = vector.shape_cast %get3A_812 : vector<1x16xf32> to vector<16xf32>
        %mul3A_814 = arith.mulf %get3A_813, %broadcast_in_dim3A_751 : vector<16xf32>
        %add3A_815 = arith.constant 6 : i32
        %add3A_816 = arith.addi %mul3A_58, %add3A_815 : i32
        %swap3A_817 = arith.index_cast %add3A_816 : i32 to index
        %swap3A_818 = arith.constant 64 : index
        %swap3A_819 = tpu.vector_load %arg11[%swap3A_817, %swap3A_818] {strides = array<i32>} : memref<80x128xf32, #tpu.memory_space<vmem>>, vector<1x16xf32>,
        %swap3A_820 = vector.shape_cast %swap3A_819 : vector<1x16xf32> to vector<16xf32>
        %swap3A_821 = vector.shape_cast %mul3A_814 : vector<16xf32> to vector<1x16xf32>
        tpu.vector_store %arg11[%swap3A_817, %swap3A_818], %swap3A_821 {strides = array<i32>} : memref<80x128xf32, #tpu.memory_space<vmem>>, vector<1x16xf32>,
        %add3A_822 = arith.constant 6 : i32
        %add3A_823 = arith.addi %mul3A_58, %add3A_822 : i32
        %get3A_824 = arith.index_cast %add3A_823 : i32 to index
        %get3A_825 = arith.constant 80 : index
        %get3A_826 = tpu.vector_load %arg11[%get3A_824, %get3A_825] {strides = array<i32>} : memref<80x128xf32, #tpu.memory_space<vmem>>, vector<1x16xf32>,
        %get3A_827 = vector.shape_cast %get3A_826 : vector<1x16xf32> to vector<16xf32>
        %mul3A_828 = arith.mulf %get3A_827, %broadcast_in_dim3A_751 : vector<16xf32>
        %add3A_829 = arith.constant 6 : i32
        %add3A_830 = arith.addi %mul3A_58, %add3A_829 : i32
        %swap3A_831 = arith.index_cast %add3A_830 : i32 to index
        %swap3A_832 = arith.constant 80 : index
        %swap3A_833 = tpu.vector_load %arg11[%swap3A_831, %swap3A_832] {strides = array<i32>} : memref<80x128xf32, #tpu.memory_space<vmem>>, vector<1x16xf32>,
        %swap3A_834 = vector.shape_cast %swap3A_833 : vector<1x16xf32> to vector<16xf32>
        %swap3A_835 = vector.shape_cast %mul3A_828 : vector<16xf32> to vector<1x16xf32>
        tpu.vector_store %arg11[%swap3A_831, %swap3A_832], %swap3A_835 {strides = array<i32>} : memref<80x128xf32, #tpu.memory_space<vmem>>, vector<1x16xf32>,
        %add3A_836 = arith.constant 6 : i32
        %add3A_837 = arith.addi %mul3A_58, %add3A_836 : i32
        %get3A_838 = arith.index_cast %add3A_837 : i32 to index
        %get3A_839 = arith.constant 96 : index
        %get3A_840 = tpu.vector_load %arg11[%get3A_838, %get3A_839] {strides = array<i32>} : memref<80x128xf32, #tpu.memory_space<vmem>>, vector<1x16xf32>,
        %get3A_841 = vector.shape_cast %get3A_840 : vector<1x16xf32> to vector<16xf32>
        %mul3A_842 = arith.mulf %get3A_841, %broadcast_in_dim3A_751 : vector<16xf32>
        %add3A_843 = arith.constant 6 : i32
        %add3A_844 = arith.addi %mul3A_58, %add3A_843 : i32
        %swap3A_845 = arith.index_cast %add3A_844 : i32 to index
        %swap3A_846 = arith.constant 96 : index
        %swap3A_847 = tpu.vector_load %arg11[%swap3A_845, %swap3A_846] {strides = array<i32>} : memref<80x128xf32, #tpu.memory_space<vmem>>, vector<1x16xf32>,
        %swap3A_848 = vector.shape_cast %swap3A_847 : vector<1x16xf32> to vector<16xf32>
        %swap3A_849 = vector.shape_cast %mul3A_842 : vector<16xf32> to vector<1x16xf32>
        tpu.vector_store %arg11[%swap3A_845, %swap3A_846], %swap3A_849 {strides = array<i32>} : memref<80x128xf32, #tpu.memory_space<vmem>>, vector<1x16xf32>,
        %add3A_850 = arith.constant 6 : i32
        %add3A_851 = arith.addi %mul3A_58, %add3A_850 : i32
        %get3A_852 = arith.index_cast %add3A_851 : i32 to index
        %get3A_853 = arith.constant 112 : index
        %get3A_854 = tpu.vector_load %arg11[%get3A_852, %get3A_853] {strides = array<i32>} : memref<80x128xf32, #tpu.memory_space<vmem>>, vector<1x16xf32>,
        %get3A_855 = vector.shape_cast %get3A_854 : vector<1x16xf32> to vector<16xf32>
        %mul3A_856 = arith.mulf %get3A_855, %broadcast_in_dim3A_751 : vector<16xf32>
        %add3A_857 = arith.constant 6 : i32
        %add3A_858 = arith.addi %mul3A_58, %add3A_857 : i32
        %swap3A_859 = arith.index_cast %add3A_858 : i32 to index
        %swap3A_860 = arith.constant 112 : index
        %swap3A_861 = tpu.vector_load %arg11[%swap3A_859, %swap3A_860] {strides = array<i32>} : memref<80x128xf32, #tpu.memory_space<vmem>>, vector<1x16xf32>,
        %swap3A_862 = vector.shape_cast %swap3A_861 : vector<1x16xf32> to vector<16xf32>
        %swap3A_863 = vector.shape_cast %mul3A_856 : vector<16xf32> to vector<1x16xf32>
        tpu.vector_store %arg11[%swap3A_859, %swap3A_860], %swap3A_863 {strides = array<i32>} : memref<80x128xf32, #tpu.memory_space<vmem>>, vector<1x16xf32>,
        %slice3A_864 = vector.extract_strided_slice %get3A_61 {offsets = [7], sizes = [1], strides = [1]} : vector<16xf32> to vector<1xf32>
        %squeeze3A_865 = vector.extract %slice3A_864[0] : f32 from vector<1xf32>
        %broadcast_in_dim3A_866 = vector.broadcast %squeeze3A_865 : f32 to vector<16xf32>
        %add3A_867 = arith.constant 7 : i32
        %add3A_868 = arith.addi %mul3A_58, %add3A_867 : i32
        %get3A_869 = arith.index_cast %add3A_868 : i32 to index
        %get3A_870 = arith.constant 0 : index
        %get3A_871 = tpu.vector_load %arg11[%get3A_869, %get3A_870] {strides = array<i32>} : memref<80x128xf32, #tpu.memory_space<vmem>>, vector<1x16xf32>,
        %get3A_872 = vector.shape_cast %get3A_871 : vector<1x16xf32> to vector<16xf32>
        %mul3A_873 = arith.mulf %get3A_872, %broadcast_in_dim3A_866 : vector<16xf32>
        %add3A_874 = arith.constant 7 : i32
        %add3A_875 = arith.addi %mul3A_58, %add3A_874 : i32
        %swap3A_876 = arith.index_cast %add3A_875 : i32 to index
        %swap3A_877 = arith.constant 0 : index
        %swap3A_878 = tpu.vector_load %arg11[%swap3A_876, %swap3A_877] {strides = array<i32>} : memref<80x128xf32, #tpu.memory_space<vmem>>, vector<1x16xf32>,
        %swap3A_879 = vector.shape_cast %swap3A_878 : vector<1x16xf32> to vector<16xf32>
        %swap3A_880 = vector.shape_cast %mul3A_873 : vector<16xf32> to vector<1x16xf32>
        tpu.vector_store %arg11[%swap3A_876, %swap3A_877], %swap3A_880 {strides = array<i32>} : memref<80x128xf32, #tpu.memory_space<vmem>>, vector<1x16xf32>,
        %add3A_881 = arith.constant 7 : i32
        %add3A_882 = arith.addi %mul3A_58, %add3A_881 : i32
        %get3A_883 = arith.index_cast %add3A_882 : i32 to index
        %get3A_884 = arith.constant 16 : index
        %get3A_885 = tpu.vector_load %arg11[%get3A_883, %get3A_884] {strides = array<i32>} : memref<80x128xf32, #tpu.memory_space<vmem>>, vector<1x16xf32>,
        %get3A_886 = vector.shape_cast %get3A_885 : vector<1x16xf32> to vector<16xf32>
        %mul3A_887 = arith.mulf %get3A_886, %broadcast_in_dim3A_866 : vector<16xf32>
        %add3A_888 = arith.constant 7 : i32
        %add3A_889 = arith.addi %mul3A_58, %add3A_888 : i32
        %swap3A_890 = arith.index_cast %add3A_889 : i32 to index
        %swap3A_891 = arith.constant 16 : index
        %swap3A_892 = tpu.vector_load %arg11[%swap3A_890, %swap3A_891] {strides = array<i32>} : memref<80x128xf32, #tpu.memory_space<vmem>>, vector<1x16xf32>,
        %swap3A_893 = vector.shape_cast %swap3A_892 : vector<1x16xf32> to vector<16xf32>
        %swap3A_894 = vector.shape_cast %mul3A_887 : vector<16xf32> to vector<1x16xf32>
        tpu.vector_store %arg11[%swap3A_890, %swap3A_891], %swap3A_894 {strides = array<i32>} : memref<80x128xf32, #tpu.memory_space<vmem>>, vector<1x16xf32>,
        %add3A_895 = arith.constant 7 : i32
        %add3A_896 = arith.addi %mul3A_58, %add3A_895 : i32
        %get3A_897 = arith.index_cast %add3A_896 : i32 to index
        %get3A_898 = arith.constant 32 : index
        %get3A_899 = tpu.vector_load %arg11[%get3A_897, %get3A_898] {strides = array<i32>} : memref<80x128xf32, #tpu.memory_space<vmem>>, vector<1x16xf32>,
        %get3A_900 = vector.shape_cast %get3A_899 : vector<1x16xf32> to vector<16xf32>
        %mul3A_901 = arith.mulf %get3A_900, %broadcast_in_dim3A_866 : vector<16xf32>
        %add3A_902 = arith.constant 7 : i32
        %add3A_903 = arith.addi %mul3A_58, %add3A_902 : i32
        %swap3A_904 = arith.index_cast %add3A_903 : i32 to index
        %swap3A_905 = arith.constant 32 : index
        %swap3A_906 = tpu.vector_load %arg11[%swap3A_904, %swap3A_905] {strides = array<i32>} : memref<80x128xf32, #tpu.memory_space<vmem>>, vector<1x16xf32>,
        %swap3A_907 = vector.shape_cast %swap3A_906 : vector<1x16xf32> to vector<16xf32>
        %swap3A_908 = vector.shape_cast %mul3A_901 : vector<16xf32> to vector<1x16xf32>
        tpu.vector_store %arg11[%swap3A_904, %swap3A_905], %swap3A_908 {strides = array<i32>} : memref<80x128xf32, #tpu.memory_space<vmem>>, vector<1x16xf32>,
        %add3A_909 = arith.constant 7 : i32
        %add3A_910 = arith.addi %mul3A_58, %add3A_909 : i32
        %get3A_911 = arith.index_cast %add3A_910 : i32 to index
        %get3A_912 = arith.constant 48 : index
        %get3A_913 = tpu.vector_load %arg11[%get3A_911, %get3A_912] {strides = array<i32>} : memref<80x128xf32, #tpu.memory_space<vmem>>, vector<1x16xf32>,
        %get3A_914 = vector.shape_cast %get3A_913 : vector<1x16xf32> to vector<16xf32>
        %mul3A_915 = arith.mulf %get3A_914, %broadcast_in_dim3A_866 : vector<16xf32>
        %add3A_916 = arith.constant 7 : i32
        %add3A_917 = arith.addi %mul3A_58, %add3A_916 : i32
        %swap3A_918 = arith.index_cast %add3A_917 : i32 to index
        %swap3A_919 = arith.constant 48 : index
        %swap3A_920 = tpu.vector_load %arg11[%swap3A_918, %swap3A_919] {strides = array<i32>} : memref<80x128xf32, #tpu.memory_space<vmem>>, vector<1x16xf32>,
        %swap3A_921 = vector.shape_cast %swap3A_920 : vector<1x16xf32> to vector<16xf32>
        %swap3A_922 = vector.shape_cast %mul3A_915 : vector<16xf32> to vector<1x16xf32>
        tpu.vector_store %arg11[%swap3A_918, %swap3A_919], %swap3A_922 {strides = array<i32>} : memref<80x128xf32, #tpu.memory_space<vmem>>, vector<1x16xf32>,
        %add3A_923 = arith.constant 7 : i32
        %add3A_924 = arith.addi %mul3A_58, %add3A_923 : i32
        %get3A_925 = arith.index_cast %add3A_924 : i32 to index
        %get3A_926 = arith.constant 64 : index
        %get3A_927 = tpu.vector_load %arg11[%get3A_925, %get3A_926] {strides = array<i32>} : memref<80x128xf32, #tpu.memory_space<vmem>>, vector<1x16xf32>,
        %get3A_928 = vector.shape_cast %get3A_927 : vector<1x16xf32> to vector<16xf32>
        %mul3A_929 = arith.mulf %get3A_928, %broadcast_in_dim3A_866 : vector<16xf32>
        %add3A_930 = arith.constant 7 : i32
        %add3A_931 = arith.addi %mul3A_58, %add3A_930 : i32
        %swap3A_932 = arith.index_cast %add3A_931 : i32 to index
        %swap3A_933 = arith.constant 64 : index
        %swap3A_934 = tpu.vector_load %arg11[%swap3A_932, %swap3A_933] {strides = array<i32>} : memref<80x128xf32, #tpu.memory_space<vmem>>, vector<1x16xf32>,
        %swap3A_935 = vector.shape_cast %swap3A_934 : vector<1x16xf32> to vector<16xf32>
        %swap3A_936 = vector.shape_cast %mul3A_929 : vector<16xf32> to vector<1x16xf32>
        tpu.vector_store %arg11[%swap3A_932, %swap3A_933], %swap3A_936 {strides = array<i32>} : memref<80x128xf32, #tpu.memory_space<vmem>>, vector<1x16xf32>,
        %add3A_937 = arith.constant 7 : i32
        %add3A_938 = arith.addi %mul3A_58, %add3A_937 : i32
        %get3A_939 = arith.index_cast %add3A_938 : i32 to index
        %get3A_940 = arith.constant 80 : index
        %get3A_941 = tpu.vector_load %arg11[%get3A_939, %get3A_940] {strides = array<i32>} : memref<80x128xf32, #tpu.memory_space<vmem>>, vector<1x16xf32>,
        %get3A_942 = vector.shape_cast %get3A_941 : vector<1x16xf32> to vector<16xf32>
        %mul3A_943 = arith.mulf %get3A_942, %broadcast_in_dim3A_866 : vector<16xf32>
        %add3A_944 = arith.constant 7 : i32
        %add3A_945 = arith.addi %mul3A_58, %add3A_944 : i32
        %swap3A_946 = arith.index_cast %add3A_945 : i32 to index
        %swap3A_947 = arith.constant 80 : index
        %swap3A_948 = tpu.vector_load %arg11[%swap3A_946, %swap3A_947] {strides = array<i32>} : memref<80x128xf32, #tpu.memory_space<vmem>>, vector<1x16xf32>,
        %swap3A_949 = vector.shape_cast %swap3A_948 : vector<1x16xf32> to vector<16xf32>
        %swap3A_950 = vector.shape_cast %mul3A_943 : vector<16xf32> to vector<1x16xf32>
        tpu.vector_store %arg11[%swap3A_946, %swap3A_947], %swap3A_950 {strides = array<i32>} : memref<80x128xf32, #tpu.memory_space<vmem>>, vector<1x16xf32>,
        %add3A_951 = arith.constant 7 : i32
        %add3A_952 = arith.addi %mul3A_58, %add3A_951 : i32
        %get3A_953 = arith.index_cast %add3A_952 : i32 to index
        %get3A_954 = arith.constant 96 : index
        %get3A_955 = tpu.vector_load %arg11[%get3A_953, %get3A_954] {strides = array<i32>} : memref<80x128xf32, #tpu.memory_space<vmem>>, vector<1x16xf32>,
        %get3A_956 = vector.shape_cast %get3A_955 : vector<1x16xf32> to vector<16xf32>
        %mul3A_957 = arith.mulf %get3A_956, %broadcast_in_dim3A_866 : vector<16xf32>
        %add3A_958 = arith.constant 7 : i32
        %add3A_959 = arith.addi %mul3A_58, %add3A_958 : i32
        %swap3A_960 = arith.index_cast %add3A_959 : i32 to index
        %swap3A_961 = arith.constant 96 : index
        %swap3A_962 = tpu.vector_load %arg11[%swap3A_960, %swap3A_961] {strides = array<i32>} : memref<80x128xf32, #tpu.memory_space<vmem>>, vector<1x16xf32>,
        %swap3A_963 = vector.shape_cast %swap3A_962 : vector<1x16xf32> to vector<16xf32>
        %swap3A_964 = vector.shape_cast %mul3A_957 : vector<16xf32> to vector<1x16xf32>
        tpu.vector_store %arg11[%swap3A_960, %swap3A_961], %swap3A_964 {strides = array<i32>} : memref<80x128xf32, #tpu.memory_space<vmem>>, vector<1x16xf32>,
        %add3A_965 = arith.constant 7 : i32
        %add3A_966 = arith.addi %mul3A_58, %add3A_965 : i32
        %get3A_967 = arith.index_cast %add3A_966 : i32 to index
        %get3A_968 = arith.constant 112 : index
        %get3A_969 = tpu.vector_load %arg11[%get3A_967, %get3A_968] {strides = array<i32>} : memref<80x128xf32, #tpu.memory_space<vmem>>, vector<1x16xf32>,
        %get3A_970 = vector.shape_cast %get3A_969 : vector<1x16xf32> to vector<16xf32>
        %mul3A_971 = arith.mulf %get3A_970, %broadcast_in_dim3A_866 : vector<16xf32>
        %add3A_972 = arith.constant 7 : i32
        %add3A_973 = arith.addi %mul3A_58, %add3A_972 : i32
        %swap3A_974 = arith.index_cast %add3A_973 : i32 to index
        %swap3A_975 = arith.constant 112 : index
        %swap3A_976 = tpu.vector_load %arg11[%swap3A_974, %swap3A_975] {strides = array<i32>} : memref<80x128xf32, #tpu.memory_space<vmem>>, vector<1x16xf32>,
        %swap3A_977 = vector.shape_cast %swap3A_976 : vector<1x16xf32> to vector<16xf32>
        %swap3A_978 = vector.shape_cast %mul3A_971 : vector<16xf32> to vector<1x16xf32>
        tpu.vector_store %arg11[%swap3A_974, %swap3A_975], %swap3A_978 {strides = array<i32>} : memref<80x128xf32, #tpu.memory_space<vmem>>, vector<1x16xf32>,
        %slice3A_979 = vector.extract_strided_slice %get3A_61 {offsets = [8], sizes = [1], strides = [1]} : vector<16xf32> to vector<1xf32>
        %squeeze3A_980 = vector.extract %slice3A_979[0] : f32 from vector<1xf32>
        %broadcast_in_dim3A_981 = vector.broadcast %squeeze3A_980 : f32 to vector<16xf32>
        %add3A_982 = arith.constant 8 : i32
        %add3A_983 = arith.addi %mul3A_58, %add3A_982 : i32
        %get3A_984 = arith.index_cast %add3A_983 : i32 to index
        %get3A_985 = arith.constant 0 : index
        %get3A_986 = tpu.vector_load %arg11[%get3A_984, %get3A_985] {strides = array<i32>} : memref<80x128xf32, #tpu.memory_space<vmem>>, vector<1x16xf32>,
        %get3A_987 = vector.shape_cast %get3A_986 : vector<1x16xf32> to vector<16xf32>
        %mul3A_988 = arith.mulf %get3A_987, %broadcast_in_dim3A_981 : vector<16xf32>
        %add3A_989 = arith.constant 8 : i32
        %add3A_990 = arith.addi %mul3A_58, %add3A_989 : i32
        %swap3A_991 = arith.index_cast %add3A_990 : i32 to index
        %swap3A_992 = arith.constant 0 : index
        %swap3A_993 = tpu.vector_load %arg11[%swap3A_991, %swap3A_992] {strides = array<i32>} : memref<80x128xf32, #tpu.memory_space<vmem>>, vector<1x16xf32>,
        %swap3A_994 = vector.shape_cast %swap3A_993 : vector<1x16xf32> to vector<16xf32>
        %swap3A_995 = vector.shape_cast %mul3A_988 : vector<16xf32> to vector<1x16xf32>
        tpu.vector_store %arg11[%swap3A_991, %swap3A_992], %swap3A_995 {strides = array<i32>} : memref<80x128xf32, #tpu.memory_space<vmem>>, vector<1x16xf32>,
        %add3A_996 = arith.constant 8 : i32
        %add3A_997 = arith.addi %mul3A_58, %add3A_996 : i32
        %get3A_998 = arith.index_cast %add3A_997 : i32 to index
        %get3A_999 = arith.constant 16 : index
        %get3A_1000 = tpu.vector_load %arg11[%get3A_998, %get3A_999] {strides = array<i32>} : memref<80x128xf32, #tpu.memory_space<vmem>>, vector<1x16xf32>,
        %get3A_1001 = vector.shape_cast %get3A_1000 : vector<1x16xf32> to vector<16xf32>
        %mul3A_1002 = arith.mulf %get3A_1001, %broadcast_in_dim3A_981 : vector<16xf32>
        %add3A_1003 = arith.constant 8 : i32
        %add3A_1004 = arith.addi %mul3A_58, %add3A_1003 : i32
        %swap3A_1005 = arith.index_cast %add3A_1004 : i32 to index
        %swap3A_1006 = arith.constant 16 : index
        %swap3A_1007 = tpu.vector_load %arg11[%swap3A_1005, %swap3A_1006] {strides = array<i32>} : memref<80x128xf32, #tpu.memory_space<vmem>>, vector<1x16xf32>,
        %swap3A_1008 = vector.shape_cast %swap3A_1007 : vector<1x16xf32> to vector<16xf32>
        %swap3A_1009 = vector.shape_cast %mul3A_1002 : vector<16xf32> to vector<1x16xf32>
        tpu.vector_store %arg11[%swap3A_1005, %swap3A_1006], %swap3A_1009 {strides = array<i32>} : memref<80x128xf32, #tpu.memory_space<vmem>>, vector<1x16xf32>,
        %add3A_1010 = arith.constant 8 : i32
        %add3A_1011 = arith.addi %mul3A_58, %add3A_1010 : i32
        %get3A_1012 = arith.index_cast %add3A_1011 : i32 to index
        %get3A_1013 = arith.constant 32 : index
        %get3A_1014 = tpu.vector_load %arg11[%get3A_1012, %get3A_1013] {strides = array<i32>} : memref<80x128xf32, #tpu.memory_space<vmem>>, vector<1x16xf32>,
        %get3A_1015 = vector.shape_cast %get3A_1014 : vector<1x16xf32> to vector<16xf32>
        %mul3A_1016 = arith.mulf %get3A_1015, %broadcast_in_dim3A_981 : vector<16xf32>
        %add3A_1017 = arith.constant 8 : i32
        %add3A_1018 = arith.addi %mul3A_58, %add3A_1017 : i32
        %swap3A_1019 = arith.index_cast %add3A_1018 : i32 to index
        %swap3A_1020 = arith.constant 32 : index
        %swap3A_1021 = tpu.vector_load %arg11[%swap3A_1019, %swap3A_1020] {strides = array<i32>} : memref<80x128xf32, #tpu.memory_space<vmem>>, vector<1x16xf32>,
        %swap3A_1022 = vector.shape_cast %swap3A_1021 : vector<1x16xf32> to vector<16xf32>
        %swap3A_1023 = vector.shape_cast %mul3A_1016 : vector<16xf32> to vector<1x16xf32>
        tpu.vector_store %arg11[%swap3A_1019, %swap3A_1020], %swap3A_1023 {strides = array<i32>} : memref<80x128xf32, #tpu.memory_space<vmem>>, vector<1x16xf32>,
        %add3A_1024 = arith.constant 8 : i32
        %add3A_1025 = arith.addi %mul3A_58, %add3A_1024 : i32
        %get3A_1026 = arith.index_cast %add3A_1025 : i32 to index
        %get3A_1027 = arith.constant 48 : index
        %get3A_1028 = tpu.vector_load %arg11[%get3A_1026, %get3A_1027] {strides = array<i32>} : memref<80x128xf32, #tpu.memory_space<vmem>>, vector<1x16xf32>,
        %get3A_1029 = vector.shape_cast %get3A_1028 : vector<1x16xf32> to vector<16xf32>
        %mul3A_1030 = arith.mulf %get3A_1029, %broadcast_in_dim3A_981 : vector<16xf32>
        %add3A_1031 = arith.constant 8 : i32
        %add3A_1032 = arith.addi %mul3A_58, %add3A_1031 : i32
        %swap3A_1033 = arith.index_cast %add3A_1032 : i32 to index
        %swap3A_1034 = arith.constant 48 : index
        %swap3A_1035 = tpu.vector_load %arg11[%swap3A_1033, %swap3A_1034] {strides = array<i32>} : memref<80x128xf32, #tpu.memory_space<vmem>>, vector<1x16xf32>,
        %swap3A_1036 = vector.shape_cast %swap3A_1035 : vector<1x16xf32> to vector<16xf32>
        %swap3A_1037 = vector.shape_cast %mul3A_1030 : vector<16xf32> to vector<1x16xf32>
        tpu.vector_store %arg11[%swap3A_1033, %swap3A_1034], %swap3A_1037 {strides = array<i32>} : memref<80x128xf32, #tpu.memory_space<vmem>>, vector<1x16xf32>,
        %add3A_1038 = arith.constant 8 : i32
        %add3A_1039 = arith.addi %mul3A_58, %add3A_1038 : i32
        %get3A_1040 = arith.index_cast %add3A_1039 : i32 to index
        %get3A_1041 = arith.constant 64 : index
        %get3A_1042 = tpu.vector_load %arg11[%get3A_1040, %get3A_1041] {strides = array<i32>} : memref<80x128xf32, #tpu.memory_space<vmem>>, vector<1x16xf32>,
        %get3A_1043 = vector.shape_cast %get3A_1042 : vector<1x16xf32> to vector<16xf32>
        %mul3A_1044 = arith.mulf %get3A_1043, %broadcast_in_dim3A_981 : vector<16xf32>
        %add3A_1045 = arith.constant 8 : i32
        %add3A_1046 = arith.addi %mul3A_58, %add3A_1045 : i32
        %swap3A_1047 = arith.index_cast %add3A_1046 : i32 to index
        %swap3A_1048 = arith.constant 64 : index
        %swap3A_1049 = tpu.vector_load %arg11[%swap3A_1047, %swap3A_1048] {strides = array<i32>} : memref<80x128xf32, #tpu.memory_space<vmem>>, vector<1x16xf32>,
        %swap3A_1050 = vector.shape_cast %swap3A_1049 : vector<1x16xf32> to vector<16xf32>
        %swap3A_1051 = vector.shape_cast %mul3A_1044 : vector<16xf32> to vector<1x16xf32>
        tpu.vector_store %arg11[%swap3A_1047, %swap3A_1048], %swap3A_1051 {strides = array<i32>} : memref<80x128xf32, #tpu.memory_space<vmem>>, vector<1x16xf32>,
        %add3A_1052 = arith.constant 8 : i32
        %add3A_1053 = arith.addi %mul3A_58, %add3A_1052 : i32
        %get3A_1054 = arith.index_cast %add3A_1053 : i32 to index
        %get3A_1055 = arith.constant 80 : index
        %get3A_1056 = tpu.vector_load %arg11[%get3A_1054, %get3A_1055] {strides = array<i32>} : memref<80x128xf32, #tpu.memory_space<vmem>>, vector<1x16xf32>,
        %get3A_1057 = vector.shape_cast %get3A_1056 : vector<1x16xf32> to vector<16xf32>
        %mul3A_1058 = arith.mulf %get3A_1057, %broadcast_in_dim3A_981 : vector<16xf32>
        %add3A_1059 = arith.constant 8 : i32
        %add3A_1060 = arith.addi %mul3A_58, %add3A_1059 : i32
        %swap3A_1061 = arith.index_cast %add3A_1060 : i32 to index
        %swap3A_1062 = arith.constant 80 : index
        %swap3A_1063 = tpu.vector_load %arg11[%swap3A_1061, %swap3A_1062] {strides = array<i32>} : memref<80x128xf32, #tpu.memory_space<vmem>>, vector<1x16xf32>,
        %swap3A_1064 = vector.shape_cast %swap3A_1063 : vector<1x16xf32> to vector<16xf32>
        %swap3A_1065 = vector.shape_cast %mul3A_1058 : vector<16xf32> to vector<1x16xf32>
        tpu.vector_store %arg11[%swap3A_1061, %swap3A_1062], %swap3A_1065 {strides = array<i32>} : memref<80x128xf32, #tpu.memory_space<vmem>>, vector<1x16xf32>,
        %add3A_1066 = arith.constant 8 : i32
        %add3A_1067 = arith.addi %mul3A_58, %add3A_1066 : i32
        %get3A_1068 = arith.index_cast %add3A_1067 : i32 to index
        %get3A_1069 = arith.constant 96 : index
        %get3A_1070 = tpu.vector_load %arg11[%get3A_1068, %get3A_1069] {strides = array<i32>} : memref<80x128xf32, #tpu.memory_space<vmem>>, vector<1x16xf32>,
        %get3A_1071 = vector.shape_cast %get3A_1070 : vector<1x16xf32> to vector<16xf32>
        %mul3A_1072 = arith.mulf %get3A_1071, %broadcast_in_dim3A_981 : vector<16xf32>
        %add3A_1073 = arith.constant 8 : i32
        %add3A_1074 = arith.addi %mul3A_58, %add3A_1073 : i32
        %swap3A_1075 = arith.index_cast %add3A_1074 : i32 to index
        %swap3A_1076 = arith.constant 96 : index
        %swap3A_1077 = tpu.vector_load %arg11[%swap3A_1075, %swap3A_1076] {strides = array<i32>} : memref<80x128xf32, #tpu.memory_space<vmem>>, vector<1x16xf32>,
        %swap3A_1078 = vector.shape_cast %swap3A_1077 : vector<1x16xf32> to vector<16xf32>
        %swap3A_1079 = vector.shape_cast %mul3A_1072 : vector<16xf32> to vector<1x16xf32>
        tpu.vector_store %arg11[%swap3A_1075, %swap3A_1076], %swap3A_1079 {strides = array<i32>} : memref<80x128xf32, #tpu.memory_space<vmem>>, vector<1x16xf32>,
        %add3A_1080 = arith.constant 8 : i32
        %add3A_1081 = arith.addi %mul3A_58, %add3A_1080 : i32
        %get3A_1082 = arith.index_cast %add3A_1081 : i32 to index
        %get3A_1083 = arith.constant 112 : index
        %get3A_1084 = tpu.vector_load %arg11[%get3A_1082, %get3A_1083] {strides = array<i32>} : memref<80x128xf32, #tpu.memory_space<vmem>>, vector<1x16xf32>,
        %get3A_1085 = vector.shape_cast %get3A_1084 : vector<1x16xf32> to vector<16xf32>
        %mul3A_1086 = arith.mulf %get3A_1085, %broadcast_in_dim3A_981 : vector<16xf32>
        %add3A_1087 = arith.constant 8 : i32
        %add3A_1088 = arith.addi %mul3A_58, %add3A_1087 : i32
        %swap3A_1089 = arith.index_cast %add3A_1088 : i32 to index
        %swap3A_1090 = arith.constant 112 : index
        %swap3A_1091 = tpu.vector_load %arg11[%swap3A_1089, %swap3A_1090] {strides = array<i32>} : memref<80x128xf32, #tpu.memory_space<vmem>>, vector<1x16xf32>,
        %swap3A_1092 = vector.shape_cast %swap3A_1091 : vector<1x16xf32> to vector<16xf32>
        %swap3A_1093 = vector.shape_cast %mul3A_1086 : vector<16xf32> to vector<1x16xf32>
        tpu.vector_store %arg11[%swap3A_1089, %swap3A_1090], %swap3A_1093 {strides = array<i32>} : memref<80x128xf32, #tpu.memory_space<vmem>>, vector<1x16xf32>,
        %slice3A_1094 = vector.extract_strided_slice %get3A_61 {offsets = [9], sizes = [1], strides = [1]} : vector<16xf32> to vector<1xf32>
        %squeeze3A_1095 = vector.extract %slice3A_1094[0] : f32 from vector<1xf32>
        %broadcast_in_dim3A_1096 = vector.broadcast %squeeze3A_1095 : f32 to vector<16xf32>
        %add3A_1097 = arith.constant 9 : i32
        %add3A_1098 = arith.addi %mul3A_58, %add3A_1097 : i32
        %get3A_1099 = arith.index_cast %add3A_1098 : i32 to index
        %get3A_1100 = arith.constant 0 : index
        %get3A_1101 = tpu.vector_load %arg11[%get3A_1099, %get3A_1100] {strides = array<i32>} : memref<80x128xf32, #tpu.memory_space<vmem>>, vector<1x16xf32>,
        %get3A_1102 = vector.shape_cast %get3A_1101 : vector<1x16xf32> to vector<16xf32>
        %mul3A_1103 = arith.mulf %get3A_1102, %broadcast_in_dim3A_1096 : vector<16xf32>
        %add3A_1104 = arith.constant 9 : i32
        %add3A_1105 = arith.addi %mul3A_58, %add3A_1104 : i32
        %swap3A_1106 = arith.index_cast %add3A_1105 : i32 to index
        %swap3A_1107 = arith.constant 0 : index
        %swap3A_1108 = tpu.vector_load %arg11[%swap3A_1106, %swap3A_1107] {strides = array<i32>} : memref<80x128xf32, #tpu.memory_space<vmem>>, vector<1x16xf32>,
        %swap3A_1109 = vector.shape_cast %swap3A_1108 : vector<1x16xf32> to vector<16xf32>
        %swap3A_1110 = vector.shape_cast %mul3A_1103 : vector<16xf32> to vector<1x16xf32>
        tpu.vector_store %arg11[%swap3A_1106, %swap3A_1107], %swap3A_1110 {strides = array<i32>} : memref<80x128xf32, #tpu.memory_space<vmem>>, vector<1x16xf32>,
        %add3A_1111 = arith.constant 9 : i32
        %add3A_1112 = arith.addi %mul3A_58, %add3A_1111 : i32
        %get3A_1113 = arith.index_cast %add3A_1112 : i32 to index
        %get3A_1114 = arith.constant 16 : index
        %get3A_1115 = tpu.vector_load %arg11[%get3A_1113, %get3A_1114] {strides = array<i32>} : memref<80x128xf32, #tpu.memory_space<vmem>>, vector<1x16xf32>,
        %get3A_1116 = vector.shape_cast %get3A_1115 : vector<1x16xf32> to vector<16xf32>
        %mul3A_1117 = arith.mulf %get3A_1116, %broadcast_in_dim3A_1096 : vector<16xf32>
        %add3A_1118 = arith.constant 9 : i32
        %add3A_1119 = arith.addi %mul3A_58, %add3A_1118 : i32
        %swap3A_1120 = arith.index_cast %add3A_1119 : i32 to index
        %swap3A_1121 = arith.constant 16 : index
        %swap3A_1122 = tpu.vector_load %arg11[%swap3A_1120, %swap3A_1121] {strides = array<i32>} : memref<80x128xf32, #tpu.memory_space<vmem>>, vector<1x16xf32>,
        %swap3A_1123 = vector.shape_cast %swap3A_1122 : vector<1x16xf32> to vector<16xf32>
        %swap3A_1124 = vector.shape_cast %mul3A_1117 : vector<16xf32> to vector<1x16xf32>
        tpu.vector_store %arg11[%swap3A_1120, %swap3A_1121], %swap3A_1124 {strides = array<i32>} : memref<80x128xf32, #tpu.memory_space<vmem>>, vector<1x16xf32>,
        %add3A_1125 = arith.constant 9 : i32
        %add3A_1126 = arith.addi %mul3A_58, %add3A_1125 : i32
        %get3A_1127 = arith.index_cast %add3A_1126 : i32 to index
        %get3A_1128 = arith.constant 32 : index
        %get3A_1129 = tpu.vector_load %arg11[%get3A_1127, %get3A_1128] {strides = array<i32>} : memref<80x128xf32, #tpu.memory_space<vmem>>, vector<1x16xf32>,
        %get3A_1130 = vector.shape_cast %get3A_1129 : vector<1x16xf32> to vector<16xf32>
        %mul3A_1131 = arith.mulf %get3A_1130, %broadcast_in_dim3A_1096 : vector<16xf32>
        %add3A_1132 = arith.constant 9 : i32
        %add3A_1133 = arith.addi %mul3A_58, %add3A_1132 : i32
        %swap3A_1134 = arith.index_cast %add3A_1133 : i32 to index
        %swap3A_1135 = arith.constant 32 : index
        %swap3A_1136 = tpu.vector_load %arg11[%swap3A_1134, %swap3A_1135] {strides = array<i32>} : memref<80x128xf32, #tpu.memory_space<vmem>>, vector<1x16xf32>,
        %swap3A_1137 = vector.shape_cast %swap3A_1136 : vector<1x16xf32> to vector<16xf32>
        %swap3A_1138 = vector.shape_cast %mul3A_1131 : vector<16xf32> to vector<1x16xf32>
        tpu.vector_store %arg11[%swap3A_1134, %swap3A_1135], %swap3A_1138 {strides = array<i32>} : memref<80x128xf32, #tpu.memory_space<vmem>>, vector<1x16xf32>,
        %add3A_1139 = arith.constant 9 : i32
        %add3A_1140 = arith.addi %mul3A_58, %add3A_1139 : i32
        %get3A_1141 = arith.index_cast %add3A_1140 : i32 to index
        %get3A_1142 = arith.constant 48 : index
        %get3A_1143 = tpu.vector_load %arg11[%get3A_1141, %get3A_1142] {strides = array<i32>} : memref<80x128xf32, #tpu.memory_space<vmem>>, vector<1x16xf32>,
        %get3A_1144 = vector.shape_cast %get3A_1143 : vector<1x16xf32> to vector<16xf32>
        %mul3A_1145 = arith.mulf %get3A_1144, %broadcast_in_dim3A_1096 : vector<16xf32>
        %add3A_1146 = arith.constant 9 : i32
        %add3A_1147 = arith.addi %mul3A_58, %add3A_1146 : i32
        %swap3A_1148 = arith.index_cast %add3A_1147 : i32 to index
        %swap3A_1149 = arith.constant 48 : index
        %swap3A_1150 = tpu.vector_load %arg11[%swap3A_1148, %swap3A_1149] {strides = array<i32>} : memref<80x128xf32, #tpu.memory_space<vmem>>, vector<1x16xf32>,
        %swap3A_1151 = vector.shape_cast %swap3A_1150 : vector<1x16xf32> to vector<16xf32>
        %swap3A_1152 = vector.shape_cast %mul3A_1145 : vector<16xf32> to vector<1x16xf32>
        tpu.vector_store %arg11[%swap3A_1148, %swap3A_1149], %swap3A_1152 {strides = array<i32>} : memref<80x128xf32, #tpu.memory_space<vmem>>, vector<1x16xf32>,
        %add3A_1153 = arith.constant 9 : i32
        %add3A_1154 = arith.addi %mul3A_58, %add3A_1153 : i32
        %get3A_1155 = arith.index_cast %add3A_1154 : i32 to index
        %get3A_1156 = arith.constant 64 : index
        %get3A_1157 = tpu.vector_load %arg11[%get3A_1155, %get3A_1156] {strides = array<i32>} : memref<80x128xf32, #tpu.memory_space<vmem>>, vector<1x16xf32>,
        %get3A_1158 = vector.shape_cast %get3A_1157 : vector<1x16xf32> to vector<16xf32>
        %mul3A_1159 = arith.mulf %get3A_1158, %broadcast_in_dim3A_1096 : vector<16xf32>
        %add3A_1160 = arith.constant 9 : i32
        %add3A_1161 = arith.addi %mul3A_58, %add3A_1160 : i32
        %swap3A_1162 = arith.index_cast %add3A_1161 : i32 to index
        %swap3A_1163 = arith.constant 64 : index
        %swap3A_1164 = tpu.vector_load %arg11[%swap3A_1162, %swap3A_1163] {strides = array<i32>} : memref<80x128xf32, #tpu.memory_space<vmem>>, vector<1x16xf32>,
        %swap3A_1165 = vector.shape_cast %swap3A_1164 : vector<1x16xf32> to vector<16xf32>
        %swap3A_1166 = vector.shape_cast %mul3A_1159 : vector<16xf32> to vector<1x16xf32>
        tpu.vector_store %arg11[%swap3A_1162, %swap3A_1163], %swap3A_1166 {strides = array<i32>} : memref<80x128xf32, #tpu.memory_space<vmem>>, vector<1x16xf32>,
        %add3A_1167 = arith.constant 9 : i32
        %add3A_1168 = arith.addi %mul3A_58, %add3A_1167 : i32
        %get3A_1169 = arith.index_cast %add3A_1168 : i32 to index
        %get3A_1170 = arith.constant 80 : index
        %get3A_1171 = tpu.vector_load %arg11[%get3A_1169, %get3A_1170] {strides = array<i32>} : memref<80x128xf32, #tpu.memory_space<vmem>>, vector<1x16xf32>,
        %get3A_1172 = vector.shape_cast %get3A_1171 : vector<1x16xf32> to vector<16xf32>
        %mul3A_1173 = arith.mulf %get3A_1172, %broadcast_in_dim3A_1096 : vector<16xf32>
        %add3A_1174 = arith.constant 9 : i32
        %add3A_1175 = arith.addi %mul3A_58, %add3A_1174 : i32
        %swap3A_1176 = arith.index_cast %add3A_1175 : i32 to index
        %swap3A_1177 = arith.constant 80 : index
        %swap3A_1178 = tpu.vector_load %arg11[%swap3A_1176, %swap3A_1177] {strides = array<i32>} : memref<80x128xf32, #tpu.memory_space<vmem>>, vector<1x16xf32>,
        %swap3A_1179 = vector.shape_cast %swap3A_1178 : vector<1x16xf32> to vector<16xf32>
        %swap3A_1180 = vector.shape_cast %mul3A_1173 : vector<16xf32> to vector<1x16xf32>
        tpu.vector_store %arg11[%swap3A_1176, %swap3A_1177], %swap3A_1180 {strides = array<i32>} : memref<80x128xf32, #tpu.memory_space<vmem>>, vector<1x16xf32>,
        %add3A_1181 = arith.constant 9 : i32
        %add3A_1182 = arith.addi %mul3A_58, %add3A_1181 : i32
        %get3A_1183 = arith.index_cast %add3A_1182 : i32 to index
        %get3A_1184 = arith.constant 96 : index
        %get3A_1185 = tpu.vector_load %arg11[%get3A_1183, %get3A_1184] {strides = array<i32>} : memref<80x128xf32, #tpu.memory_space<vmem>>, vector<1x16xf32>,
        %get3A_1186 = vector.shape_cast %get3A_1185 : vector<1x16xf32> to vector<16xf32>
        %mul3A_1187 = arith.mulf %get3A_1186, %broadcast_in_dim3A_1096 : vector<16xf32>
        %add3A_1188 = arith.constant 9 : i32
        %add3A_1189 = arith.addi %mul3A_58, %add3A_1188 : i32
        %swap3A_1190 = arith.index_cast %add3A_1189 : i32 to index
        %swap3A_1191 = arith.constant 96 : index
        %swap3A_1192 = tpu.vector_load %arg11[%swap3A_1190, %swap3A_1191] {strides = array<i32>} : memref<80x128xf32, #tpu.memory_space<vmem>>, vector<1x16xf32>,
        %swap3A_1193 = vector.shape_cast %swap3A_1192 : vector<1x16xf32> to vector<16xf32>
        %swap3A_1194 = vector.shape_cast %mul3A_1187 : vector<16xf32> to vector<1x16xf32>
        tpu.vector_store %arg11[%swap3A_1190, %swap3A_1191], %swap3A_1194 {strides = array<i32>} : memref<80x128xf32, #tpu.memory_space<vmem>>, vector<1x16xf32>,
        %add3A_1195 = arith.constant 9 : i32
        %add3A_1196 = arith.addi %mul3A_58, %add3A_1195 : i32
        %get3A_1197 = arith.index_cast %add3A_1196 : i32 to index
        %get3A_1198 = arith.constant 112 : index
        %get3A_1199 = tpu.vector_load %arg11[%get3A_1197, %get3A_1198] {strides = array<i32>} : memref<80x128xf32, #tpu.memory_space<vmem>>, vector<1x16xf32>,
        %get3A_1200 = vector.shape_cast %get3A_1199 : vector<1x16xf32> to vector<16xf32>
        %mul3A_1201 = arith.mulf %get3A_1200, %broadcast_in_dim3A_1096 : vector<16xf32>
        %add3A_1202 = arith.constant 9 : i32
        %add3A_1203 = arith.addi %mul3A_58, %add3A_1202 : i32
        %swap3A_1204 = arith.index_cast %add3A_1203 : i32 to index
        %swap3A_1205 = arith.constant 112 : index
        %swap3A_1206 = tpu.vector_load %arg11[%swap3A_1204, %swap3A_1205] {strides = array<i32>} : memref<80x128xf32, #tpu.memory_space<vmem>>, vector<1x16xf32>,
        %swap3A_1207 = vector.shape_cast %swap3A_1206 : vector<1x16xf32> to vector<16xf32>
        %swap3A_1208 = vector.shape_cast %mul3A_1201 : vector<16xf32> to vector<1x16xf32>
        tpu.vector_store %arg11[%swap3A_1204, %swap3A_1205], %swap3A_1208 {strides = array<i32>} : memref<80x128xf32, #tpu.memory_space<vmem>>, vector<1x16xf32>,
        %slice3A_1209 = vector.extract_strided_slice %get3A_61 {offsets = [10], sizes = [1], strides = [1]} : vector<16xf32> to vector<1xf32>
        %squeeze3A_1210 = vector.extract %slice3A_1209[0] : f32 from vector<1xf32>
        %broadcast_in_dim3A_1211 = vector.broadcast %squeeze3A_1210 : f32 to vector<16xf32>
        %add3A_1212 = arith.constant 10 : i32
        %add3A_1213 = arith.addi %mul3A_58, %add3A_1212 : i32
        %get3A_1214 = arith.index_cast %add3A_1213 : i32 to index
        %get3A_1215 = arith.constant 0 : index
        %get3A_1216 = tpu.vector_load %arg11[%get3A_1214, %get3A_1215] {strides = array<i32>} : memref<80x128xf32, #tpu.memory_space<vmem>>, vector<1x16xf32>,
        %get3A_1217 = vector.shape_cast %get3A_1216 : vector<1x16xf32> to vector<16xf32>
        %mul3A_1218 = arith.mulf %get3A_1217, %broadcast_in_dim3A_1211 : vector<16xf32>
        %add3A_1219 = arith.constant 10 : i32
        %add3A_1220 = arith.addi %mul3A_58, %add3A_1219 : i32
        %swap3A_1221 = arith.index_cast %add3A_1220 : i32 to index
        %swap3A_1222 = arith.constant 0 : index
        %swap3A_1223 = tpu.vector_load %arg11[%swap3A_1221, %swap3A_1222] {strides = array<i32>} : memref<80x128xf32, #tpu.memory_space<vmem>>, vector<1x16xf32>,
        %swap3A_1224 = vector.shape_cast %swap3A_1223 : vector<1x16xf32> to vector<16xf32>
        %swap3A_1225 = vector.shape_cast %mul3A_1218 : vector<16xf32> to vector<1x16xf32>
        tpu.vector_store %arg11[%swap3A_1221, %swap3A_1222], %swap3A_1225 {strides = array<i32>} : memref<80x128xf32, #tpu.memory_space<vmem>>, vector<1x16xf32>,
        %add3A_1226 = arith.constant 10 : i32
        %add3A_1227 = arith.addi %mul3A_58, %add3A_1226 : i32
        %get3A_1228 = arith.index_cast %add3A_1227 : i32 to index
        %get3A_1229 = arith.constant 16 : index
        %get3A_1230 = tpu.vector_load %arg11[%get3A_1228, %get3A_1229] {strides = array<i32>} : memref<80x128xf32, #tpu.memory_space<vmem>>, vector<1x16xf32>,
        %get3A_1231 = vector.shape_cast %get3A_1230 : vector<1x16xf32> to vector<16xf32>
        %mul3A_1232 = arith.mulf %get3A_1231, %broadcast_in_dim3A_1211 : vector<16xf32>
        %add3A_1233 = arith.constant 10 : i32
        %add3A_1234 = arith.addi %mul3A_58, %add3A_1233 : i32
        %swap3A_1235 = arith.index_cast %add3A_1234 : i32 to index
        %swap3A_1236 = arith.constant 16 : index
        %swap3A_1237 = tpu.vector_load %arg11[%swap3A_1235, %swap3A_1236] {strides = array<i32>} : memref<80x128xf32, #tpu.memory_space<vmem>>, vector<1x16xf32>,
        %swap3A_1238 = vector.shape_cast %swap3A_1237 : vector<1x16xf32> to vector<16xf32>
        %swap3A_1239 = vector.shape_cast %mul3A_1232 : vector<16xf32> to vector<1x16xf32>
        tpu.vector_store %arg11[%swap3A_1235, %swap3A_1236], %swap3A_1239 {strides = array<i32>} : memref<80x128xf32, #tpu.memory_space<vmem>>, vector<1x16xf32>,
        %add3A_1240 = arith.constant 10 : i32
        %add3A_1241 = arith.addi %mul3A_58, %add3A_1240 : i32
        %get3A_1242 = arith.index_cast %add3A_1241 : i32 to index
        %get3A_1243 = arith.constant 32 : index
        %get3A_1244 = tpu.vector_load %arg11[%get3A_1242, %get3A_1243] {strides = array<i32>} : memref<80x128xf32, #tpu.memory_space<vmem>>, vector<1x16xf32>,
        %get3A_1245 = vector.shape_cast %get3A_1244 : vector<1x16xf32> to vector<16xf32>
        %mul3A_1246 = arith.mulf %get3A_1245, %broadcast_in_dim3A_1211 : vector<16xf32>
        %add3A_1247 = arith.constant 10 : i32
        %add3A_1248 = arith.addi %mul3A_58, %add3A_1247 : i32
        %swap3A_1249 = arith.index_cast %add3A_1248 : i32 to index
        %swap3A_1250 = arith.constant 32 : index
        %swap3A_1251 = tpu.vector_load %arg11[%swap3A_1249, %swap3A_1250] {strides = array<i32>} : memref<80x128xf32, #tpu.memory_space<vmem>>, vector<1x16xf32>,
        %swap3A_1252 = vector.shape_cast %swap3A_1251 : vector<1x16xf32> to vector<16xf32>
        %swap3A_1253 = vector.shape_cast %mul3A_1246 : vector<16xf32> to vector<1x16xf32>
        tpu.vector_store %arg11[%swap3A_1249, %swap3A_1250], %swap3A_1253 {strides = array<i32>} : memref<80x128xf32, #tpu.memory_space<vmem>>, vector<1x16xf32>,
        %add3A_1254 = arith.constant 10 : i32
        %add3A_1255 = arith.addi %mul3A_58, %add3A_1254 : i32
        %get3A_1256 = arith.index_cast %add3A_1255 : i32 to index
        %get3A_1257 = arith.constant 48 : index
        %get3A_1258 = tpu.vector_load %arg11[%get3A_1256, %get3A_1257] {strides = array<i32>} : memref<80x128xf32, #tpu.memory_space<vmem>>, vector<1x16xf32>,
        %get3A_1259 = vector.shape_cast %get3A_1258 : vector<1x16xf32> to vector<16xf32>
        %mul3A_1260 = arith.mulf %get3A_1259, %broadcast_in_dim3A_1211 : vector<16xf32>
        %add3A_1261 = arith.constant 10 : i32
        %add3A_1262 = arith.addi %mul3A_58, %add3A_1261 : i32
        %swap3A_1263 = arith.index_cast %add3A_1262 : i32 to index
        %swap3A_1264 = arith.constant 48 : index
        %swap3A_1265 = tpu.vector_load %arg11[%swap3A_1263, %swap3A_1264] {strides = array<i32>} : memref<80x128xf32, #tpu.memory_space<vmem>>, vector<1x16xf32>,
        %swap3A_1266 = vector.shape_cast %swap3A_1265 : vector<1x16xf32> to vector<16xf32>
        %swap3A_1267 = vector.shape_cast %mul3A_1260 : vector<16xf32> to vector<1x16xf32>
        tpu.vector_store %arg11[%swap3A_1263, %swap3A_1264], %swap3A_1267 {strides = array<i32>} : memref<80x128xf32, #tpu.memory_space<vmem>>, vector<1x16xf32>,
        %add3A_1268 = arith.constant 10 : i32
        %add3A_1269 = arith.addi %mul3A_58, %add3A_1268 : i32
        %get3A_1270 = arith.index_cast %add3A_1269 : i32 to index
        %get3A_1271 = arith.constant 64 : index
        %get3A_1272 = tpu.vector_load %arg11[%get3A_1270, %get3A_1271] {strides = array<i32>} : memref<80x128xf32, #tpu.memory_space<vmem>>, vector<1x16xf32>,
        %get3A_1273 = vector.shape_cast %get3A_1272 : vector<1x16xf32> to vector<16xf32>
        %mul3A_1274 = arith.mulf %get3A_1273, %broadcast_in_dim3A_1211 : vector<16xf32>
        %add3A_1275 = arith.constant 10 : i32
        %add3A_1276 = arith.addi %mul3A_58, %add3A_1275 : i32
        %swap3A_1277 = arith.index_cast %add3A_1276 : i32 to index
        %swap3A_1278 = arith.constant 64 : index
        %swap3A_1279 = tpu.vector_load %arg11[%swap3A_1277, %swap3A_1278] {strides = array<i32>} : memref<80x128xf32, #tpu.memory_space<vmem>>, vector<1x16xf32>,
        %swap3A_1280 = vector.shape_cast %swap3A_1279 : vector<1x16xf32> to vector<16xf32>
        %swap3A_1281 = vector.shape_cast %mul3A_1274 : vector<16xf32> to vector<1x16xf32>
        tpu.vector_store %arg11[%swap3A_1277, %swap3A_1278], %swap3A_1281 {strides = array<i32>} : memref<80x128xf32, #tpu.memory_space<vmem>>, vector<1x16xf32>,
        %add3A_1282 = arith.constant 10 : i32
        %add3A_1283 = arith.addi %mul3A_58, %add3A_1282 : i32
        %get3A_1284 = arith.index_cast %add3A_1283 : i32 to index
        %get3A_1285 = arith.constant 80 : index
        %get3A_1286 = tpu.vector_load %arg11[%get3A_1284, %get3A_1285] {strides = array<i32>} : memref<80x128xf32, #tpu.memory_space<vmem>>, vector<1x16xf32>,
        %get3A_1287 = vector.shape_cast %get3A_1286 : vector<1x16xf32> to vector<16xf32>
        %mul3A_1288 = arith.mulf %get3A_1287, %broadcast_in_dim3A_1211 : vector<16xf32>
        %add3A_1289 = arith.constant 10 : i32
        %add3A_1290 = arith.addi %mul3A_58, %add3A_1289 : i32
        %swap3A_1291 = arith.index_cast %add3A_1290 : i32 to index
        %swap3A_1292 = arith.constant 80 : index
        %swap3A_1293 = tpu.vector_load %arg11[%swap3A_1291, %swap3A_1292] {strides = array<i32>} : memref<80x128xf32, #tpu.memory_space<vmem>>, vector<1x16xf32>,
        %swap3A_1294 = vector.shape_cast %swap3A_1293 : vector<1x16xf32> to vector<16xf32>
        %swap3A_1295 = vector.shape_cast %mul3A_1288 : vector<16xf32> to vector<1x16xf32>
        tpu.vector_store %arg11[%swap3A_1291, %swap3A_1292], %swap3A_1295 {strides = array<i32>} : memref<80x128xf32, #tpu.memory_space<vmem>>, vector<1x16xf32>,
        %add3A_1296 = arith.constant 10 : i32
        %add3A_1297 = arith.addi %mul3A_58, %add3A_1296 : i32
        %get3A_1298 = arith.index_cast %add3A_1297 : i32 to index
        %get3A_1299 = arith.constant 96 : index
        %get3A_1300 = tpu.vector_load %arg11[%get3A_1298, %get3A_1299] {strides = array<i32>} : memref<80x128xf32, #tpu.memory_space<vmem>>, vector<1x16xf32>,
        %get3A_1301 = vector.shape_cast %get3A_1300 : vector<1x16xf32> to vector<16xf32>
        %mul3A_1302 = arith.mulf %get3A_1301, %broadcast_in_dim3A_1211 : vector<16xf32>
        %add3A_1303 = arith.constant 10 : i32
        %add3A_1304 = arith.addi %mul3A_58, %add3A_1303 : i32
        %swap3A_1305 = arith.index_cast %add3A_1304 : i32 to index
        %swap3A_1306 = arith.constant 96 : index
        %swap3A_1307 = tpu.vector_load %arg11[%swap3A_1305, %swap3A_1306] {strides = array<i32>} : memref<80x128xf32, #tpu.memory_space<vmem>>, vector<1x16xf32>,
        %swap3A_1308 = vector.shape_cast %swap3A_1307 : vector<1x16xf32> to vector<16xf32>
        %swap3A_1309 = vector.shape_cast %mul3A_1302 : vector<16xf32> to vector<1x16xf32>
        tpu.vector_store %arg11[%swap3A_1305, %swap3A_1306], %swap3A_1309 {strides = array<i32>} : memref<80x128xf32, #tpu.memory_space<vmem>>, vector<1x16xf32>,
        %add3A_1310 = arith.constant 10 : i32
        %add3A_1311 = arith.addi %mul3A_58, %add3A_1310 : i32
        %get3A_1312 = arith.index_cast %add3A_1311 : i32 to index
        %get3A_1313 = arith.constant 112 : index
        %get3A_1314 = tpu.vector_load %arg11[%get3A_1312, %get3A_1313] {strides = array<i32>} : memref<80x128xf32, #tpu.memory_space<vmem>>, vector<1x16xf32>,
        %get3A_1315 = vector.shape_cast %get3A_1314 : vector<1x16xf32> to vector<16xf32>
        %mul3A_1316 = arith.mulf %get3A_1315, %broadcast_in_dim3A_1211 : vector<16xf32>
        %add3A_1317 = arith.constant 10 : i32
        %add3A_1318 = arith.addi %mul3A_58, %add3A_1317 : i32
        %swap3A_1319 = arith.index_cast %add3A_1318 : i32 to index
        %swap3A_1320 = arith.constant 112 : index
        %swap3A_1321 = tpu.vector_load %arg11[%swap3A_1319, %swap3A_1320] {strides = array<i32>} : memref<80x128xf32, #tpu.memory_space<vmem>>, vector<1x16xf32>,
        %swap3A_1322 = vector.shape_cast %swap3A_1321 : vector<1x16xf32> to vector<16xf32>
        %swap3A_1323 = vector.shape_cast %mul3A_1316 : vector<16xf32> to vector<1x16xf32>
        tpu.vector_store %arg11[%swap3A_1319, %swap3A_1320], %swap3A_1323 {strides = array<i32>} : memref<80x128xf32, #tpu.memory_space<vmem>>, vector<1x16xf32>,
        %slice3A_1324 = vector.extract_strided_slice %get3A_61 {offsets = [11], sizes = [1], strides = [1]} : vector<16xf32> to vector<1xf32>
        %squeeze3A_1325 = vector.extract %slice3A_1324[0] : f32 from vector<1xf32>
        %broadcast_in_dim3A_1326 = vector.broadcast %squeeze3A_1325 : f32 to vector<16xf32>
        %add3A_1327 = arith.constant 11 : i32
        %add3A_1328 = arith.addi %mul3A_58, %add3A_1327 : i32
        %get3A_1329 = arith.index_cast %add3A_1328 : i32 to index
        %get3A_1330 = arith.constant 0 : index
        %get3A_1331 = tpu.vector_load %arg11[%get3A_1329, %get3A_1330] {strides = array<i32>} : memref<80x128xf32, #tpu.memory_space<vmem>>, vector<1x16xf32>,
        %get3A_1332 = vector.shape_cast %get3A_1331 : vector<1x16xf32> to vector<16xf32>
        %mul3A_1333 = arith.mulf %get3A_1332, %broadcast_in_dim3A_1326 : vector<16xf32>
        %add3A_1334 = arith.constant 11 : i32
        %add3A_1335 = arith.addi %mul3A_58, %add3A_1334 : i32
        %swap3A_1336 = arith.index_cast %add3A_1335 : i32 to index
        %swap3A_1337 = arith.constant 0 : index
        %swap3A_1338 = tpu.vector_load %arg11[%swap3A_1336, %swap3A_1337] {strides = array<i32>} : memref<80x128xf32, #tpu.memory_space<vmem>>, vector<1x16xf32>,
        %swap3A_1339 = vector.shape_cast %swap3A_1338 : vector<1x16xf32> to vector<16xf32>
        %swap3A_1340 = vector.shape_cast %mul3A_1333 : vector<16xf32> to vector<1x16xf32>
        tpu.vector_store %arg11[%swap3A_1336, %swap3A_1337], %swap3A_1340 {strides = array<i32>} : memref<80x128xf32, #tpu.memory_space<vmem>>, vector<1x16xf32>,
        %add3A_1341 = arith.constant 11 : i32
        %add3A_1342 = arith.addi %mul3A_58, %add3A_1341 : i32
        %get3A_1343 = arith.index_cast %add3A_1342 : i32 to index
        %get3A_1344 = arith.constant 16 : index
        %get3A_1345 = tpu.vector_load %arg11[%get3A_1343, %get3A_1344] {strides = array<i32>} : memref<80x128xf32, #tpu.memory_space<vmem>>, vector<1x16xf32>,
        %get3A_1346 = vector.shape_cast %get3A_1345 : vector<1x16xf32> to vector<16xf32>
        %mul3A_1347 = arith.mulf %get3A_1346, %broadcast_in_dim3A_1326 : vector<16xf32>
        %add3A_1348 = arith.constant 11 : i32
        %add3A_1349 = arith.addi %mul3A_58, %add3A_1348 : i32
        %swap3A_1350 = arith.index_cast %add3A_1349 : i32 to index
        %swap3A_1351 = arith.constant 16 : index
        %swap3A_1352 = tpu.vector_load %arg11[%swap3A_1350, %swap3A_1351] {strides = array<i32>} : memref<80x128xf32, #tpu.memory_space<vmem>>, vector<1x16xf32>,
        %swap3A_1353 = vector.shape_cast %swap3A_1352 : vector<1x16xf32> to vector<16xf32>
        %swap3A_1354 = vector.shape_cast %mul3A_1347 : vector<16xf32> to vector<1x16xf32>
        tpu.vector_store %arg11[%swap3A_1350, %swap3A_1351], %swap3A_1354 {strides = array<i32>} : memref<80x128xf32, #tpu.memory_space<vmem>>, vector<1x16xf32>,
        %add3A_1355 = arith.constant 11 : i32
        %add3A_1356 = arith.addi %mul3A_58, %add3A_1355 : i32
        %get3A_1357 = arith.index_cast %add3A_1356 : i32 to index
        %get3A_1358 = arith.constant 32 : index
        %get3A_1359 = tpu.vector_load %arg11[%get3A_1357, %get3A_1358] {strides = array<i32>} : memref<80x128xf32, #tpu.memory_space<vmem>>, vector<1x16xf32>,
        %get3A_1360 = vector.shape_cast %get3A_1359 : vector<1x16xf32> to vector<16xf32>
        %mul3A_1361 = arith.mulf %get3A_1360, %broadcast_in_dim3A_1326 : vector<16xf32>
        %add3A_1362 = arith.constant 11 : i32
        %add3A_1363 = arith.addi %mul3A_58, %add3A_1362 : i32
        %swap3A_1364 = arith.index_cast %add3A_1363 : i32 to index
        %swap3A_1365 = arith.constant 32 : index
        %swap3A_1366 = tpu.vector_load %arg11[%swap3A_1364, %swap3A_1365] {strides = array<i32>} : memref<80x128xf32, #tpu.memory_space<vmem>>, vector<1x16xf32>,
        %swap3A_1367 = vector.shape_cast %swap3A_1366 : vector<1x16xf32> to vector<16xf32>
        %swap3A_1368 = vector.shape_cast %mul3A_1361 : vector<16xf32> to vector<1x16xf32>
        tpu.vector_store %arg11[%swap3A_1364, %swap3A_1365], %swap3A_1368 {strides = array<i32>} : memref<80x128xf32, #tpu.memory_space<vmem>>, vector<1x16xf32>,
        %add3A_1369 = arith.constant 11 : i32
        %add3A_1370 = arith.addi %mul3A_58, %add3A_1369 : i32
        %get3A_1371 = arith.index_cast %add3A_1370 : i32 to index
        %get3A_1372 = arith.constant 48 : index
        %get3A_1373 = tpu.vector_load %arg11[%get3A_1371, %get3A_1372] {strides = array<i32>} : memref<80x128xf32, #tpu.memory_space<vmem>>, vector<1x16xf32>,
        %get3A_1374 = vector.shape_cast %get3A_1373 : vector<1x16xf32> to vector<16xf32>
        %mul3A_1375 = arith.mulf %get3A_1374, %broadcast_in_dim3A_1326 : vector<16xf32>
        %add3A_1376 = arith.constant 11 : i32
        %add3A_1377 = arith.addi %mul3A_58, %add3A_1376 : i32
        %swap3A_1378 = arith.index_cast %add3A_1377 : i32 to index
        %swap3A_1379 = arith.constant 48 : index
        %swap3A_1380 = tpu.vector_load %arg11[%swap3A_1378, %swap3A_1379] {strides = array<i32>} : memref<80x128xf32, #tpu.memory_space<vmem>>, vector<1x16xf32>,
        %swap3A_1381 = vector.shape_cast %swap3A_1380 : vector<1x16xf32> to vector<16xf32>
        %swap3A_1382 = vector.shape_cast %mul3A_1375 : vector<16xf32> to vector<1x16xf32>
        tpu.vector_store %arg11[%swap3A_1378, %swap3A_1379], %swap3A_1382 {strides = array<i32>} : memref<80x128xf32, #tpu.memory_space<vmem>>, vector<1x16xf32>,
        %add3A_1383 = arith.constant 11 : i32
        %add3A_1384 = arith.addi %mul3A_58, %add3A_1383 : i32
        %get3A_1385 = arith.index_cast %add3A_1384 : i32 to index
        %get3A_1386 = arith.constant 64 : index
        %get3A_1387 = tpu.vector_load %arg11[%get3A_1385, %get3A_1386] {strides = array<i32>} : memref<80x128xf32, #tpu.memory_space<vmem>>, vector<1x16xf32>,
        %get3A_1388 = vector.shape_cast %get3A_1387 : vector<1x16xf32> to vector<16xf32>
        %mul3A_1389 = arith.mulf %get3A_1388, %broadcast_in_dim3A_1326 : vector<16xf32>
        %add3A_1390 = arith.constant 11 : i32
        %add3A_1391 = arith.addi %mul3A_58, %add3A_1390 : i32
        %swap3A_1392 = arith.index_cast %add3A_1391 : i32 to index
        %swap3A_1393 = arith.constant 64 : index
        %swap3A_1394 = tpu.vector_load %arg11[%swap3A_1392, %swap3A_1393] {strides = array<i32>} : memref<80x128xf32, #tpu.memory_space<vmem>>, vector<1x16xf32>,
        %swap3A_1395 = vector.shape_cast %swap3A_1394 : vector<1x16xf32> to vector<16xf32>
        %swap3A_1396 = vector.shape_cast %mul3A_1389 : vector<16xf32> to vector<1x16xf32>
        tpu.vector_store %arg11[%swap3A_1392, %swap3A_1393], %swap3A_1396 {strides = array<i32>} : memref<80x128xf32, #tpu.memory_space<vmem>>, vector<1x16xf32>,
        %add3A_1397 = arith.constant 11 : i32
        %add3A_1398 = arith.addi %mul3A_58, %add3A_1397 : i32
        %get3A_1399 = arith.index_cast %add3A_1398 : i32 to index
        %get3A_1400 = arith.constant 80 : index
        %get3A_1401 = tpu.vector_load %arg11[%get3A_1399, %get3A_1400] {strides = array<i32>} : memref<80x128xf32, #tpu.memory_space<vmem>>, vector<1x16xf32>,
        %get3A_1402 = vector.shape_cast %get3A_1401 : vector<1x16xf32> to vector<16xf32>
        %mul3A_1403 = arith.mulf %get3A_1402, %broadcast_in_dim3A_1326 : vector<16xf32>
        %add3A_1404 = arith.constant 11 : i32
        %add3A_1405 = arith.addi %mul3A_58, %add3A_1404 : i32
        %swap3A_1406 = arith.index_cast %add3A_1405 : i32 to index
        %swap3A_1407 = arith.constant 80 : index
        %swap3A_1408 = tpu.vector_load %arg11[%swap3A_1406, %swap3A_1407] {strides = array<i32>} : memref<80x128xf32, #tpu.memory_space<vmem>>, vector<1x16xf32>,
        %swap3A_1409 = vector.shape_cast %swap3A_1408 : vector<1x16xf32> to vector<16xf32>
        %swap3A_1410 = vector.shape_cast %mul3A_1403 : vector<16xf32> to vector<1x16xf32>
        tpu.vector_store %arg11[%swap3A_1406, %swap3A_1407], %swap3A_1410 {strides = array<i32>} : memref<80x128xf32, #tpu.memory_space<vmem>>, vector<1x16xf32>,
        %add3A_1411 = arith.constant 11 : i32
        %add3A_1412 = arith.addi %mul3A_58, %add3A_1411 : i32
        %get3A_1413 = arith.index_cast %add3A_1412 : i32 to index
        %get3A_1414 = arith.constant 96 : index
        %get3A_1415 = tpu.vector_load %arg11[%get3A_1413, %get3A_1414] {strides = array<i32>} : memref<80x128xf32, #tpu.memory_space<vmem>>, vector<1x16xf32>,
        %get3A_1416 = vector.shape_cast %get3A_1415 : vector<1x16xf32> to vector<16xf32>
        %mul3A_1417 = arith.mulf %get3A_1416, %broadcast_in_dim3A_1326 : vector<16xf32>
        %add3A_1418 = arith.constant 11 : i32
        %add3A_1419 = arith.addi %mul3A_58, %add3A_1418 : i32
        %swap3A_1420 = arith.index_cast %add3A_1419 : i32 to index
        %swap3A_1421 = arith.constant 96 : index
        %swap3A_1422 = tpu.vector_load %arg11[%swap3A_1420, %swap3A_1421] {strides = array<i32>} : memref<80x128xf32, #tpu.memory_space<vmem>>, vector<1x16xf32>,
        %swap3A_1423 = vector.shape_cast %swap3A_1422 : vector<1x16xf32> to vector<16xf32>
        %swap3A_1424 = vector.shape_cast %mul3A_1417 : vector<16xf32> to vector<1x16xf32>
        tpu.vector_store %arg11[%swap3A_1420, %swap3A_1421], %swap3A_1424 {strides = array<i32>} : memref<80x128xf32, #tpu.memory_space<vmem>>, vector<1x16xf32>,
        %add3A_1425 = arith.constant 11 : i32
        %add3A_1426 = arith.addi %mul3A_58, %add3A_1425 : i32
        %get3A_1427 = arith.index_cast %add3A_1426 : i32 to index
        %get3A_1428 = arith.constant 112 : index
        %get3A_1429 = tpu.vector_load %arg11[%get3A_1427, %get3A_1428] {strides = array<i32>} : memref<80x128xf32, #tpu.memory_space<vmem>>, vector<1x16xf32>,
        %get3A_1430 = vector.shape_cast %get3A_1429 : vector<1x16xf32> to vector<16xf32>
        %mul3A_1431 = arith.mulf %get3A_1430, %broadcast_in_dim3A_1326 : vector<16xf32>
        %add3A_1432 = arith.constant 11 : i32
        %add3A_1433 = arith.addi %mul3A_58, %add3A_1432 : i32
        %swap3A_1434 = arith.index_cast %add3A_1433 : i32 to index
        %swap3A_1435 = arith.constant 112 : index
        %swap3A_1436 = tpu.vector_load %arg11[%swap3A_1434, %swap3A_1435] {strides = array<i32>} : memref<80x128xf32, #tpu.memory_space<vmem>>, vector<1x16xf32>,
        %swap3A_1437 = vector.shape_cast %swap3A_1436 : vector<1x16xf32> to vector<16xf32>
        %swap3A_1438 = vector.shape_cast %mul3A_1431 : vector<16xf32> to vector<1x16xf32>
        tpu.vector_store %arg11[%swap3A_1434, %swap3A_1435], %swap3A_1438 {strides = array<i32>} : memref<80x128xf32, #tpu.memory_space<vmem>>, vector<1x16xf32>,
        %slice3A_1439 = vector.extract_strided_slice %get3A_61 {offsets = [12], sizes = [1], strides = [1]} : vector<16xf32> to vector<1xf32>
        %squeeze3A_1440 = vector.extract %slice3A_1439[0] : f32 from vector<1xf32>
        %broadcast_in_dim3A_1441 = vector.broadcast %squeeze3A_1440 : f32 to vector<16xf32>
        %add3A_1442 = arith.constant 12 : i32
        %add3A_1443 = arith.addi %mul3A_58, %add3A_1442 : i32
        %get3A_1444 = arith.index_cast %add3A_1443 : i32 to index
        %get3A_1445 = arith.constant 0 : index
        %get3A_1446 = tpu.vector_load %arg11[%get3A_1444, %get3A_1445] {strides = array<i32>} : memref<80x128xf32, #tpu.memory_space<vmem>>, vector<1x16xf32>,
        %get3A_1447 = vector.shape_cast %get3A_1446 : vector<1x16xf32> to vector<16xf32>
        %mul3A_1448 = arith.mulf %get3A_1447, %broadcast_in_dim3A_1441 : vector<16xf32>
        %add3A_1449 = arith.constant 12 : i32
        %add3A_1450 = arith.addi %mul3A_58, %add3A_1449 : i32
        %swap3A_1451 = arith.index_cast %add3A_1450 : i32 to index
        %swap3A_1452 = arith.constant 0 : index
        %swap3A_1453 = tpu.vector_load %arg11[%swap3A_1451, %swap3A_1452] {strides = array<i32>} : memref<80x128xf32, #tpu.memory_space<vmem>>, vector<1x16xf32>,
        %swap3A_1454 = vector.shape_cast %swap3A_1453 : vector<1x16xf32> to vector<16xf32>
        %swap3A_1455 = vector.shape_cast %mul3A_1448 : vector<16xf32> to vector<1x16xf32>
        tpu.vector_store %arg11[%swap3A_1451, %swap3A_1452], %swap3A_1455 {strides = array<i32>} : memref<80x128xf32, #tpu.memory_space<vmem>>, vector<1x16xf32>,
        %add3A_1456 = arith.constant 12 : i32
        %add3A_1457 = arith.addi %mul3A_58, %add3A_1456 : i32
        %get3A_1458 = arith.index_cast %add3A_1457 : i32 to index
        %get3A_1459 = arith.constant 16 : index
        %get3A_1460 = tpu.vector_load %arg11[%get3A_1458, %get3A_1459] {strides = array<i32>} : memref<80x128xf32, #tpu.memory_space<vmem>>, vector<1x16xf32>,
        %get3A_1461 = vector.shape_cast %get3A_1460 : vector<1x16xf32> to vector<16xf32>
        %mul3A_1462 = arith.mulf %get3A_1461, %broadcast_in_dim3A_1441 : vector<16xf32>
        %add3A_1463 = arith.constant 12 : i32
        %add3A_1464 = arith.addi %mul3A_58, %add3A_1463 : i32
        %swap3A_1465 = arith.index_cast %add3A_1464 : i32 to index
        %swap3A_1466 = arith.constant 16 : index
        %swap3A_1467 = tpu.vector_load %arg11[%swap3A_1465, %swap3A_1466] {strides = array<i32>} : memref<80x128xf32, #tpu.memory_space<vmem>>, vector<1x16xf32>,
        %swap3A_1468 = vector.shape_cast %swap3A_1467 : vector<1x16xf32> to vector<16xf32>
        %swap3A_1469 = vector.shape_cast %mul3A_1462 : vector<16xf32> to vector<1x16xf32>
        tpu.vector_store %arg11[%swap3A_1465, %swap3A_1466], %swap3A_1469 {strides = array<i32>} : memref<80x128xf32, #tpu.memory_space<vmem>>, vector<1x16xf32>,
        %add3A_1470 = arith.constant 12 : i32
        %add3A_1471 = arith.addi %mul3A_58, %add3A_1470 : i32
        %get3A_1472 = arith.index_cast %add3A_1471 : i32 to index
        %get3A_1473 = arith.constant 32 : index
        %get3A_1474 = tpu.vector_load %arg11[%get3A_1472, %get3A_1473] {strides = array<i32>} : memref<80x128xf32, #tpu.memory_space<vmem>>, vector<1x16xf32>,
        %get3A_1475 = vector.shape_cast %get3A_1474 : vector<1x16xf32> to vector<16xf32>
        %mul3A_1476 = arith.mulf %get3A_1475, %broadcast_in_dim3A_1441 : vector<16xf32>
        %add3A_1477 = arith.constant 12 : i32
        %add3A_1478 = arith.addi %mul3A_58, %add3A_1477 : i32
        %swap3A_1479 = arith.index_cast %add3A_1478 : i32 to index
        %swap3A_1480 = arith.constant 32 : index
        %swap3A_1481 = tpu.vector_load %arg11[%swap3A_1479, %swap3A_1480] {strides = array<i32>} : memref<80x128xf32, #tpu.memory_space<vmem>>, vector<1x16xf32>,
        %swap3A_1482 = vector.shape_cast %swap3A_1481 : vector<1x16xf32> to vector<16xf32>
        %swap3A_1483 = vector.shape_cast %mul3A_1476 : vector<16xf32> to vector<1x16xf32>
        tpu.vector_store %arg11[%swap3A_1479, %swap3A_1480], %swap3A_1483 {strides = array<i32>} : memref<80x128xf32, #tpu.memory_space<vmem>>, vector<1x16xf32>,
        %add3A_1484 = arith.constant 12 : i32
        %add3A_1485 = arith.addi %mul3A_58, %add3A_1484 : i32
        %get3A_1486 = arith.index_cast %add3A_1485 : i32 to index
        %get3A_1487 = arith.constant 48 : index
        %get3A_1488 = tpu.vector_load %arg11[%get3A_1486, %get3A_1487] {strides = array<i32>} : memref<80x128xf32, #tpu.memory_space<vmem>>, vector<1x16xf32>,
        %get3A_1489 = vector.shape_cast %get3A_1488 : vector<1x16xf32> to vector<16xf32>
        %mul3A_1490 = arith.mulf %get3A_1489, %broadcast_in_dim3A_1441 : vector<16xf32>
        %add3A_1491 = arith.constant 12 : i32
        %add3A_1492 = arith.addi %mul3A_58, %add3A_1491 : i32
        %swap3A_1493 = arith.index_cast %add3A_1492 : i32 to index
        %swap3A_1494 = arith.constant 48 : index
        %swap3A_1495 = tpu.vector_load %arg11[%swap3A_1493, %swap3A_1494] {strides = array<i32>} : memref<80x128xf32, #tpu.memory_space<vmem>>, vector<1x16xf32>,
        %swap3A_1496 = vector.shape_cast %swap3A_1495 : vector<1x16xf32> to vector<16xf32>
        %swap3A_1497 = vector.shape_cast %mul3A_1490 : vector<16xf32> to vector<1x16xf32>
        tpu.vector_store %arg11[%swap3A_1493, %swap3A_1494], %swap3A_1497 {strides = array<i32>} : memref<80x128xf32, #tpu.memory_space<vmem>>, vector<1x16xf32>,
        %add3A_1498 = arith.constant 12 : i32
        %add3A_1499 = arith.addi %mul3A_58, %add3A_1498 : i32
        %get3A_1500 = arith.index_cast %add3A_1499 : i32 to index
        %get3A_1501 = arith.constant 64 : index
        %get3A_1502 = tpu.vector_load %arg11[%get3A_1500, %get3A_1501] {strides = array<i32>} : memref<80x128xf32, #tpu.memory_space<vmem>>, vector<1x16xf32>,
        %get3A_1503 = vector.shape_cast %get3A_1502 : vector<1x16xf32> to vector<16xf32>
        %mul3A_1504 = arith.mulf %get3A_1503, %broadcast_in_dim3A_1441 : vector<16xf32>
        %add3A_1505 = arith.constant 12 : i32
        %add3A_1506 = arith.addi %mul3A_58, %add3A_1505 : i32
        %swap3A_1507 = arith.index_cast %add3A_1506 : i32 to index
        %swap3A_1508 = arith.constant 64 : index
        %swap3A_1509 = tpu.vector_load %arg11[%swap3A_1507, %swap3A_1508] {strides = array<i32>} : memref<80x128xf32, #tpu.memory_space<vmem>>, vector<1x16xf32>,
        %swap3A_1510 = vector.shape_cast %swap3A_1509 : vector<1x16xf32> to vector<16xf32>
        %swap3A_1511 = vector.shape_cast %mul3A_1504 : vector<16xf32> to vector<1x16xf32>
        tpu.vector_store %arg11[%swap3A_1507, %swap3A_1508], %swap3A_1511 {strides = array<i32>} : memref<80x128xf32, #tpu.memory_space<vmem>>, vector<1x16xf32>,
        %add3A_1512 = arith.constant 12 : i32
        %add3A_1513 = arith.addi %mul3A_58, %add3A_1512 : i32
        %get3A_1514 = arith.index_cast %add3A_1513 : i32 to index
        %get3A_1515 = arith.constant 80 : index
        %get3A_1516 = tpu.vector_load %arg11[%get3A_1514, %get3A_1515] {strides = array<i32>} : memref<80x128xf32, #tpu.memory_space<vmem>>, vector<1x16xf32>,
        %get3A_1517 = vector.shape_cast %get3A_1516 : vector<1x16xf32> to vector<16xf32>
        %mul3A_1518 = arith.mulf %get3A_1517, %broadcast_in_dim3A_1441 : vector<16xf32>
        %add3A_1519 = arith.constant 12 : i32
        %add3A_1520 = arith.addi %mul3A_58, %add3A_1519 : i32
        %swap3A_1521 = arith.index_cast %add3A_1520 : i32 to index
        %swap3A_1522 = arith.constant 80 : index
        %swap3A_1523 = tpu.vector_load %arg11[%swap3A_1521, %swap3A_1522] {strides = array<i32>} : memref<80x128xf32, #tpu.memory_space<vmem>>, vector<1x16xf32>,
        %swap3A_1524 = vector.shape_cast %swap3A_1523 : vector<1x16xf32> to vector<16xf32>
        %swap3A_1525 = vector.shape_cast %mul3A_1518 : vector<16xf32> to vector<1x16xf32>
        tpu.vector_store %arg11[%swap3A_1521, %swap3A_1522], %swap3A_1525 {strides = array<i32>} : memref<80x128xf32, #tpu.memory_space<vmem>>, vector<1x16xf32>,
        %add3A_1526 = arith.constant 12 : i32
        %add3A_1527 = arith.addi %mul3A_58, %add3A_1526 : i32
        %get3A_1528 = arith.index_cast %add3A_1527 : i32 to index
        %get3A_1529 = arith.constant 96 : index
        %get3A_1530 = tpu.vector_load %arg11[%get3A_1528, %get3A_1529] {strides = array<i32>} : memref<80x128xf32, #tpu.memory_space<vmem>>, vector<1x16xf32>,
        %get3A_1531 = vector.shape_cast %get3A_1530 : vector<1x16xf32> to vector<16xf32>
        %mul3A_1532 = arith.mulf %get3A_1531, %broadcast_in_dim3A_1441 : vector<16xf32>
        %add3A_1533 = arith.constant 12 : i32
        %add3A_1534 = arith.addi %mul3A_58, %add3A_1533 : i32
        %swap3A_1535 = arith.index_cast %add3A_1534 : i32 to index
        %swap3A_1536 = arith.constant 96 : index
        %swap3A_1537 = tpu.vector_load %arg11[%swap3A_1535, %swap3A_1536] {strides = array<i32>} : memref<80x128xf32, #tpu.memory_space<vmem>>, vector<1x16xf32>,
        %swap3A_1538 = vector.shape_cast %swap3A_1537 : vector<1x16xf32> to vector<16xf32>
        %swap3A_1539 = vector.shape_cast %mul3A_1532 : vector<16xf32> to vector<1x16xf32>
        tpu.vector_store %arg11[%swap3A_1535, %swap3A_1536], %swap3A_1539 {strides = array<i32>} : memref<80x128xf32, #tpu.memory_space<vmem>>, vector<1x16xf32>,
        %add3A_1540 = arith.constant 12 : i32
        %add3A_1541 = arith.addi %mul3A_58, %add3A_1540 : i32
        %get3A_1542 = arith.index_cast %add3A_1541 : i32 to index
        %get3A_1543 = arith.constant 112 : index
        %get3A_1544 = tpu.vector_load %arg11[%get3A_1542, %get3A_1543] {strides = array<i32>} : memref<80x128xf32, #tpu.memory_space<vmem>>, vector<1x16xf32>,
        %get3A_1545 = vector.shape_cast %get3A_1544 : vector<1x16xf32> to vector<16xf32>
        %mul3A_1546 = arith.mulf %get3A_1545, %broadcast_in_dim3A_1441 : vector<16xf32>
        %add3A_1547 = arith.constant 12 : i32
        %add3A_1548 = arith.addi %mul3A_58, %add3A_1547 : i32
        %swap3A_1549 = arith.index_cast %add3A_1548 : i32 to index
        %swap3A_1550 = arith.constant 112 : index
        %swap3A_1551 = tpu.vector_load %arg11[%swap3A_1549, %swap3A_1550] {strides = array<i32>} : memref<80x128xf32, #tpu.memory_space<vmem>>, vector<1x16xf32>,
        %swap3A_1552 = vector.shape_cast %swap3A_1551 : vector<1x16xf32> to vector<16xf32>
        %swap3A_1553 = vector.shape_cast %mul3A_1546 : vector<16xf32> to vector<1x16xf32>
        tpu.vector_store %arg11[%swap3A_1549, %swap3A_1550], %swap3A_1553 {strides = array<i32>} : memref<80x128xf32, #tpu.memory_space<vmem>>, vector<1x16xf32>,
        %slice3A_1554 = vector.extract_strided_slice %get3A_61 {offsets = [13], sizes = [1], strides = [1]} : vector<16xf32> to vector<1xf32>
        %squeeze3A_1555 = vector.extract %slice3A_1554[0] : f32 from vector<1xf32>
        %broadcast_in_dim3A_1556 = vector.broadcast %squeeze3A_1555 : f32 to vector<16xf32>
        %add3A_1557 = arith.constant 13 : i32
        %add3A_1558 = arith.addi %mul3A_58, %add3A_1557 : i32
        %get3A_1559 = arith.index_cast %add3A_1558 : i32 to index
        %get3A_1560 = arith.constant 0 : index
        %get3A_1561 = tpu.vector_load %arg11[%get3A_1559, %get3A_1560] {strides = array<i32>} : memref<80x128xf32, #tpu.memory_space<vmem>>, vector<1x16xf32>,
        %get3A_1562 = vector.shape_cast %get3A_1561 : vector<1x16xf32> to vector<16xf32>
        %mul3A_1563 = arith.mulf %get3A_1562, %broadcast_in_dim3A_1556 : vector<16xf32>
        %add3A_1564 = arith.constant 13 : i32
        %add3A_1565 = arith.addi %mul3A_58, %add3A_1564 : i32
        %swap3A_1566 = arith.index_cast %add3A_1565 : i32 to index
        %swap3A_1567 = arith.constant 0 : index
        %swap3A_1568 = tpu.vector_load %arg11[%swap3A_1566, %swap3A_1567] {strides = array<i32>} : memref<80x128xf32, #tpu.memory_space<vmem>>, vector<1x16xf32>,
        %swap3A_1569 = vector.shape_cast %swap3A_1568 : vector<1x16xf32> to vector<16xf32>
        %swap3A_1570 = vector.shape_cast %mul3A_1563 : vector<16xf32> to vector<1x16xf32>
        tpu.vector_store %arg11[%swap3A_1566, %swap3A_1567], %swap3A_1570 {strides = array<i32>} : memref<80x128xf32, #tpu.memory_space<vmem>>, vector<1x16xf32>,
        %add3A_1571 = arith.constant 13 : i32
        %add3A_1572 = arith.addi %mul3A_58, %add3A_1571 : i32
        %get3A_1573 = arith.index_cast %add3A_1572 : i32 to index
        %get3A_1574 = arith.constant 16 : index
        %get3A_1575 = tpu.vector_load %arg11[%get3A_1573, %get3A_1574] {strides = array<i32>} : memref<80x128xf32, #tpu.memory_space<vmem>>, vector<1x16xf32>,
        %get3A_1576 = vector.shape_cast %get3A_1575 : vector<1x16xf32> to vector<16xf32>
        %mul3A_1577 = arith.mulf %get3A_1576, %broadcast_in_dim3A_1556 : vector<16xf32>
        %add3A_1578 = arith.constant 13 : i32
        %add3A_1579 = arith.addi %mul3A_58, %add3A_1578 : i32
        %swap3A_1580 = arith.index_cast %add3A_1579 : i32 to index
        %swap3A_1581 = arith.constant 16 : index
        %swap3A_1582 = tpu.vector_load %arg11[%swap3A_1580, %swap3A_1581] {strides = array<i32>} : memref<80x128xf32, #tpu.memory_space<vmem>>, vector<1x16xf32>,
        %swap3A_1583 = vector.shape_cast %swap3A_1582 : vector<1x16xf32> to vector<16xf32>
        %swap3A_1584 = vector.shape_cast %mul3A_1577 : vector<16xf32> to vector<1x16xf32>
        tpu.vector_store %arg11[%swap3A_1580, %swap3A_1581], %swap3A_1584 {strides = array<i32>} : memref<80x128xf32, #tpu.memory_space<vmem>>, vector<1x16xf32>,
        %add3A_1585 = arith.constant 13 : i32
        %add3A_1586 = arith.addi %mul3A_58, %add3A_1585 : i32
        %get3A_1587 = arith.index_cast %add3A_1586 : i32 to index
        %get3A_1588 = arith.constant 32 : index
        %get3A_1589 = tpu.vector_load %arg11[%get3A_1587, %get3A_1588] {strides = array<i32>} : memref<80x128xf32, #tpu.memory_space<vmem>>, vector<1x16xf32>,
        %get3A_1590 = vector.shape_cast %get3A_1589 : vector<1x16xf32> to vector<16xf32>
        %mul3A_1591 = arith.mulf %get3A_1590, %broadcast_in_dim3A_1556 : vector<16xf32>
        %add3A_1592 = arith.constant 13 : i32
        %add3A_1593 = arith.addi %mul3A_58, %add3A_1592 : i32
        %swap3A_1594 = arith.index_cast %add3A_1593 : i32 to index
        %swap3A_1595 = arith.constant 32 : index
        %swap3A_1596 = tpu.vector_load %arg11[%swap3A_1594, %swap3A_1595] {strides = array<i32>} : memref<80x128xf32, #tpu.memory_space<vmem>>, vector<1x16xf32>,
        %swap3A_1597 = vector.shape_cast %swap3A_1596 : vector<1x16xf32> to vector<16xf32>
        %swap3A_1598 = vector.shape_cast %mul3A_1591 : vector<16xf32> to vector<1x16xf32>
        tpu.vector_store %arg11[%swap3A_1594, %swap3A_1595], %swap3A_1598 {strides = array<i32>} : memref<80x128xf32, #tpu.memory_space<vmem>>, vector<1x16xf32>,
        %add3A_1599 = arith.constant 13 : i32
        %add3A_1600 = arith.addi %mul3A_58, %add3A_1599 : i32
        %get3A_1601 = arith.index_cast %add3A_1600 : i32 to index
        %get3A_1602 = arith.constant 48 : index
        %get3A_1603 = tpu.vector_load %arg11[%get3A_1601, %get3A_1602] {strides = array<i32>} : memref<80x128xf32, #tpu.memory_space<vmem>>, vector<1x16xf32>,
        %get3A_1604 = vector.shape_cast %get3A_1603 : vector<1x16xf32> to vector<16xf32>
        %mul3A_1605 = arith.mulf %get3A_1604, %broadcast_in_dim3A_1556 : vector<16xf32>
        %add3A_1606 = arith.constant 13 : i32
        %add3A_1607 = arith.addi %mul3A_58, %add3A_1606 : i32
        %swap3A_1608 = arith.index_cast %add3A_1607 : i32 to index
        %swap3A_1609 = arith.constant 48 : index
        %swap3A_1610 = tpu.vector_load %arg11[%swap3A_1608, %swap3A_1609] {strides = array<i32>} : memref<80x128xf32, #tpu.memory_space<vmem>>, vector<1x16xf32>,
        %swap3A_1611 = vector.shape_cast %swap3A_1610 : vector<1x16xf32> to vector<16xf32>
        %swap3A_1612 = vector.shape_cast %mul3A_1605 : vector<16xf32> to vector<1x16xf32>
        tpu.vector_store %arg11[%swap3A_1608, %swap3A_1609], %swap3A_1612 {strides = array<i32>} : memref<80x128xf32, #tpu.memory_space<vmem>>, vector<1x16xf32>,
        %add3A_1613 = arith.constant 13 : i32
        %add3A_1614 = arith.addi %mul3A_58, %add3A_1613 : i32
        %get3A_1615 = arith.index_cast %add3A_1614 : i32 to index
        %get3A_1616 = arith.constant 64 : index
        %get3A_1617 = tpu.vector_load %arg11[%get3A_1615, %get3A_1616] {strides = array<i32>} : memref<80x128xf32, #tpu.memory_space<vmem>>, vector<1x16xf32>,
        %get3A_1618 = vector.shape_cast %get3A_1617 : vector<1x16xf32> to vector<16xf32>
        %mul3A_1619 = arith.mulf %get3A_1618, %broadcast_in_dim3A_1556 : vector<16xf32>
        %add3A_1620 = arith.constant 13 : i32
        %add3A_1621 = arith.addi %mul3A_58, %add3A_1620 : i32
        %swap3A_1622 = arith.index_cast %add3A_1621 : i32 to index
        %swap3A_1623 = arith.constant 64 : index
        %swap3A_1624 = tpu.vector_load %arg11[%swap3A_1622, %swap3A_1623] {strides = array<i32>} : memref<80x128xf32, #tpu.memory_space<vmem>>, vector<1x16xf32>,
        %swap3A_1625 = vector.shape_cast %swap3A_1624 : vector<1x16xf32> to vector<16xf32>
        %swap3A_1626 = vector.shape_cast %mul3A_1619 : vector<16xf32> to vector<1x16xf32>
        tpu.vector_store %arg11[%swap3A_1622, %swap3A_1623], %swap3A_1626 {strides = array<i32>} : memref<80x128xf32, #tpu.memory_space<vmem>>, vector<1x16xf32>,
        %add3A_1627 = arith.constant 13 : i32
        %add3A_1628 = arith.addi %mul3A_58, %add3A_1627 : i32
        %get3A_1629 = arith.index_cast %add3A_1628 : i32 to index
        %get3A_1630 = arith.constant 80 : index
        %get3A_1631 = tpu.vector_load %arg11[%get3A_1629, %get3A_1630] {strides = array<i32>} : memref<80x128xf32, #tpu.memory_space<vmem>>, vector<1x16xf32>,
        %get3A_1632 = vector.shape_cast %get3A_1631 : vector<1x16xf32> to vector<16xf32>
        %mul3A_1633 = arith.mulf %get3A_1632, %broadcast_in_dim3A_1556 : vector<16xf32>
        %add3A_1634 = arith.constant 13 : i32
        %add3A_1635 = arith.addi %mul3A_58, %add3A_1634 : i32
        %swap3A_1636 = arith.index_cast %add3A_1635 : i32 to index
        %swap3A_1637 = arith.constant 80 : index
        %swap3A_1638 = tpu.vector_load %arg11[%swap3A_1636, %swap3A_1637] {strides = array<i32>} : memref<80x128xf32, #tpu.memory_space<vmem>>, vector<1x16xf32>,
        %swap3A_1639 = vector.shape_cast %swap3A_1638 : vector<1x16xf32> to vector<16xf32>
        %swap3A_1640 = vector.shape_cast %mul3A_1633 : vector<16xf32> to vector<1x16xf32>
        tpu.vector_store %arg11[%swap3A_1636, %swap3A_1637], %swap3A_1640 {strides = array<i32>} : memref<80x128xf32, #tpu.memory_space<vmem>>, vector<1x16xf32>,
        %add3A_1641 = arith.constant 13 : i32
        %add3A_1642 = arith.addi %mul3A_58, %add3A_1641 : i32
        %get3A_1643 = arith.index_cast %add3A_1642 : i32 to index
        %get3A_1644 = arith.constant 96 : index
        %get3A_1645 = tpu.vector_load %arg11[%get3A_1643, %get3A_1644] {strides = array<i32>} : memref<80x128xf32, #tpu.memory_space<vmem>>, vector<1x16xf32>,
        %get3A_1646 = vector.shape_cast %get3A_1645 : vector<1x16xf32> to vector<16xf32>
        %mul3A_1647 = arith.mulf %get3A_1646, %broadcast_in_dim3A_1556 : vector<16xf32>
        %add3A_1648 = arith.constant 13 : i32
        %add3A_1649 = arith.addi %mul3A_58, %add3A_1648 : i32
        %swap3A_1650 = arith.index_cast %add3A_1649 : i32 to index
        %swap3A_1651 = arith.constant 96 : index
        %swap3A_1652 = tpu.vector_load %arg11[%swap3A_1650, %swap3A_1651] {strides = array<i32>} : memref<80x128xf32, #tpu.memory_space<vmem>>, vector<1x16xf32>,
        %swap3A_1653 = vector.shape_cast %swap3A_1652 : vector<1x16xf32> to vector<16xf32>
        %swap3A_1654 = vector.shape_cast %mul3A_1647 : vector<16xf32> to vector<1x16xf32>
        tpu.vector_store %arg11[%swap3A_1650, %swap3A_1651], %swap3A_1654 {strides = array<i32>} : memref<80x128xf32, #tpu.memory_space<vmem>>, vector<1x16xf32>,
        %add3A_1655 = arith.constant 13 : i32
        %add3A_1656 = arith.addi %mul3A_58, %add3A_1655 : i32
        %get3A_1657 = arith.index_cast %add3A_1656 : i32 to index
        %get3A_1658 = arith.constant 112 : index
        %get3A_1659 = tpu.vector_load %arg11[%get3A_1657, %get3A_1658] {strides = array<i32>} : memref<80x128xf32, #tpu.memory_space<vmem>>, vector<1x16xf32>,
        %get3A_1660 = vector.shape_cast %get3A_1659 : vector<1x16xf32> to vector<16xf32>
        %mul3A_1661 = arith.mulf %get3A_1660, %broadcast_in_dim3A_1556 : vector<16xf32>
        %add3A_1662 = arith.constant 13 : i32
        %add3A_1663 = arith.addi %mul3A_58, %add3A_1662 : i32
        %swap3A_1664 = arith.index_cast %add3A_1663 : i32 to index
        %swap3A_1665 = arith.constant 112 : index
        %swap3A_1666 = tpu.vector_load %arg11[%swap3A_1664, %swap3A_1665] {strides = array<i32>} : memref<80x128xf32, #tpu.memory_space<vmem>>, vector<1x16xf32>,
        %swap3A_1667 = vector.shape_cast %swap3A_1666 : vector<1x16xf32> to vector<16xf32>
        %swap3A_1668 = vector.shape_cast %mul3A_1661 : vector<16xf32> to vector<1x16xf32>
        tpu.vector_store %arg11[%swap3A_1664, %swap3A_1665], %swap3A_1668 {strides = array<i32>} : memref<80x128xf32, #tpu.memory_space<vmem>>, vector<1x16xf32>,
        %slice3A_1669 = vector.extract_strided_slice %get3A_61 {offsets = [14], sizes = [1], strides = [1]} : vector<16xf32> to vector<1xf32>
        %squeeze3A_1670 = vector.extract %slice3A_1669[0] : f32 from vector<1xf32>
        %broadcast_in_dim3A_1671 = vector.broadcast %squeeze3A_1670 : f32 to vector<16xf32>
        %add3A_1672 = arith.constant 14 : i32
        %add3A_1673 = arith.addi %mul3A_58, %add3A_1672 : i32
        %get3A_1674 = arith.index_cast %add3A_1673 : i32 to index
        %get3A_1675 = arith.constant 0 : index
        %get3A_1676 = tpu.vector_load %arg11[%get3A_1674, %get3A_1675] {strides = array<i32>} : memref<80x128xf32, #tpu.memory_space<vmem>>, vector<1x16xf32>,
        %get3A_1677 = vector.shape_cast %get3A_1676 : vector<1x16xf32> to vector<16xf32>
        %mul3A_1678 = arith.mulf %get3A_1677, %broadcast_in_dim3A_1671 : vector<16xf32>
        %add3A_1679 = arith.constant 14 : i32
        %add3A_1680 = arith.addi %mul3A_58, %add3A_1679 : i32
        %swap3A_1681 = arith.index_cast %add3A_1680 : i32 to index
        %swap3A_1682 = arith.constant 0 : index
        %swap3A_1683 = tpu.vector_load %arg11[%swap3A_1681, %swap3A_1682] {strides = array<i32>} : memref<80x128xf32, #tpu.memory_space<vmem>>, vector<1x16xf32>,
        %swap3A_1684 = vector.shape_cast %swap3A_1683 : vector<1x16xf32> to vector<16xf32>
        %swap3A_1685 = vector.shape_cast %mul3A_1678 : vector<16xf32> to vector<1x16xf32>
        tpu.vector_store %arg11[%swap3A_1681, %swap3A_1682], %swap3A_1685 {strides = array<i32>} : memref<80x128xf32, #tpu.memory_space<vmem>>, vector<1x16xf32>,
        %add3A_1686 = arith.constant 14 : i32
        %add3A_1687 = arith.addi %mul3A_58, %add3A_1686 : i32
        %get3A_1688 = arith.index_cast %add3A_1687 : i32 to index
        %get3A_1689 = arith.constant 16 : index
        %get3A_1690 = tpu.vector_load %arg11[%get3A_1688, %get3A_1689] {strides = array<i32>} : memref<80x128xf32, #tpu.memory_space<vmem>>, vector<1x16xf32>,
        %get3A_1691 = vector.shape_cast %get3A_1690 : vector<1x16xf32> to vector<16xf32>
        %mul3A_1692 = arith.mulf %get3A_1691, %broadcast_in_dim3A_1671 : vector<16xf32>
        %add3A_1693 = arith.constant 14 : i32
        %add3A_1694 = arith.addi %mul3A_58, %add3A_1693 : i32
        %swap3A_1695 = arith.index_cast %add3A_1694 : i32 to index
        %swap3A_1696 = arith.constant 16 : index
        %swap3A_1697 = tpu.vector_load %arg11[%swap3A_1695, %swap3A_1696] {strides = array<i32>} : memref<80x128xf32, #tpu.memory_space<vmem>>, vector<1x16xf32>,
        %swap3A_1698 = vector.shape_cast %swap3A_1697 : vector<1x16xf32> to vector<16xf32>
        %swap3A_1699 = vector.shape_cast %mul3A_1692 : vector<16xf32> to vector<1x16xf32>
        tpu.vector_store %arg11[%swap3A_1695, %swap3A_1696], %swap3A_1699 {strides = array<i32>} : memref<80x128xf32, #tpu.memory_space<vmem>>, vector<1x16xf32>,
        %add3A_1700 = arith.constant 14 : i32
        %add3A_1701 = arith.addi %mul3A_58, %add3A_1700 : i32
        %get3A_1702 = arith.index_cast %add3A_1701 : i32 to index
        %get3A_1703 = arith.constant 32 : index
        %get3A_1704 = tpu.vector_load %arg11[%get3A_1702, %get3A_1703] {strides = array<i32>} : memref<80x128xf32, #tpu.memory_space<vmem>>, vector<1x16xf32>,
        %get3A_1705 = vector.shape_cast %get3A_1704 : vector<1x16xf32> to vector<16xf32>
        %mul3A_1706 = arith.mulf %get3A_1705, %broadcast_in_dim3A_1671 : vector<16xf32>
        %add3A_1707 = arith.constant 14 : i32
        %add3A_1708 = arith.addi %mul3A_58, %add3A_1707 : i32
        %swap3A_1709 = arith.index_cast %add3A_1708 : i32 to index
        %swap3A_1710 = arith.constant 32 : index
        %swap3A_1711 = tpu.vector_load %arg11[%swap3A_1709, %swap3A_1710] {strides = array<i32>} : memref<80x128xf32, #tpu.memory_space<vmem>>, vector<1x16xf32>,
        %swap3A_1712 = vector.shape_cast %swap3A_1711 : vector<1x16xf32> to vector<16xf32>
        %swap3A_1713 = vector.shape_cast %mul3A_1706 : vector<16xf32> to vector<1x16xf32>
        tpu.vector_store %arg11[%swap3A_1709, %swap3A_1710], %swap3A_1713 {strides = array<i32>} : memref<80x128xf32, #tpu.memory_space<vmem>>, vector<1x16xf32>,
        %add3A_1714 = arith.constant 14 : i32
        %add3A_1715 = arith.addi %mul3A_58, %add3A_1714 : i32
        %get3A_1716 = arith.index_cast %add3A_1715 : i32 to index
        %get3A_1717 = arith.constant 48 : index
        %get3A_1718 = tpu.vector_load %arg11[%get3A_1716, %get3A_1717] {strides = array<i32>} : memref<80x128xf32, #tpu.memory_space<vmem>>, vector<1x16xf32>,
        %get3A_1719 = vector.shape_cast %get3A_1718 : vector<1x16xf32> to vector<16xf32>
        %mul3A_1720 = arith.mulf %get3A_1719, %broadcast_in_dim3A_1671 : vector<16xf32>
        %add3A_1721 = arith.constant 14 : i32
        %add3A_1722 = arith.addi %mul3A_58, %add3A_1721 : i32
        %swap3A_1723 = arith.index_cast %add3A_1722 : i32 to index
        %swap3A_1724 = arith.constant 48 : index
        %swap3A_1725 = tpu.vector_load %arg11[%swap3A_1723, %swap3A_1724] {strides = array<i32>} : memref<80x128xf32, #tpu.memory_space<vmem>>, vector<1x16xf32>,
        %swap3A_1726 = vector.shape_cast %swap3A_1725 : vector<1x16xf32> to vector<16xf32>
        %swap3A_1727 = vector.shape_cast %mul3A_1720 : vector<16xf32> to vector<1x16xf32>
        tpu.vector_store %arg11[%swap3A_1723, %swap3A_1724], %swap3A_1727 {strides = array<i32>} : memref<80x128xf32, #tpu.memory_space<vmem>>, vector<1x16xf32>,
        %add3A_1728 = arith.constant 14 : i32
        %add3A_1729 = arith.addi %mul3A_58, %add3A_1728 : i32
        %get3A_1730 = arith.index_cast %add3A_1729 : i32 to index
        %get3A_1731 = arith.constant 64 : index
        %get3A_1732 = tpu.vector_load %arg11[%get3A_1730, %get3A_1731] {strides = array<i32>} : memref<80x128xf32, #tpu.memory_space<vmem>>, vector<1x16xf32>,
        %get3A_1733 = vector.shape_cast %get3A_1732 : vector<1x16xf32> to vector<16xf32>
        %mul3A_1734 = arith.mulf %get3A_1733, %broadcast_in_dim3A_1671 : vector<16xf32>
        %add3A_1735 = arith.constant 14 : i32
        %add3A_1736 = arith.addi %mul3A_58, %add3A_1735 : i32
        %swap3A_1737 = arith.index_cast %add3A_1736 : i32 to index
        %swap3A_1738 = arith.constant 64 : index
        %swap3A_1739 = tpu.vector_load %arg11[%swap3A_1737, %swap3A_1738] {strides = array<i32>} : memref<80x128xf32, #tpu.memory_space<vmem>>, vector<1x16xf32>,
        %swap3A_1740 = vector.shape_cast %swap3A_1739 : vector<1x16xf32> to vector<16xf32>
        %swap3A_1741 = vector.shape_cast %mul3A_1734 : vector<16xf32> to vector<1x16xf32>
        tpu.vector_store %arg11[%swap3A_1737, %swap3A_1738], %swap3A_1741 {strides = array<i32>} : memref<80x128xf32, #tpu.memory_space<vmem>>, vector<1x16xf32>,
        %add3A_1742 = arith.constant 14 : i32
        %add3A_1743 = arith.addi %mul3A_58, %add3A_1742 : i32
        %get3A_1744 = arith.index_cast %add3A_1743 : i32 to index
        %get3A_1745 = arith.constant 80 : index
        %get3A_1746 = tpu.vector_load %arg11[%get3A_1744, %get3A_1745] {strides = array<i32>} : memref<80x128xf32, #tpu.memory_space<vmem>>, vector<1x16xf32>,
        %get3A_1747 = vector.shape_cast %get3A_1746 : vector<1x16xf32> to vector<16xf32>
        %mul3A_1748 = arith.mulf %get3A_1747, %broadcast_in_dim3A_1671 : vector<16xf32>
        %add3A_1749 = arith.constant 14 : i32
        %add3A_1750 = arith.addi %mul3A_58, %add3A_1749 : i32
        %swap3A_1751 = arith.index_cast %add3A_1750 : i32 to index
        %swap3A_1752 = arith.constant 80 : index
        %swap3A_1753 = tpu.vector_load %arg11[%swap3A_1751, %swap3A_1752] {strides = array<i32>} : memref<80x128xf32, #tpu.memory_space<vmem>>, vector<1x16xf32>,
        %swap3A_1754 = vector.shape_cast %swap3A_1753 : vector<1x16xf32> to vector<16xf32>
        %swap3A_1755 = vector.shape_cast %mul3A_1748 : vector<16xf32> to vector<1x16xf32>
        tpu.vector_store %arg11[%swap3A_1751, %swap3A_1752], %swap3A_1755 {strides = array<i32>} : memref<80x128xf32, #tpu.memory_space<vmem>>, vector<1x16xf32>,
        %add3A_1756 = arith.constant 14 : i32
        %add3A_1757 = arith.addi %mul3A_58, %add3A_1756 : i32
        %get3A_1758 = arith.index_cast %add3A_1757 : i32 to index
        %get3A_1759 = arith.constant 96 : index
        %get3A_1760 = tpu.vector_load %arg11[%get3A_1758, %get3A_1759] {strides = array<i32>} : memref<80x128xf32, #tpu.memory_space<vmem>>, vector<1x16xf32>,
        %get3A_1761 = vector.shape_cast %get3A_1760 : vector<1x16xf32> to vector<16xf32>
        %mul3A_1762 = arith.mulf %get3A_1761, %broadcast_in_dim3A_1671 : vector<16xf32>
        %add3A_1763 = arith.constant 14 : i32
        %add3A_1764 = arith.addi %mul3A_58, %add3A_1763 : i32
        %swap3A_1765 = arith.index_cast %add3A_1764 : i32 to index
        %swap3A_1766 = arith.constant 96 : index
        %swap3A_1767 = tpu.vector_load %arg11[%swap3A_1765, %swap3A_1766] {strides = array<i32>} : memref<80x128xf32, #tpu.memory_space<vmem>>, vector<1x16xf32>,
        %swap3A_1768 = vector.shape_cast %swap3A_1767 : vector<1x16xf32> to vector<16xf32>
        %swap3A_1769 = vector.shape_cast %mul3A_1762 : vector<16xf32> to vector<1x16xf32>
        tpu.vector_store %arg11[%swap3A_1765, %swap3A_1766], %swap3A_1769 {strides = array<i32>} : memref<80x128xf32, #tpu.memory_space<vmem>>, vector<1x16xf32>,
        %add3A_1770 = arith.constant 14 : i32
        %add3A_1771 = arith.addi %mul3A_58, %add3A_1770 : i32
        %get3A_1772 = arith.index_cast %add3A_1771 : i32 to index
        %get3A_1773 = arith.constant 112 : index
        %get3A_1774 = tpu.vector_load %arg11[%get3A_1772, %get3A_1773] {strides = array<i32>} : memref<80x128xf32, #tpu.memory_space<vmem>>, vector<1x16xf32>,
        %get3A_1775 = vector.shape_cast %get3A_1774 : vector<1x16xf32> to vector<16xf32>
        %mul3A_1776 = arith.mulf %get3A_1775, %broadcast_in_dim3A_1671 : vector<16xf32>
        %add3A_1777 = arith.constant 14 : i32
        %add3A_1778 = arith.addi %mul3A_58, %add3A_1777 : i32
        %swap3A_1779 = arith.index_cast %add3A_1778 : i32 to index
        %swap3A_1780 = arith.constant 112 : index
        %swap3A_1781 = tpu.vector_load %arg11[%swap3A_1779, %swap3A_1780] {strides = array<i32>} : memref<80x128xf32, #tpu.memory_space<vmem>>, vector<1x16xf32>,
        %swap3A_1782 = vector.shape_cast %swap3A_1781 : vector<1x16xf32> to vector<16xf32>
        %swap3A_1783 = vector.shape_cast %mul3A_1776 : vector<16xf32> to vector<1x16xf32>
        tpu.vector_store %arg11[%swap3A_1779, %swap3A_1780], %swap3A_1783 {strides = array<i32>} : memref<80x128xf32, #tpu.memory_space<vmem>>, vector<1x16xf32>,
        %slice3A_1784 = vector.extract_strided_slice %get3A_61 {offsets = [15], sizes = [1], strides = [1]} : vector<16xf32> to vector<1xf32>
        %squeeze3A_1785 = vector.extract %slice3A_1784[0] : f32 from vector<1xf32>
        %broadcast_in_dim3A_1786 = vector.broadcast %squeeze3A_1785 : f32 to vector<16xf32>
        %add3A_1787 = arith.constant 15 : i32
        %add3A_1788 = arith.addi %mul3A_58, %add3A_1787 : i32
        %get3A_1789 = arith.index_cast %add3A_1788 : i32 to index
        %get3A_1790 = arith.constant 0 : index
        %get3A_1791 = tpu.vector_load %arg11[%get3A_1789, %get3A_1790] {strides = array<i32>} : memref<80x128xf32, #tpu.memory_space<vmem>>, vector<1x16xf32>,
        %get3A_1792 = vector.shape_cast %get3A_1791 : vector<1x16xf32> to vector<16xf32>
        %mul3A_1793 = arith.mulf %get3A_1792, %broadcast_in_dim3A_1786 : vector<16xf32>
        %add3A_1794 = arith.constant 15 : i32
        %add3A_1795 = arith.addi %mul3A_58, %add3A_1794 : i32
        %swap3A_1796 = arith.index_cast %add3A_1795 : i32 to index
        %swap3A_1797 = arith.constant 0 : index
        %swap3A_1798 = tpu.vector_load %arg11[%swap3A_1796, %swap3A_1797] {strides = array<i32>} : memref<80x128xf32, #tpu.memory_space<vmem>>, vector<1x16xf32>,
        %swap3A_1799 = vector.shape_cast %swap3A_1798 : vector<1x16xf32> to vector<16xf32>
        %swap3A_1800 = vector.shape_cast %mul3A_1793 : vector<16xf32> to vector<1x16xf32>
        tpu.vector_store %arg11[%swap3A_1796, %swap3A_1797], %swap3A_1800 {strides = array<i32>} : memref<80x128xf32, #tpu.memory_space<vmem>>, vector<1x16xf32>,
        %add3A_1801 = arith.constant 15 : i32
        %add3A_1802 = arith.addi %mul3A_58, %add3A_1801 : i32
        %get3A_1803 = arith.index_cast %add3A_1802 : i32 to index
        %get3A_1804 = arith.constant 16 : index
        %get3A_1805 = tpu.vector_load %arg11[%get3A_1803, %get3A_1804] {strides = array<i32>} : memref<80x128xf32, #tpu.memory_space<vmem>>, vector<1x16xf32>,
        %get3A_1806 = vector.shape_cast %get3A_1805 : vector<1x16xf32> to vector<16xf32>
        %mul3A_1807 = arith.mulf %get3A_1806, %broadcast_in_dim3A_1786 : vector<16xf32>
        %add3A_1808 = arith.constant 15 : i32
        %add3A_1809 = arith.addi %mul3A_58, %add3A_1808 : i32
        %swap3A_1810 = arith.index_cast %add3A_1809 : i32 to index
        %swap3A_1811 = arith.constant 16 : index
        %swap3A_1812 = tpu.vector_load %arg11[%swap3A_1810, %swap3A_1811] {strides = array<i32>} : memref<80x128xf32, #tpu.memory_space<vmem>>, vector<1x16xf32>,
        %swap3A_1813 = vector.shape_cast %swap3A_1812 : vector<1x16xf32> to vector<16xf32>
        %swap3A_1814 = vector.shape_cast %mul3A_1807 : vector<16xf32> to vector<1x16xf32>
        tpu.vector_store %arg11[%swap3A_1810, %swap3A_1811], %swap3A_1814 {strides = array<i32>} : memref<80x128xf32, #tpu.memory_space<vmem>>, vector<1x16xf32>,
        %add3A_1815 = arith.constant 15 : i32
        %add3A_1816 = arith.addi %mul3A_58, %add3A_1815 : i32
        %get3A_1817 = arith.index_cast %add3A_1816 : i32 to index
        %get3A_1818 = arith.constant 32 : index
        %get3A_1819 = tpu.vector_load %arg11[%get3A_1817, %get3A_1818] {strides = array<i32>} : memref<80x128xf32, #tpu.memory_space<vmem>>, vector<1x16xf32>,
        %get3A_1820 = vector.shape_cast %get3A_1819 : vector<1x16xf32> to vector<16xf32>
        %mul3A_1821 = arith.mulf %get3A_1820, %broadcast_in_dim3A_1786 : vector<16xf32>
        %add3A_1822 = arith.constant 15 : i32
        %add3A_1823 = arith.addi %mul3A_58, %add3A_1822 : i32
        %swap3A_1824 = arith.index_cast %add3A_1823 : i32 to index
        %swap3A_1825 = arith.constant 32 : index
        %swap3A_1826 = tpu.vector_load %arg11[%swap3A_1824, %swap3A_1825] {strides = array<i32>} : memref<80x128xf32, #tpu.memory_space<vmem>>, vector<1x16xf32>,
        %swap3A_1827 = vector.shape_cast %swap3A_1826 : vector<1x16xf32> to vector<16xf32>
        %swap3A_1828 = vector.shape_cast %mul3A_1821 : vector<16xf32> to vector<1x16xf32>
        tpu.vector_store %arg11[%swap3A_1824, %swap3A_1825], %swap3A_1828 {strides = array<i32>} : memref<80x128xf32, #tpu.memory_space<vmem>>, vector<1x16xf32>,
        %add3A_1829 = arith.constant 15 : i32
        %add3A_1830 = arith.addi %mul3A_58, %add3A_1829 : i32
        %get3A_1831 = arith.index_cast %add3A_1830 : i32 to index
        %get3A_1832 = arith.constant 48 : index
        %get3A_1833 = tpu.vector_load %arg11[%get3A_1831, %get3A_1832] {strides = array<i32>} : memref<80x128xf32, #tpu.memory_space<vmem>>, vector<1x16xf32>,
        %get3A_1834 = vector.shape_cast %get3A_1833 : vector<1x16xf32> to vector<16xf32>
        %mul3A_1835 = arith.mulf %get3A_1834, %broadcast_in_dim3A_1786 : vector<16xf32>
        %add3A_1836 = arith.constant 15 : i32
        %add3A_1837 = arith.addi %mul3A_58, %add3A_1836 : i32
        %swap3A_1838 = arith.index_cast %add3A_1837 : i32 to index
        %swap3A_1839 = arith.constant 48 : index
        %swap3A_1840 = tpu.vector_load %arg11[%swap3A_1838, %swap3A_1839] {strides = array<i32>} : memref<80x128xf32, #tpu.memory_space<vmem>>, vector<1x16xf32>,
        %swap3A_1841 = vector.shape_cast %swap3A_1840 : vector<1x16xf32> to vector<16xf32>
        %swap3A_1842 = vector.shape_cast %mul3A_1835 : vector<16xf32> to vector<1x16xf32>
        tpu.vector_store %arg11[%swap3A_1838, %swap3A_1839], %swap3A_1842 {strides = array<i32>} : memref<80x128xf32, #tpu.memory_space<vmem>>, vector<1x16xf32>,
        %add3A_1843 = arith.constant 15 : i32
        %add3A_1844 = arith.addi %mul3A_58, %add3A_1843 : i32
        %get3A_1845 = arith.index_cast %add3A_1844 : i32 to index
        %get3A_1846 = arith.constant 64 : index
        %get3A_1847 = tpu.vector_load %arg11[%get3A_1845, %get3A_1846] {strides = array<i32>} : memref<80x128xf32, #tpu.memory_space<vmem>>, vector<1x16xf32>,
        %get3A_1848 = vector.shape_cast %get3A_1847 : vector<1x16xf32> to vector<16xf32>
        %mul3A_1849 = arith.mulf %get3A_1848, %broadcast_in_dim3A_1786 : vector<16xf32>
        %add3A_1850 = arith.constant 15 : i32
        %add3A_1851 = arith.addi %mul3A_58, %add3A_1850 : i32
        %swap3A_1852 = arith.index_cast %add3A_1851 : i32 to index
        %swap3A_1853 = arith.constant 64 : index
        %swap3A_1854 = tpu.vector_load %arg11[%swap3A_1852, %swap3A_1853] {strides = array<i32>} : memref<80x128xf32, #tpu.memory_space<vmem>>, vector<1x16xf32>,
        %swap3A_1855 = vector.shape_cast %swap3A_1854 : vector<1x16xf32> to vector<16xf32>
        %swap3A_1856 = vector.shape_cast %mul3A_1849 : vector<16xf32> to vector<1x16xf32>
        tpu.vector_store %arg11[%swap3A_1852, %swap3A_1853], %swap3A_1856 {strides = array<i32>} : memref<80x128xf32, #tpu.memory_space<vmem>>, vector<1x16xf32>,
        %add3A_1857 = arith.constant 15 : i32
        %add3A_1858 = arith.addi %mul3A_58, %add3A_1857 : i32
        %get3A_1859 = arith.index_cast %add3A_1858 : i32 to index
        %get3A_1860 = arith.constant 80 : index
        %get3A_1861 = tpu.vector_load %arg11[%get3A_1859, %get3A_1860] {strides = array<i32>} : memref<80x128xf32, #tpu.memory_space<vmem>>, vector<1x16xf32>,
        %get3A_1862 = vector.shape_cast %get3A_1861 : vector<1x16xf32> to vector<16xf32>
        %mul3A_1863 = arith.mulf %get3A_1862, %broadcast_in_dim3A_1786 : vector<16xf32>
        %add3A_1864 = arith.constant 15 : i32
        %add3A_1865 = arith.addi %mul3A_58, %add3A_1864 : i32
        %swap3A_1866 = arith.index_cast %add3A_1865 : i32 to index
        %swap3A_1867 = arith.constant 80 : index
        %swap3A_1868 = tpu.vector_load %arg11[%swap3A_1866, %swap3A_1867] {strides = array<i32>} : memref<80x128xf32, #tpu.memory_space<vmem>>, vector<1x16xf32>,
        %swap3A_1869 = vector.shape_cast %swap3A_1868 : vector<1x16xf32> to vector<16xf32>
        %swap3A_1870 = vector.shape_cast %mul3A_1863 : vector<16xf32> to vector<1x16xf32>
        tpu.vector_store %arg11[%swap3A_1866, %swap3A_1867], %swap3A_1870 {strides = array<i32>} : memref<80x128xf32, #tpu.memory_space<vmem>>, vector<1x16xf32>,
        %add3A_1871 = arith.constant 15 : i32
        %add3A_1872 = arith.addi %mul3A_58, %add3A_1871 : i32
        %get3A_1873 = arith.index_cast %add3A_1872 : i32 to index
        %get3A_1874 = arith.constant 96 : index
        %get3A_1875 = tpu.vector_load %arg11[%get3A_1873, %get3A_1874] {strides = array<i32>} : memref<80x128xf32, #tpu.memory_space<vmem>>, vector<1x16xf32>,
        %get3A_1876 = vector.shape_cast %get3A_1875 : vector<1x16xf32> to vector<16xf32>
        %mul3A_1877 = arith.mulf %get3A_1876, %broadcast_in_dim3A_1786 : vector<16xf32>
        %add3A_1878 = arith.constant 15 : i32
        %add3A_1879 = arith.addi %mul3A_58, %add3A_1878 : i32
        %swap3A_1880 = arith.index_cast %add3A_1879 : i32 to index
        %swap3A_1881 = arith.constant 96 : index
        %swap3A_1882 = tpu.vector_load %arg11[%swap3A_1880, %swap3A_1881] {strides = array<i32>} : memref<80x128xf32, #tpu.memory_space<vmem>>, vector<1x16xf32>,
        %swap3A_1883 = vector.shape_cast %swap3A_1882 : vector<1x16xf32> to vector<16xf32>
        %swap3A_1884 = vector.shape_cast %mul3A_1877 : vector<16xf32> to vector<1x16xf32>
        tpu.vector_store %arg11[%swap3A_1880, %swap3A_1881], %swap3A_1884 {strides = array<i32>} : memref<80x128xf32, #tpu.memory_space<vmem>>, vector<1x16xf32>,
        %add3A_1885 = arith.constant 15 : i32
        %add3A_1886 = arith.addi %mul3A_58, %add3A_1885 : i32
        %get3A_1887 = arith.index_cast %add3A_1886 : i32 to index
        %get3A_1888 = arith.constant 112 : index
        %get3A_1889 = tpu.vector_load %arg11[%get3A_1887, %get3A_1888] {strides = array<i32>} : memref<80x128xf32, #tpu.memory_space<vmem>>, vector<1x16xf32>,
        %get3A_1890 = vector.shape_cast %get3A_1889 : vector<1x16xf32> to vector<16xf32>
        %mul3A_1891 = arith.mulf %get3A_1890, %broadcast_in_dim3A_1786 : vector<16xf32>
        %add3A_1892 = arith.constant 15 : i32
        %add3A_1893 = arith.addi %mul3A_58, %add3A_1892 : i32
        %swap3A_1894 = arith.index_cast %add3A_1893 : i32 to index
        %swap3A_1895 = arith.constant 112 : index
        %swap3A_1896 = tpu.vector_load %arg11[%swap3A_1894, %swap3A_1895] {strides = array<i32>} : memref<80x128xf32, #tpu.memory_space<vmem>>, vector<1x16xf32>,
        %swap3A_1897 = vector.shape_cast %swap3A_1896 : vector<1x16xf32> to vector<16xf32>
        %swap3A_1898 = vector.shape_cast %mul3A_1891 : vector<16xf32> to vector<1x16xf32>
        tpu.vector_store %arg11[%swap3A_1894, %swap3A_1895], %swap3A_1898 {strides = array<i32>} : memref<80x128xf32, #tpu.memory_space<vmem>>, vector<1x16xf32>,
      }
      %scan3A_55 = arith.constant 5 : i32
      "tpu.region"() ({
        %run_scoped3A = tpu.sem_alloc : memref<!tpu.dma_semaphore, #tpu.memory_space<semaphore_mem>>
        %dma_start3A_56 = arith.constant 0 : i32
        %dma_start3A_57 = arith.constant 0 : i32
        %dma_start3A_58 = tpu.memref_slice %arg7[%dma_start3A_56, %dma_start3A_57] : memref<10240x128xf32, #tpu.memory_space<vmem_shared>> -> memref<10240x128xf32, #tpu.memory_space<vmem_shared>>
        tpu.enqueue_indirect_dma source(%arg11 : memref<80x128xf32, #tpu.memory_space<vmem>>) target(%dma_start3A_58 : memref<10240x128xf32, #tpu.memory_space<vmem_shared>>) offsets(%arg10 : memref<80xi32, #tpu.memory_space<vmem>>) semaphore(%run_scoped3A : memref<!tpu.dma_semaphore, #tpu.memory_space<semaphore_mem>>) {add = true}
        %dma_wait3A_59 = arith.constant 0 : i32
        %dma_wait3A_60 = arith.constant 0 : i32
        %dma_wait3A_61 = tpu.memref_slice %arg7[%dma_wait3A_59, %dma_wait3A_60] : memref<10240x128xf32, #tpu.memory_space<vmem_shared>> -> memref<10240x128xf32, #tpu.memory_space<vmem_shared>>
        tpu.wait_indirect_dma semaphore(%run_scoped3A : memref<!tpu.dma_semaphore, #tpu.memory_space<semaphore_mem>>) src(%arg11 : memref<80x128xf32, #tpu.memory_space<vmem>>) dst(%dma_wait3A_61 : memref<10240x128xf32, #tpu.memory_space<vmem_shared>>)
        tpu.yield
      }) : () -> ()
    }
    %scan3A_34 = arith.constant 125 : i32
    %barrier3A_35 = arith.constant 0 : index
    tpu.barrier barrier_id(%barrier3A_35)
    %mul3A_36 = arith.constant 640 : i32
    %mul3A_37 = arith.muli %arg1, %mul3A_36 : i32
    %mul3A_38 = arith.constant 640 : i32
    %mul3A_39 = arith.muli %arg1, %mul3A_38 : i32
    "tpu.region"() ({
      %run_scoped3A = tpu.sem_alloc : memref<!tpu.dma_semaphore, #tpu.memory_space<semaphore_mem>>
      %dma_start3A = arith.constant 0 : i32
      %dma_start3A_40 = tpu.memref_slice %arg6[%arg0, %mul3A_39, %dma_start3A] : memref<2x10240x128xf32, #tpu.memory_space<hbm>> -> memref<1x640x128xf32, #tpu.memory_space<hbm>>
      %dma_start3A_41 = tpu.memref_squeeze %dma_start3A_40 : memref<1x640x128xf32, #tpu.memory_space<hbm>> -> memref<640x128xf32, #tpu.memory_space<hbm>>
      %dma_start3A_42 = arith.constant 0 : i32
      %dma_start3A_43 = tpu.memref_slice %arg7[%mul3A_37, %dma_start3A_42] : memref<10240x128xf32, #tpu.memory_space<vmem_shared>> -> memref<640x128xf32, #tpu.memory_space<vmem_shared>>
      tpu.enqueue_dma source(%dma_start3A_43 : memref<640x128xf32, #tpu.memory_space<vmem_shared>>) target(%dma_start3A_41 : memref<640x128xf32, #tpu.memory_space<hbm>>) target_semaphore(%run_scoped3A : memref<!tpu.dma_semaphore, #tpu.memory_space<semaphore_mem>>)
      %dma_wait3A = arith.constant 0 : i32
      %dma_wait3A_44 = tpu.memref_slice %arg6[%arg0, %mul3A_39, %dma_wait3A] : memref<2x10240x128xf32, #tpu.memory_space<hbm>> -> memref<1x640x128xf32, #tpu.memory_space<hbm>>
      %dma_wait3A_45 = tpu.memref_squeeze %dma_wait3A_44 : memref<1x640x128xf32, #tpu.memory_space<hbm>> -> memref<640x128xf32, #tpu.memory_space<hbm>>
      %dma_wait3A_46 = arith.constant 0 : i32
      %dma_wait3A_47 = tpu.memref_slice %arg7[%mul3A_37, %dma_wait3A_46] : memref<10240x128xf32, #tpu.memory_space<vmem_shared>> -> memref<640x128xf32, #tpu.memory_space<vmem_shared>>
      tpu.wait_dma2 semaphore(%run_scoped3A : memref<!tpu.dma_semaphore, #tpu.memory_space<semaphore_mem>>) src(%dma_wait3A_47 : memref<640x128xf32, #tpu.memory_space<vmem_shared>>) dst(%dma_wait3A_45 : memref<640x128xf32, #tpu.memory_space<hbm>>)
      tpu.yield
    }) : () -> ()
    return
  }
}

module attributes {stable_mosaic.version = 14 : i64} {
  func.func @_fc1_body(%arg0: i32, %arg1: memref<1000x128xf32, #tpu.memory_space<vmem>>, %arg2: memref<128x128xf32, #tpu.memory_space<vmem>>, %arg3: memref<1x1000x1xf32, #tpu.memory_space<vmem>>, %arg4: memref<1x1000x1xf32, #tpu.memory_space<vmem>>, %arg5: memref<1000x128xf32, #tpu.memory_space<vmem>>, %arg6: memref<1000x1xf32, #tpu.memory_space<vmem>>) attributes {dimension_semantics = [#tpu.dimension_semantics<arbitrary>], iteration_bounds = array<i64: 10>, scalar_prefetch = 0 : i64, scratch_operands = 0 : i64, tpu.core_type = #tpu.core_type<tc>, window_params = [{transform_indices = @transform_0, window_bounds = array<i64: 1000, 128>}, {pipeline_mode = #tpu.pipeline_mode<synchronous>, transform_indices = @transform_1, window_bounds = array<i64: 128, 128>}, {transform_indices = @transform_2, window_bounds = array<i64: 1, 1000, 1>}, {transform_indices = @transform_3, window_bounds = array<i64: 1, 1000, 1>}, {transform_indices = @transform_4, window_bounds = array<i64: 1000, 128>}, {transform_indices = @transform_5, window_bounds = array<i64: 1000, 1>}]} {
    %get3A = arith.constant 0 : index
    %get3A_0 = arith.constant 0 : index
    %get3A_1 = arith.constant 0 : index
    %get3A_2 = vector.load %arg3[%get3A, %get3A_0, %get3A_1] : memref<1x1000x1xf32, #tpu.memory_space<vmem>>, vector<1x1000x1xf32>
    %get3A_3 = vector.shape_cast %get3A_2 : vector<1x1000x1xf32> to vector<1000x1xf32>
    %get3A_4 = arith.constant 0 : index
    %get3A_5 = arith.constant 0 : index
    %get3A_6 = arith.constant 0 : index
    %get3A_7 = vector.load %arg4[%get3A_4, %get3A_5, %get3A_6] : memref<1x1000x1xf32, #tpu.memory_space<vmem>>, vector<1x1000x1xf32>
    %get3A_8 = vector.shape_cast %get3A_7 : vector<1x1000x1xf32> to vector<1000x1xf32>
    %add3A = arith.addf %get3A_3, %get3A_8 : vector<1000x1xf32>
    %add3A_9 = arith.constant 1.000000e+00 : f32
    %add3A_10 = vector.broadcast %add3A_9 : f32 to vector<1000x1xf32>
    %add3A_11 = arith.addf %add3A, %add3A_10 : vector<1000x1xf32>
    %rsqrt3A = math.rsqrt %add3A_11 : vector<1000x1xf32>
    %get3A_12 = arith.constant 0 : index
    %get3A_13 = arith.constant 0 : index
    %get3A_14 = vector.load %arg1[%get3A_12, %get3A_13] : memref<1000x128xf32, #tpu.memory_space<vmem>>, vector<1000x128xf32>
    %get3A_15 = arith.constant 0 : index
    %get3A_16 = arith.constant 0 : index
    %get3A_17 = vector.load %arg2[%get3A_15, %get3A_16] : memref<128x128xf32, #tpu.memory_space<vmem>>, vector<128x128xf32>
    %dot_general3A = arith.constant dense<0.000000e+00> : vector<1000x128xf32>
    %dot_general3A_18 = tpu.matmul %get3A_14, %get3A_17, %dot_general3A {dimension_numbers = #tpu.dot_dimension_numbers<[1], [1], [0], [0], [0, 0, 1, 0], [], []>, transpose_lhs_hint = false} : vector<1000x128xf32>, vector<128x128xf32>, vector<1000x128xf32> -> vector<1000x128xf32>
    %mul3A = vector.broadcast %rsqrt3A : vector<1000x1xf32> to vector<1000x128xf32>
    %mul3A_19 = arith.mulf %dot_general3A_18, %mul3A : vector<1000x128xf32>
    %swap3A = arith.constant 0 : index
    %swap3A_20 = arith.constant 0 : index
    %swap3A_21 = vector.load %arg5[%swap3A, %swap3A_20] : memref<1000x128xf32, #tpu.memory_space<vmem>>, vector<1000x128xf32>
    tpu.vector_store %arg5[%swap3A, %swap3A_20], %mul3A_19 {strides = array<i32>} : memref<1000x128xf32, #tpu.memory_space<vmem>>, vector<1000x128xf32>,
    %swap3A_22 = arith.constant 0 : index
    %swap3A_23 = arith.constant 0 : index
    %swap3A_24 = vector.load %arg6[%swap3A_22, %swap3A_23] : memref<1000x1xf32, #tpu.memory_space<vmem>>, vector<1000x1xf32>
    tpu.vector_store %arg6[%swap3A_22, %swap3A_23], %rsqrt3A {strides = array<i32>} : memref<1000x1xf32, #tpu.memory_space<vmem>>, vector<1000x1xf32>,
    return
  }
  func.func @transform_0(%arg0: i32) -> (i32, i32) {
    %c0_i32 = arith.constant 0 : i32
    %c0_i32_0 = arith.constant 0 : i32
    return %arg0, %c0_i32 : i32, i32
  }
  func.func @transform_1(%arg0: i32) -> (i32, i32) {
    %c0_i32 = arith.constant 0 : i32
    %c0_i32_0 = arith.constant 0 : i32
    %c0_i32_1 = arith.constant 0 : i32
    return %c0_i32, %c0_i32_0 : i32, i32
  }
  func.func @transform_2(%arg0: i32) -> (i32, i32, i32) {
    %c0_i32 = arith.constant 0 : i32
    %c0_i32_0 = arith.constant 0 : i32
    %c0_i32_1 = arith.constant 0 : i32
    return %c0_i32, %arg0, %c0_i32_0 : i32, i32, i32
  }
  func.func @transform_3(%arg0: i32) -> (i32, i32, i32) {
    %c1_i32 = arith.constant 1 : i32
    %c0_i32 = arith.constant 0 : i32
    %c0_i32_0 = arith.constant 0 : i32
    return %c1_i32, %arg0, %c0_i32 : i32, i32, i32
  }
  func.func @transform_4(%arg0: i32) -> (i32, i32) {
    %c0_i32 = arith.constant 0 : i32
    %c0_i32_0 = arith.constant 0 : i32
    return %arg0, %c0_i32 : i32, i32
  }
  func.func @transform_5(%arg0: i32) -> (i32, i32) {
    %c0_i32 = arith.constant 0 : i32
    %c0_i32_0 = arith.constant 0 : i32
    return %arg0, %c0_i32 : i32, i32
  }
}

module attributes {stable_mosaic.version = 14 : i64} {
  func.func @_fc2_body(%arg0: i32, %arg1: memref<2x1000x128xf32, #tpu.memory_space<vmem>>, %arg2: memref<1000x128xf32, #tpu.memory_space<vmem>>, %arg3: memref<1000x1xf32, #tpu.memory_space<vmem>>, %arg4: memref<1x128xf32, #tpu.memory_space<vmem>>, %arg5: memref<128x128xf32, #tpu.memory_space<vmem>>, %arg6: memref<1000x128xf32, #tpu.memory_space<vmem>>) attributes {dimension_semantics = [#tpu.dimension_semantics<arbitrary>], iteration_bounds = array<i64: 10>, scalar_prefetch = 0 : i64, scratch_operands = 0 : i64, tpu.core_type = #tpu.core_type<tc>, window_params = [{transform_indices = @transform_0, window_bounds = array<i64: 2, 1000, 128>}, {transform_indices = @transform_1, window_bounds = array<i64: 1000, 128>}, {transform_indices = @transform_2, window_bounds = array<i64: 1000, 1>}, {pipeline_mode = #tpu.pipeline_mode<synchronous>, transform_indices = @transform_3, window_bounds = array<i64: 1, 128>}, {pipeline_mode = #tpu.pipeline_mode<synchronous>, transform_indices = @transform_4, window_bounds = array<i64: 128, 128>}, {transform_indices = @transform_5, window_bounds = array<i64: 1000, 128>}]} {
    %get3A = arith.constant 0 : index
    %get3A_0 = arith.constant 0 : index
    %get3A_1 = vector.load %arg3[%get3A, %get3A_0] : memref<1000x1xf32, #tpu.memory_space<vmem>>, vector<1000x1xf32>
    %get3A_2 = arith.constant 0 : index
    %get3A_3 = arith.constant 0 : index
    %get3A_4 = arith.constant 0 : index
    %get3A_5 = vector.load %arg1[%get3A_2, %get3A_3, %get3A_4] : memref<2x1000x128xf32, #tpu.memory_space<vmem>>, vector<1x1000x128xf32>
    %get3A_6 = vector.shape_cast %get3A_5 : vector<1x1000x128xf32> to vector<1000x128xf32>
    %get3A_7 = arith.constant 1 : index
    %get3A_8 = arith.constant 0 : index
    %get3A_9 = arith.constant 0 : index
    %get3A_10 = vector.load %arg1[%get3A_7, %get3A_8, %get3A_9] : memref<2x1000x128xf32, #tpu.memory_space<vmem>>, vector<1x1000x128xf32>
    %get3A_11 = vector.shape_cast %get3A_10 : vector<1x1000x128xf32> to vector<1000x128xf32>
    %add3A = arith.addf %get3A_6, %get3A_11 : vector<1000x128xf32>
    %get3A_12 = arith.constant 0 : index
    %get3A_13 = arith.constant 0 : index
    %get3A_14 = vector.load %arg2[%get3A_12, %get3A_13] : memref<1000x128xf32, #tpu.memory_space<vmem>>, vector<1000x128xf32>
    %add3A_15 = arith.addf %add3A, %get3A_14 : vector<1000x128xf32>
    %mul3A = vector.broadcast %get3A_1 : vector<1000x1xf32> to vector<1000x128xf32>
    %mul3A_16 = arith.mulf %mul3A, %add3A_15 : vector<1000x128xf32>
    %get3A_17 = arith.constant 0 : index
    %get3A_18 = arith.constant 0 : index
    %get3A_19 = vector.load %arg4[%get3A_17, %get3A_18] : memref<1x128xf32, #tpu.memory_space<vmem>>, vector<1x128xf32>
    %add3A_20 = vector.broadcast %get3A_19 : vector<1x128xf32> to vector<1000x128xf32>
    %add3A_21 = arith.addf %mul3A_16, %add3A_20 : vector<1000x128xf32>
    %max3A = arith.constant 0.000000e+00 : f32
    %max3A_22 = vector.broadcast %max3A : f32 to vector<1000x128xf32>
    %max3A_23 = arith.maximumf %add3A_21, %max3A_22 : vector<1000x128xf32>
    %get3A_24 = arith.constant 0 : index
    %get3A_25 = arith.constant 0 : index
    %get3A_26 = vector.load %arg5[%get3A_24, %get3A_25] : memref<128x128xf32, #tpu.memory_space<vmem>>, vector<128x128xf32>
    %dot_general3A = arith.constant dense<0.000000e+00> : vector<1000x128xf32>
    %dot_general3A_27 = tpu.matmul %max3A_23, %get3A_26, %dot_general3A {dimension_numbers = #tpu.dot_dimension_numbers<[1], [1], [0], [0], [0, 0, 1, 0], [], []>, transpose_lhs_hint = false} : vector<1000x128xf32>, vector<128x128xf32>, vector<1000x128xf32> -> vector<1000x128xf32>
    %mul3A_28 = vector.broadcast %get3A_1 : vector<1000x1xf32> to vector<1000x128xf32>
    %mul3A_29 = arith.mulf %dot_general3A_27, %mul3A_28 : vector<1000x128xf32>
    %swap3A = arith.constant 0 : index
    %swap3A_30 = arith.constant 0 : index
    %swap3A_31 = vector.load %arg6[%swap3A, %swap3A_30] : memref<1000x128xf32, #tpu.memory_space<vmem>>, vector<1000x128xf32>
    tpu.vector_store %arg6[%swap3A, %swap3A_30], %mul3A_29 {strides = array<i32>} : memref<1000x128xf32, #tpu.memory_space<vmem>>, vector<1000x128xf32>,
    return
  }
  func.func @transform_0(%arg0: i32) -> (i32, i32, i32) {
    %c0_i32 = arith.constant 0 : i32
    %c0_i32_0 = arith.constant 0 : i32
    %c0_i32_1 = arith.constant 0 : i32
    return %c0_i32, %arg0, %c0_i32_0 : i32, i32, i32
  }
  func.func @transform_1(%arg0: i32) -> (i32, i32) {
    %c0_i32 = arith.constant 0 : i32
    %c0_i32_0 = arith.constant 0 : i32
    return %arg0, %c0_i32 : i32, i32
  }
  func.func @transform_2(%arg0: i32) -> (i32, i32) {
    %c0_i32 = arith.constant 0 : i32
    %c0_i32_0 = arith.constant 0 : i32
    return %arg0, %c0_i32 : i32, i32
  }
  func.func @transform_3(%arg0: i32) -> (i32, i32) {
    %c0_i32 = arith.constant 0 : i32
    %c0_i32_0 = arith.constant 0 : i32
    %c0_i32_1 = arith.constant 0 : i32
    return %c0_i32, %c0_i32_0 : i32, i32
  }
  func.func @transform_4(%arg0: i32) -> (i32, i32) {
    %c0_i32 = arith.constant 0 : i32
    %c0_i32_0 = arith.constant 0 : i32
    %c0_i32_1 = arith.constant 0 : i32
    return %c0_i32, %c0_i32_0 : i32, i32
  }
  func.func @transform_5(%arg0: i32) -> (i32, i32) {
    %c0_i32 = arith.constant 0 : i32
    %c0_i32_0 = arith.constant 0 : i32
    return %arg0, %c0_i32 : i32, i32
  }
}

module attributes {stable_mosaic.version = 14 : i64} {
  func.func @_fc3_body(%arg0: i32, %arg1: memref<2x1000x128xf32, #tpu.memory_space<vmem>>, %arg2: memref<1000x128xf32, #tpu.memory_space<vmem>>, %arg3: memref<1000x1xf32, #tpu.memory_space<vmem>>, %arg4: memref<1x128xf32, #tpu.memory_space<vmem>>, %arg5: memref<16x128xf32, #tpu.memory_space<vmem>>, %arg6: memref<1x16xf32, #tpu.memory_space<vmem>>, %arg7: memref<1000x16xf32, #tpu.memory_space<vmem>>) attributes {dimension_semantics = [#tpu.dimension_semantics<arbitrary>], iteration_bounds = array<i64: 10>, scalar_prefetch = 0 : i64, scratch_operands = 0 : i64, tpu.core_type = #tpu.core_type<tc>, window_params = [{transform_indices = @transform_0, window_bounds = array<i64: 2, 1000, 128>}, {transform_indices = @transform_1, window_bounds = array<i64: 1000, 128>}, {transform_indices = @transform_2, window_bounds = array<i64: 1000, 1>}, {pipeline_mode = #tpu.pipeline_mode<synchronous>, transform_indices = @transform_3, window_bounds = array<i64: 1, 128>}, {pipeline_mode = #tpu.pipeline_mode<synchronous>, transform_indices = @transform_4, window_bounds = array<i64: 16, 128>}, {pipeline_mode = #tpu.pipeline_mode<synchronous>, transform_indices = @transform_5, window_bounds = array<i64: 1, 16>}, {transform_indices = @transform_6, window_bounds = array<i64: 1000, 16>}]} {
    %get3A = arith.constant 0 : index
    %get3A_0 = arith.constant 0 : index
    %get3A_1 = vector.load %arg3[%get3A, %get3A_0] : memref<1000x1xf32, #tpu.memory_space<vmem>>, vector<1000x1xf32>
    %get3A_2 = arith.constant 0 : index
    %get3A_3 = arith.constant 0 : index
    %get3A_4 = arith.constant 0 : index
    %get3A_5 = vector.load %arg1[%get3A_2, %get3A_3, %get3A_4] : memref<2x1000x128xf32, #tpu.memory_space<vmem>>, vector<1x1000x128xf32>
    %get3A_6 = vector.shape_cast %get3A_5 : vector<1x1000x128xf32> to vector<1000x128xf32>
    %get3A_7 = arith.constant 1 : index
    %get3A_8 = arith.constant 0 : index
    %get3A_9 = arith.constant 0 : index
    %get3A_10 = vector.load %arg1[%get3A_7, %get3A_8, %get3A_9] : memref<2x1000x128xf32, #tpu.memory_space<vmem>>, vector<1x1000x128xf32>
    %get3A_11 = vector.shape_cast %get3A_10 : vector<1x1000x128xf32> to vector<1000x128xf32>
    %add3A = arith.addf %get3A_6, %get3A_11 : vector<1000x128xf32>
    %get3A_12 = arith.constant 0 : index
    %get3A_13 = arith.constant 0 : index
    %get3A_14 = vector.load %arg2[%get3A_12, %get3A_13] : memref<1000x128xf32, #tpu.memory_space<vmem>>, vector<1000x128xf32>
    %add3A_15 = arith.addf %add3A, %get3A_14 : vector<1000x128xf32>
    %mul3A = vector.broadcast %get3A_1 : vector<1000x1xf32> to vector<1000x128xf32>
    %mul3A_16 = arith.mulf %mul3A, %add3A_15 : vector<1000x128xf32>
    %get3A_17 = arith.constant 0 : index
    %get3A_18 = arith.constant 0 : index
    %get3A_19 = vector.load %arg4[%get3A_17, %get3A_18] : memref<1x128xf32, #tpu.memory_space<vmem>>, vector<1x128xf32>
    %add3A_20 = vector.broadcast %get3A_19 : vector<1x128xf32> to vector<1000x128xf32>
    %add3A_21 = arith.addf %mul3A_16, %add3A_20 : vector<1000x128xf32>
    %max3A = arith.constant 0.000000e+00 : f32
    %max3A_22 = vector.broadcast %max3A : f32 to vector<1000x128xf32>
    %max3A_23 = arith.maximumf %add3A_21, %max3A_22 : vector<1000x128xf32>
    %get3A_24 = arith.constant 0 : index
    %get3A_25 = arith.constant 0 : index
    %get3A_26 = vector.load %arg5[%get3A_24, %get3A_25] : memref<16x128xf32, #tpu.memory_space<vmem>>, vector<16x128xf32>
    %dot_general3A = arith.constant dense<0.000000e+00> : vector<1000x16xf32>
    %dot_general3A_27 = tpu.matmul %max3A_23, %get3A_26, %dot_general3A {dimension_numbers = #tpu.dot_dimension_numbers<[1], [1], [0], [0], [0, 0, 1, 0], [], []>, transpose_lhs_hint = false} : vector<1000x128xf32>, vector<16x128xf32>, vector<1000x16xf32> -> vector<1000x16xf32>
    %get3A_28 = arith.constant 0 : index
    %get3A_29 = arith.constant 0 : index
    %get3A_30 = vector.load %arg6[%get3A_28, %get3A_29] : memref<1x16xf32, #tpu.memory_space<vmem>>, vector<1x16xf32>
    %add3A_31 = vector.broadcast %get3A_30 : vector<1x16xf32> to vector<1000x16xf32>
    %add3A_32 = arith.addf %dot_general3A_27, %add3A_31 : vector<1000x16xf32>
    %logistic3A = arith.negf %add3A_32 : vector<1000x16xf32>
    %logistic3A_33 = math.exp %logistic3A : vector<1000x16xf32>
    %logistic3A_34 = arith.constant 1.000000e+00 : f32
    %logistic3A_35 = vector.broadcast %logistic3A_34 : f32 to vector<1000x16xf32>
    %logistic3A_36 = arith.addf %logistic3A_35, %logistic3A_33 : vector<1000x16xf32>
    %logistic3A_37 = arith.divf %logistic3A_35, %logistic3A_36 : vector<1000x16xf32>
    %swap3A = arith.constant 0 : index
    %swap3A_38 = arith.constant 0 : index
    %swap3A_39 = vector.load %arg7[%swap3A, %swap3A_38] : memref<1000x16xf32, #tpu.memory_space<vmem>>, vector<1000x16xf32>
    tpu.vector_store %arg7[%swap3A, %swap3A_38], %logistic3A_37 {strides = array<i32>} : memref<1000x16xf32, #tpu.memory_space<vmem>>, vector<1000x16xf32>,
    return
  }
  func.func @transform_0(%arg0: i32) -> (i32, i32, i32) {
    %c0_i32 = arith.constant 0 : i32
    %c0_i32_0 = arith.constant 0 : i32
    %c0_i32_1 = arith.constant 0 : i32
    return %c0_i32, %arg0, %c0_i32_0 : i32, i32, i32
  }
  func.func @transform_1(%arg0: i32) -> (i32, i32) {
    %c0_i32 = arith.constant 0 : i32
    %c0_i32_0 = arith.constant 0 : i32
    return %arg0, %c0_i32 : i32, i32
  }
  func.func @transform_2(%arg0: i32) -> (i32, i32) {
    %c0_i32 = arith.constant 0 : i32
    %c0_i32_0 = arith.constant 0 : i32
    return %arg0, %c0_i32 : i32, i32
  }
  func.func @transform_3(%arg0: i32) -> (i32, i32) {
    %c0_i32 = arith.constant 0 : i32
    %c0_i32_0 = arith.constant 0 : i32
    %c0_i32_1 = arith.constant 0 : i32
    return %c0_i32, %c0_i32_0 : i32, i32
  }
  func.func @transform_4(%arg0: i32) -> (i32, i32) {
    %c0_i32 = arith.constant 0 : i32
    %c0_i32_0 = arith.constant 0 : i32
    %c0_i32_1 = arith.constant 0 : i32
    return %c0_i32, %c0_i32_0 : i32, i32
  }
  func.func @transform_5(%arg0: i32) -> (i32, i32) {
    %c0_i32 = arith.constant 0 : i32
    %c0_i32_0 = arith.constant 0 : i32
    %c0_i32_1 = arith.constant 0 : i32
    return %c0_i32, %c0_i32_0 : i32, i32
  }
  func.func @transform_6(%arg0: i32) -> (i32, i32) {
    %c0_i32 = arith.constant 0 : i32
    %c0_i32_0 = arith.constant 0 : i32
    return %arg0, %c0_i32 : i32, i32
  }
}

</mosaic_0001>

<sc_bundles>
// kernel: kernel.11.cloned.1.call-start
scs
__scs_entry_jumppad:
0x0: {  	(pc) =	sbr.rel $0x88, $3  }
0x1: {  	(tag) =	ssettag $0x0;
	lr =	simm.s32 $0x1  }
0x2: {  	[smem:$0x3F98] =	sst lr;
	_ =	strace $0xD0000000  }
0x3: {  	_ = 	snop  }
0x4: {  	_ = 	snop  }
0x5: {  	_ = 	snop  }
0x6: {  	_ = 	snop  }
0x7: {  	_ = 	snop  }
__scs_overlays_trampoline_lowered:
0x8: {  	[smem:$0x3FA7] =	sst s0  }
0x9: {  	[smem:$0x3FA8] =	sst s1  }
0xa: {  	[smem:$0x3FA9] =	sst s2  }
0xb: {  	[smem:$0x3FAA] =	sst s3  }
0xc: {  	[smem:$0x3FAB] =	sst s4  }
0xd: {  	[smem:$0x3FAC] =	sst s5  }
0xe: {  	[smem:$0x3FAD] =	sst s6  }
0xf: {  	[smem:$0x3FAE] =	sst s7  }
0x10: {  	[smem:$0x3FAF] =	sst s8  }
0x11: {  	[smem:$0x3FB0] =	sst s9;
	s0 =	simm.s32 @!p0 $0x0  }
0x12: {  	s1 =	sld [smem:$0x3F96];
	s0 =	simm.s32 @p0 $0x1  }
0x13: {  	[smem:$0x3FB1] =	sst s0;
	s0 =	simm.s32 @!p1 $0x0  }
0x14: {  	s2 =	sld [smem:$0x3F95];
	s0 =	simm.s32 @p1 $0x1  }
0x15: {  	[smem:$0x3FB2] =	sst s0;
	s0 =	simm.s32 @!p2 $0x0  }
0x16: {  	s3 =	sld [smem:$0x3FDB];
	s0 =	simm.s32 @p2 $0x1  }
0x17: {  	s4 =	simm.s32 $0x1BF5;
	[smem:$0x3FB4] =	sst s0  }
0x18: {  	s0 =	sld [smem:$0x3F97];
	_ =	swait.ge [sflag:s4], $0x0  }
0x19: {  	s7 =	sld [smem:$0x3F98]  }
0x1a: {  	s8 =	sadd.s32 $0xFFFFE003, lr  }
0x1b: {  	s9 =	sadd.s32 $0xFFFFFEF7, lr;
	s5 =	simm.s32 $0xFFFFFFFF;
	p2 =	slt.u32 s8, $0xFFFFF086  }
0x1c: {  	p1 =	slt.u32 s9, $0xF7A;
	s5 =	simm.s32 @!p2 $0x0  }
0x1d: {  	s5 =	simm.s32 @p1 $0x1;
	p0 =	seq.s32 s7, s2  }
0x1e: {  	s7 =	smul.u32 @!p0 $0xF7A, s2;
	p2 =	seq.s32 @!p0 s5, $0x0  }
0x1f: {  	s9 =	smul.u32 $0xF7A, s1;
	s8 =	simm.s32 @!p0 $0x1BF5;
	p2 =	por !p2, p0  }
0x20: {  	[sflag:s8] =	ssyncset.s32 @!p0 $0xFFFFF086;
	s6 =	sadd.s32 @!p0 s3, s7;
	s7 =	simm.s32 @!p0 $0x108  }
0x21: {  	s3 =	sadd.s32 s3, s9;
	s6 =	sadd.s32 @!p0 $0x88, s6;
	s7 =	simm.s32 @p2 $0x1082  }
0x22: {  	[simem:s7], [sflag:s8] =	dma.local @!p0 [hbm:s6], $0xF7A  }
0x23: {  	s9 =	sor.u32 $0xD0000000, s2;
	s6 =	simm.s32 $0x108;
	_ =	swait.ge @!p0 [sflag:s8], $0x0  }
0x24: {  	s3 =	sadd.s32 $0x88, s3;
	s6 =	simm.s32 @!p1 $0x1082;
	[sflag:s4] =	ssyncset.s32 $0xFFFFF086  }
0x25: {  	[simem:s6], [sflag:s4] =	dma.local [hbm:s3], $0xF7A  }
0x26: {  	[smem:$0x3F98] =	sst s1;
	(tag) =	ssettag s2;
	_ =	strace s9  }
0x27: {  	s1 =	sld [smem:$0x3FA8]  }
0x28: {  	s2 =	sld [smem:$0x3FA9]  }
0x29: {  	s4 =	sld [smem:$0x3FAB]  }
0x2a: {  	p0 =	seq.s32 s5, $0x0;
	s5 =	sld [smem:$0x3FAC]  }
0x2b: {  	s6 =	sld [smem:$0x3FAD]  }
0x2c: {  	s7 =	sld [smem:$0x3FAE]  }
0x2d: {  	s3 =	simm.s32 $0x108;
	s8 =	sld [smem:$0x3FAF]  }
0x2e: {  	s3 =	simm.s32 @!p0 $0x1082;
	s9 =	sld [smem:$0x3FB0]  }
0x2f: {  	lr =	sadd.s32 s0, s3;
	s0 =	sld [smem:$0x3FA7]  }
0x30: {  	s3 =	sld [smem:$0x3FAA]  }
0x31: {  	[smem:$0x3FB3] =	sst s10  }
0x32: {  	s10 =	sld [smem:$0x3FB1];
	_ =	sdelay $0x3  }
0x33: {  	p0 =	seq.s32 s10, $0x1;
	s10 =	sld [smem:$0x3FB3];
	_ =	sdelay $0x3  }
0x34: {  	[smem:$0x3FB3] =	sst s10  }
0x35: {  	s10 =	sld [smem:$0x3FB2];
	_ =	sdelay $0x3  }
0x36: {  	p1 =	seq.s32 s10, $0x1;
	s10 =	sld [smem:$0x3FB3];
	_ =	sdelay $0x3  }
0x37: {  	[smem:$0x3FB3] =	sst s10  }
0x38: {  	s10 =	sld [smem:$0x3FB4]  }
0x39: {  	_ = 	snop;
	(pc) =	sbr.ind lr, $3  }
0x3a: {  	_ = 	snop  }
0x3b: {  	_ = 	snop  }
0x3c: {  	p2 =	seq.s32 s10, $0x1;
	s10 =	sld [smem:$0x3FB3]  }
0x3d: {  	_ =	shalt  }
0x3e: {  	_ =	shalt  }
0x3f: {  	_ =	shalt  }
0x40: {  	_ =	shalt  }
0x41: {  	_ =	shalt  }
0x42: {  	_ =	shalt  }
0x43: {  	_ =	shalt  }
0x44: {  	_ =	shalt  }
0x45: {  	_ =	shalt  }
0x46: {  	_ =	shalt  }
0x47: {  	_ =	shalt  }
0x48: {  	_ =	shalt  }
0x49: {  	_ =	shalt  }
0x4a: {  	_ =	shalt  }
0x4b: {  	_ =	shalt  }
0x4c: {  	_ =	shalt  }
0x4d: {  	_ =	shalt  }
0x4e: {  	_ =	shalt  }
0x4f: {  	_ =	shalt  }
0x50: {  	_ =	shalt  }
0x51: {  	_ =	shalt  }
0x52: {  	_ =	shalt  }
0x53: {  	_ =	shalt  }
0x54: {  	_ =	shalt  }
0x55: {  	_ =	shalt  }
0x56: {  	_ =	shalt  }
0x57: {  	_ =	shalt  }
0x58: {  	_ =	shalt  }
0x59: {  	_ =	shalt  }
0x5a: {  	_ =	shalt  }
0x5b: {  	_ =	shalt  }
0x5c: {  	_ =	shalt  }
0x5d: {  	_ =	shalt  }
0x5e: {  	_ =	shalt  }
0x5f: {  	_ =	shalt  }
0x60: {  	_ =	shalt  }
0x61: {  	_ =	shalt  }
0x62: {  	_ =	shalt  }
0x63: {  	_ =	shalt  }
0x64: {  	_ =	shalt  }
0x65: {  	_ =	shalt  }
0x66: {  	_ =	shalt  }
0x67: {  	_ =	shalt  }
0x68: {  	_ =	shalt  }
0x69: {  	_ =	shalt  }
0x6a: {  	_ =	shalt  }
0x6b: {  	_ =	shalt  }
0x6c: {  	_ =	shalt  }
0x6d: {  	_ =	shalt  }
0x6e: {  	_ =	shalt  }
0x6f: {  	_ =	shalt  }
0x70: {  	_ =	shalt  }
0x71: {  	_ =	shalt  }
0x72: {  	_ =	shalt  }
0x73: {  	_ =	shalt  }
0x74: {  	_ =	shalt  }
0x75: {  	_ =	shalt  }
0x76: {  	_ =	shalt  }
0x77: {  	_ =	shalt  }
0x78: {  	_ =	shalt  }
0x79: {  	_ =	shalt  }
0x7a: {  	_ =	shalt  }
0x7b: {  	_ =	shalt  }
0x7c: {  	_ =	shalt  }
0x7d: {  	_ =	shalt  }
0x7e: {  	_ =	shalt  }
0x7f: {  	_ =	shalt  }
0x80: {  	_ =	shalt  }
0x81: {  	_ =	shalt  }
0x82: {  	_ =	shalt  }
0x83: {  	_ =	shalt  }
0x84: {  	_ =	shalt  }
0x85: {  	_ =	shalt  }
0x86: {  	_ =	shalt  }
0x87: {  	_ =	shalt  }
.Lfunc_end0:
.L_simem_size_0:
called_computation.1_lowered:
.L_overlay_start_0:
0x88: {  	s2 =	sld [smem:$0x3FD9]  }
0x89: {  	s3 =	sld [smem:$0x3FFE];
	_ =	sdelay $0x1  }
0x8a: {  	s1 =	srdreg.scid  }
0x8b: {  	s0 =	sand.u32 $0x1, s1  }
0x8c: {  	s17 =	sshll.u32 s0, $0xA;
	s2 =	sadd.s32 s3, s2  }
0x8d: {  	s2 =	sadd.s32 s2, s17  }
0x8e: {  	[smem:$0x3FBF] =	sst s2  }
0x8f: {  	_ = 	snop  }
0x90: {  	s2 =	sld [smem:$0x3FC7];
	(tm) =	ssettm $0x1  }
0x91: {  	s18 =	sld [smem:$0x3FFB];
	_ =	sdelay $0x3  }
0x92: {  	_ =	strace s18  }
0x93: {  	s3 =	sld [smem:$0x3FFC];
	_ =	sdelay $0x3  }
0x94: {  	_ =	strace s3  }
0x95: {  	s3 =	sld [smem:$0x3FFD];
	_ =	sdelay $0x3  }
0x96: {  	_ =	strace s3  }
0x97: {  	_ =	strace $0x8FFFFFFF  }
0x98: {  	s19 =	sld [smem:$0x3FDB];
	_ =	sdelay $0x1  }
0x99: {  	s4 =	simm.s32 $_scs_section_size  }
0x9a: {  	s5 =	simm.s32 $_size__tile_overlayer_lowered;
	s6 =	simm.s32 $_tile_overlayer_lowered  }
0x9b: {  	s22 =	simm.s32 $0x1BFF;
	s21 =	sshll.u32 s6, $0x1;
	s3 =	sadd.s32 s4, s19  }
0x9c: {  	s7 =	simm.s32 $0x0;
	s20 =	sshll.u32 s5, $0x1;
	s5 =	sadd.s32 s21, s3  }
0x9d: {  	[timem:s7], [sflag:s22] =	dma.local [hbm:s5], s20  }
0x9e: {  	_ =	swait.ge [sflag:s22], s20  }
0x9f: {  	s4 =	ssub.s32 $0x0, s20;
	[sflag:s22] =	ssyncset.done $0x0  }
0xa0: {  	[sflag:s22] =	ssyncadd.s32 s4;
	_ =	sdelay $0x1  }
0xa1: {  	s23 =	simm.s32 $0x1B8B  }
0xa2: {  	_ =	swait.ge [sflag:s23], $0x1  }
0xa3: {  	[sflag:s23] =	ssyncset.done $0x0  }
0xa4: {  	s25 =	simm.s32 $0x1B8E;
	s24 =	sld [smem:$0x3FFE];
	[sflag:s23] =	ssyncadd.s32 $0xFFFFFFFF  }
0xa5: {  	s26 =	simm.s32 $execute0_lowered;
	[smem:$0x3FD2] =	sst s25  }
0xa6: {  	s5 =	sshll.u32 s26, $0x1;
	_ =	strace $0x80000049;
	[dreg:$0x1] =	wrdreg $0xFFFFFFFF  }
0xa7: {  	s28 =	simm.s32 $_size_execute0_lowered;
	s3 =	sadd.s32 s3, s5;
	[dreg:$0x0] =	wrdreg $0x0  }
0xa8: {  	s5 =	sshll.u32 s28, $0x1;
	[dreg:$0x2] =	wrdreg s3  }
0xa9: {  	[dreg:$0x3] =	wrdreg s5  }
0xaa: {  	[dreg:$0x4] =	wrdreg $0xC0  }
0xab: {  	_ =	task [dreg:s7], $0x5FFFF  }
0xac: {  	[dreg:$0x1] =	wrdreg $0xFFFFFFFF  }
0xad: {  	[dreg:$0x0] =	wrdreg $0x60  }
0xae: {  	[dreg:$0x2] =	wrdreg s24  }
0xaf: {  	[dreg:$0x3] =	wrdreg s2  }
0xb0: {  	[dreg:$0x4] =	wrdreg $0x0  }
0xb1: {  	[dreg:$0x5] =	wrdreg $0x9  }
0xb2: {  	_ =	task.clear_ibuf [dreg:s7], $0x6FFFF;
	_ =	strace $0x90000049  }
0xb3: {  	s29 =	simm.s32 $0x9;
	_ =	strace $0x8000004B  }
0xb4: {  	_ =	swait.ge [sflag:s29], $0x1  }
0xb5: {  	[sflag:s29] =	ssyncadd.s32 $0xFFFFFFFF  }
0xb6: {  	_ =	strace $0x9000004B  }
0xb7: {  	_ =	sfence  }
0xb8: {  	s30 =	sld [smem:$0x0];
	_ =	sdelay $0x2  }
0xb9: {  	s31 =	sshll.u32 s1, $0xD;
	s1 =	sshrl.u32 s1, $0x2  }
0xba: {  	s3 =	sand.u32 $0x4000, s31;
	s1 =	sadd.s32 s1, s30  }
0xbb: {  	s0 =	sor.u32 s3, s0;
	s1 =	sshll.u32 s1, $0x11  }
0xbc: {  	s0 =	sor.u32 s1, s0  }
0xbd: {  	s0 =	sadd.s32 $0x8F2B, s0  }
0xbe: {  	[sflag:s0] =	ssyncadd.remote.s32 $0x1  }
0xbf: {  	_ =	sfence.sel $0xFFFF  }
0xc0: {  	[dreg:$0x0] =	wrdreg $0xFFFFFFFF;
	(pc) =	sbr.abs _section_cstart, $3  }
0xc1: {  	[dreg:$0x1] =	wrdreg $0xFFFFFFFF  }
0xc2: {  	_ =	task.clear_ibuf [dreg:s7], $0x2FFFF;
	_ =	strace $0x9FFFFFFF  }
0xc3: {  	(tm) =	ssettm $0x7FFFFFFF  }
tec
execute0_lowered:
.L_overlay_start_1:
0x0: {  	(tag) =	ssettag $0x1  }
0x1: {  	s8 =	rddreg [dreg:$0x0]  }
0x2: {  	s13 =	rddreg [dreg:$0x1]  }
0x3: {  	s0 =	srdreg.scid;
	s2 =	rddreg [dreg:$0x2];
	s4 =	simm.s32 $0x0  }
0x4: {  	s17 =	simm.s32 $0x2;
	s18 =	simm.s32 $0x14000;
	s19 =	simm.s32 $0x16780  }
0x5: {  	s20 =	simm.s32 $0x18F00;
	s21 =	simm.s32 $0x50;
	s22 =	simm.s32 $0x18F80  }
0x6: {  	s23 =	simm.s32 $0x1;
	s7 =	sand.u32 $0x1, s0;
	s0 =	stileid.u32  }
0x7: {  	[smem:$0x7FF] =	sst s4;
	s5 =	sadd.s32 $0x16400, s8;
	s9 =	smul.u32 $0x140000, s7  }
0x8: {  	s6 =	sadd.s32 $0xC600, s8;
	s1 =	sshll.u32 s7, $0x4;
	s10 =	smul.u32 $0x14000, s0  }
0x9: {  	s11 =	smul.u32 $0x50000, s0;
	s29 =	ssub.s32 $0x2, s7;
	s1 =	sor.u32 s0, s1  }
0xa: {  	s31 =	sshrl.u32 s29, $0x1;
	s3 =	smul.u32 $0x2710, s1;
	s1 =	rddreg [dreg:$0x3]  }
0xb: {  	_ =	strace $0x8000004A;
	s9 =	sadd.s32 s10, s9;
	s30 =	sshrl.u32 s11, $0x2  }
0xc: {  	s16 =	ssub.s32 s29, s31;
	s9 =	sshrl.u32 s9, $0x3;
	s7 =	sadd.s32 s30, s2  }
0xd: {  	s14 =	sshrl.u32 s3, $0x3;
	s15 =	sadd.s32 s9, s8;
	s9 =	sadd.s32 $0x8000, s7  }
0xe: {  	s10 =	sadd.s32 $0xC000, s7;
	s11 =	sadd.s32 $0x10000, s7;
	s12 =	sadd.s32 s14, s8  }
0xf: {  	s8 =	sadd.s32 $0x4000, s7;
	s13 =	sadd.s32 s13, s14;
	s14 =	sadd.s32 $0x3D600, s15  }
0x10: {  	v0 =	vimm.f32 $0.0e+00;
	s15 =	smax.u32 s16, $0x1;
	s16 =	simm.s32 $0x1B780;
	s12 =	sadd.s32 $0x2800, s12  }
.LBB2_1:
0x11: {  	s24 =	simm.s32 $0x0;
	s25 =	simm.s32 $0x200  }
.LBB2_2:
0x12: {  	p0 =	sne.s32 s25, $0xFE00;
	[tilespmem:s24+$0x1B7F0] =	vst v0  }
0x13: {  	[tilespmem:s24+$0x1B780] =	vst v0  }
0x14: {  	[tilespmem:s24+$0x1B790] =	vst v0  }
.Ltmp0:
0x15: {  	[tilespmem:s24+$0x1B7A0] =	vst v0;
	(pc) =	sbr.rel @p0 .LBB2_2-.Ltmp0, $4  }
0x16: {  	[tilespmem:s24+$0x1B7B0] =	vst v0  }
0x17: {  	[tilespmem:s24+$0x1B7C0] =	vst v0  }
0x18: {  	[tilespmem:s24+$0x1B7D0] =	vst v0  }
0x19: {  	[tilespmem:s24+$0x1B7E0] =	vst v0;
	s24 =	sshra.s32 s25, $0x2;
	s25 =	sadd.s32 $0x200, s25  }
0x1a: {  	[tilespmem:s24+$0x1B7F0] =	vst v0  }
0x1b: {  	[tilespmem:s24+$0x1B780] =	vst v0  }
0x1c: {  	[tilespmem:s24+$0x1B790] =	vst v0  }
0x1d: {  	[tilespmem:s24+$0x1B7A0] =	vst v0  }
0x1e: {  	[tilespmem:s24+$0x1B7B0] =	vst v0  }
0x1f: {  	[tilespmem:s24+$0x1B7C0] =	vst v0  }
0x20: {  	[tilespmem:s24+$0x1B7D0] =	vst v0  }
0x21: {  	[tilespmem:s24+$0x1B7E0] =	vst v0  }
0x22: {  	[spmem:s7] =	stream.linear.scatter [tilespmem:s16], [sflag:$0x2], $0x4000, $0x38;
	[tilespmem:$0x1F780] =	vst v63  }
0x23: {  	_ =	swait.ge [sflag:s17], $0x4000  }
0x24: {  	[sflag:s17] =	ssyncset.done $0x0  }
0x25: {  	[sflag:s17] =	ssyncadd.s32 $0xFFFFC000  }
0x26: {  	[spmem:s8] =	stream.linear.scatter [tilespmem:s16], [sflag:$0x2], $0x4000, $0x38;
	[tilespmem:$0x1F780] =	vst v63  }
0x27: {  	_ =	swait.ge [sflag:s17], $0x4000  }
0x28: {  	[sflag:s17] =	ssyncset.done $0x0  }
0x29: {  	[sflag:s17] =	ssyncadd.s32 $0xFFFFC000  }
0x2a: {  	[spmem:s9] =	stream.linear.scatter [tilespmem:s16], [sflag:$0x2], $0x4000, $0x38;
	[tilespmem:$0x1F780] =	vst v63  }
0x2b: {  	_ =	swait.ge [sflag:s17], $0x4000  }
0x2c: {  	[sflag:s17] =	ssyncset.done $0x0  }
0x2d: {  	[sflag:s17] =	ssyncadd.s32 $0xFFFFC000  }
0x2e: {  	[spmem:s10] =	stream.linear.scatter [tilespmem:s16], [sflag:$0x2], $0x4000, $0x38;
	[tilespmem:$0x1F780] =	vst v63  }
0x2f: {  	_ =	swait.ge [sflag:s17], $0x4000  }
0x30: {  	[sflag:s17] =	ssyncset.done $0x0  }
0x31: {  	[sflag:s17] =	ssyncadd.s32 $0xFFFFC000  }
0x32: {  	[spmem:s11] =	stream.linear.scatter [tilespmem:s16], [sflag:$0x2], $0x4000, $0x38;
	[tilespmem:$0x1F780] =	vst v63  }
0x33: {  	_ =	swait.ge [sflag:s17], $0x4000  }
0x34: {  	[sflag:s17] =	ssyncset.done $0x0  }
0x35: {  	s24 =	simm.s32 $0x0;
	[sflag:s17] =	ssyncadd.s32 $0xFFFFC000  }
0x36: {  	[tilespmem:s18], [sflag:$0x2] =	stream.linear.gather [hbm4b:s12+s24], $0x2710, $0x38;
	[tilespmem:$0x1F780] =	vst v63  }
0x37: {  	_ =	swait.ge [sflag:s17], $0x2710  }
0x38: {  	[sflag:s17] =	ssyncset.done $0x0  }
0x39: {  	[sflag:s17] =	ssyncadd.s32 $0xFFFFD8F0  }
0x3a: {  	[tilespmem:s19], [sflag:$0x2] =	stream.linear.gather [hbm4b:s13+s24], $0x2710, $0x38;
	[tilespmem:$0x1F780] =	vst v63  }
0x3b: {  	_ =	swait.ge [sflag:s17], $0x2710  }
0x3c: {  	[sflag:s17] =	ssyncset.done $0x0  }
0x3d: {  	[sflag:s17] =	ssyncadd.s32 $0xFFFFD8F0  }
0x3e: {  	s25 =	simm.s32 $0x0;
	[bflag:$0x0] =	sbarrier.arrive $0xFFFF  }
.LBB2_4:
0x3f: {  	s26 =	smul.u32 $0x50, s25;
	_ =	sdelay $0x1  }
0x40: {  	s28 =	sadd.s32 s3, s26  }
0x41: {  	s28 =	sshrl.u32 s28, $0x3  }
0x42: {  	s28 =	sadd.s32 s6, s28  }
0x43: {  	[tilespmem:s20], [sflag:$0x2] =	stream.linear.gather [hbm4b:s28+s24], $0x50, $0x38;
	[tilespmem:$0x1F780] =	vst v63  }
0x44: {  	_ =	swait.ge [sflag:s17], $0x50  }
0x45: {  	[sflag:s17] =	ssyncset.done $0x0  }
0x46: {  	s31 =	sadd.s32 $0x14000, s26;
	s26 =	sadd.s32 $0x16780, s26;
	[sflag:s17] =	ssyncadd.s32 $0xFFFFFFB0  }
0x47: {  	[tilespmem:s22], [sflag:$0x1] =	stream.indirect.gather [hbm4b:s5+s21], $0x80, s31, s21, $0xb8;
	[tilespmem:$0x1F780] =	vst v63  }
0x48: {  	v1 =	vmov s26;
	_ =	swait.ge [sflag:s23], $0x2800  }
0x49: {  	[sflag:s23] =	ssyncset.done $0x0  }
0x4a: {  	s26 =	simm.s32 $0x0;
	[sflag:s23] =	ssyncadd.s32 $0xFFFFD800  }
.LBB2_5:
0x4b: {  	s28 =	sshll.u32 s26, $0x4  }
0x4c: {  	s28 =	sand.u32 $0x3FFFFFF0, s28  }
0x4d: {  	s31 =	sshll.u32 s26, $0xB;
	v2 =	vld.idx.msk [tilespmem:v1+s28+$0x0 ss:$0x1], $0xffff  }
0x4e: {  	s28 =	sand.u32 $0x3FFFF800, s31  }
0x4f: {  	v3 =	vld [tilespmem:s28+$0x18F80]  }
0x50: {  	v4 =	vld [tilespmem:s28+$0x18F90]  }
0x51: {  	v5 =	vld [tilespmem:s28+$0x18FA0]  }
0x52: {  	v7 =	vld [tilespmem:s28+$0x18FB0];
	v6 =	vbroadcast v2, $0x0  }
0x53: {  	v8 =	vld [tilespmem:s28+$0x18FC0]  }
0x54: {  	v9 =	vld [tilespmem:s28+$0x18FD0];
	v3 =	vmul.f32 v6, v3  }
0x55: {  	v10 =	vld [tilespmem:s28+$0x18FE0];
	v4 =	vmul.f32 v4, v6  }
0x56: {  	v24 =	vld [tilespmem:s28+$0x18FF0];
	[tilespmem:s28+$0x18F80] =	vst v3;
	v3 =	vmul.f32 v5, v6  }
0x57: {  	v26 =	vld [tilespmem:s28+$0x19000];
	v25 =	vmul.f32 v7, v6;
	[tilespmem:s28+$0x18F90] =	vst v4  }
0x58: {  	v27 =	vld [tilespmem:s28+$0x19010];
	[tilespmem:s28+$0x18FA0] =	vst v3;
	v3 =	vmul.f32 v8, v6  }
0x59: {  	v29 =	vld [tilespmem:s28+$0x19020];
	v28 =	vmul.f32 v9, v6;
	[tilespmem:s28+$0x18FB0] =	vst v25  }
0x5a: {  	v11 =	vld [tilespmem:s28+$0x19030];
	v30 =	vbroadcast v2, $0x1;
	[tilespmem:s28+$0x18FC0] =	vst v3;
	v3 =	vmul.f32 v10, v6  }
0x5b: {  	v32 =	vld [tilespmem:s28+$0x19040];
	v31 =	vmul.f32 v24, v6;
	[tilespmem:s28+$0x18FD0] =	vst v28  }
0x5c: {  	v33 =	vld [tilespmem:s28+$0x19050];
	[tilespmem:s28+$0x18FE0] =	vst v3;
	v3 =	vmul.f32 v26, v30  }
0x5d: {  	v35 =	vld [tilespmem:s28+$0x19060];
	v34 =	vmul.f32 v27, v30;
	[tilespmem:s28+$0x18FF0] =	vst v31  }
0x5e: {  	v36 =	vld [tilespmem:s28+$0x19070];
	[tilespmem:s28+$0x19000] =	vst v3;
	v3 =	vmul.f32 v29, v30  }
0x5f: {  	v38 =	vld [tilespmem:s28+$0x19080];
	v37 =	vmul.f32 v11, v30;
	[tilespmem:s28+$0x19010] =	vst v34  }
0x60: {  	v39 =	vld [tilespmem:s28+$0x19090];
	[tilespmem:s28+$0x19020] =	vst v3;
	v3 =	vmul.f32 v32, v30  }
0x61: {  	v41 =	vld [tilespmem:s28+$0x190A0];
	v40 =	vmul.f32 v33, v30;
	[tilespmem:s28+$0x19030] =	vst v37  }
0x62: {  	v43 =	vld [tilespmem:s28+$0x190B0];
	v42 =	vbroadcast v2, $0x2;
	[tilespmem:s28+$0x19040] =	vst v3;
	v3 =	vmul.f32 v35, v30  }
0x63: {  	v45 =	vld [tilespmem:s28+$0x190C0];
	v44 =	vmul.f32 v36, v30;
	[tilespmem:s28+$0x19050] =	vst v40  }
0x64: {  	v46 =	vld [tilespmem:s28+$0x190D0];
	[tilespmem:s28+$0x19060] =	vst v3;
	v3 =	vmul.f32 v38, v42  }
0x65: {  	v48 =	vld [tilespmem:s28+$0x190E0];
	v47 =	vmul.f32 v39, v42;
	[tilespmem:s28+$0x19070] =	vst v44  }
0x66: {  	v49 =	vld [tilespmem:s28+$0x190F0];
	[tilespmem:s28+$0x19080] =	vst v3;
	v3 =	vmul.f32 v41, v42  }
0x67: {  	v51 =	vld [tilespmem:s28+$0x19100];
	v50 =	vmul.f32 v43, v42;
	[tilespmem:s28+$0x19090] =	vst v47  }
0x68: {  	v52 =	vld [tilespmem:s28+$0x19110];
	[tilespmem:s28+$0x190A0] =	vst v3;
	v3 =	vmul.f32 v45, v42  }
0x69: {  	v54 =	vld [tilespmem:s28+$0x19120];
	v53 =	vmul.f32 v46, v42;
	[tilespmem:s28+$0x190B0] =	vst v50  }
0x6a: {  	v56 =	vld [tilespmem:s28+$0x19130];
	v55 =	vbroadcast v2, $0x3;
	[tilespmem:s28+$0x190C0] =	vst v3;
	v3 =	vmul.f32 v48, v42  }
0x6b: {  	v58 =	vld [tilespmem:s28+$0x19140];
	v57 =	vmul.f32 v49, v42;
	[tilespmem:s28+$0x190D0] =	vst v53  }
0x6c: {  	v59 =	vld [tilespmem:s28+$0x19150];
	[tilespmem:s28+$0x190E0] =	vst v3;
	v3 =	vmul.f32 v51, v55  }
0x6d: {  	v61 =	vld [tilespmem:s28+$0x19160];
	v60 =	vmul.f32 v52, v55;
	[tilespmem:s28+$0x190F0] =	vst v57  }
0x6e: {  	v62 =	vld [tilespmem:s28+$0x19170];
	[tilespmem:s28+$0x19100] =	vst v3;
	v3 =	vmul.f32 v54, v55  }
0x6f: {  	v12 =	vld [tilespmem:s28+$0x19180];
	v63 =	vmul.f32 v56, v55;
	[tilespmem:s28+$0x19110] =	vst v60  }
0x70: {  	v13 =	vld [tilespmem:s28+$0x19190];
	[tilespmem:s28+$0x19120] =	vst v3;
	v3 =	vmul.f32 v58, v55  }
0x71: {  	v15 =	vld [tilespmem:s28+$0x191A0];
	v14 =	vmul.f32 v59, v55;
	[tilespmem:s28+$0x19130] =	vst v63  }
0x72: {  	v17 =	vld [tilespmem:s28+$0x191B0];
	v16 =	vbroadcast v2, $0x4;
	[tilespmem:s28+$0x19140] =	vst v3;
	v3 =	vmul.f32 v61, v55  }
0x73: {  	v19 =	vld [tilespmem:s28+$0x191C0];
	v18 =	vmul.f32 v62, v55;
	[tilespmem:s28+$0x19150] =	vst v14  }
0x74: {  	v20 =	vld [tilespmem:s28+$0x191D0];
	[tilespmem:s28+$0x19160] =	vst v3;
	v3 =	vmul.f32 v12, v16  }
0x75: {  	v22 =	vld [tilespmem:s28+$0x191E0];
	v21 =	vmul.f32 v13, v16;
	[tilespmem:s28+$0x19170] =	vst v18  }
0x76: {  	v23 =	vld [tilespmem:s28+$0x191F0];
	[tilespmem:s28+$0x19180] =	vst v3;
	v3 =	vmul.f32 v15, v16  }
0x77: {  	v24 =	vmul.f32 v17, v16;
	[tilespmem:s28+$0x19190] =	vst v21;
	v25 =	vld [tilespmem:s28+$0x19200]  }
0x78: {  	v33 =	vld [tilespmem:s28+$0x19250];
	[tilespmem:s28+$0x191A0] =	vst v3;
	v3 =	vmul.f32 v19, v16  }
0x79: {  	v27 =	vmul.f32 v20, v16;
	[tilespmem:s28+$0x191B0] =	vst v24;
	v28 =	vld [tilespmem:s28+$0x19220]  }
0x7a: {  	v36 =	vld [tilespmem:s28+$0x19270];
	v29 =	vbroadcast v2, $0x5;
	[tilespmem:s28+$0x191C0] =	vst v3;
	v3 =	vmul.f32 v22, v16  }
0x7b: {  	[tilespmem:s28+$0x191D0] =	vst v27;
	v31 =	vmul.f32 v23, v16;
	v32 =	vld [tilespmem:s28+$0x19240]  }
0x7c: {  	v26 =	vld [tilespmem:s28+$0x19210];
	[tilespmem:s28+$0x191E0] =	vst v3;
	v3 =	vmul.f32 v25, v29  }
0x7d: {  	[tilespmem:s28+$0x191F0] =	vst v31;
	v40 =	vmul.f32 v33, v29;
	v35 =	vld [tilespmem:s28+$0x19260]  }
0x7e: {  	v30 =	vld [tilespmem:s28+$0x19230];
	[tilespmem:s28+$0x19200] =	vst v3;
	v3 =	vmul.f32 v28, v29  }
0x7f: {  	v44 =	vmul.f32 v36, v29;
	[tilespmem:s28+$0x19250] =	vst v40;
	v38 =	vld [tilespmem:s28+$0x19280]  }
0x80: {  	v39 =	vld [tilespmem:s28+$0x19290];
	[tilespmem:s28+$0x19220] =	vst v3;
	v3 =	vmul.f32 v32, v29  }
0x81: {  	v34 =	vmul.f32 v26, v29;
	[tilespmem:s28+$0x19270] =	vst v44;
	v41 =	vld [tilespmem:s28+$0x192A0]  }
0x82: {  	v43 =	vld [tilespmem:s28+$0x192B0];
	v42 =	vbroadcast v2, $0x6;
	[tilespmem:s28+$0x19240] =	vst v3;
	v3 =	vmul.f32 v35, v29  }
0x83: {  	[tilespmem:s28+$0x19210] =	vst v34;
	v37 =	vmul.f32 v30, v29;
	v45 =	vld [tilespmem:s28+$0x192C0]  }
0x84: {  	v46 =	vld [tilespmem:s28+$0x192D0];
	[tilespmem:s28+$0x19260] =	vst v3;
	v3 =	vmul.f32 v38, v42  }
0x85: {  	[tilespmem:s28+$0x19230] =	vst v37;
	v48 =	vld [tilespmem:s28+$0x192E0];
	v47 =	vmul.f32 v39, v42  }
0x86: {  	v49 =	vld [tilespmem:s28+$0x192F0];
	[tilespmem:s28+$0x19280] =	vst v3;
	v3 =	vmul.f32 v41, v42  }
0x87: {  	v50 =	vmul.f32 v43, v42;
	v51 =	vld [tilespmem:s28+$0x19300];
	[tilespmem:s28+$0x19290] =	vst v47  }
0x88: {  	v52 =	vld [tilespmem:s28+$0x19310];
	[tilespmem:s28+$0x192A0] =	vst v3;
	v3 =	vmul.f32 v45, v42  }
0x89: {  	v53 =	vmul.f32 v46, v42;
	[tilespmem:s28+$0x192B0] =	vst v50;
	v54 =	vld [tilespmem:s28+$0x19320]  }
0x8a: {  	v56 =	vld [tilespmem:s28+$0x19330];
	v55 =	vbroadcast v2, $0x7;
	[tilespmem:s28+$0x192C0] =	vst v3;
	v3 =	vmul.f32 v48, v42  }
0x8b: {  	v57 =	vmul.f32 v49, v42;
	[tilespmem:s28+$0x192D0] =	vst v53;
	v58 =	vld [tilespmem:s28+$0x19340]  }
0x8c: {  	v59 =	vld [tilespmem:s28+$0x19350];
	[tilespmem:s28+$0x192E0] =	vst v3;
	v3 =	vmul.f32 v51, v55  }
0x8d: {  	[tilespmem:s28+$0x192F0] =	vst v57;
	v61 =	vld [tilespmem:s28+$0x19360];
	v60 =	vmul.f32 v52, v55  }
0x8e: {  	v62 =	vld [tilespmem:s28+$0x19370];
	[tilespmem:s28+$0x19300] =	vst v3;
	v3 =	vmul.f32 v54, v55  }
0x8f: {  	v63 =	vmul.f32 v56, v55;
	v12 =	vld [tilespmem:s28+$0x19380];
	[tilespmem:s28+$0x19310] =	vst v60  }
0x90: {  	v13 =	vld [tilespmem:s28+$0x19390];
	[tilespmem:s28+$0x19320] =	vst v3;
	v3 =	vmul.f32 v58, v55  }
0x91: {  	v14 =	vmul.f32 v59, v55;
	[tilespmem:s28+$0x19330] =	vst v63;
	v15 =	vld [tilespmem:s28+$0x193A0]  }
0x92: {  	v17 =	vld [tilespmem:s28+$0x193B0];
	v16 =	vbroadcast v2, $0x8;
	[tilespmem:s28+$0x19340] =	vst v3;
	v3 =	vmul.f32 v61, v55  }
0x93: {  	v18 =	vmul.f32 v62, v55;
	[tilespmem:s28+$0x19350] =	vst v14;
	v19 =	vld [tilespmem:s28+$0x193C0]  }
0x94: {  	v20 =	vld [tilespmem:s28+$0x193D0];
	[tilespmem:s28+$0x19360] =	vst v3;
	v3 =	vmul.f32 v12, v16  }
0x95: {  	[tilespmem:s28+$0x19370] =	vst v18;
	v22 =	vld [tilespmem:s28+$0x193E0];
	v21 =	vmul.f32 v13, v16  }
0x96: {  	v23 =	vld [tilespmem:s28+$0x193F0];
	[tilespmem:s28+$0x19380] =	vst v3;
	v3 =	vmul.f32 v15, v16  }
0x97: {  	v24 =	vmul.f32 v17, v16;
	v25 =	vld [tilespmem:s28+$0x19400];
	[tilespmem:s28+$0x19390] =	vst v21  }
0x98: {  	v26 =	vld [tilespmem:s28+$0x19410];
	[tilespmem:s28+$0x193A0] =	vst v3;
	v3 =	vmul.f32 v19, v16  }
0x99: {  	v27 =	vmul.f32 v20, v16;
	[tilespmem:s28+$0x193B0] =	vst v24;
	v28 =	vld [tilespmem:s28+$0x19420]  }
0x9a: {  	v30 =	vld [tilespmem:s28+$0x19430];
	v29 =	vbroadcast v2, $0x9;
	[tilespmem:s28+$0x193C0] =	vst v3;
	v3 =	vmul.f32 v22, v16  }
0x9b: {  	v31 =	vmul.f32 v23, v16;
	[tilespmem:s28+$0x193D0] =	vst v27;
	v32 =	vld [tilespmem:s28+$0x19440]  }
0x9c: {  	v33 =	vld [tilespmem:s28+$0x19450];
	[tilespmem:s28+$0x193E0] =	vst v3;
	v3 =	vmul.f32 v25, v29  }
0x9d: {  	[tilespmem:s28+$0x193F0] =	vst v31;
	v35 =	vld [tilespmem:s28+$0x19460];
	v34 =	vmul.f32 v26, v29  }
0x9e: {  	v36 =	vld [tilespmem:s28+$0x19470];
	[tilespmem:s28+$0x19400] =	vst v3;
	v3 =	vmul.f32 v28, v29  }
0x9f: {  	v37 =	vmul.f32 v30, v29;
	v38 =	vld [tilespmem:s28+$0x19480];
	[tilespmem:s28+$0x19410] =	vst v34  }
0xa0: {  	v39 =	vld [tilespmem:s28+$0x19490];
	[tilespmem:s28+$0x19420] =	vst v3;
	v3 =	vmul.f32 v32, v29  }
0xa1: {  	v40 =	vmul.f32 v33, v29;
	[tilespmem:s28+$0x19430] =	vst v37;
	v41 =	vld [tilespmem:s28+$0x194A0]  }
0xa2: {  	v43 =	vld [tilespmem:s28+$0x194B0];
	v42 =	vbroadcast v2, $0xA;
	[tilespmem:s28+$0x19440] =	vst v3;
	v3 =	vmul.f32 v35, v29  }
0xa3: {  	v44 =	vmul.f32 v36, v29;
	[tilespmem:s28+$0x19450] =	vst v40;
	v45 =	vld [tilespmem:s28+$0x194C0]  }
0xa4: {  	v46 =	vld [tilespmem:s28+$0x194D0];
	[tilespmem:s28+$0x19460] =	vst v3;
	v3 =	vmul.f32 v38, v42  }
0xa5: {  	[tilespmem:s28+$0x19470] =	vst v44;
	v48 =	vld [tilespmem:s28+$0x194E0];
	v47 =	vmul.f32 v39, v42  }
0xa6: {  	v49 =	vld [tilespmem:s28+$0x194F0];
	[tilespmem:s28+$0x19480] =	vst v3;
	v3 =	vmul.f32 v41, v42  }
0xa7: {  	v50 =	vmul.f32 v43, v42;
	v51 =	vld [tilespmem:s28+$0x19500];
	[tilespmem:s28+$0x19490] =	vst v47  }
0xa8: {  	v52 =	vld [tilespmem:s28+$0x19510];
	[tilespmem:s28+$0x194A0] =	vst v3;
	v3 =	vmul.f32 v45, v42  }
0xa9: {  	v53 =	vmul.f32 v46, v42;
	[tilespmem:s28+$0x194B0] =	vst v50;
	v54 =	vld [tilespmem:s28+$0x19520]  }
0xaa: {  	v56 =	vld [tilespmem:s28+$0x19530];
	v55 =	vbroadcast v2, $0xB;
	[tilespmem:s28+$0x194C0] =	vst v3;
	v3 =	vmul.f32 v48, v42  }
0xab: {  	v57 =	vmul.f32 v49, v42;
	[tilespmem:s28+$0x194D0] =	vst v53;
	v58 =	vld [tilespmem:s28+$0x19540]  }
0xac: {  	v59 =	vld [tilespmem:s28+$0x19550];
	[tilespmem:s28+$0x194E0] =	vst v3;
	v3 =	vmul.f32 v51, v55  }
0xad: {  	[tilespmem:s28+$0x194F0] =	vst v57;
	v61 =	vld [tilespmem:s28+$0x19560];
	v60 =	vmul.f32 v52, v55  }
0xae: {  	v62 =	vld [tilespmem:s28+$0x19570];
	[tilespmem:s28+$0x19500] =	vst v3;
	v3 =	vmul.f32 v54, v55  }
0xaf: {  	v63 =	vmul.f32 v56, v55;
	v12 =	vld [tilespmem:s28+$0x19580];
	[tilespmem:s28+$0x19510] =	vst v60  }
0xb0: {  	v13 =	vld [tilespmem:s28+$0x19590];
	[tilespmem:s28+$0x19520] =	vst v3;
	v3 =	vmul.f32 v58, v55  }
0xb1: {  	v14 =	vmul.f32 v59, v55;
	[tilespmem:s28+$0x19530] =	vst v63;
	v15 =	vld [tilespmem:s28+$0x195A0]  }
0xb2: {  	v17 =	vld [tilespmem:s28+$0x195B0];
	v16 =	vbroadcast v2, $0xC;
	[tilespmem:s28+$0x19540] =	vst v3;
	v3 =	vmul.f32 v61, v55  }
0xb3: {  	v18 =	vmul.f32 v62, v55;
	[tilespmem:s28+$0x19550] =	vst v14;
	v19 =	vld [tilespmem:s28+$0x195C0]  }
0xb4: {  	v20 =	vld [tilespmem:s28+$0x195D0];
	[tilespmem:s28+$0x19560] =	vst v3;
	v3 =	vmul.f32 v12, v16  }
0xb5: {  	[tilespmem:s28+$0x19570] =	vst v18;
	v22 =	vld [tilespmem:s28+$0x195E0];
	v21 =	vmul.f32 v13, v16  }
0xb6: {  	v23 =	vld [tilespmem:s28+$0x195F0];
	[tilespmem:s28+$0x19580] =	vst v3;
	v3 =	vmul.f32 v15, v16  }
0xb7: {  	v24 =	vmul.f32 v17, v16;
	v25 =	vld [tilespmem:s28+$0x19600];
	[tilespmem:s28+$0x19590] =	vst v21  }
0xb8: {  	v26 =	vld [tilespmem:s28+$0x19610];
	[tilespmem:s28+$0x195A0] =	vst v3;
	v3 =	vmul.f32 v19, v16  }
0xb9: {  	v27 =	vmul.f32 v20, v16;
	[tilespmem:s28+$0x195B0] =	vst v24;
	v28 =	vld [tilespmem:s28+$0x19620]  }
0xba: {  	v30 =	vld [tilespmem:s28+$0x19630];
	v29 =	vbroadcast v2, $0xD;
	[tilespmem:s28+$0x195C0] =	vst v3;
	v3 =	vmul.f32 v22, v16  }
0xbb: {  	v31 =	vmul.f32 v23, v16;
	[tilespmem:s28+$0x195D0] =	vst v27;
	v32 =	vld [tilespmem:s28+$0x19640]  }
0xbc: {  	v33 =	vld [tilespmem:s28+$0x19650];
	[tilespmem:s28+$0x195E0] =	vst v3;
	v3 =	vmul.f32 v25, v29  }
0xbd: {  	[tilespmem:s28+$0x195F0] =	vst v31;
	v35 =	vld [tilespmem:s28+$0x19660];
	v34 =	vmul.f32 v26, v29  }
0xbe: {  	v36 =	vld [tilespmem:s28+$0x19670];
	[tilespmem:s28+$0x19600] =	vst v3;
	v3 =	vmul.f32 v28, v29  }
0xbf: {  	v37 =	vmul.f32 v30, v29;
	v38 =	vld [tilespmem:s28+$0x19680];
	[tilespmem:s28+$0x19610] =	vst v34  }
0xc0: {  	v39 =	vld [tilespmem:s28+$0x19690];
	[tilespmem:s28+$0x19620] =	vst v3;
	v3 =	vmul.f32 v32, v29  }
0xc1: {  	v40 =	vmul.f32 v33, v29;
	[tilespmem:s28+$0x19630] =	vst v37;
	v41 =	vld [tilespmem:s28+$0x196A0]  }
0xc2: {  	v43 =	vld [tilespmem:s28+$0x196B0];
	v42 =	vbroadcast v2, $0xE;
	[tilespmem:s28+$0x19640] =	vst v3;
	v3 =	vmul.f32 v35, v29  }
0xc3: {  	v44 =	vmul.f32 v36, v29;
	[tilespmem:s28+$0x19650] =	vst v40;
	v45 =	vld [tilespmem:s28+$0x196C0]  }
0xc4: {  	v46 =	vld [tilespmem:s28+$0x196D0];
	[tilespmem:s28+$0x19660] =	vst v3;
	v3 =	vmul.f32 v38, v42  }
0xc5: {  	[tilespmem:s28+$0x19670] =	vst v44;
	v48 =	vld [tilespmem:s28+$0x196E0];
	v47 =	vmul.f32 v39, v42  }
0xc6: {  	v49 =	vld [tilespmem:s28+$0x196F0];
	[tilespmem:s28+$0x19680] =	vst v3;
	v3 =	vmul.f32 v41, v42  }
0xc7: {  	v50 =	vmul.f32 v43, v42;
	v51 =	vld [tilespmem:s28+$0x19700];
	[tilespmem:s28+$0x19690] =	vst v47  }
0xc8: {  	v52 =	vld [tilespmem:s28+$0x19710];
	[tilespmem:s28+$0x196A0] =	vst v3;
	v3 =	vmul.f32 v45, v42  }
0xc9: {  	v53 =	vmul.f32 v46, v42;
	[tilespmem:s28+$0x196B0] =	vst v50;
	v54 =	vld [tilespmem:s28+$0x19720]  }
0xca: {  	v2 =	vbroadcast v2, $0xF;
	v58 =	vld [tilespmem:s28+$0x19750];
	[tilespmem:s28+$0x196C0] =	vst v3;
	v3 =	vmul.f32 v48, v42  }
0xcb: {  	v57 =	vld [tilespmem:s28+$0x19740];
	v56 =	vmul.f32 v49, v42;
	[tilespmem:s28+$0x196D0] =	vst v53  }
0xcc: {  	v55 =	vld [tilespmem:s28+$0x19730];
	[tilespmem:s28+$0x196E0] =	vst v3;
	v3 =	vmul.f32 v51, v2  }
0xcd: {  	v60 =	vld [tilespmem:s28+$0x19760];
	v59 =	vmul.f32 v52, v2;
	[tilespmem:s28+$0x196F0] =	vst v56  }
0xce: {  	v61 =	vld [tilespmem:s28+$0x19770];
	[tilespmem:s28+$0x19700] =	vst v3;
	v3 =	vmul.f32 v54, v2  }
0xcf: {  	[tilespmem:s28+$0x19710] =	vst v59;
	v63 =	vmul.f32 v58, v2  }
0xd0: {  	p0 =	sne.s32 s26, $0x4;
	[tilespmem:s28+$0x19720] =	vst v3;
	v3 =	vmul.f32 v57, v2  }
.Ltmp1:
0xd1: {  	v62 =	vmul.f32 v55, v2;
	[tilespmem:s28+$0x19750] =	vst v63;
	(pc) =	sbr.rel @p0 .LBB2_5-.Ltmp1, $4  }
0xd2: {  	[tilespmem:s28+$0x19740] =	vst v3;
	v3 =	vmul.f32 v60, v2  }
0xd3: {  	[tilespmem:s28+$0x19730] =	vst v62;
	v2 =	vmul.f32 v61, v2  }
0xd4: {  	[tilespmem:s28+$0x19760] =	vst v3  }
0xd5: {  	s26 =	sadd.s32 $0x1, s26;
	[tilespmem:s28+$0x19770] =	vst v2  }
0xd6: {  	s25 =	sadd.s32 $0x1, s25  }
0xd7: {  	p0 =	sne.s32 s25, $0x7D  }
.Ltmp2:
0xd8: {  	_ = 	snop;
	(pc) =	sbr.rel @p0 .LBB2_4-.Ltmp2, $4  }
0xd9: {  	[spmem:s2] =	stream.indirect.scatter.add.f32 [tilespmem:s22], [sflag:$0x2], $0x80, s20, s21, $0xb8;
	[tilespmem:$0x1F780] =	vst v63  }
0xda: {  	_ =	swait.ge [sflag:s17], $0x2800  }
0xdb: {  	[sflag:s17] =	ssyncset.done $0x0  }
0xdc: {  	[sflag:s17] =	ssyncadd.s32 $0xFFFFD800  }
0xdd: {  	s4 =	sadd.s32 $0x1, s4  }
0xde: {  	s24 =	sshll.u32 s0, $0x6;
	[bflag:$0x0] =	sbarrier.arrive $0xFFFF;
	p0 =	sne.s32 s4, s15  }
.Ltmp3:
0xdf: {  	s25 =	sshrl.u32 s7, $0x3;
	s24 =	sor.u32 $0x1C02, s24;
	(pc) =	sbr.rel @p0 .LBB2_1-.Ltmp3, $4  }
0xe0: {  	[hbm:s14], [sflag:s24] =	dma.local [spmem:s25], $0x2800  }
0xe1: {  	_ =	swait.ge [sflag:s17], $0x2800  }
0xe2: {  	[sflag:s17] =	ssyncset.done $0x0  }
0xe3: {  	[sflag:s17] =	ssyncadd.s32 $0xFFFFD800  }
0xe4: {  	_ =	sfence.sel $0x180000  }
0xe5: {  	[bflag:$0x0] =	sbarrier.arrive $0xFFFF  }
0xe6: {  	p0 =	sne.s32 s0, $0x0;
	_ =	strace $0x9000004A  }
0xe7: {  	s0 =	sadd.s32 @!p0 $0x100000, s1;
	[bflag:$0x2] =	sbarrier.arrive $0xFFFF  }
0xe8: {  	[sflag:s0] =	ssyncadd.tile.s32 @!p0 $0x1;
	_ =	shalt  }
.Lfunc_end2:
_tile_overlayer_lowered:
.L_overlay_start_2:
0xe9: {  	(tag) =	ssettag $0x2  }
0xea: {  	s0 =	rddreg [dreg:$0x0];
	s2 =	stileid.u32  }
0xeb: {  	s1 =	rddreg [dreg:$0x1];
	p0 =	sne.s32 s2, $0x0  }
0xec: {  	s3 =	rddreg [dreg:$0x2];
	[bflag:$0x3] =	sbarrier.arrive $0xFFFF;
	s2 =	simm.s32 @!p0 $0x1C02  }
0xed: {  	[timem:s3], [sflag:s2] =	dma.local @!p0 [hbm:s0], s1  }
0xee: {  	s0 =	simm.s32 @!p0 $0x2  }
0xef: {  	_ =	swait.ge @!p0 [sflag:s0], s1  }
0xf0: {  	s1 =	ssub.s32 @!p0 $0x0, s1;
	[sflag:s0] =	ssyncset.done @!p0 $0x0  }
0xf1: {  	[sflag:s0] =	ssyncadd.s32 @!p0 s1  }
0xf2: {  	[bflag:$0x3] =	sbarrier.arrive $0xFFFF  }
0xf3: {  	_ =	shalt  }

// kernel: kernel.14.cloned.1.call-start
scs
__scs_entry_jumppad:
0x0: {  	(pc) =	sbr.rel $0x88, $3  }
0x1: {  	(tag) =	ssettag $0x0;
	lr =	simm.s32 $0x1  }
0x2: {  	[smem:$0x3F98] =	sst lr;
	_ =	strace $0xD0000000  }
0x3: {  	_ = 	snop  }
0x4: {  	_ = 	snop  }
0x5: {  	_ = 	snop  }
0x6: {  	_ = 	snop  }
0x7: {  	_ = 	snop  }
__scs_overlays_trampoline_lowered:
0x8: {  	[smem:$0x3FA7] =	sst s0  }
0x9: {  	[smem:$0x3FA8] =	sst s1  }
0xa: {  	[smem:$0x3FA9] =	sst s2  }
0xb: {  	[smem:$0x3FAA] =	sst s3  }
0xc: {  	[smem:$0x3FAB] =	sst s4  }
0xd: {  	[smem:$0x3FAC] =	sst s5  }
0xe: {  	[smem:$0x3FAD] =	sst s6  }
0xf: {  	[smem:$0x3FAE] =	sst s7  }
0x10: {  	[smem:$0x3FAF] =	sst s8  }
0x11: {  	[smem:$0x3FB0] =	sst s9;
	s0 =	simm.s32 @!p0 $0x0  }
0x12: {  	s1 =	sld [smem:$0x3F96];
	s0 =	simm.s32 @p0 $0x1  }
0x13: {  	[smem:$0x3FB1] =	sst s0;
	s0 =	simm.s32 @!p1 $0x0  }
0x14: {  	s2 =	sld [smem:$0x3F95];
	s0 =	simm.s32 @p1 $0x1  }
0x15: {  	[smem:$0x3FB2] =	sst s0;
	s0 =	simm.s32 @!p2 $0x0  }
0x16: {  	s3 =	sld [smem:$0x3FDB];
	s0 =	simm.s32 @p2 $0x1  }
0x17: {  	s4 =	simm.s32 $0x1BF5;
	[smem:$0x3FB4] =	sst s0  }
0x18: {  	s0 =	sld [smem:$0x3F97];
	_ =	swait.ge [sflag:s4], $0x0  }
0x19: {  	s7 =	sld [smem:$0x3F98]  }
0x1a: {  	s8 =	sadd.s32 $0xFFFFE003, lr  }
0x1b: {  	s9 =	sadd.s32 $0xFFFFFEF7, lr;
	s5 =	simm.s32 $0xFFFFFFFF;
	p2 =	slt.u32 s8, $0xFFFFF086  }
0x1c: {  	p1 =	slt.u32 s9, $0xF7A;
	s5 =	simm.s32 @!p2 $0x0  }
0x1d: {  	s5 =	simm.s32 @p1 $0x1;
	p0 =	seq.s32 s7, s2  }
0x1e: {  	s7 =	smul.u32 @!p0 $0xF7A, s2;
	p2 =	seq.s32 @!p0 s5, $0x0  }
0x1f: {  	s9 =	smul.u32 $0xF7A, s1;
	s8 =	simm.s32 @!p0 $0x1BF5;
	p2 =	por !p2, p0  }
0x20: {  	[sflag:s8] =	ssyncset.s32 @!p0 $0xFFFFF086;
	s6 =	sadd.s32 @!p0 s3, s7;
	s7 =	simm.s32 @!p0 $0x108  }
0x21: {  	s3 =	sadd.s32 s3, s9;
	s6 =	sadd.s32 @!p0 $0x88, s6;
	s7 =	simm.s32 @p2 $0x1082  }
0x22: {  	[simem:s7], [sflag:s8] =	dma.local @!p0 [hbm:s6], $0xF7A  }
0x23: {  	s9 =	sor.u32 $0xD0000000, s2;
	s6 =	simm.s32 $0x108;
	_ =	swait.ge @!p0 [sflag:s8], $0x0  }
0x24: {  	s3 =	sadd.s32 $0x88, s3;
	s6 =	simm.s32 @!p1 $0x1082;
	[sflag:s4] =	ssyncset.s32 $0xFFFFF086  }
0x25: {  	[simem:s6], [sflag:s4] =	dma.local [hbm:s3], $0xF7A  }
0x26: {  	[smem:$0x3F98] =	sst s1;
	(tag) =	ssettag s2;
	_ =	strace s9  }
0x27: {  	s1 =	sld [smem:$0x3FA8]  }
0x28: {  	s2 =	sld [smem:$0x3FA9]  }
0x29: {  	s4 =	sld [smem:$0x3FAB]  }
0x2a: {  	p0 =	seq.s32 s5, $0x0;
	s5 =	sld [smem:$0x3FAC]  }
0x2b: {  	s6 =	sld [smem:$0x3FAD]  }
0x2c: {  	s7 =	sld [smem:$0x3FAE]  }
0x2d: {  	s3 =	simm.s32 $0x108;
	s8 =	sld [smem:$0x3FAF]  }
0x2e: {  	s3 =	simm.s32 @!p0 $0x1082;
	s9 =	sld [smem:$0x3FB0]  }
0x2f: {  	lr =	sadd.s32 s0, s3;
	s0 =	sld [smem:$0x3FA7]  }
0x30: {  	s3 =	sld [smem:$0x3FAA]  }
0x31: {  	[smem:$0x3FB3] =	sst s10  }
0x32: {  	s10 =	sld [smem:$0x3FB1];
	_ =	sdelay $0x3  }
0x33: {  	p0 =	seq.s32 s10, $0x1;
	s10 =	sld [smem:$0x3FB3];
	_ =	sdelay $0x3  }
0x34: {  	[smem:$0x3FB3] =	sst s10  }
0x35: {  	s10 =	sld [smem:$0x3FB2];
	_ =	sdelay $0x3  }
0x36: {  	p1 =	seq.s32 s10, $0x1;
	s10 =	sld [smem:$0x3FB3];
	_ =	sdelay $0x3  }
0x37: {  	[smem:$0x3FB3] =	sst s10  }
0x38: {  	s10 =	sld [smem:$0x3FB4]  }
0x39: {  	_ = 	snop;
	(pc) =	sbr.ind lr, $3  }
0x3a: {  	_ = 	snop  }
0x3b: {  	_ = 	snop  }
0x3c: {  	p2 =	seq.s32 s10, $0x1;
	s10 =	sld [smem:$0x3FB3]  }
0x3d: {  	_ =	shalt  }
0x3e: {  	_ =	shalt  }
0x3f: {  	_ =	shalt  }
0x40: {  	_ =	shalt  }
0x41: {  	_ =	shalt  }
0x42: {  	_ =	shalt  }
0x43: {  	_ =	shalt  }
0x44: {  	_ =	shalt  }
0x45: {  	_ =	shalt  }
0x46: {  	_ =	shalt  }
0x47: {  	_ =	shalt  }
0x48: {  	_ =	shalt  }
0x49: {  	_ =	shalt  }
0x4a: {  	_ =	shalt  }
0x4b: {  	_ =	shalt  }
0x4c: {  	_ =	shalt  }
0x4d: {  	_ =	shalt  }
0x4e: {  	_ =	shalt  }
0x4f: {  	_ =	shalt  }
0x50: {  	_ =	shalt  }
0x51: {  	_ =	shalt  }
0x52: {  	_ =	shalt  }
0x53: {  	_ =	shalt  }
0x54: {  	_ =	shalt  }
0x55: {  	_ =	shalt  }
0x56: {  	_ =	shalt  }
0x57: {  	_ =	shalt  }
0x58: {  	_ =	shalt  }
0x59: {  	_ =	shalt  }
0x5a: {  	_ =	shalt  }
0x5b: {  	_ =	shalt  }
0x5c: {  	_ =	shalt  }
0x5d: {  	_ =	shalt  }
0x5e: {  	_ =	shalt  }
0x5f: {  	_ =	shalt  }
0x60: {  	_ =	shalt  }
0x61: {  	_ =	shalt  }
0x62: {  	_ =	shalt  }
0x63: {  	_ =	shalt  }
0x64: {  	_ =	shalt  }
0x65: {  	_ =	shalt  }
0x66: {  	_ =	shalt  }
0x67: {  	_ =	shalt  }
0x68: {  	_ =	shalt  }
0x69: {  	_ =	shalt  }
0x6a: {  	_ =	shalt  }
0x6b: {  	_ =	shalt  }
0x6c: {  	_ =	shalt  }
0x6d: {  	_ =	shalt  }
0x6e: {  	_ =	shalt  }
0x6f: {  	_ =	shalt  }
0x70: {  	_ =	shalt  }
0x71: {  	_ =	shalt  }
0x72: {  	_ =	shalt  }
0x73: {  	_ =	shalt  }
0x74: {  	_ =	shalt  }
0x75: {  	_ =	shalt  }
0x76: {  	_ =	shalt  }
0x77: {  	_ =	shalt  }
0x78: {  	_ =	shalt  }
0x79: {  	_ =	shalt  }
0x7a: {  	_ =	shalt  }
0x7b: {  	_ =	shalt  }
0x7c: {  	_ =	shalt  }
0x7d: {  	_ =	shalt  }
0x7e: {  	_ =	shalt  }
0x7f: {  	_ =	shalt  }
0x80: {  	_ =	shalt  }
0x81: {  	_ =	shalt  }
0x82: {  	_ =	shalt  }
0x83: {  	_ =	shalt  }
0x84: {  	_ =	shalt  }
0x85: {  	_ =	shalt  }
0x86: {  	_ =	shalt  }
0x87: {  	_ =	shalt  }
.Lfunc_end0:
.L_simem_size_0:
called_computation.2_lowered:
.L_overlay_start_0:
0x88: {  	s2 =	sld [smem:$0x3FD9]  }
0x89: {  	s3 =	sld [smem:$0x3FFE];
	_ =	sdelay $0x1  }
0x8a: {  	s1 =	srdreg.scid  }
0x8b: {  	s0 =	sand.u32 $0x1, s1  }
0x8c: {  	s17 =	sshll.u32 s0, $0xA;
	s2 =	sadd.s32 s3, s2  }
0x8d: {  	s2 =	sadd.s32 s2, s17  }
0x8e: {  	[smem:$0x3FBF] =	sst s2  }
0x8f: {  	_ = 	snop  }
0x90: {  	s2 =	sld [smem:$0x3FC7];
	(tm) =	ssettm $0x1  }
0x91: {  	s18 =	sld [smem:$0x3FFB];
	_ =	sdelay $0x3  }
0x92: {  	_ =	strace s18  }
0x93: {  	s3 =	sld [smem:$0x3FFC];
	_ =	sdelay $0x3  }
0x94: {  	_ =	strace s3  }
0x95: {  	s3 =	sld [smem:$0x3FFD];
	_ =	sdelay $0x3  }
0x96: {  	_ =	strace s3  }
0x97: {  	_ =	strace $0x8FFFFFFF  }
0x98: {  	s19 =	sld [smem:$0x3FDB];
	_ =	sdelay $0x1  }
0x99: {  	s4 =	simm.s32 $_scs_section_size  }
0x9a: {  	s5 =	simm.s32 $_size__tile_overlayer_lowered;
	s6 =	simm.s32 $_tile_overlayer_lowered  }
0x9b: {  	s22 =	simm.s32 $0x1BFF;
	s21 =	sshll.u32 s6, $0x1;
	s3 =	sadd.s32 s4, s19  }
0x9c: {  	s7 =	simm.s32 $0x0;
	s20 =	sshll.u32 s5, $0x1;
	s5 =	sadd.s32 s21, s3  }
0x9d: {  	[timem:s7], [sflag:s22] =	dma.local [hbm:s5], s20  }
0x9e: {  	_ =	swait.ge [sflag:s22], s20  }
0x9f: {  	s4 =	ssub.s32 $0x0, s20;
	[sflag:s22] =	ssyncset.done $0x0  }
0xa0: {  	[sflag:s22] =	ssyncadd.s32 s4;
	_ =	sdelay $0x1  }
0xa1: {  	s23 =	simm.s32 $0x1B8B  }
0xa2: {  	_ =	swait.ge [sflag:s23], $0x1  }
0xa3: {  	[sflag:s23] =	ssyncset.done $0x0  }
0xa4: {  	s25 =	simm.s32 $0x1B8E;
	s24 =	sld [smem:$0x3FFE];
	[sflag:s23] =	ssyncadd.s32 $0xFFFFFFFF  }
0xa5: {  	s26 =	simm.s32 $execute0_lowered;
	[smem:$0x3FD2] =	sst s25  }
0xa6: {  	s5 =	sshll.u32 s26, $0x1;
	_ =	strace $0x8000004C;
	[dreg:$0x1] =	wrdreg $0xFFFFFFFF  }
0xa7: {  	s28 =	simm.s32 $_size_execute0_lowered;
	s3 =	sadd.s32 s3, s5;
	[dreg:$0x0] =	wrdreg $0x0  }
0xa8: {  	s5 =	sshll.u32 s28, $0x1;
	[dreg:$0x2] =	wrdreg s3  }
0xa9: {  	[dreg:$0x3] =	wrdreg s5  }
0xaa: {  	[dreg:$0x4] =	wrdreg $0xC0  }
0xab: {  	_ =	task [dreg:s7], $0x5FFFF  }
0xac: {  	[dreg:$0x1] =	wrdreg $0xFFFFFFFF  }
0xad: {  	[dreg:$0x0] =	wrdreg $0x60  }
0xae: {  	[dreg:$0x2] =	wrdreg s24  }
0xaf: {  	[dreg:$0x3] =	wrdreg s2  }
0xb0: {  	[dreg:$0x4] =	wrdreg $0x0  }
0xb1: {  	[dreg:$0x5] =	wrdreg $0x9  }
0xb2: {  	_ =	task.clear_ibuf [dreg:s7], $0x6FFFF;
	_ =	strace $0x9000004C  }
0xb3: {  	s29 =	simm.s32 $0x9;
	_ =	strace $0x8000004E  }
0xb4: {  	_ =	swait.ge [sflag:s29], $0x1  }
0xb5: {  	[sflag:s29] =	ssyncadd.s32 $0xFFFFFFFF  }
0xb6: {  	_ =	strace $0x9000004E  }
0xb7: {  	_ =	sfence  }
0xb8: {  	s30 =	sld [smem:$0x0];
	_ =	sdelay $0x2  }
0xb9: {  	s31 =	sshll.u32 s1, $0xD;
	s1 =	sshrl.u32 s1, $0x2  }
0xba: {  	s3 =	sand.u32 $0x4000, s31;
	s1 =	sadd.s32 s1, s30  }
0xbb: {  	s0 =	sor.u32 s3, s0;
	s1 =	sshll.u32 s1, $0x11  }
0xbc: {  	s0 =	sor.u32 s1, s0  }
0xbd: {  	s0 =	sadd.s32 $0x8F2B, s0  }
0xbe: {  	[sflag:s0] =	ssyncadd.remote.s32 $0x1  }
0xbf: {  	_ =	sfence.sel $0xFFFF  }
0xc0: {  	[dreg:$0x0] =	wrdreg $0xFFFFFFFF;
	(pc) =	sbr.abs _section_cstart, $3  }
0xc1: {  	[dreg:$0x1] =	wrdreg $0xFFFFFFFF  }
0xc2: {  	_ =	task.clear_ibuf [dreg:s7], $0x2FFFF;
	_ =	strace $0x9FFFFFFF  }
0xc3: {  	(tm) =	ssettm $0x7FFFFFFF  }
tec
execute0_lowered:
.L_overlay_start_1:
0x0: {  	(tag) =	ssettag $0x1  }
0x1: {  	s8 =	rddreg [dreg:$0x0]  }
0x2: {  	s13 =	rddreg [dreg:$0x1]  }
0x3: {  	s0 =	srdreg.scid;
	s2 =	rddreg [dreg:$0x2];
	s4 =	simm.s32 $0x0  }
0x4: {  	s17 =	simm.s32 $0x2;
	s18 =	simm.s32 $0x14000;
	s19 =	simm.s32 $0x16780  }
0x5: {  	s20 =	simm.s32 $0x18F00;
	s21 =	simm.s32 $0x50;
	s22 =	simm.s32 $0x18F80  }
0x6: {  	s23 =	simm.s32 $0x1;
	s7 =	sand.u32 $0x1, s0;
	s0 =	stileid.u32  }
0x7: {  	[smem:$0x7FF] =	sst s4;
	s5 =	sadd.s32 $0x16400, s8;
	s9 =	smul.u32 $0x140000, s7  }
0x8: {  	s6 =	sadd.s32 $0xC600, s8;
	s1 =	sshll.u32 s7, $0x4;
	s10 =	smul.u32 $0x14000, s0  }
0x9: {  	s11 =	smul.u32 $0x50000, s0;
	s29 =	ssub.s32 $0x2, s7;
	s1 =	sor.u32 s0, s1  }
0xa: {  	s31 =	sshrl.u32 s29, $0x1;
	s3 =	smul.u32 $0x2710, s1;
	s1 =	rddreg [dreg:$0x3]  }
0xb: {  	_ =	strace $0x8000004D;
	s9 =	sadd.s32 s10, s9;
	s30 =	sshrl.u32 s11, $0x2  }
0xc: {  	s16 =	ssub.s32 s29, s31;
	s9 =	sshrl.u32 s9, $0x3;
	s7 =	sadd.s32 s30, s2  }
0xd: {  	s14 =	sshrl.u32 s3, $0x3;
	s15 =	sadd.s32 s9, s8;
	s9 =	sadd.s32 $0x8000, s7  }
0xe: {  	s10 =	sadd.s32 $0xC000, s7;
	s11 =	sadd.s32 $0x10000, s7;
	s12 =	sadd.s32 s14, s8  }
0xf: {  	s8 =	sadd.s32 $0x4000, s7;
	s13 =	sadd.s32 s13, s14;
	s14 =	sadd.s32 $0x3D600, s15  }
0x10: {  	v0 =	vimm.f32 $0.0e+00;
	s15 =	smax.u32 s16, $0x1;
	s16 =	simm.s32 $0x1B780;
	s12 =	sadd.s32 $0x2800, s12  }
.LBB2_1:
0x11: {  	s24 =	simm.s32 $0x0;
	s25 =	simm.s32 $0x200  }
.LBB2_2:
0x12: {  	p0 =	sne.s32 s25, $0xFE00;
	[tilespmem:s24+$0x1B7F0] =	vst v0  }
0x13: {  	[tilespmem:s24+$0x1B780] =	vst v0  }
0x14: {  	[tilespmem:s24+$0x1B790] =	vst v0  }
.Ltmp0:
0x15: {  	[tilespmem:s24+$0x1B7A0] =	vst v0;
	(pc) =	sbr.rel @p0 .LBB2_2-.Ltmp0, $4  }
0x16: {  	[tilespmem:s24+$0x1B7B0] =	vst v0  }
0x17: {  	[tilespmem:s24+$0x1B7C0] =	vst v0  }
0x18: {  	[tilespmem:s24+$0x1B7D0] =	vst v0  }
0x19: {  	[tilespmem:s24+$0x1B7E0] =	vst v0;
	s24 =	sshra.s32 s25, $0x2;
	s25 =	sadd.s32 $0x200, s25  }
0x1a: {  	[tilespmem:s24+$0x1B7F0] =	vst v0  }
0x1b: {  	[tilespmem:s24+$0x1B780] =	vst v0  }
0x1c: {  	[tilespmem:s24+$0x1B790] =	vst v0  }
0x1d: {  	[tilespmem:s24+$0x1B7A0] =	vst v0  }
0x1e: {  	[tilespmem:s24+$0x1B7B0] =	vst v0  }
0x1f: {  	[tilespmem:s24+$0x1B7C0] =	vst v0  }
0x20: {  	[tilespmem:s24+$0x1B7D0] =	vst v0  }
0x21: {  	[tilespmem:s24+$0x1B7E0] =	vst v0  }
0x22: {  	[spmem:s7] =	stream.linear.scatter [tilespmem:s16], [sflag:$0x2], $0x4000, $0x38;
	[tilespmem:$0x1F780] =	vst v63  }
0x23: {  	_ =	swait.ge [sflag:s17], $0x4000  }
0x24: {  	[sflag:s17] =	ssyncset.done $0x0  }
0x25: {  	[sflag:s17] =	ssyncadd.s32 $0xFFFFC000  }
0x26: {  	[spmem:s8] =	stream.linear.scatter [tilespmem:s16], [sflag:$0x2], $0x4000, $0x38;
	[tilespmem:$0x1F780] =	vst v63  }
0x27: {  	_ =	swait.ge [sflag:s17], $0x4000  }
0x28: {  	[sflag:s17] =	ssyncset.done $0x0  }
0x29: {  	[sflag:s17] =	ssyncadd.s32 $0xFFFFC000  }
0x2a: {  	[spmem:s9] =	stream.linear.scatter [tilespmem:s16], [sflag:$0x2], $0x4000, $0x38;
	[tilespmem:$0x1F780] =	vst v63  }
0x2b: {  	_ =	swait.ge [sflag:s17], $0x4000  }
0x2c: {  	[sflag:s17] =	ssyncset.done $0x0  }
0x2d: {  	[sflag:s17] =	ssyncadd.s32 $0xFFFFC000  }
0x2e: {  	[spmem:s10] =	stream.linear.scatter [tilespmem:s16], [sflag:$0x2], $0x4000, $0x38;
	[tilespmem:$0x1F780] =	vst v63  }
0x2f: {  	_ =	swait.ge [sflag:s17], $0x4000  }
0x30: {  	[sflag:s17] =	ssyncset.done $0x0  }
0x31: {  	[sflag:s17] =	ssyncadd.s32 $0xFFFFC000  }
0x32: {  	[spmem:s11] =	stream.linear.scatter [tilespmem:s16], [sflag:$0x2], $0x4000, $0x38;
	[tilespmem:$0x1F780] =	vst v63  }
0x33: {  	_ =	swait.ge [sflag:s17], $0x4000  }
0x34: {  	[sflag:s17] =	ssyncset.done $0x0  }
0x35: {  	s24 =	simm.s32 $0x0;
	[sflag:s17] =	ssyncadd.s32 $0xFFFFC000  }
0x36: {  	[tilespmem:s18], [sflag:$0x2] =	stream.linear.gather [hbm4b:s12+s24], $0x2710, $0x38;
	[tilespmem:$0x1F780] =	vst v63  }
0x37: {  	_ =	swait.ge [sflag:s17], $0x2710  }
0x38: {  	[sflag:s17] =	ssyncset.done $0x0  }
0x39: {  	[sflag:s17] =	ssyncadd.s32 $0xFFFFD8F0  }
0x3a: {  	[tilespmem:s19], [sflag:$0x2] =	stream.linear.gather [hbm4b:s13+s24], $0x2710, $0x38;
	[tilespmem:$0x1F780] =	vst v63  }
0x3b: {  	_ =	swait.ge [sflag:s17], $0x2710  }
0x3c: {  	[sflag:s17] =	ssyncset.done $0x0  }
0x3d: {  	[sflag:s17] =	ssyncadd.s32 $0xFFFFD8F0  }
0x3e: {  	s25 =	simm.s32 $0x0;
	[bflag:$0x0] =	sbarrier.arrive $0xFFFF  }
.LBB2_4:
0x3f: {  	s26 =	smul.u32 $0x50, s25;
	_ =	sdelay $0x1  }
0x40: {  	s28 =	sadd.s32 s3, s26  }
0x41: {  	s28 =	sshrl.u32 s28, $0x3  }
0x42: {  	s28 =	sadd.s32 s6, s28  }
0x43: {  	[tilespmem:s20], [sflag:$0x2] =	stream.linear.gather [hbm4b:s28+s24], $0x50, $0x38;
	[tilespmem:$0x1F780] =	vst v63  }
0x44: {  	_ =	swait.ge [sflag:s17], $0x50  }
0x45: {  	[sflag:s17] =	ssyncset.done $0x0  }
0x46: {  	s31 =	sadd.s32 $0x14000, s26;
	s26 =	sadd.s32 $0x16780, s26;
	[sflag:s17] =	ssyncadd.s32 $0xFFFFFFB0  }
0x47: {  	[tilespmem:s22], [sflag:$0x1] =	stream.indirect.gather [hbm4b:s5+s21], $0x80, s31, s21, $0xb8;
	[tilespmem:$0x1F780] =	vst v63  }
0x48: {  	v1 =	vmov s26;
	_ =	swait.ge [sflag:s23], $0x2800  }
0x49: {  	[sflag:s23] =	ssyncset.done $0x0  }
0x4a: {  	s26 =	simm.s32 $0x0;
	[sflag:s23] =	ssyncadd.s32 $0xFFFFD800  }
.LBB2_5:
0x4b: {  	s28 =	sshll.u32 s26, $0x4  }
0x4c: {  	s28 =	sand.u32 $0x3FFFFFF0, s28  }
0x4d: {  	s31 =	sshll.u32 s26, $0xB;
	v2 =	vld.idx.msk [tilespmem:v1+s28+$0x0 ss:$0x1], $0xffff  }
0x4e: {  	s28 =	sand.u32 $0x3FFFF800, s31  }
0x4f: {  	v3 =	vld [tilespmem:s28+$0x18F80]  }
0x50: {  	v4 =	vld [tilespmem:s28+$0x18F90]  }
0x51: {  	v5 =	vld [tilespmem:s28+$0x18FA0]  }
0x52: {  	v7 =	vld [tilespmem:s28+$0x18FB0];
	v6 =	vbroadcast v2, $0x0  }
0x53: {  	v8 =	vld [tilespmem:s28+$0x18FC0]  }
0x54: {  	v9 =	vld [tilespmem:s28+$0x18FD0];
	v3 =	vmul.f32 v6, v3  }
0x55: {  	v10 =	vld [tilespmem:s28+$0x18FE0];
	v4 =	vmul.f32 v4, v6  }
0x56: {  	v24 =	vld [tilespmem:s28+$0x18FF0];
	[tilespmem:s28+$0x18F80] =	vst v3;
	v3 =	vmul.f32 v5, v6  }
0x57: {  	v26 =	vld [tilespmem:s28+$0x19000];
	v25 =	vmul.f32 v7, v6;
	[tilespmem:s28+$0x18F90] =	vst v4  }
0x58: {  	v27 =	vld [tilespmem:s28+$0x19010];
	[tilespmem:s28+$0x18FA0] =	vst v3;
	v3 =	vmul.f32 v8, v6  }
0x59: {  	v29 =	vld [tilespmem:s28+$0x19020];
	v28 =	vmul.f32 v9, v6;
	[tilespmem:s28+$0x18FB0] =	vst v25  }
0x5a: {  	v11 =	vld [tilespmem:s28+$0x19030];
	v30 =	vbroadcast v2, $0x1;
	[tilespmem:s28+$0x18FC0] =	vst v3;
	v3 =	vmul.f32 v10, v6  }
0x5b: {  	v32 =	vld [tilespmem:s28+$0x19040];
	v31 =	vmul.f32 v24, v6;
	[tilespmem:s28+$0x18FD0] =	vst v28  }
0x5c: {  	v33 =	vld [tilespmem:s28+$0x19050];
	[tilespmem:s28+$0x18FE0] =	vst v3;
	v3 =	vmul.f32 v26, v30  }
0x5d: {  	v35 =	vld [tilespmem:s28+$0x19060];
	v34 =	vmul.f32 v27, v30;
	[tilespmem:s28+$0x18FF0] =	vst v31  }
0x5e: {  	v36 =	vld [tilespmem:s28+$0x19070];
	[tilespmem:s28+$0x19000] =	vst v3;
	v3 =	vmul.f32 v29, v30  }
0x5f: {  	v38 =	vld [tilespmem:s28+$0x19080];
	v37 =	vmul.f32 v11, v30;
	[tilespmem:s28+$0x19010] =	vst v34  }
0x60: {  	v39 =	vld [tilespmem:s28+$0x19090];
	[tilespmem:s28+$0x19020] =	vst v3;
	v3 =	vmul.f32 v32, v30  }
0x61: {  	v41 =	vld [tilespmem:s28+$0x190A0];
	v40 =	vmul.f32 v33, v30;
	[tilespmem:s28+$0x19030] =	vst v37  }
0x62: {  	v43 =	vld [tilespmem:s28+$0x190B0];
	v42 =	vbroadcast v2, $0x2;
	[tilespmem:s28+$0x19040] =	vst v3;
	v3 =	vmul.f32 v35, v30  }
0x63: {  	v45 =	vld [tilespmem:s28+$0x190C0];
	v44 =	vmul.f32 v36, v30;
	[tilespmem:s28+$0x19050] =	vst v40  }
0x64: {  	v46 =	vld [tilespmem:s28+$0x190D0];
	[tilespmem:s28+$0x19060] =	vst v3;
	v3 =	vmul.f32 v38, v42  }
0x65: {  	v48 =	vld [tilespmem:s28+$0x190E0];
	v47 =	vmul.f32 v39, v42;
	[tilespmem:s28+$0x19070] =	vst v44  }
0x66: {  	v49 =	vld [tilespmem:s28+$0x190F0];
	[tilespmem:s28+$0x19080] =	vst v3;
	v3 =	vmul.f32 v41, v42  }
0x67: {  	v51 =	vld [tilespmem:s28+$0x19100];
	v50 =	vmul.f32 v43, v42;
	[tilespmem:s28+$0x19090] =	vst v47  }
0x68: {  	v52 =	vld [tilespmem:s28+$0x19110];
	[tilespmem:s28+$0x190A0] =	vst v3;
	v3 =	vmul.f32 v45, v42  }
0x69: {  	v54 =	vld [tilespmem:s28+$0x19120];
	v53 =	vmul.f32 v46, v42;
	[tilespmem:s28+$0x190B0] =	vst v50  }
0x6a: {  	v56 =	vld [tilespmem:s28+$0x19130];
	v55 =	vbroadcast v2, $0x3;
	[tilespmem:s28+$0x190C0] =	vst v3;
	v3 =	vmul.f32 v48, v42  }
0x6b: {  	v58 =	vld [tilespmem:s28+$0x19140];
	v57 =	vmul.f32 v49, v42;
	[tilespmem:s28+$0x190D0] =	vst v53  }
0x6c: {  	v59 =	vld [tilespmem:s28+$0x19150];
	[tilespmem:s28+$0x190E0] =	vst v3;
	v3 =	vmul.f32 v51, v55  }
0x6d: {  	v61 =	vld [tilespmem:s28+$0x19160];
	v60 =	vmul.f32 v52, v55;
	[tilespmem:s28+$0x190F0] =	vst v57  }
0x6e: {  	v62 =	vld [tilespmem:s28+$0x19170];
	[tilespmem:s28+$0x19100] =	vst v3;
	v3 =	vmul.f32 v54, v55  }
0x6f: {  	v12 =	vld [tilespmem:s28+$0x19180];
	v63 =	vmul.f32 v56, v55;
	[tilespmem:s28+$0x19110] =	vst v60  }
0x70: {  	v13 =	vld [tilespmem:s28+$0x19190];
	[tilespmem:s28+$0x19120] =	vst v3;
	v3 =	vmul.f32 v58, v55  }
0x71: {  	v15 =	vld [tilespmem:s28+$0x191A0];
	v14 =	vmul.f32 v59, v55;
	[tilespmem:s28+$0x19130] =	vst v63  }
0x72: {  	v17 =	vld [tilespmem:s28+$0x191B0];
	v16 =	vbroadcast v2, $0x4;
	[tilespmem:s28+$0x19140] =	vst v3;
	v3 =	vmul.f32 v61, v55  }
0x73: {  	v19 =	vld [tilespmem:s28+$0x191C0];
	v18 =	vmul.f32 v62, v55;
	[tilespmem:s28+$0x19150] =	vst v14  }
0x74: {  	v20 =	vld [tilespmem:s28+$0x191D0];
	[tilespmem:s28+$0x19160] =	vst v3;
	v3 =	vmul.f32 v12, v16  }
0x75: {  	v22 =	vld [tilespmem:s28+$0x191E0];
	v21 =	vmul.f32 v13, v16;
	[tilespmem:s28+$0x19170] =	vst v18  }
0x76: {  	v23 =	vld [tilespmem:s28+$0x191F0];
	[tilespmem:s28+$0x19180] =	vst v3;
	v3 =	vmul.f32 v15, v16  }
0x77: {  	v24 =	vmul.f32 v17, v16;
	[tilespmem:s28+$0x19190] =	vst v21;
	v25 =	vld [tilespmem:s28+$0x19200]  }
0x78: {  	v33 =	vld [tilespmem:s28+$0x19250];
	[tilespmem:s28+$0x191A0] =	vst v3;
	v3 =	vmul.f32 v19, v16  }
0x79: {  	v27 =	vmul.f32 v20, v16;
	[tilespmem:s28+$0x191B0] =	vst v24;
	v28 =	vld [tilespmem:s28+$0x19220]  }
0x7a: {  	v36 =	vld [tilespmem:s28+$0x19270];
	v29 =	vbroadcast v2, $0x5;
	[tilespmem:s28+$0x191C0] =	vst v3;
	v3 =	vmul.f32 v22, v16  }
0x7b: {  	[tilespmem:s28+$0x191D0] =	vst v27;
	v31 =	vmul.f32 v23, v16;
	v32 =	vld [tilespmem:s28+$0x19240]  }
0x7c: {  	v26 =	vld [tilespmem:s28+$0x19210];
	[tilespmem:s28+$0x191E0] =	vst v3;
	v3 =	vmul.f32 v25, v29  }
0x7d: {  	[tilespmem:s28+$0x191F0] =	vst v31;
	v40 =	vmul.f32 v33, v29;
	v35 =	vld [tilespmem:s28+$0x19260]  }
0x7e: {  	v30 =	vld [tilespmem:s28+$0x19230];
	[tilespmem:s28+$0x19200] =	vst v3;
	v3 =	vmul.f32 v28, v29  }
0x7f: {  	v44 =	vmul.f32 v36, v29;
	[tilespmem:s28+$0x19250] =	vst v40;
	v38 =	vld [tilespmem:s28+$0x19280]  }
0x80: {  	v39 =	vld [tilespmem:s28+$0x19290];
	[tilespmem:s28+$0x19220] =	vst v3;
	v3 =	vmul.f32 v32, v29  }
0x81: {  	v34 =	vmul.f32 v26, v29;
	[tilespmem:s28+$0x19270] =	vst v44;
	v41 =	vld [tilespmem:s28+$0x192A0]  }
0x82: {  	v43 =	vld [tilespmem:s28+$0x192B0];
	v42 =	vbroadcast v2, $0x6;
	[tilespmem:s28+$0x19240] =	vst v3;
	v3 =	vmul.f32 v35, v29  }
0x83: {  	[tilespmem:s28+$0x19210] =	vst v34;
	v37 =	vmul.f32 v30, v29;
	v45 =	vld [tilespmem:s28+$0x192C0]  }
0x84: {  	v46 =	vld [tilespmem:s28+$0x192D0];
	[tilespmem:s28+$0x19260] =	vst v3;
	v3 =	vmul.f32 v38, v42  }
0x85: {  	[tilespmem:s28+$0x19230] =	vst v37;
	v48 =	vld [tilespmem:s28+$0x192E0];
	v47 =	vmul.f32 v39, v42  }
0x86: {  	v49 =	vld [tilespmem:s28+$0x192F0];
	[tilespmem:s28+$0x19280] =	vst v3;
	v3 =	vmul.f32 v41, v42  }
0x87: {  	v50 =	vmul.f32 v43, v42;
	v51 =	vld [tilespmem:s28+$0x19300];
	[tilespmem:s28+$0x19290] =	vst v47  }
0x88: {  	v52 =	vld [tilespmem:s28+$0x19310];
	[tilespmem:s28+$0x192A0] =	vst v3;
	v3 =	vmul.f32 v45, v42  }
0x89: {  	v53 =	vmul.f32 v46, v42;
	[tilespmem:s28+$0x192B0] =	vst v50;
	v54 =	vld [tilespmem:s28+$0x19320]  }
0x8a: {  	v56 =	vld [tilespmem:s28+$0x19330];
	v55 =	vbroadcast v2, $0x7;
	[tilespmem:s28+$0x192C0] =	vst v3;
	v3 =	vmul.f32 v48, v42  }
0x8b: {  	v57 =	vmul.f32 v49, v42;
	[tilespmem:s28+$0x192D0] =	vst v53;
	v58 =	vld [tilespmem:s28+$0x19340]  }
0x8c: {  	v59 =	vld [tilespmem:s28+$0x19350];
	[tilespmem:s28+$0x192E0] =	vst v3;
	v3 =	vmul.f32 v51, v55  }
0x8d: {  	[tilespmem:s28+$0x192F0] =	vst v57;
	v61 =	vld [tilespmem:s28+$0x19360];
	v60 =	vmul.f32 v52, v55  }
0x8e: {  	v62 =	vld [tilespmem:s28+$0x19370];
	[tilespmem:s28+$0x19300] =	vst v3;
	v3 =	vmul.f32 v54, v55  }
0x8f: {  	v63 =	vmul.f32 v56, v55;
	v12 =	vld [tilespmem:s28+$0x19380];
	[tilespmem:s28+$0x19310] =	vst v60  }
0x90: {  	v13 =	vld [tilespmem:s28+$0x19390];
	[tilespmem:s28+$0x19320] =	vst v3;
	v3 =	vmul.f32 v58, v55  }
0x91: {  	v14 =	vmul.f32 v59, v55;
	[tilespmem:s28+$0x19330] =	vst v63;
	v15 =	vld [tilespmem:s28+$0x193A0]  }
0x92: {  	v17 =	vld [tilespmem:s28+$0x193B0];
	v16 =	vbroadcast v2, $0x8;
	[tilespmem:s28+$0x19340] =	vst v3;
	v3 =	vmul.f32 v61, v55  }
0x93: {  	v18 =	vmul.f32 v62, v55;
	[tilespmem:s28+$0x19350] =	vst v14;
	v19 =	vld [tilespmem:s28+$0x193C0]  }
0x94: {  	v20 =	vld [tilespmem:s28+$0x193D0];
	[tilespmem:s28+$0x19360] =	vst v3;
	v3 =	vmul.f32 v12, v16  }
0x95: {  	[tilespmem:s28+$0x19370] =	vst v18;
	v22 =	vld [tilespmem:s28+$0x193E0];
	v21 =	vmul.f32 v13, v16  }
0x96: {  	v23 =	vld [tilespmem:s28+$0x193F0];
	[tilespmem:s28+$0x19380] =	vst v3;
	v3 =	vmul.f32 v15, v16  }
0x97: {  	v24 =	vmul.f32 v17, v16;
	v25 =	vld [tilespmem:s28+$0x19400];
	[tilespmem:s28+$0x19390] =	vst v21  }
0x98: {  	v26 =	vld [tilespmem:s28+$0x19410];
	[tilespmem:s28+$0x193A0] =	vst v3;
	v3 =	vmul.f32 v19, v16  }
0x99: {  	v27 =	vmul.f32 v20, v16;
	[tilespmem:s28+$0x193B0] =	vst v24;
	v28 =	vld [tilespmem:s28+$0x19420]  }
0x9a: {  	v30 =	vld [tilespmem:s28+$0x19430];
	v29 =	vbroadcast v2, $0x9;
	[tilespmem:s28+$0x193C0] =	vst v3;
	v3 =	vmul.f32 v22, v16  }
0x9b: {  	v31 =	vmul.f32 v23, v16;
	[tilespmem:s28+$0x193D0] =	vst v27;
	v32 =	vld [tilespmem:s28+$0x19440]  }
0x9c: {  	v33 =	vld [tilespmem:s28+$0x19450];
	[tilespmem:s28+$0x193E0] =	vst v3;
	v3 =	vmul.f32 v25, v29  }
0x9d: {  	[tilespmem:s28+$0x193F0] =	vst v31;
	v35 =	vld [tilespmem:s28+$0x19460];
	v34 =	vmul.f32 v26, v29  }
0x9e: {  	v36 =	vld [tilespmem:s28+$0x19470];
	[tilespmem:s28+$0x19400] =	vst v3;
	v3 =	vmul.f32 v28, v29  }
0x9f: {  	v37 =	vmul.f32 v30, v29;
	v38 =	vld [tilespmem:s28+$0x19480];
	[tilespmem:s28+$0x19410] =	vst v34  }
0xa0: {  	v39 =	vld [tilespmem:s28+$0x19490];
	[tilespmem:s28+$0x19420] =	vst v3;
	v3 =	vmul.f32 v32, v29  }
0xa1: {  	v40 =	vmul.f32 v33, v29;
	[tilespmem:s28+$0x19430] =	vst v37;
	v41 =	vld [tilespmem:s28+$0x194A0]  }
0xa2: {  	v43 =	vld [tilespmem:s28+$0x194B0];
	v42 =	vbroadcast v2, $0xA;
	[tilespmem:s28+$0x19440] =	vst v3;
	v3 =	vmul.f32 v35, v29  }
0xa3: {  	v44 =	vmul.f32 v36, v29;
	[tilespmem:s28+$0x19450] =	vst v40;
	v45 =	vld [tilespmem:s28+$0x194C0]  }
0xa4: {  	v46 =	vld [tilespmem:s28+$0x194D0];
	[tilespmem:s28+$0x19460] =	vst v3;
	v3 =	vmul.f32 v38, v42  }
0xa5: {  	[tilespmem:s28+$0x19470] =	vst v44;
	v48 =	vld [tilespmem:s28+$0x194E0];
	v47 =	vmul.f32 v39, v42  }
0xa6: {  	v49 =	vld [tilespmem:s28+$0x194F0];
	[tilespmem:s28+$0x19480] =	vst v3;
	v3 =	vmul.f32 v41, v42  }
0xa7: {  	v50 =	vmul.f32 v43, v42;
	v51 =	vld [tilespmem:s28+$0x19500];
	[tilespmem:s28+$0x19490] =	vst v47  }
0xa8: {  	v52 =	vld [tilespmem:s28+$0x19510];
	[tilespmem:s28+$0x194A0] =	vst v3;
	v3 =	vmul.f32 v45, v42  }
0xa9: {  	v53 =	vmul.f32 v46, v42;
	[tilespmem:s28+$0x194B0] =	vst v50;
	v54 =	vld [tilespmem:s28+$0x19520]  }
0xaa: {  	v56 =	vld [tilespmem:s28+$0x19530];
	v55 =	vbroadcast v2, $0xB;
	[tilespmem:s28+$0x194C0] =	vst v3;
	v3 =	vmul.f32 v48, v42  }
0xab: {  	v57 =	vmul.f32 v49, v42;
	[tilespmem:s28+$0x194D0] =	vst v53;
	v58 =	vld [tilespmem:s28+$0x19540]  }
0xac: {  	v59 =	vld [tilespmem:s28+$0x19550];
	[tilespmem:s28+$0x194E0] =	vst v3;
	v3 =	vmul.f32 v51, v55  }
0xad: {  	[tilespmem:s28+$0x194F0] =	vst v57;
	v61 =	vld [tilespmem:s28+$0x19560];
	v60 =	vmul.f32 v52, v55  }
0xae: {  	v62 =	vld [tilespmem:s28+$0x19570];
	[tilespmem:s28+$0x19500] =	vst v3;
	v3 =	vmul.f32 v54, v55  }
0xaf: {  	v63 =	vmul.f32 v56, v55;
	v12 =	vld [tilespmem:s28+$0x19580];
	[tilespmem:s28+$0x19510] =	vst v60  }
0xb0: {  	v13 =	vld [tilespmem:s28+$0x19590];
	[tilespmem:s28+$0x19520] =	vst v3;
	v3 =	vmul.f32 v58, v55  }
0xb1: {  	v14 =	vmul.f32 v59, v55;
	[tilespmem:s28+$0x19530] =	vst v63;
	v15 =	vld [tilespmem:s28+$0x195A0]  }
0xb2: {  	v17 =	vld [tilespmem:s28+$0x195B0];
	v16 =	vbroadcast v2, $0xC;
	[tilespmem:s28+$0x19540] =	vst v3;
	v3 =	vmul.f32 v61, v55  }
0xb3: {  	v18 =	vmul.f32 v62, v55;
	[tilespmem:s28+$0x19550] =	vst v14;
	v19 =	vld [tilespmem:s28+$0x195C0]  }
0xb4: {  	v20 =	vld [tilespmem:s28+$0x195D0];
	[tilespmem:s28+$0x19560] =	vst v3;
	v3 =	vmul.f32 v12, v16  }
0xb5: {  	[tilespmem:s28+$0x19570] =	vst v18;
	v22 =	vld [tilespmem:s28+$0x195E0];
	v21 =	vmul.f32 v13, v16  }
0xb6: {  	v23 =	vld [tilespmem:s28+$0x195F0];
	[tilespmem:s28+$0x19580] =	vst v3;
	v3 =	vmul.f32 v15, v16  }
0xb7: {  	v24 =	vmul.f32 v17, v16;
	v25 =	vld [tilespmem:s28+$0x19600];
	[tilespmem:s28+$0x19590] =	vst v21  }
0xb8: {  	v26 =	vld [tilespmem:s28+$0x19610];
	[tilespmem:s28+$0x195A0] =	vst v3;
	v3 =	vmul.f32 v19, v16  }
0xb9: {  	v27 =	vmul.f32 v20, v16;
	[tilespmem:s28+$0x195B0] =	vst v24;
	v28 =	vld [tilespmem:s28+$0x19620]  }
0xba: {  	v30 =	vld [tilespmem:s28+$0x19630];
	v29 =	vbroadcast v2, $0xD;
	[tilespmem:s28+$0x195C0] =	vst v3;
	v3 =	vmul.f32 v22, v16  }
0xbb: {  	v31 =	vmul.f32 v23, v16;
	[tilespmem:s28+$0x195D0] =	vst v27;
	v32 =	vld [tilespmem:s28+$0x19640]  }
0xbc: {  	v33 =	vld [tilespmem:s28+$0x19650];
	[tilespmem:s28+$0x195E0] =	vst v3;
	v3 =	vmul.f32 v25, v29  }
0xbd: {  	[tilespmem:s28+$0x195F0] =	vst v31;
	v35 =	vld [tilespmem:s28+$0x19660];
	v34 =	vmul.f32 v26, v29  }
0xbe: {  	v36 =	vld [tilespmem:s28+$0x19670];
	[tilespmem:s28+$0x19600] =	vst v3;
	v3 =	vmul.f32 v28, v29  }
0xbf: {  	v37 =	vmul.f32 v30, v29;
	v38 =	vld [tilespmem:s28+$0x19680];
	[tilespmem:s28+$0x19610] =	vst v34  }
0xc0: {  	v39 =	vld [tilespmem:s28+$0x19690];
	[tilespmem:s28+$0x19620] =	vst v3;
	v3 =	vmul.f32 v32, v29  }
0xc1: {  	v40 =	vmul.f32 v33, v29;
	[tilespmem:s28+$0x19630] =	vst v37;
	v41 =	vld [tilespmem:s28+$0x196A0]  }
0xc2: {  	v43 =	vld [tilespmem:s28+$0x196B0];
	v42 =	vbroadcast v2, $0xE;
	[tilespmem:s28+$0x19640] =	vst v3;
	v3 =	vmul.f32 v35, v29  }
0xc3: {  	v44 =	vmul.f32 v36, v29;
	[tilespmem:s28+$0x19650] =	vst v40;
	v45 =	vld [tilespmem:s28+$0x196C0]  }
0xc4: {  	v46 =	vld [tilespmem:s28+$0x196D0];
	[tilespmem:s28+$0x19660] =	vst v3;
	v3 =	vmul.f32 v38, v42  }
0xc5: {  	[tilespmem:s28+$0x19670] =	vst v44;
	v48 =	vld [tilespmem:s28+$0x196E0];
	v47 =	vmul.f32 v39, v42  }
0xc6: {  	v49 =	vld [tilespmem:s28+$0x196F0];
	[tilespmem:s28+$0x19680] =	vst v3;
	v3 =	vmul.f32 v41, v42  }
0xc7: {  	v50 =	vmul.f32 v43, v42;
	v51 =	vld [tilespmem:s28+$0x19700];
	[tilespmem:s28+$0x19690] =	vst v47  }
0xc8: {  	v52 =	vld [tilespmem:s28+$0x19710];
	[tilespmem:s28+$0x196A0] =	vst v3;
	v3 =	vmul.f32 v45, v42  }
0xc9: {  	v53 =	vmul.f32 v46, v42;
	[tilespmem:s28+$0x196B0] =	vst v50;
	v54 =	vld [tilespmem:s28+$0x19720]  }
0xca: {  	v2 =	vbroadcast v2, $0xF;
	v58 =	vld [tilespmem:s28+$0x19750];
	[tilespmem:s28+$0x196C0] =	vst v3;
	v3 =	vmul.f32 v48, v42  }
0xcb: {  	v57 =	vld [tilespmem:s28+$0x19740];
	v56 =	vmul.f32 v49, v42;
	[tilespmem:s28+$0x196D0] =	vst v53  }
0xcc: {  	v55 =	vld [tilespmem:s28+$0x19730];
	[tilespmem:s28+$0x196E0] =	vst v3;
	v3 =	vmul.f32 v51, v2  }
0xcd: {  	v60 =	vld [tilespmem:s28+$0x19760];
	v59 =	vmul.f32 v52, v2;
	[tilespmem:s28+$0x196F0] =	vst v56  }
0xce: {  	v61 =	vld [tilespmem:s28+$0x19770];
	[tilespmem:s28+$0x19700] =	vst v3;
	v3 =	vmul.f32 v54, v2  }
0xcf: {  	[tilespmem:s28+$0x19710] =	vst v59;
	v63 =	vmul.f32 v58, v2  }
0xd0: {  	p0 =	sne.s32 s26, $0x4;
	[tilespmem:s28+$0x19720] =	vst v3;
	v3 =	vmul.f32 v57, v2  }
.Ltmp1:
0xd1: {  	v62 =	vmul.f32 v55, v2;
	[tilespmem:s28+$0x19750] =	vst v63;
	(pc) =	sbr.rel @p0 .LBB2_5-.Ltmp1, $4  }
0xd2: {  	[tilespmem:s28+$0x19740] =	vst v3;
	v3 =	vmul.f32 v60, v2  }
0xd3: {  	[tilespmem:s28+$0x19730] =	vst v62;
	v2 =	vmul.f32 v61, v2  }
0xd4: {  	[tilespmem:s28+$0x19760] =	vst v3  }
0xd5: {  	s26 =	sadd.s32 $0x1, s26;
	[tilespmem:s28+$0x19770] =	vst v2  }
0xd6: {  	s25 =	sadd.s32 $0x1, s25  }
0xd7: {  	p0 =	sne.s32 s25, $0x7D  }
.Ltmp2:
0xd8: {  	_ = 	snop;
	(pc) =	sbr.rel @p0 .LBB2_4-.Ltmp2, $4  }
0xd9: {  	[spmem:s2] =	stream.indirect.scatter.add.f32 [tilespmem:s22], [sflag:$0x2], $0x80, s20, s21, $0xb8;
	[tilespmem:$0x1F780] =	vst v63  }
0xda: {  	_ =	swait.ge [sflag:s17], $0x2800  }
0xdb: {  	[sflag:s17] =	ssyncset.done $0x0  }
0xdc: {  	[sflag:s17] =	ssyncadd.s32 $0xFFFFD800  }
0xdd: {  	s4 =	sadd.s32 $0x1, s4  }
0xde: {  	s24 =	sshll.u32 s0, $0x6;
	[bflag:$0x0] =	sbarrier.arrive $0xFFFF;
	p0 =	sne.s32 s4, s15  }
.Ltmp3:
0xdf: {  	s25 =	sshrl.u32 s7, $0x3;
	s24 =	sor.u32 $0x1C02, s24;
	(pc) =	sbr.rel @p0 .LBB2_1-.Ltmp3, $4  }
0xe0: {  	[hbm:s14], [sflag:s24] =	dma.local [spmem:s25], $0x2800  }
0xe1: {  	_ =	swait.ge [sflag:s17], $0x2800  }
0xe2: {  	[sflag:s17] =	ssyncset.done $0x0  }
0xe3: {  	[sflag:s17] =	ssyncadd.s32 $0xFFFFD800  }
0xe4: {  	_ =	sfence.sel $0x180000  }
0xe5: {  	[bflag:$0x0] =	sbarrier.arrive $0xFFFF  }
0xe6: {  	p0 =	sne.s32 s0, $0x0;
	_ =	strace $0x9000004D  }
0xe7: {  	s0 =	sadd.s32 @!p0 $0x100000, s1;
	[bflag:$0x2] =	sbarrier.arrive $0xFFFF  }
0xe8: {  	[sflag:s0] =	ssyncadd.tile.s32 @!p0 $0x1;
	_ =	shalt  }
.Lfunc_end2:
_tile_overlayer_lowered:
.L_overlay_start_2:
0xe9: {  	(tag) =	ssettag $0x2  }
0xea: {  	s0 =	rddreg [dreg:$0x0];
	s2 =	stileid.u32  }
0xeb: {  	s1 =	rddreg [dreg:$0x1];
	p0 =	sne.s32 s2, $0x0  }
0xec: {  	s3 =	rddreg [dreg:$0x2];
	[bflag:$0x3] =	sbarrier.arrive $0xFFFF;
	s2 =	simm.s32 @!p0 $0x1C02  }
0xed: {  	[timem:s3], [sflag:s2] =	dma.local @!p0 [hbm:s0], s1  }
0xee: {  	s0 =	simm.s32 @!p0 $0x2  }
0xef: {  	_ =	swait.ge @!p0 [sflag:s0], s1  }
0xf0: {  	s1 =	ssub.s32 @!p0 $0x0, s1;
	[sflag:s0] =	ssyncset.done @!p0 $0x0  }
0xf1: {  	[sflag:s0] =	ssyncadd.s32 @!p0 s1  }
0xf2: {  	[bflag:$0x3] =	sbarrier.arrive $0xFFFF  }
0xf3: {  	_ =	shalt  }

// kernel: kernel.8.cloned.1.call-start
scs
__scs_entry_jumppad:
0x0: {  	(pc) =	sbr.rel $0x88, $3  }
0x1: {  	(tag) =	ssettag $0x0;
	lr =	simm.s32 $0x1  }
0x2: {  	[smem:$0x3F98] =	sst lr;
	_ =	strace $0xD0000000  }
0x3: {  	_ = 	snop  }
0x4: {  	_ = 	snop  }
0x5: {  	_ = 	snop  }
0x6: {  	_ = 	snop  }
0x7: {  	_ = 	snop  }
__scs_overlays_trampoline_lowered:
0x8: {  	[smem:$0x3FA7] =	sst s0  }
0x9: {  	[smem:$0x3FA8] =	sst s1  }
0xa: {  	[smem:$0x3FA9] =	sst s2  }
0xb: {  	[smem:$0x3FAA] =	sst s3  }
0xc: {  	[smem:$0x3FAB] =	sst s4  }
0xd: {  	[smem:$0x3FAC] =	sst s5  }
0xe: {  	[smem:$0x3FAD] =	sst s6  }
0xf: {  	[smem:$0x3FAE] =	sst s7  }
0x10: {  	[smem:$0x3FAF] =	sst s8  }
0x11: {  	[smem:$0x3FB0] =	sst s9;
	s0 =	simm.s32 @!p0 $0x0  }
0x12: {  	s1 =	sld [smem:$0x3F96];
	s0 =	simm.s32 @p0 $0x1  }
0x13: {  	[smem:$0x3FB1] =	sst s0;
	s0 =	simm.s32 @!p1 $0x0  }
0x14: {  	s2 =	sld [smem:$0x3F95];
	s0 =	simm.s32 @p1 $0x1  }
0x15: {  	[smem:$0x3FB2] =	sst s0;
	s0 =	simm.s32 @!p2 $0x0  }
0x16: {  	s3 =	sld [smem:$0x3FDB];
	s0 =	simm.s32 @p2 $0x1  }
0x17: {  	s4 =	simm.s32 $0x1BF5;
	[smem:$0x3FB4] =	sst s0  }
0x18: {  	s0 =	sld [smem:$0x3F97];
	_ =	swait.ge [sflag:s4], $0x0  }
0x19: {  	s7 =	sld [smem:$0x3F98]  }
0x1a: {  	s8 =	sadd.s32 $0xFFFFE003, lr  }
0x1b: {  	s9 =	sadd.s32 $0xFFFFFEF7, lr;
	s5 =	simm.s32 $0xFFFFFFFF;
	p2 =	slt.u32 s8, $0xFFFFF086  }
0x1c: {  	p1 =	slt.u32 s9, $0xF7A;
	s5 =	simm.s32 @!p2 $0x0  }
0x1d: {  	s5 =	simm.s32 @p1 $0x1;
	p0 =	seq.s32 s7, s2  }
0x1e: {  	s7 =	smul.u32 @!p0 $0xF7A, s2;
	p2 =	seq.s32 @!p0 s5, $0x0  }
0x1f: {  	s9 =	smul.u32 $0xF7A, s1;
	s8 =	simm.s32 @!p0 $0x1BF5;
	p2 =	por !p2, p0  }
0x20: {  	[sflag:s8] =	ssyncset.s32 @!p0 $0xFFFFF086;
	s6 =	sadd.s32 @!p0 s3, s7;
	s7 =	simm.s32 @!p0 $0x108  }
0x21: {  	s3 =	sadd.s32 s3, s9;
	s6 =	sadd.s32 @!p0 $0x88, s6;
	s7 =	simm.s32 @p2 $0x1082  }
0x22: {  	[simem:s7], [sflag:s8] =	dma.local @!p0 [hbm:s6], $0xF7A  }
0x23: {  	s9 =	sor.u32 $0xD0000000, s2;
	s6 =	simm.s32 $0x108;
	_ =	swait.ge @!p0 [sflag:s8], $0x0  }
0x24: {  	s3 =	sadd.s32 $0x88, s3;
	s6 =	simm.s32 @!p1 $0x1082;
	[sflag:s4] =	ssyncset.s32 $0xFFFFF086  }
0x25: {  	[simem:s6], [sflag:s4] =	dma.local [hbm:s3], $0xF7A  }
0x26: {  	[smem:$0x3F98] =	sst s1;
	(tag) =	ssettag s2;
	_ =	strace s9  }
0x27: {  	s1 =	sld [smem:$0x3FA8]  }
0x28: {  	s2 =	sld [smem:$0x3FA9]  }
0x29: {  	s4 =	sld [smem:$0x3FAB]  }
0x2a: {  	p0 =	seq.s32 s5, $0x0;
	s5 =	sld [smem:$0x3FAC]  }
0x2b: {  	s6 =	sld [smem:$0x3FAD]  }
0x2c: {  	s7 =	sld [smem:$0x3FAE]  }
0x2d: {  	s3 =	simm.s32 $0x108;
	s8 =	sld [smem:$0x3FAF]  }
0x2e: {  	s3 =	simm.s32 @!p0 $0x1082;
	s9 =	sld [smem:$0x3FB0]  }
0x2f: {  	lr =	sadd.s32 s0, s3;
	s0 =	sld [smem:$0x3FA7]  }
0x30: {  	s3 =	sld [smem:$0x3FAA]  }
0x31: {  	[smem:$0x3FB3] =	sst s10  }
0x32: {  	s10 =	sld [smem:$0x3FB1];
	_ =	sdelay $0x3  }
0x33: {  	p0 =	seq.s32 s10, $0x1;
	s10 =	sld [smem:$0x3FB3];
	_ =	sdelay $0x3  }
0x34: {  	[smem:$0x3FB3] =	sst s10  }
0x35: {  	s10 =	sld [smem:$0x3FB2];
	_ =	sdelay $0x3  }
0x36: {  	p1 =	seq.s32 s10, $0x1;
	s10 =	sld [smem:$0x3FB3];
	_ =	sdelay $0x3  }
0x37: {  	[smem:$0x3FB3] =	sst s10  }
0x38: {  	s10 =	sld [smem:$0x3FB4]  }
0x39: {  	_ = 	snop;
	(pc) =	sbr.ind lr, $3  }
0x3a: {  	_ = 	snop  }
0x3b: {  	_ = 	snop  }
0x3c: {  	p2 =	seq.s32 s10, $0x1;
	s10 =	sld [smem:$0x3FB3]  }
0x3d: {  	_ =	shalt  }
0x3e: {  	_ =	shalt  }
0x3f: {  	_ =	shalt  }
0x40: {  	_ =	shalt  }
0x41: {  	_ =	shalt  }
0x42: {  	_ =	shalt  }
0x43: {  	_ =	shalt  }
0x44: {  	_ =	shalt  }
0x45: {  	_ =	shalt  }
0x46: {  	_ =	shalt  }
0x47: {  	_ =	shalt  }
0x48: {  	_ =	shalt  }
0x49: {  	_ =	shalt  }
0x4a: {  	_ =	shalt  }
0x4b: {  	_ =	shalt  }
0x4c: {  	_ =	shalt  }
0x4d: {  	_ =	shalt  }
0x4e: {  	_ =	shalt  }
0x4f: {  	_ =	shalt  }
0x50: {  	_ =	shalt  }
0x51: {  	_ =	shalt  }
0x52: {  	_ =	shalt  }
0x53: {  	_ =	shalt  }
0x54: {  	_ =	shalt  }
0x55: {  	_ =	shalt  }
0x56: {  	_ =	shalt  }
0x57: {  	_ =	shalt  }
0x58: {  	_ =	shalt  }
0x59: {  	_ =	shalt  }
0x5a: {  	_ =	shalt  }
0x5b: {  	_ =	shalt  }
0x5c: {  	_ =	shalt  }
0x5d: {  	_ =	shalt  }
0x5e: {  	_ =	shalt  }
0x5f: {  	_ =	shalt  }
0x60: {  	_ =	shalt  }
0x61: {  	_ =	shalt  }
0x62: {  	_ =	shalt  }
0x63: {  	_ =	shalt  }
0x64: {  	_ =	shalt  }
0x65: {  	_ =	shalt  }
0x66: {  	_ =	shalt  }
0x67: {  	_ =	shalt  }
0x68: {  	_ =	shalt  }
0x69: {  	_ =	shalt  }
0x6a: {  	_ =	shalt  }
0x6b: {  	_ =	shalt  }
0x6c: {  	_ =	shalt  }
0x6d: {  	_ =	shalt  }
0x6e: {  	_ =	shalt  }
0x6f: {  	_ =	shalt  }
0x70: {  	_ =	shalt  }
0x71: {  	_ =	shalt  }
0x72: {  	_ =	shalt  }
0x73: {  	_ =	shalt  }
0x74: {  	_ =	shalt  }
0x75: {  	_ =	shalt  }
0x76: {  	_ =	shalt  }
0x77: {  	_ =	shalt  }
0x78: {  	_ =	shalt  }
0x79: {  	_ =	shalt  }
0x7a: {  	_ =	shalt  }
0x7b: {  	_ =	shalt  }
0x7c: {  	_ =	shalt  }
0x7d: {  	_ =	shalt  }
0x7e: {  	_ =	shalt  }
0x7f: {  	_ =	shalt  }
0x80: {  	_ =	shalt  }
0x81: {  	_ =	shalt  }
0x82: {  	_ =	shalt  }
0x83: {  	_ =	shalt  }
0x84: {  	_ =	shalt  }
0x85: {  	_ =	shalt  }
0x86: {  	_ =	shalt  }
0x87: {  	_ =	shalt  }
.Lfunc_end0:
.L_simem_size_0:
called_computation_lowered:
.L_overlay_start_0:
0x88: {  	s2 =	sld [smem:$0x3FD9]  }
0x89: {  	s3 =	sld [smem:$0x3FFE];
	_ =	sdelay $0x1  }
0x8a: {  	s1 =	srdreg.scid  }
0x8b: {  	s0 =	sand.u32 $0x1, s1  }
0x8c: {  	s17 =	sshll.u32 s0, $0xA;
	s2 =	sadd.s32 s3, s2  }
0x8d: {  	s2 =	sadd.s32 s2, s17  }
0x8e: {  	[smem:$0x3FBF] =	sst s2  }
0x8f: {  	_ = 	snop  }
0x90: {  	s2 =	sld [smem:$0x3FC7]  }
0x91: {  	s18 =	sld [smem:$0x3FD0];
	(tm) =	ssettm $0x1  }
0x92: {  	s4 =	sld [smem:$0x3FFB];
	_ =	sdelay $0x3  }
0x93: {  	_ =	strace s4  }
0x94: {  	s4 =	sld [smem:$0x3FFC];
	_ =	sdelay $0x3  }
0x95: {  	_ =	strace s4  }
0x96: {  	s4 =	sld [smem:$0x3FFD];
	_ =	sdelay $0x3  }
0x97: {  	_ =	strace s4  }
0x98: {  	_ =	strace $0x8FFFFFFF  }
0x99: {  	s19 =	sld [smem:$0x3FDB];
	_ =	sdelay $0x1  }
0x9a: {  	s5 =	simm.s32 $_scs_section_size  }
0x9b: {  	s6 =	simm.s32 $_size__tile_overlayer_lowered;
	s7 =	simm.s32 $_tile_overlayer_lowered  }
0x9c: {  	s22 =	simm.s32 $0x1BFF;
	s21 =	sshll.u32 s7, $0x1;
	s4 =	sadd.s32 s5, s19  }
0x9d: {  	s8 =	simm.s32 $0x0;
	s20 =	sshll.u32 s6, $0x1;
	s6 =	sadd.s32 s21, s4  }
0x9e: {  	[timem:s8], [sflag:s22] =	dma.local [hbm:s6], s20  }
0x9f: {  	_ =	swait.ge [sflag:s22], s20  }
0xa0: {  	s5 =	ssub.s32 $0x0, s20;
	[sflag:s22] =	ssyncset.done $0x0  }
0xa1: {  	[sflag:s22] =	ssyncadd.s32 s5;
	_ =	sdelay $0x1  }
0xa2: {  	s23 =	simm.s32 $0x1B8B  }
0xa3: {  	_ =	swait.ge [sflag:s23], $0x1  }
0xa4: {  	[sflag:s23] =	ssyncset.done $0x0  }
0xa5: {  	s25 =	simm.s32 $0x1B8E;
	s24 =	sld [smem:$0x3FFE];
	[sflag:s23] =	ssyncadd.s32 $0xFFFFFFFF  }
0xa6: {  	s26 =	simm.s32 $execute0_lowered;
	[smem:$0x3FD2] =	sst s25  }
0xa7: {  	s6 =	sshll.u32 s26, $0x1;
	_ =	strace $0x80000046;
	[dreg:$0x1] =	wrdreg $0xFFFFFFFF  }
0xa8: {  	s28 =	simm.s32 $_size_execute0_lowered;
	s4 =	sadd.s32 s4, s6;
	[dreg:$0x0] =	wrdreg $0x0  }
0xa9: {  	s6 =	sshll.u32 s28, $0x1;
	[dreg:$0x2] =	wrdreg s4  }
0xaa: {  	[dreg:$0x3] =	wrdreg s6  }
0xab: {  	[dreg:$0x4] =	wrdreg $0xC0  }
0xac: {  	_ =	task [dreg:s8], $0x5FFFF  }
0xad: {  	[dreg:$0x1] =	wrdreg $0xFFFFFFFF  }
0xae: {  	[dreg:$0x0] =	wrdreg $0x60  }
0xaf: {  	[dreg:$0x2] =	wrdreg s24  }
0xb0: {  	[dreg:$0x3] =	wrdreg s2  }
0xb1: {  	[dreg:$0x4] =	wrdreg s18  }
0xb2: {  	[dreg:$0x5] =	wrdreg $0x0  }
0xb3: {  	[dreg:$0x6] =	wrdreg $0x9  }
0xb4: {  	_ =	task.clear_ibuf [dreg:s8], $0x7FFFF;
	_ =	strace $0x90000046  }
0xb5: {  	s29 =	simm.s32 $0x9;
	_ =	strace $0x80000048  }
0xb6: {  	_ =	swait.ge [sflag:s29], $0x1  }
0xb7: {  	[sflag:s29] =	ssyncadd.s32 $0xFFFFFFFF  }
0xb8: {  	_ =	strace $0x90000048  }
0xb9: {  	_ =	sfence  }
0xba: {  	s30 =	sld [smem:$0x0];
	_ =	sdelay $0x2  }
0xbb: {  	s31 =	sshll.u32 s1, $0xD;
	s1 =	sshrl.u32 s1, $0x2  }
0xbc: {  	s3 =	sand.u32 $0x4000, s31;
	s1 =	sadd.s32 s1, s30  }
0xbd: {  	s0 =	sor.u32 s3, s0;
	s1 =	sshll.u32 s1, $0x11  }
0xbe: {  	s0 =	sor.u32 s1, s0  }
0xbf: {  	s0 =	sadd.s32 $0x8F2B, s0  }
0xc0: {  	[sflag:s0] =	ssyncadd.remote.s32 $0x1  }
0xc1: {  	_ =	sfence.sel $0xFFFF  }
0xc2: {  	[dreg:$0x0] =	wrdreg $0xFFFFFFFF;
	(pc) =	sbr.abs _section_cstart, $3  }
0xc3: {  	[dreg:$0x1] =	wrdreg $0xFFFFFFFF  }
0xc4: {  	_ =	task.clear_ibuf [dreg:s8], $0x2FFFF;
	_ =	strace $0x9FFFFFFF  }
0xc5: {  	(tm) =	ssettm $0x7FFFFFFF  }
tec
execute0_lowered:
.L_overlay_start_1:
0x0: {  	(tag) =	ssettag $0x1  }
0x1: {  	s4 =	rddreg [dreg:$0x0]  }
0x2: {  	s7 =	rddreg [dreg:$0x1]  }
0x3: {  	s5 =	rddreg [dreg:$0x2]  }
0x4: {  	s0 =	srdreg.scid;
	s2 =	rddreg [dreg:$0x3]  }
0x5: {  	s1 =	rddreg [dreg:$0x4];
	s3 =	simm.s32 $0x0;
	s6 =	sand.u32 $0x1, s0  }
0x6: {  	s13 =	simm.s32 $0x50;
	s0 =	stileid.u32;
	s8 =	smul.u32 $0x27100, s6  }
0x7: {  	s16 =	simm.s32 $0x20;
	s17 =	simm.s32 $0x10;
	s9 =	smul.u32 $0x2710, s0  }
0x8: {  	s18 =	simm.s32 $0x0;
	[smem:$0x7FF] =	sst s3;
	s29 =	smul.u32 $0xA00, s0  }
0x9: {  	_ =	strace $0x80000047;
	s10 =	smul.u32 $0x500, s0;
	s30 =	ssub.s32 $0x2, s6  }
0xa: {  	s6 =	sshll.u32 s6, $0x7;
	s14 =	sshll.u32 s0, $0x6;
	s12 =	sshrl.u32 s30, $0x1  }
0xb: {  	s14 =	sor.u32 $0x1C01, s14;
	s8 =	sadd.s32 s9, s8;
	s9 =	sshrl.u32 s29, $0x2  }
0xc: {  	s6 =	sor.u32 s6, s10;
	s31 =	ssub.s32 s30, s12;
	s10 =	simm.s32 $0x1  }
0xd: {  	s12 =	simm.s32 $0x300;
	s8 =	sshrl.u32 s8, $0x3;
	s6 =	sshrl.u32 s6, $0x3  }
0xe: {  	s11 =	sadd.s32 s8, s4;
	s4 =	sadd.s32 s9, s2;
	s5 =	sadd.s32 s5, s6  }
0xf: {  	s6 =	smax.u32 s31, $0x1;
	s7 =	sadd.s32 s8, s7;
	s9 =	simm.s32 $0x380  }
0x10: {  	v0 =	vimm.f32 $0.0e+00;
	s8 =	sadd.s32 $0xC600, s11;
	s11 =	simm.s32 $0x280;
	s15 =	sshrl.u32 s4, $0x3  }
.LBB2_1:
0x11: {  	[tilespmem:$0x380] =	vst v0  }
0x12: {  	[tilespmem:$0x390] =	vst v0  }
0x13: {  	[tilespmem:$0x3A0] =	vst v0  }
0x14: {  	[tilespmem:$0x3B0] =	vst v0  }
0x15: {  	[tilespmem:$0x3C0] =	vst v0  }
0x16: {  	[tilespmem:$0x3D0] =	vst v0  }
0x17: {  	[tilespmem:$0x3E0] =	vst v0  }
0x18: {  	[tilespmem:$0x3F0] =	vst v0  }
0x19: {  	[tilespmem:$0x400] =	vst v0  }
0x1a: {  	[tilespmem:$0x410] =	vst v0  }
0x1b: {  	[tilespmem:$0x420] =	vst v0  }
0x1c: {  	[tilespmem:$0x430] =	vst v0  }
0x1d: {  	[tilespmem:$0x440] =	vst v0  }
0x1e: {  	[tilespmem:$0x450] =	vst v0  }
0x1f: {  	[tilespmem:$0x460] =	vst v0  }
0x20: {  	[tilespmem:$0x470] =	vst v0  }
0x21: {  	[tilespmem:$0x480] =	vst v0  }
0x22: {  	[tilespmem:$0x490] =	vst v0  }
0x23: {  	[tilespmem:$0x4A0] =	vst v0  }
0x24: {  	[tilespmem:$0x4B0] =	vst v0  }
0x25: {  	[tilespmem:$0x4C0] =	vst v0  }
0x26: {  	[tilespmem:$0x4D0] =	vst v0  }
0x27: {  	[tilespmem:$0x4E0] =	vst v0  }
0x28: {  	[tilespmem:$0x4F0] =	vst v0  }
0x29: {  	[tilespmem:$0x500] =	vst v0  }
0x2a: {  	[tilespmem:$0x510] =	vst v0  }
0x2b: {  	[tilespmem:$0x520] =	vst v0  }
0x2c: {  	[tilespmem:$0x530] =	vst v0  }
0x2d: {  	[tilespmem:$0x540] =	vst v0  }
0x2e: {  	[tilespmem:$0x550] =	vst v0  }
0x2f: {  	[tilespmem:$0x560] =	vst v0  }
0x30: {  	[tilespmem:$0x570] =	vst v0  }
0x31: {  	[tilespmem:$0x580] =	vst v0  }
0x32: {  	[tilespmem:$0x590] =	vst v0  }
0x33: {  	[tilespmem:$0x5A0] =	vst v0  }
0x34: {  	[tilespmem:$0x5B0] =	vst v0  }
0x35: {  	[tilespmem:$0x5C0] =	vst v0  }
0x36: {  	[tilespmem:$0x5D0] =	vst v0  }
0x37: {  	[tilespmem:$0x5E0] =	vst v0  }
0x38: {  	[tilespmem:$0x5F0] =	vst v0  }
0x39: {  	[spmem:s4] =	stream.linear.scatter [tilespmem:s9], [sflag:$0x1], $0x280, $0x38;
	[tilespmem:$0x600] =	vst v63  }
0x3a: {  	_ =	swait.ge [sflag:s10], $0x280  }
0x3b: {  	[sflag:s10] =	ssyncset.done $0x0  }
0x3c: {  	[sflag:s10] =	ssyncadd.s32 $0xFFFFFD80  }
0x3d: {  	s19 =	sadd.s32 $0x0, s8;
	[bflag:$0x0] =	sbarrier.arrive $0xFFFF  }
0x3e: {  	[tilespmem:s11], [sflag:$0x1] =	stream.linear.gather [hbm4b:s19+s3], $0x50, $0x38;
	[tilespmem:$0x600] =	vst v63  }
0x3f: {  	_ =	swait.ge [sflag:s10], $0x50  }
0x40: {  	[sflag:s10] =	ssyncset.done $0x0  }
0x41: {  	s31 =	sadd.s32 $0x0, s7;
	[sflag:s10] =	ssyncadd.s32 $0xFFFFFFB0  }
0x42: {  	[tilespmem:s12], [sflag:$0x1] =	stream.linear.gather [hbm4b:s31+s3], $0x50, $0x38;
	[tilespmem:$0x600] =	vst v63  }
0x43: {  	_ =	swait.ge [sflag:s10], $0x50  }
0x44: {  	[sflag:s10] =	ssyncset.done $0x0  }
0x45: {  	[sflag:s10] =	ssyncadd.s32 $0xFFFFFFB0  }
0x46: {  	[spmem:s2] =	stream.indirect.scatter.add.f32 [tilespmem:s12], [sflag:$0x1], $0x1, s11, s13, $0xb8;
	[tilespmem:$0x600] =	vst v63  }
0x47: {  	_ =	swait.ge [sflag:s10], $0x50  }
0x48: {  	s20 =	simm.s32 $0x14;
	s19 =	simm.s32 $0xA;
	[sflag:s10] =	ssyncset.done $0x0  }
.LBB2_2:
0x49: {  	s21 =	sadd.s32 s19, s8  }
0x4a: {  	[sflag:s10] =	ssyncadd.s32 $0xFFFFFFB0;
	s22 =	smov.u32 s20;
	s23 =	sadd.s32 $0xA, s20  }
0x4b: {  	[tilespmem:s11], [sflag:$0x1] =	stream.linear.gather [hbm4b:s21+s3], $0x50, $0x38;
	[tilespmem:$0x600] =	vst v63  }
0x4c: {  	p0 =	sne.s32 s20, $0x4D8;
	_ =	swait.ge [sflag:s10], $0x50  }
0x4d: {  	[sflag:s10] =	ssyncset.done $0x0  }
0x4e: {  	s20 =	sadd.s32 s19, s7;
	s19 =	smov.u32 s22;
	[sflag:s10] =	ssyncadd.s32 $0xFFFFFFB0  }
0x4f: {  	[tilespmem:s12], [sflag:$0x1] =	stream.linear.gather [hbm4b:s20+s3], $0x50, $0x38;
	[tilespmem:$0x600] =	vst v63  }
0x50: {  	_ =	swait.ge [sflag:s10], $0x50  }
.Ltmp0:
0x51: {  	[sflag:s10] =	ssyncset.done $0x0;
	(pc) =	sbr.rel @p0 .LBB2_2-.Ltmp0, $4  }
0x52: {  	[sflag:s10] =	ssyncadd.s32 $0xFFFFFFB0  }
0x53: {  	[spmem:s2] =	stream.indirect.scatter.add.f32 [tilespmem:s12], [sflag:$0x1], $0x1, s11, s13, $0xb8;
	[tilespmem:$0x600] =	vst v63  }
0x54: {  	_ =	swait.ge [sflag:s10], $0x50  }
0x55: {  	s20 =	smov.u32 s23;
	[sflag:s10] =	ssyncset.done $0x0  }
0x56: {  	s20 =	sadd.s32 s19, s8;
	[sflag:s10] =	ssyncadd.s32 $0xFFFFFFB0  }
0x57: {  	[tilespmem:s11], [sflag:$0x1] =	stream.linear.gather [hbm4b:s20+s3], $0x50, $0x38;
	[tilespmem:$0x600] =	vst v63  }
0x58: {  	_ =	swait.ge [sflag:s10], $0x50  }
0x59: {  	[sflag:s10] =	ssyncset.done $0x0  }
0x5a: {  	s31 =	sadd.s32 s19, s7;
	[sflag:s10] =	ssyncadd.s32 $0xFFFFFFB0  }
0x5b: {  	[tilespmem:s12], [sflag:$0x1] =	stream.linear.gather [hbm4b:s31+s3], $0x50, $0x38;
	[tilespmem:$0x600] =	vst v63  }
0x5c: {  	_ =	swait.ge [sflag:s10], $0x50  }
0x5d: {  	[sflag:s10] =	ssyncset.done $0x0  }
0x5e: {  	[sflag:s10] =	ssyncadd.s32 $0xFFFFFFB0  }
0x5f: {  	[spmem:s2] =	stream.indirect.scatter.add.f32 [tilespmem:s12], [sflag:$0x1], $0x1, s11, s13, $0xb8;
	[tilespmem:$0x600] =	vst v63  }
0x60: {  	_ =	swait.ge [sflag:s10], $0x50  }
0x61: {  	s18 =	sadd.s32 $0x1, s18;
	[sflag:s10] =	ssyncset.done $0x0  }
0x62: {  	p0 =	sne.s32 s18, s6;
	[sflag:s10] =	ssyncadd.s32 $0xFFFFFFB0  }
.Ltmp1:
0x63: {  	[bflag:$0x0] =	sbarrier.arrive $0xFFFF;
	(pc) =	sbr.rel @p0 .LBB2_1-.Ltmp1, $4  }
0x64: {  	[hbm:s5@s16], [sflag:s14] =	dma.strided [spmem:s15@s17], $0x50, s10, $0x10   }
0x65: {  	_ =	swait.ge [sflag:s10], $0x50  }
0x66: {  	[sflag:s10] =	ssyncset.done $0x0  }
0x67: {  	[sflag:s10] =	ssyncadd.s32 $0xFFFFFFB0  }
0x68: {  	_ =	sfence.sel $0x180000  }
0x69: {  	[bflag:$0x0] =	sbarrier.arrive $0xFFFF  }
0x6a: {  	p0 =	sne.s32 s0, $0x0;
	_ =	strace $0x90000047  }
0x6b: {  	s0 =	sadd.s32 @!p0 $0x100000, s1;
	[bflag:$0x2] =	sbarrier.arrive $0xFFFF  }
0x6c: {  	[sflag:s0] =	ssyncadd.tile.s32 @!p0 $0x1;
	_ =	shalt  }
.Lfunc_end2:
_tile_overlayer_lowered:
.L_overlay_start_2:
0x6d: {  	(tag) =	ssettag $0x2  }
0x6e: {  	s0 =	rddreg [dreg:$0x0];
	s2 =	stileid.u32  }
0x6f: {  	s1 =	rddreg [dreg:$0x1];
	p0 =	sne.s32 s2, $0x0  }
0x70: {  	s3 =	rddreg [dreg:$0x2];
	[bflag:$0x3] =	sbarrier.arrive $0xFFFF;
	s2 =	simm.s32 @!p0 $0x1C01  }
0x71: {  	[timem:s3], [sflag:s2] =	dma.local @!p0 [hbm:s0], s1  }
0x72: {  	s0 =	simm.s32 @!p0 $0x1  }
0x73: {  	_ =	swait.ge @!p0 [sflag:s0], s1  }
0x74: {  	s1 =	ssub.s32 @!p0 $0x0, s1;
	[sflag:s0] =	ssyncset.done @!p0 $0x0  }
0x75: {  	[sflag:s0] =	ssyncadd.s32 @!p0 s1  }
0x76: {  	[bflag:$0x3] =	sbarrier.arrive $0xFFFF  }
0x77: {  	_ =	shalt  }

</sc_bundles>
